<compile_context>
chip_gen: v7x
topology: tpu7x:2x2x1
jax: 0.10.2.dev20260603
libtpu: 0.0.44.dev20260713+nightly
codegen_flags: <defaults>
</compile_context>

<pallas_src>
import functools

import jax
import jax.numpy as jnp
from jax import lax
from jax.experimental import pallas as pl
from jax.experimental.pallas import tpu as pltpu
from jax.experimental.pallas import tpu_sc as plsc

B, T, H, W = 8, 64, 128, 128
LOOKUP_WINDOW = 101
PAD = (LOOKUP_WINDOW - 1) // 2

NFRAMES = B * T
FRAME_WORDS = H * W * 3
NBINS = 512
NLANES = 16
NTILES = 32
FRAMES_PER_TILE = NFRAMES // NTILES
PIX_ITERS = (H * W) // NLANES


def _sc_hist_body(frames_hbm, hist_hbm, buf_a, buf_b, lhist, rhist, sem_a, sem_b):
    cid = lax.axis_index("c")
    sid = lax.axis_index("s")
    wid = sid * 2 + cid
    f0 = wid * FRAMES_PER_TILE

    lanes = lax.iota(jnp.int32, NLANES)
    lane_off = lanes * NBINS
    ones = jnp.ones((NLANES,), jnp.float32)
    zeros16 = jnp.zeros((NLANES,), jnp.float32)

    @plsc.parallel_loop(0, (NLANES * NBINS) // NLANES, unroll=8)
    def _zbody(i):
        lhist[pl.ds(i * NLANES, NLANES)] = zeros16

    def _process(buf, fid):
        @plsc.parallel_loop(0, H, unroll=4)
        def _hbody(h):
            for wc in range(W // NLANES):
                w0 = wc * NLANES
                r = buf[0, h, pl.ds(w0, NLANES)]
                g = buf[1, h, pl.ds(w0, NLANES)]
                bl = buf[2, h, pl.ds(w0, NLANES)]
                ri = r.astype(jnp.int32) >> 5
                gi = g.astype(jnp.int32) >> 5
                bi = bl.astype(jnp.int32) >> 5
                bins = (ri << 6) + (gi << 3) + bi
                plsc.addupdate_scatter(lhist, [lane_off + bins], ones)

        @plsc.parallel_loop(0, NBINS // NLANES, unroll=2)
        def _rbody(ci):
            col = ci * NLANES
            acc = zeros16
            for ln in range(NLANES):
                acc = acc + lhist[pl.ds(ln * NBINS + col, NLANES)]
                lhist[pl.ds(ln * NBINS + col, NLANES)] = zeros16
            rhist[pl.ds(col, NLANES)] = acc

        pltpu.sync_copy(rhist, hist_hbm.at[pl.ds(fid * NBINS, NBINS)])

    pltpu.async_copy(frames_hbm.at[pl.ds(f0 * 3, 3)], buf_a, sem_a)
    pltpu.async_copy(frames_hbm.at[pl.ds((f0 + 1) * 3, 3)], buf_b, sem_b)

    def _pair(p, _):
        f_a = f0 + 2 * p

        pltpu.make_async_copy(
            frames_hbm.at[pl.ds(f_a * 3, 3)], buf_a, sem_a).wait()
        _process(buf_a, f_a)

        @pl.when(p < FRAMES_PER_TILE // 2 - 1)
        def _():
            pltpu.async_copy(
                frames_hbm.at[pl.ds((f_a + 2) * 3, 3)], buf_a, sem_a)

        pltpu.make_async_copy(
            frames_hbm.at[pl.ds((f_a + 1) * 3, 3)], buf_b, sem_b).wait()
        _process(buf_b, f_a + 1)

        @pl.when(p < FRAMES_PER_TILE // 2 - 1)
        def _():
            pltpu.async_copy(
                frames_hbm.at[pl.ds((f_a + 3) * 3, 3)], buf_b, sem_b)

        return _

    lax.fori_loop(0, FRAMES_PER_TILE // 2, _pair, None)


def _sc_histograms(planes):
    mesh = plsc.VectorSubcoreMesh(core_axis_name="c", subcore_axis_name="s")
    k = functools.partial(
        pl.kernel,
        mesh=mesh,
        compiler_params=pltpu.CompilerParams(needs_layout_passes=False),
        out_type=jax.ShapeDtypeStruct((NFRAMES * NBINS,), jnp.float32),
        scratch_types=[
            pltpu.VMEM((3, H, W), jnp.float32),
            pltpu.VMEM((3, H, W), jnp.float32),
            pltpu.VMEM((NLANES * NBINS,), jnp.float32),
            pltpu.VMEM((NBINS,), jnp.float32),
            pltpu.SemaphoreType.DMA,
            pltpu.SemaphoreType.DMA,
        ],
    )(_sc_hist_body)
    return k(planes)


def _tc_post_body(h_ref, o_ref):
    x = h_ref[...].reshape(T, NBINS)
    s = jnp.sum(x * x, axis=1, keepdims=True)
    n = jnp.maximum(jnp.sqrt(s), 1e-12)
    xn = x / n
    sim = lax.dot_general(
        xn, xn, (((1,), (1,)), ((), ())),
        precision=lax.Precision.HIGHEST,
        preferred_element_type=jnp.float32)
    p = jnp.concatenate(
        [jnp.zeros((T, PAD), jnp.float32), sim,
         jnp.zeros((T, 256 - T - PAD), jnp.float32)], axis=1)
    t_col = lax.broadcasted_iota(jnp.int32, (T, 1), 0)
    for bit in (1, 2, 4, 8, 16, 32):
        rolled = jnp.concatenate([p[:, bit:], p[:, :bit]], axis=1)
        p = jnp.where((t_col & bit) != 0, rolled, p)
    o_ref[0] = p[:, :LOOKUP_WINDOW]


def _tc_post(hist_flat):
    return pl.pallas_call(
        _tc_post_body,
        grid=(B,),
        in_specs=[pl.BlockSpec((T * NBINS,), lambda b: (b,))],
        out_specs=pl.BlockSpec((1, T, LOOKUP_WINDOW), lambda b: (b, 0, 0)),
        out_shape=jax.ShapeDtypeStruct((B, T, LOOKUP_WINDOW), jnp.float32),
    )(hist_flat)


def kernel(inputs):
    planes = jnp.transpose(inputs, (0, 1, 4, 2, 3)).reshape(NFRAMES * 3, H, W)
    hist_flat = _sc_histograms(planes)
    return _tc_post(hist_flat)

# --- scband reference (transcript-rebuilt; emitter-appended) ---
"""Pipeline reference for scband-color-histograms-49976239456336 (READ-ONLY COPY).

The authoritative reference and input builder live on the scoring server;
editing this copy changes nothing except your own understanding.
"""

import jax, jax.numpy as jnp
import numpy as np

LOOKUP_WINDOW = 101
B, T, H, W = 8, 64, 128, 128


def setup_inputs(seed: int = 0) -> dict:
    key = jax.random.key(seed)
    frames = jax.random.randint(key, (B, T, H, W, 3), 0, 256, dtype=jnp.int32).astype(jnp.float32)
    return {"inputs": frames}


def compute_color_histograms(frames):
    frames_i = frames.astype(jnp.int32)
    b, t, h, w, c = frames_i.shape
    ff = frames_i.reshape(b * t, h * w, 3)
    r = ff[:, :, 0] >> 5
    g = ff[:, :, 1] >> 5
    bl = ff[:, :, 2] >> 5
    binned = (r << 6) + (g << 3) + bl  # values 0..511
    prefix = (jnp.arange(b * t, dtype=jnp.int32) << 9).reshape(-1, 1)
    binned = (binned + prefix).reshape(-1)
    hist = jnp.zeros(b * t * 512, dtype=jnp.float32).at[binned].add(1.0)
    hist = hist.reshape(b, t, 512)
    norm = jnp.sqrt(jnp.sum(hist * hist, axis=2, keepdims=True))
    return hist / jnp.maximum(norm, 1e-12)


def reference(inputs):
    x = compute_color_histograms(inputs)
    b, t = x.shape[0], x.shape[1]
    similarities = jnp.einsum('btd,bsd->bts', x, x)  # bmm(x, x^T)
    pad = (LOOKUP_WINDOW - 1) // 2
    sims_padded = jnp.pad(similarities, ((0, 0), (0, 0), (pad, pad)))
    batch_indices = jnp.arange(b).reshape(b, 1, 1)
    time_indices = jnp.arange(t).reshape(1, t, 1)
    lookup_indices = jnp.arange(LOOKUP_WINDOW).reshape(1, 1, LOOKUP_WINDOW) + time_indices
    bi = jnp.broadcast_to(batch_indices, (b, t, LOOKUP_WINDOW))
    ti = jnp.broadcast_to(time_indices, (b, t, LOOKUP_WINDOW))
    li = jnp.broadcast_to(lookup_indices, (b, t, LOOKUP_WINDOW))
    out = sims_padded[bi, ti, li]
    return out

if __name__ == "__main__":
    import jax
    _d = setup_inputs()
    print(jax.jit(kernel)(*tuple(_d.values())))

</pallas_src>

<mosaic_0001>
#map = affine_map<(d0, d1) -> (0, 0, 0)>
#map1 = affine_map<(d0, d1) -> (0)>
module attributes {stable_mosaic.version = 14 : i64} {
  func.func @_sc_hist_body(%arg0: i32, %arg1: i32, %arg2: memref<1536x128x128xf32, #tpu.memory_space<hbm>>, %arg3: memref<262144xf32, #tpu.memory_space<hbm>>, %arg4: memref<3x128x128xf32, #tpu.memory_space<vmem>>, %arg5: memref<3x128x128xf32, #tpu.memory_space<vmem>>, %arg6: memref<8192xf32, #tpu.memory_space<vmem>>, %arg7: memref<512xf32, #tpu.memory_space<vmem>>, %arg8: memref<!tpu.dma_semaphore, #tpu.memory_space<semaphore_mem>>, %arg9: memref<!tpu.dma_semaphore, #tpu.memory_space<semaphore_mem>>) attributes {dimension_semantics = [#tpu.dimension_semantics<core_parallel>, #tpu.dimension_semantics<subcore_parallel>], iteration_bounds = array<i64: 2, 16>, scalar_prefetch = 0 : i64, scratch_operands = 6 : i64, tpu.core_type = #tpu.core_type<sc_vector_subcore>, window_params = [{transform_indices = #map}, {transform_indices = #map1}]} {
    %mul3A = arith.constant 2 : i32
    %mul3A_0 = arith.muli %arg1, %mul3A : i32
    %add3A = arith.addi %mul3A_0, %arg0 : i32
    %mul3A_1 = arith.constant 16 : i32
    %mul3A_2 = arith.muli %add3A, %mul3A_1 : i32
    %iota3A = tpu.iota {dimensions = array<i32: 0>} : vector<16xi32>
    %mul3A_3 = arith.constant 512 : i32
    %mul3A_4 = vector.broadcast %mul3A_3 : i32 to vector<16xi32>
    %mul3A_5 = arith.muli %iota3A, %mul3A_4 : vector<16xi32>
    %broadcast_in_dim3A = arith.constant 1.000000e+00 : f32
    %broadcast_in_dim3A_6 = vector.broadcast %broadcast_in_dim3A : f32 to vector<16xf32>
    %broadcast_in_dim3A_7 = arith.constant 0.000000e+00 : f32
    %broadcast_in_dim3A_8 = vector.broadcast %broadcast_in_dim3A_7 : f32 to vector<16xf32>
    %parallel_loop3A = arith.constant 0 : i32
    %parallel_loop3A_9 = arith.constant 512 : i32
    %parallel_loop3A_10 = arith.constant 1 : i32
    scf.for %parallel_loop3A_32 = %parallel_loop3A to %parallel_loop3A_9 step %parallel_loop3A_10  : i32 {
      %parallel_loop3A_33 = arith.constant 16 : i32
      %parallel_loop3A_34 = arith.muli %parallel_loop3A_32, %parallel_loop3A_33 : i32
      %parallel_loop3A_35 = arith.index_cast %parallel_loop3A_34 : i32 to index
      %parallel_loop3A_36 = tpu.vector_load %arg6[%parallel_loop3A_35] {strides = array<i32>} : memref<8192xf32, #tpu.memory_space<vmem>>, vector<16xf32>,
      tpu.vector_store %arg6[%parallel_loop3A_35], %broadcast_in_dim3A_8 {strides = array<i32>} : memref<8192xf32, #tpu.memory_space<vmem>>, vector<16xf32>,
    } {sc.loop_unroll_factor = 8 : i64, sc.parallel_access}
    %mul3A_11 = arith.constant 3 : i32
    %mul3A_12 = arith.muli %mul3A_2, %mul3A_11 : i32
    %dma_start3A = arith.constant 0 : i32
    %dma_start3A_13 = arith.constant 0 : i32
    %dma_start3A_14 = tpu.memref_slice %arg2[%mul3A_12, %dma_start3A, %dma_start3A_13] : memref<1536x128x128xf32, #tpu.memory_space<hbm>> -> memref<3x128x128xf32, #tpu.memory_space<hbm>>
    %dma_start3A_15 = arith.constant 0 : i32
    %dma_start3A_16 = arith.constant 0 : i32
    %dma_start3A_17 = tpu.memref_slice %arg2[%mul3A_12, %dma_start3A_15, %dma_start3A_16] : memref<1536x128x128xf32, #tpu.memory_space<hbm>> -> memref<3x128x128xf32, #tpu.memory_space<hbm>>
    tpu.enqueue_dma source(%dma_start3A_17 : memref<3x128x128xf32, #tpu.memory_space<hbm>>) target(%arg4 : memref<3x128x128xf32, #tpu.memory_space<vmem>>) target_semaphore(%arg8 : memref<!tpu.dma_semaphore, #tpu.memory_space<semaphore_mem>>)
    %add3A_18 = arith.constant 1 : i32
    %add3A_19 = arith.addi %mul3A_2, %add3A_18 : i32
    %mul3A_20 = arith.constant 3 : i32
    %mul3A_21 = arith.muli %add3A_19, %mul3A_20 : i32
    %dma_start3A_22 = arith.constant 0 : i32
    %dma_start3A_23 = arith.constant 0 : i32
    %dma_start3A_24 = tpu.memref_slice %arg2[%mul3A_21, %dma_start3A_22, %dma_start3A_23] : memref<1536x128x128xf32, #tpu.memory_space<hbm>> -> memref<3x128x128xf32, #tpu.memory_space<hbm>>
    %dma_start3A_25 = arith.constant 0 : i32
    %dma_start3A_26 = arith.constant 0 : i32
    %dma_start3A_27 = tpu.memref_slice %arg2[%mul3A_21, %dma_start3A_25, %dma_start3A_26] : memref<1536x128x128xf32, #tpu.memory_space<hbm>> -> memref<3x128x128xf32, #tpu.memory_space<hbm>>
    tpu.enqueue_dma source(%dma_start3A_27 : memref<3x128x128xf32, #tpu.memory_space<hbm>>) target(%arg5 : memref<3x128x128xf32, #tpu.memory_space<vmem>>) target_semaphore(%arg9 : memref<!tpu.dma_semaphore, #tpu.memory_space<semaphore_mem>>)
    %scan3A = arith.constant 0 : i32
    %scan3A_28 = arith.constant 8 : i32
    %scan3A_29 = arith.addi %scan3A, %scan3A_28 : i32
    %scan3A_30 = arith.constant 1 : i32
    scf.for %scan3A_32 = %scan3A to %scan3A_29 step %scan3A_30  : i32 {
      %mul3A_33 = arith.constant 2 : i32
      %mul3A_34 = arith.muli %mul3A_33, %scan3A_32 : i32
      %add3A_35 = arith.addi %mul3A_2, %mul3A_34 : i32
      %mul3A_36 = arith.constant 3 : i32
      %mul3A_37 = arith.muli %add3A_35, %mul3A_36 : i32
      %dma_wait3A = arith.constant 0 : i32
      %dma_wait3A_38 = arith.constant 0 : i32
      %dma_wait3A_39 = tpu.memref_slice %arg2[%mul3A_37, %dma_wait3A, %dma_wait3A_38] : memref<1536x128x128xf32, #tpu.memory_space<hbm>> -> memref<3x128x128xf32, #tpu.memory_space<hbm>>
      %dma_wait3A_40 = arith.constant 0 : i32
      %dma_wait3A_41 = arith.constant 0 : i32
      %dma_wait3A_42 = tpu.memref_slice %arg2[%mul3A_37, %dma_wait3A_40, %dma_wait3A_41] : memref<1536x128x128xf32, #tpu.memory_space<hbm>> -> memref<3x128x128xf32, #tpu.memory_space<hbm>>
      tpu.wait_dma2 semaphore(%arg8 : memref<!tpu.dma_semaphore, #tpu.memory_space<semaphore_mem>>) src(%dma_wait3A_42 : memref<3x128x128xf32, #tpu.memory_space<hbm>>) dst(%arg4 : memref<3x128x128xf32, #tpu.memory_space<vmem>>)
      %parallel_loop3A_43 = arith.constant 0 : i32
      %parallel_loop3A_44 = arith.constant 128 : i32
      %parallel_loop3A_45 = arith.constant 1 : i32
      scf.for %parallel_loop3A_78 = %parallel_loop3A_43 to %parallel_loop3A_44 step %parallel_loop3A_45  : i32 {
        %parallel_loop3A_79 = arith.constant 0 : i32
        %parallel_loop3A_80 = arith.index_cast %parallel_loop3A_79 : i32 to index
        %parallel_loop3A_81 = arith.index_cast %parallel_loop3A_78 : i32 to index
        %parallel_loop3A_82 = arith.constant 0 : index
        %parallel_loop3A_83 = tpu.vector_load %arg4[%parallel_loop3A_80, %parallel_loop3A_81, %parallel_loop3A_82] {strides = array<i32>} : memref<3x128x128xf32, #tpu.memory_space<vmem>>, vector<16xf32>,
        %parallel_loop3A_84 = arith.constant 1 : i32
        %parallel_loop3A_85 = arith.index_cast %parallel_loop3A_84 : i32 to index
        %parallel_loop3A_86 = arith.index_cast %parallel_loop3A_78 : i32 to index
        %parallel_loop3A_87 = arith.constant 0 : index
        %parallel_loop3A_88 = tpu.vector_load %arg4[%parallel_loop3A_85, %parallel_loop3A_86, %parallel_loop3A_87] {strides = array<i32>} : memref<3x128x128xf32, #tpu.memory_space<vmem>>, vector<16xf32>,
        %parallel_loop3A_89 = arith.constant 2 : i32
        %parallel_loop3A_90 = arith.index_cast %parallel_loop3A_89 : i32 to index
        %parallel_loop3A_91 = arith.index_cast %parallel_loop3A_78 : i32 to index
        %parallel_loop3A_92 = arith.constant 0 : index
        %parallel_loop3A_93 = tpu.vector_load %arg4[%parallel_loop3A_90, %parallel_loop3A_91, %parallel_loop3A_92] {strides = array<i32>} : memref<3x128x128xf32, #tpu.memory_space<vmem>>, vector<16xf32>,
        %parallel_loop3A_94 = arith.fptosi %parallel_loop3A_83 : vector<16xf32> to vector<16xi32>
        %parallel_loop3A_95 = arith.constant 5 : i32
        %parallel_loop3A_96 = vector.broadcast %parallel_loop3A_95 : i32 to vector<16xi32>
        %parallel_loop3A_97 = arith.shrsi %parallel_loop3A_94, %parallel_loop3A_96 : vector<16xi32>
        %parallel_loop3A_98 = arith.fptosi %parallel_loop3A_88 : vector<16xf32> to vector<16xi32>
        %parallel_loop3A_99 = arith.constant 5 : i32
        %parallel_loop3A_100 = vector.broadcast %parallel_loop3A_99 : i32 to vector<16xi32>
        %parallel_loop3A_101 = arith.shrsi %parallel_loop3A_98, %parallel_loop3A_100 : vector<16xi32>
        %parallel_loop3A_102 = arith.fptosi %parallel_loop3A_93 : vector<16xf32> to vector<16xi32>
        %parallel_loop3A_103 = arith.constant 5 : i32
        %parallel_loop3A_104 = vector.broadcast %parallel_loop3A_103 : i32 to vector<16xi32>
        %parallel_loop3A_105 = arith.shrsi %parallel_loop3A_102, %parallel_loop3A_104 : vector<16xi32>
        %parallel_loop3A_106 = arith.constant 6 : i32
        %parallel_loop3A_107 = vector.broadcast %parallel_loop3A_106 : i32 to vector<16xi32>
        %parallel_loop3A_108 = arith.shli %parallel_loop3A_97, %parallel_loop3A_107 : vector<16xi32>
        %parallel_loop3A_109 = arith.constant 3 : i32
        %parallel_loop3A_110 = vector.broadcast %parallel_loop3A_109 : i32 to vector<16xi32>
        %parallel_loop3A_111 = arith.shli %parallel_loop3A_101, %parallel_loop3A_110 : vector<16xi32>
        %parallel_loop3A_112 = arith.addi %parallel_loop3A_108, %parallel_loop3A_111 : vector<16xi32>
        %parallel_loop3A_113 = arith.addi %parallel_loop3A_112, %parallel_loop3A_105 : vector<16xi32>
        %parallel_loop3A_114 = arith.addi %mul3A_5, %parallel_loop3A_113 : vector<16xi32>
        tpu.vector_store_idx %arg6[%parallel_loop3A_114], %broadcast_in_dim3A_6 {add = true} : memref<8192xf32, #tpu.memory_space<vmem>>[vector<16xi32>], vector<16xf32>,
        %parallel_loop3A_115 = arith.constant 0 : i32
        %parallel_loop3A_116 = arith.index_cast %parallel_loop3A_115 : i32 to index
        %parallel_loop3A_117 = arith.index_cast %parallel_loop3A_78 : i32 to index
        %parallel_loop3A_118 = arith.constant 16 : index
        %parallel_loop3A_119 = tpu.vector_load %arg4[%parallel_loop3A_116, %parallel_loop3A_117, %parallel_loop3A_118] {strides = array<i32>} : memref<3x128x128xf32, #tpu.memory_space<vmem>>, vector<16xf32>,
        %parallel_loop3A_120 = arith.constant 1 : i32
        %parallel_loop3A_121 = arith.index_cast %parallel_loop3A_120 : i32 to index
        %parallel_loop3A_122 = arith.index_cast %parallel_loop3A_78 : i32 to index
        %parallel_loop3A_123 = arith.constant 16 : index
        %parallel_loop3A_124 = tpu.vector_load %arg4[%parallel_loop3A_121, %parallel_loop3A_122, %parallel_loop3A_123] {strides = array<i32>} : memref<3x128x128xf32, #tpu.memory_space<vmem>>, vector<16xf32>,
        %parallel_loop3A_125 = arith.constant 2 : i32
        %parallel_loop3A_126 = arith.index_cast %parallel_loop3A_125 : i32 to index
        %parallel_loop3A_127 = arith.index_cast %parallel_loop3A_78 : i32 to index
        %parallel_loop3A_128 = arith.constant 16 : index
        %parallel_loop3A_129 = tpu.vector_load %arg4[%parallel_loop3A_126, %parallel_loop3A_127, %parallel_loop3A_128] {strides = array<i32>} : memref<3x128x128xf32, #tpu.memory_space<vmem>>, vector<16xf32>,
        %parallel_loop3A_130 = arith.fptosi %parallel_loop3A_119 : vector<16xf32> to vector<16xi32>
        %parallel_loop3A_131 = arith.constant 5 : i32
        %parallel_loop3A_132 = vector.broadcast %parallel_loop3A_131 : i32 to vector<16xi32>
        %parallel_loop3A_133 = arith.shrsi %parallel_loop3A_130, %parallel_loop3A_132 : vector<16xi32>
        %parallel_loop3A_134 = arith.fptosi %parallel_loop3A_124 : vector<16xf32> to vector<16xi32>
        %parallel_loop3A_135 = arith.constant 5 : i32
        %parallel_loop3A_136 = vector.broadcast %parallel_loop3A_135 : i32 to vector<16xi32>
        %parallel_loop3A_137 = arith.shrsi %parallel_loop3A_134, %parallel_loop3A_136 : vector<16xi32>
        %parallel_loop3A_138 = arith.fptosi %parallel_loop3A_129 : vector<16xf32> to vector<16xi32>
        %parallel_loop3A_139 = arith.constant 5 : i32
        %parallel_loop3A_140 = vector.broadcast %parallel_loop3A_139 : i32 to vector<16xi32>
        %parallel_loop3A_141 = arith.shrsi %parallel_loop3A_138, %parallel_loop3A_140 : vector<16xi32>
        %parallel_loop3A_142 = arith.constant 6 : i32
        %parallel_loop3A_143 = vector.broadcast %parallel_loop3A_142 : i32 to vector<16xi32>
        %parallel_loop3A_144 = arith.shli %parallel_loop3A_133, %parallel_loop3A_143 : vector<16xi32>
        %parallel_loop3A_145 = arith.constant 3 : i32
        %parallel_loop3A_146 = vector.broadcast %parallel_loop3A_145 : i32 to vector<16xi32>
        %parallel_loop3A_147 = arith.shli %parallel_loop3A_137, %parallel_loop3A_146 : vector<16xi32>
        %parallel_loop3A_148 = arith.addi %parallel_loop3A_144, %parallel_loop3A_147 : vector<16xi32>
        %parallel_loop3A_149 = arith.addi %parallel_loop3A_148, %parallel_loop3A_141 : vector<16xi32>
        %parallel_loop3A_150 = arith.addi %mul3A_5, %parallel_loop3A_149 : vector<16xi32>
        tpu.vector_store_idx %arg6[%parallel_loop3A_150], %broadcast_in_dim3A_6 {add = true} : memref<8192xf32, #tpu.memory_space<vmem>>[vector<16xi32>], vector<16xf32>,
        %parallel_loop3A_151 = arith.constant 0 : i32
        %parallel_loop3A_152 = arith.index_cast %parallel_loop3A_151 : i32 to index
        %parallel_loop3A_153 = arith.index_cast %parallel_loop3A_78 : i32 to index
        %parallel_loop3A_154 = arith.constant 32 : index
        %parallel_loop3A_155 = tpu.vector_load %arg4[%parallel_loop3A_152, %parallel_loop3A_153, %parallel_loop3A_154] {strides = array<i32>} : memref<3x128x128xf32, #tpu.memory_space<vmem>>, vector<16xf32>,
        %parallel_loop3A_156 = arith.constant 1 : i32
        %parallel_loop3A_157 = arith.index_cast %parallel_loop3A_156 : i32 to index
        %parallel_loop3A_158 = arith.index_cast %parallel_loop3A_78 : i32 to index
        %parallel_loop3A_159 = arith.constant 32 : index
        %parallel_loop3A_160 = tpu.vector_load %arg4[%parallel_loop3A_157, %parallel_loop3A_158, %parallel_loop3A_159] {strides = array<i32>} : memref<3x128x128xf32, #tpu.memory_space<vmem>>, vector<16xf32>,
        %parallel_loop3A_161 = arith.constant 2 : i32
        %parallel_loop3A_162 = arith.index_cast %parallel_loop3A_161 : i32 to index
        %parallel_loop3A_163 = arith.index_cast %parallel_loop3A_78 : i32 to index
        %parallel_loop3A_164 = arith.constant 32 : index
        %parallel_loop3A_165 = tpu.vector_load %arg4[%parallel_loop3A_162, %parallel_loop3A_163, %parallel_loop3A_164] {strides = array<i32>} : memref<3x128x128xf32, #tpu.memory_space<vmem>>, vector<16xf32>,
        %parallel_loop3A_166 = arith.fptosi %parallel_loop3A_155 : vector<16xf32> to vector<16xi32>
        %parallel_loop3A_167 = arith.constant 5 : i32
        %parallel_loop3A_168 = vector.broadcast %parallel_loop3A_167 : i32 to vector<16xi32>
        %parallel_loop3A_169 = arith.shrsi %parallel_loop3A_166, %parallel_loop3A_168 : vector<16xi32>
        %parallel_loop3A_170 = arith.fptosi %parallel_loop3A_160 : vector<16xf32> to vector<16xi32>
        %parallel_loop3A_171 = arith.constant 5 : i32
        %parallel_loop3A_172 = vector.broadcast %parallel_loop3A_171 : i32 to vector<16xi32>
        %parallel_loop3A_173 = arith.shrsi %parallel_loop3A_170, %parallel_loop3A_172 : vector<16xi32>
        %parallel_loop3A_174 = arith.fptosi %parallel_loop3A_165 : vector<16xf32> to vector<16xi32>
        %parallel_loop3A_175 = arith.constant 5 : i32
        %parallel_loop3A_176 = vector.broadcast %parallel_loop3A_175 : i32 to vector<16xi32>
        %parallel_loop3A_177 = arith.shrsi %parallel_loop3A_174, %parallel_loop3A_176 : vector<16xi32>
        %parallel_loop3A_178 = arith.constant 6 : i32
        %parallel_loop3A_179 = vector.broadcast %parallel_loop3A_178 : i32 to vector<16xi32>
        %parallel_loop3A_180 = arith.shli %parallel_loop3A_169, %parallel_loop3A_179 : vector<16xi32>
        %parallel_loop3A_181 = arith.constant 3 : i32
        %parallel_loop3A_182 = vector.broadcast %parallel_loop3A_181 : i32 to vector<16xi32>
        %parallel_loop3A_183 = arith.shli %parallel_loop3A_173, %parallel_loop3A_182 : vector<16xi32>
        %parallel_loop3A_184 = arith.addi %parallel_loop3A_180, %parallel_loop3A_183 : vector<16xi32>
        %parallel_loop3A_185 = arith.addi %parallel_loop3A_184, %parallel_loop3A_177 : vector<16xi32>
        %parallel_loop3A_186 = arith.addi %mul3A_5, %parallel_loop3A_185 : vector<16xi32>
        tpu.vector_store_idx %arg6[%parallel_loop3A_186], %broadcast_in_dim3A_6 {add = true} : memref<8192xf32, #tpu.memory_space<vmem>>[vector<16xi32>], vector<16xf32>,
        %parallel_loop3A_187 = arith.constant 0 : i32
        %parallel_loop3A_188 = arith.index_cast %parallel_loop3A_187 : i32 to index
        %parallel_loop3A_189 = arith.index_cast %parallel_loop3A_78 : i32 to index
        %parallel_loop3A_190 = arith.constant 48 : index
        %parallel_loop3A_191 = tpu.vector_load %arg4[%parallel_loop3A_188, %parallel_loop3A_189, %parallel_loop3A_190] {strides = array<i32>} : memref<3x128x128xf32, #tpu.memory_space<vmem>>, vector<16xf32>,
        %parallel_loop3A_192 = arith.constant 1 : i32
        %parallel_loop3A_193 = arith.index_cast %parallel_loop3A_192 : i32 to index
        %parallel_loop3A_194 = arith.index_cast %parallel_loop3A_78 : i32 to index
        %parallel_loop3A_195 = arith.constant 48 : index
        %parallel_loop3A_196 = tpu.vector_load %arg4[%parallel_loop3A_193, %parallel_loop3A_194, %parallel_loop3A_195] {strides = array<i32>} : memref<3x128x128xf32, #tpu.memory_space<vmem>>, vector<16xf32>,
        %parallel_loop3A_197 = arith.constant 2 : i32
        %parallel_loop3A_198 = arith.index_cast %parallel_loop3A_197 : i32 to index
        %parallel_loop3A_199 = arith.index_cast %parallel_loop3A_78 : i32 to index
        %parallel_loop3A_200 = arith.constant 48 : index
        %parallel_loop3A_201 = tpu.vector_load %arg4[%parallel_loop3A_198, %parallel_loop3A_199, %parallel_loop3A_200] {strides = array<i32>} : memref<3x128x128xf32, #tpu.memory_space<vmem>>, vector<16xf32>,
        %parallel_loop3A_202 = arith.fptosi %parallel_loop3A_191 : vector<16xf32> to vector<16xi32>
        %parallel_loop3A_203 = arith.constant 5 : i32
        %parallel_loop3A_204 = vector.broadcast %parallel_loop3A_203 : i32 to vector<16xi32>
        %parallel_loop3A_205 = arith.shrsi %parallel_loop3A_202, %parallel_loop3A_204 : vector<16xi32>
        %parallel_loop3A_206 = arith.fptosi %parallel_loop3A_196 : vector<16xf32> to vector<16xi32>
        %parallel_loop3A_207 = arith.constant 5 : i32
        %parallel_loop3A_208 = vector.broadcast %parallel_loop3A_207 : i32 to vector<16xi32>
        %parallel_loop3A_209 = arith.shrsi %parallel_loop3A_206, %parallel_loop3A_208 : vector<16xi32>
        %parallel_loop3A_210 = arith.fptosi %parallel_loop3A_201 : vector<16xf32> to vector<16xi32>
        %parallel_loop3A_211 = arith.constant 5 : i32
        %parallel_loop3A_212 = vector.broadcast %parallel_loop3A_211 : i32 to vector<16xi32>
        %parallel_loop3A_213 = arith.shrsi %parallel_loop3A_210, %parallel_loop3A_212 : vector<16xi32>
        %parallel_loop3A_214 = arith.constant 6 : i32
        %parallel_loop3A_215 = vector.broadcast %parallel_loop3A_214 : i32 to vector<16xi32>
        %parallel_loop3A_216 = arith.shli %parallel_loop3A_205, %parallel_loop3A_215 : vector<16xi32>
        %parallel_loop3A_217 = arith.constant 3 : i32
        %parallel_loop3A_218 = vector.broadcast %parallel_loop3A_217 : i32 to vector<16xi32>
        %parallel_loop3A_219 = arith.shli %parallel_loop3A_209, %parallel_loop3A_218 : vector<16xi32>
        %parallel_loop3A_220 = arith.addi %parallel_loop3A_216, %parallel_loop3A_219 : vector<16xi32>
        %parallel_loop3A_221 = arith.addi %parallel_loop3A_220, %parallel_loop3A_213 : vector<16xi32>
        %parallel_loop3A_222 = arith.addi %mul3A_5, %parallel_loop3A_221 : vector<16xi32>
        tpu.vector_store_idx %arg6[%parallel_loop3A_222], %broadcast_in_dim3A_6 {add = true} : memref<8192xf32, #tpu.memory_space<vmem>>[vector<16xi32>], vector<16xf32>,
        %parallel_loop3A_223 = arith.constant 0 : i32
        %parallel_loop3A_224 = arith.index_cast %parallel_loop3A_223 : i32 to index
        %parallel_loop3A_225 = arith.index_cast %parallel_loop3A_78 : i32 to index
        %parallel_loop3A_226 = arith.constant 64 : index
        %parallel_loop3A_227 = tpu.vector_load %arg4[%parallel_loop3A_224, %parallel_loop3A_225, %parallel_loop3A_226] {strides = array<i32>} : memref<3x128x128xf32, #tpu.memory_space<vmem>>, vector<16xf32>,
        %parallel_loop3A_228 = arith.constant 1 : i32
        %parallel_loop3A_229 = arith.index_cast %parallel_loop3A_228 : i32 to index
        %parallel_loop3A_230 = arith.index_cast %parallel_loop3A_78 : i32 to index
        %parallel_loop3A_231 = arith.constant 64 : index
        %parallel_loop3A_232 = tpu.vector_load %arg4[%parallel_loop3A_229, %parallel_loop3A_230, %parallel_loop3A_231] {strides = array<i32>} : memref<3x128x128xf32, #tpu.memory_space<vmem>>, vector<16xf32>,
        %parallel_loop3A_233 = arith.constant 2 : i32
        %parallel_loop3A_234 = arith.index_cast %parallel_loop3A_233 : i32 to index
        %parallel_loop3A_235 = arith.index_cast %parallel_loop3A_78 : i32 to index
        %parallel_loop3A_236 = arith.constant 64 : index
        %parallel_loop3A_237 = tpu.vector_load %arg4[%parallel_loop3A_234, %parallel_loop3A_235, %parallel_loop3A_236] {strides = array<i32>} : memref<3x128x128xf32, #tpu.memory_space<vmem>>, vector<16xf32>,
        %parallel_loop3A_238 = arith.fptosi %parallel_loop3A_227 : vector<16xf32> to vector<16xi32>
        %parallel_loop3A_239 = arith.constant 5 : i32
        %parallel_loop3A_240 = vector.broadcast %parallel_loop3A_239 : i32 to vector<16xi32>
        %parallel_loop3A_241 = arith.shrsi %parallel_loop3A_238, %parallel_loop3A_240 : vector<16xi32>
        %parallel_loop3A_242 = arith.fptosi %parallel_loop3A_232 : vector<16xf32> to vector<16xi32>
        %parallel_loop3A_243 = arith.constant 5 : i32
        %parallel_loop3A_244 = vector.broadcast %parallel_loop3A_243 : i32 to vector<16xi32>
        %parallel_loop3A_245 = arith.shrsi %parallel_loop3A_242, %parallel_loop3A_244 : vector<16xi32>
        %parallel_loop3A_246 = arith.fptosi %parallel_loop3A_237 : vector<16xf32> to vector<16xi32>
        %parallel_loop3A_247 = arith.constant 5 : i32
        %parallel_loop3A_248 = vector.broadcast %parallel_loop3A_247 : i32 to vector<16xi32>
        %parallel_loop3A_249 = arith.shrsi %parallel_loop3A_246, %parallel_loop3A_248 : vector<16xi32>
        %parallel_loop3A_250 = arith.constant 6 : i32
        %parallel_loop3A_251 = vector.broadcast %parallel_loop3A_250 : i32 to vector<16xi32>
        %parallel_loop3A_252 = arith.shli %parallel_loop3A_241, %parallel_loop3A_251 : vector<16xi32>
        %parallel_loop3A_253 = arith.constant 3 : i32
        %parallel_loop3A_254 = vector.broadcast %parallel_loop3A_253 : i32 to vector<16xi32>
        %parallel_loop3A_255 = arith.shli %parallel_loop3A_245, %parallel_loop3A_254 : vector<16xi32>
        %parallel_loop3A_256 = arith.addi %parallel_loop3A_252, %parallel_loop3A_255 : vector<16xi32>
        %parallel_loop3A_257 = arith.addi %parallel_loop3A_256, %parallel_loop3A_249 : vector<16xi32>
        %parallel_loop3A_258 = arith.addi %mul3A_5, %parallel_loop3A_257 : vector<16xi32>
        tpu.vector_store_idx %arg6[%parallel_loop3A_258], %broadcast_in_dim3A_6 {add = true} : memref<8192xf32, #tpu.memory_space<vmem>>[vector<16xi32>], vector<16xf32>,
        %parallel_loop3A_259 = arith.constant 0 : i32
        %parallel_loop3A_260 = arith.index_cast %parallel_loop3A_259 : i32 to index
        %parallel_loop3A_261 = arith.index_cast %parallel_loop3A_78 : i32 to index
        %parallel_loop3A_262 = arith.constant 80 : index
        %parallel_loop3A_263 = tpu.vector_load %arg4[%parallel_loop3A_260, %parallel_loop3A_261, %parallel_loop3A_262] {strides = array<i32>} : memref<3x128x128xf32, #tpu.memory_space<vmem>>, vector<16xf32>,
        %parallel_loop3A_264 = arith.constant 1 : i32
        %parallel_loop3A_265 = arith.index_cast %parallel_loop3A_264 : i32 to index
        %parallel_loop3A_266 = arith.index_cast %parallel_loop3A_78 : i32 to index
        %parallel_loop3A_267 = arith.constant 80 : index
        %parallel_loop3A_268 = tpu.vector_load %arg4[%parallel_loop3A_265, %parallel_loop3A_266, %parallel_loop3A_267] {strides = array<i32>} : memref<3x128x128xf32, #tpu.memory_space<vmem>>, vector<16xf32>,
        %parallel_loop3A_269 = arith.constant 2 : i32
        %parallel_loop3A_270 = arith.index_cast %parallel_loop3A_269 : i32 to index
        %parallel_loop3A_271 = arith.index_cast %parallel_loop3A_78 : i32 to index
        %parallel_loop3A_272 = arith.constant 80 : index
        %parallel_loop3A_273 = tpu.vector_load %arg4[%parallel_loop3A_270, %parallel_loop3A_271, %parallel_loop3A_272] {strides = array<i32>} : memref<3x128x128xf32, #tpu.memory_space<vmem>>, vector<16xf32>,
        %parallel_loop3A_274 = arith.fptosi %parallel_loop3A_263 : vector<16xf32> to vector<16xi32>
        %parallel_loop3A_275 = arith.constant 5 : i32
        %parallel_loop3A_276 = vector.broadcast %parallel_loop3A_275 : i32 to vector<16xi32>
        %parallel_loop3A_277 = arith.shrsi %parallel_loop3A_274, %parallel_loop3A_276 : vector<16xi32>
        %parallel_loop3A_278 = arith.fptosi %parallel_loop3A_268 : vector<16xf32> to vector<16xi32>
        %parallel_loop3A_279 = arith.constant 5 : i32
        %parallel_loop3A_280 = vector.broadcast %parallel_loop3A_279 : i32 to vector<16xi32>
        %parallel_loop3A_281 = arith.shrsi %parallel_loop3A_278, %parallel_loop3A_280 : vector<16xi32>
        %parallel_loop3A_282 = arith.fptosi %parallel_loop3A_273 : vector<16xf32> to vector<16xi32>
        %parallel_loop3A_283 = arith.constant 5 : i32
        %parallel_loop3A_284 = vector.broadcast %parallel_loop3A_283 : i32 to vector<16xi32>
        %parallel_loop3A_285 = arith.shrsi %parallel_loop3A_282, %parallel_loop3A_284 : vector<16xi32>
        %parallel_loop3A_286 = arith.constant 6 : i32
        %parallel_loop3A_287 = vector.broadcast %parallel_loop3A_286 : i32 to vector<16xi32>
        %parallel_loop3A_288 = arith.shli %parallel_loop3A_277, %parallel_loop3A_287 : vector<16xi32>
        %parallel_loop3A_289 = arith.constant 3 : i32
        %parallel_loop3A_290 = vector.broadcast %parallel_loop3A_289 : i32 to vector<16xi32>
        %parallel_loop3A_291 = arith.shli %parallel_loop3A_281, %parallel_loop3A_290 : vector<16xi32>
        %parallel_loop3A_292 = arith.addi %parallel_loop3A_288, %parallel_loop3A_291 : vector<16xi32>
        %parallel_loop3A_293 = arith.addi %parallel_loop3A_292, %parallel_loop3A_285 : vector<16xi32>
        %parallel_loop3A_294 = arith.addi %mul3A_5, %parallel_loop3A_293 : vector<16xi32>
        tpu.vector_store_idx %arg6[%parallel_loop3A_294], %broadcast_in_dim3A_6 {add = true} : memref<8192xf32, #tpu.memory_space<vmem>>[vector<16xi32>], vector<16xf32>,
        %parallel_loop3A_295 = arith.constant 0 : i32
        %parallel_loop3A_296 = arith.index_cast %parallel_loop3A_295 : i32 to index
        %parallel_loop3A_297 = arith.index_cast %parallel_loop3A_78 : i32 to index
        %parallel_loop3A_298 = arith.constant 96 : index
        %parallel_loop3A_299 = tpu.vector_load %arg4[%parallel_loop3A_296, %parallel_loop3A_297, %parallel_loop3A_298] {strides = array<i32>} : memref<3x128x128xf32, #tpu.memory_space<vmem>>, vector<16xf32>,
        %parallel_loop3A_300 = arith.constant 1 : i32
        %parallel_loop3A_301 = arith.index_cast %parallel_loop3A_300 : i32 to index
        %parallel_loop3A_302 = arith.index_cast %parallel_loop3A_78 : i32 to index
        %parallel_loop3A_303 = arith.constant 96 : index
        %parallel_loop3A_304 = tpu.vector_load %arg4[%parallel_loop3A_301, %parallel_loop3A_302, %parallel_loop3A_303] {strides = array<i32>} : memref<3x128x128xf32, #tpu.memory_space<vmem>>, vector<16xf32>,
        %parallel_loop3A_305 = arith.constant 2 : i32
        %parallel_loop3A_306 = arith.index_cast %parallel_loop3A_305 : i32 to index
        %parallel_loop3A_307 = arith.index_cast %parallel_loop3A_78 : i32 to index
        %parallel_loop3A_308 = arith.constant 96 : index
        %parallel_loop3A_309 = tpu.vector_load %arg4[%parallel_loop3A_306, %parallel_loop3A_307, %parallel_loop3A_308] {strides = array<i32>} : memref<3x128x128xf32, #tpu.memory_space<vmem>>, vector<16xf32>,
        %parallel_loop3A_310 = arith.fptosi %parallel_loop3A_299 : vector<16xf32> to vector<16xi32>
        %parallel_loop3A_311 = arith.constant 5 : i32
        %parallel_loop3A_312 = vector.broadcast %parallel_loop3A_311 : i32 to vector<16xi32>
        %parallel_loop3A_313 = arith.shrsi %parallel_loop3A_310, %parallel_loop3A_312 : vector<16xi32>
        %parallel_loop3A_314 = arith.fptosi %parallel_loop3A_304 : vector<16xf32> to vector<16xi32>
        %parallel_loop3A_315 = arith.constant 5 : i32
        %parallel_loop3A_316 = vector.broadcast %parallel_loop3A_315 : i32 to vector<16xi32>
        %parallel_loop3A_317 = arith.shrsi %parallel_loop3A_314, %parallel_loop3A_316 : vector<16xi32>
        %parallel_loop3A_318 = arith.fptosi %parallel_loop3A_309 : vector<16xf32> to vector<16xi32>
        %parallel_loop3A_319 = arith.constant 5 : i32
        %parallel_loop3A_320 = vector.broadcast %parallel_loop3A_319 : i32 to vector<16xi32>
        %parallel_loop3A_321 = arith.shrsi %parallel_loop3A_318, %parallel_loop3A_320 : vector<16xi32>
        %parallel_loop3A_322 = arith.constant 6 : i32
        %parallel_loop3A_323 = vector.broadcast %parallel_loop3A_322 : i32 to vector<16xi32>
        %parallel_loop3A_324 = arith.shli %parallel_loop3A_313, %parallel_loop3A_323 : vector<16xi32>
        %parallel_loop3A_325 = arith.constant 3 : i32
        %parallel_loop3A_326 = vector.broadcast %parallel_loop3A_325 : i32 to vector<16xi32>
        %parallel_loop3A_327 = arith.shli %parallel_loop3A_317, %parallel_loop3A_326 : vector<16xi32>
        %parallel_loop3A_328 = arith.addi %parallel_loop3A_324, %parallel_loop3A_327 : vector<16xi32>
        %parallel_loop3A_329 = arith.addi %parallel_loop3A_328, %parallel_loop3A_321 : vector<16xi32>
        %parallel_loop3A_330 = arith.addi %mul3A_5, %parallel_loop3A_329 : vector<16xi32>
        tpu.vector_store_idx %arg6[%parallel_loop3A_330], %broadcast_in_dim3A_6 {add = true} : memref<8192xf32, #tpu.memory_space<vmem>>[vector<16xi32>], vector<16xf32>,
        %parallel_loop3A_331 = arith.constant 0 : i32
        %parallel_loop3A_332 = arith.index_cast %parallel_loop3A_331 : i32 to index
        %parallel_loop3A_333 = arith.index_cast %parallel_loop3A_78 : i32 to index
        %parallel_loop3A_334 = arith.constant 112 : index
        %parallel_loop3A_335 = tpu.vector_load %arg4[%parallel_loop3A_332, %parallel_loop3A_333, %parallel_loop3A_334] {strides = array<i32>} : memref<3x128x128xf32, #tpu.memory_space<vmem>>, vector<16xf32>,
        %parallel_loop3A_336 = arith.constant 1 : i32
        %parallel_loop3A_337 = arith.index_cast %parallel_loop3A_336 : i32 to index
        %parallel_loop3A_338 = arith.index_cast %parallel_loop3A_78 : i32 to index
        %parallel_loop3A_339 = arith.constant 112 : index
        %parallel_loop3A_340 = tpu.vector_load %arg4[%parallel_loop3A_337, %parallel_loop3A_338, %parallel_loop3A_339] {strides = array<i32>} : memref<3x128x128xf32, #tpu.memory_space<vmem>>, vector<16xf32>,
        %parallel_loop3A_341 = arith.constant 2 : i32
        %parallel_loop3A_342 = arith.index_cast %parallel_loop3A_341 : i32 to index
        %parallel_loop3A_343 = arith.index_cast %parallel_loop3A_78 : i32 to index
        %parallel_loop3A_344 = arith.constant 112 : index
        %parallel_loop3A_345 = tpu.vector_load %arg4[%parallel_loop3A_342, %parallel_loop3A_343, %parallel_loop3A_344] {strides = array<i32>} : memref<3x128x128xf32, #tpu.memory_space<vmem>>, vector<16xf32>,
        %parallel_loop3A_346 = arith.fptosi %parallel_loop3A_335 : vector<16xf32> to vector<16xi32>
        %parallel_loop3A_347 = arith.constant 5 : i32
        %parallel_loop3A_348 = vector.broadcast %parallel_loop3A_347 : i32 to vector<16xi32>
        %parallel_loop3A_349 = arith.shrsi %parallel_loop3A_346, %parallel_loop3A_348 : vector<16xi32>
        %parallel_loop3A_350 = arith.fptosi %parallel_loop3A_340 : vector<16xf32> to vector<16xi32>
        %parallel_loop3A_351 = arith.constant 5 : i32
        %parallel_loop3A_352 = vector.broadcast %parallel_loop3A_351 : i32 to vector<16xi32>
        %parallel_loop3A_353 = arith.shrsi %parallel_loop3A_350, %parallel_loop3A_352 : vector<16xi32>
        %parallel_loop3A_354 = arith.fptosi %parallel_loop3A_345 : vector<16xf32> to vector<16xi32>
        %parallel_loop3A_355 = arith.constant 5 : i32
        %parallel_loop3A_356 = vector.broadcast %parallel_loop3A_355 : i32 to vector<16xi32>
        %parallel_loop3A_357 = arith.shrsi %parallel_loop3A_354, %parallel_loop3A_356 : vector<16xi32>
        %parallel_loop3A_358 = arith.constant 6 : i32
        %parallel_loop3A_359 = vector.broadcast %parallel_loop3A_358 : i32 to vector<16xi32>
        %parallel_loop3A_360 = arith.shli %parallel_loop3A_349, %parallel_loop3A_359 : vector<16xi32>
        %parallel_loop3A_361 = arith.constant 3 : i32
        %parallel_loop3A_362 = vector.broadcast %parallel_loop3A_361 : i32 to vector<16xi32>
        %parallel_loop3A_363 = arith.shli %parallel_loop3A_353, %parallel_loop3A_362 : vector<16xi32>
        %parallel_loop3A_364 = arith.addi %parallel_loop3A_360, %parallel_loop3A_363 : vector<16xi32>
        %parallel_loop3A_365 = arith.addi %parallel_loop3A_364, %parallel_loop3A_357 : vector<16xi32>
        %parallel_loop3A_366 = arith.addi %mul3A_5, %parallel_loop3A_365 : vector<16xi32>
        tpu.vector_store_idx %arg6[%parallel_loop3A_366], %broadcast_in_dim3A_6 {add = true} : memref<8192xf32, #tpu.memory_space<vmem>>[vector<16xi32>], vector<16xf32>,
      } {sc.loop_unroll_factor = 4 : i64, sc.parallel_access}
      %parallel_loop3A_46 = arith.constant 0 : i32
      %parallel_loop3A_47 = arith.constant 32 : i32
      %parallel_loop3A_48 = arith.constant 1 : i32
      scf.for %parallel_loop3A_78 = %parallel_loop3A_46 to %parallel_loop3A_47 step %parallel_loop3A_48  : i32 {
        %parallel_loop3A_79 = arith.constant 16 : i32
        %parallel_loop3A_80 = arith.muli %parallel_loop3A_78, %parallel_loop3A_79 : i32
        %parallel_loop3A_81 = arith.constant 0 : i32
        %parallel_loop3A_82 = arith.addi %parallel_loop3A_81, %parallel_loop3A_80 : i32
        %parallel_loop3A_83 = arith.index_cast %parallel_loop3A_82 : i32 to index
        %parallel_loop3A_84 = tpu.vector_load %arg6[%parallel_loop3A_83] {strides = array<i32>} : memref<8192xf32, #tpu.memory_space<vmem>>, vector<16xf32>,
        %parallel_loop3A_85 = arith.addf %broadcast_in_dim3A_8, %parallel_loop3A_84 : vector<16xf32>
        %parallel_loop3A_86 = arith.constant 0 : i32
        %parallel_loop3A_87 = arith.addi %parallel_loop3A_86, %parallel_loop3A_80 : i32
        %parallel_loop3A_88 = arith.index_cast %parallel_loop3A_87 : i32 to index
        %parallel_loop3A_89 = tpu.vector_load %arg6[%parallel_loop3A_88] {strides = array<i32>} : memref<8192xf32, #tpu.memory_space<vmem>>, vector<16xf32>,
        tpu.vector_store %arg6[%parallel_loop3A_88], %broadcast_in_dim3A_8 {strides = array<i32>} : memref<8192xf32, #tpu.memory_space<vmem>>, vector<16xf32>,
        %parallel_loop3A_90 = arith.constant 512 : i32
        %parallel_loop3A_91 = arith.addi %parallel_loop3A_90, %parallel_loop3A_80 : i32
        %parallel_loop3A_92 = arith.index_cast %parallel_loop3A_91 : i32 to index
        %parallel_loop3A_93 = tpu.vector_load %arg6[%parallel_loop3A_92] {strides = array<i32>} : memref<8192xf32, #tpu.memory_space<vmem>>, vector<16xf32>,
        %parallel_loop3A_94 = arith.addf %parallel_loop3A_85, %parallel_loop3A_93 : vector<16xf32>
        %parallel_loop3A_95 = arith.constant 512 : i32
        %parallel_loop3A_96 = arith.addi %parallel_loop3A_95, %parallel_loop3A_80 : i32
        %parallel_loop3A_97 = arith.index_cast %parallel_loop3A_96 : i32 to index
        %parallel_loop3A_98 = tpu.vector_load %arg6[%parallel_loop3A_97] {strides = array<i32>} : memref<8192xf32, #tpu.memory_space<vmem>>, vector<16xf32>,
        tpu.vector_store %arg6[%parallel_loop3A_97], %broadcast_in_dim3A_8 {strides = array<i32>} : memref<8192xf32, #tpu.memory_space<vmem>>, vector<16xf32>,
        %parallel_loop3A_99 = arith.constant 1024 : i32
        %parallel_loop3A_100 = arith.addi %parallel_loop3A_99, %parallel_loop3A_80 : i32
        %parallel_loop3A_101 = arith.index_cast %parallel_loop3A_100 : i32 to index
        %parallel_loop3A_102 = tpu.vector_load %arg6[%parallel_loop3A_101] {strides = array<i32>} : memref<8192xf32, #tpu.memory_space<vmem>>, vector<16xf32>,
        %parallel_loop3A_103 = arith.addf %parallel_loop3A_94, %parallel_loop3A_102 : vector<16xf32>
        %parallel_loop3A_104 = arith.constant 1024 : i32
        %parallel_loop3A_105 = arith.addi %parallel_loop3A_104, %parallel_loop3A_80 : i32
        %parallel_loop3A_106 = arith.index_cast %parallel_loop3A_105 : i32 to index
        %parallel_loop3A_107 = tpu.vector_load %arg6[%parallel_loop3A_106] {strides = array<i32>} : memref<8192xf32, #tpu.memory_space<vmem>>, vector<16xf32>,
        tpu.vector_store %arg6[%parallel_loop3A_106], %broadcast_in_dim3A_8 {strides = array<i32>} : memref<8192xf32, #tpu.memory_space<vmem>>, vector<16xf32>,
        %parallel_loop3A_108 = arith.constant 1536 : i32
        %parallel_loop3A_109 = arith.addi %parallel_loop3A_108, %parallel_loop3A_80 : i32
        %parallel_loop3A_110 = arith.index_cast %parallel_loop3A_109 : i32 to index
        %parallel_loop3A_111 = tpu.vector_load %arg6[%parallel_loop3A_110] {strides = array<i32>} : memref<8192xf32, #tpu.memory_space<vmem>>, vector<16xf32>,
        %parallel_loop3A_112 = arith.addf %parallel_loop3A_103, %parallel_loop3A_111 : vector<16xf32>
        %parallel_loop3A_113 = arith.constant 1536 : i32
        %parallel_loop3A_114 = arith.addi %parallel_loop3A_113, %parallel_loop3A_80 : i32
        %parallel_loop3A_115 = arith.index_cast %parallel_loop3A_114 : i32 to index
        %parallel_loop3A_116 = tpu.vector_load %arg6[%parallel_loop3A_115] {strides = array<i32>} : memref<8192xf32, #tpu.memory_space<vmem>>, vector<16xf32>,
        tpu.vector_store %arg6[%parallel_loop3A_115], %broadcast_in_dim3A_8 {strides = array<i32>} : memref<8192xf32, #tpu.memory_space<vmem>>, vector<16xf32>,
        %parallel_loop3A_117 = arith.constant 2048 : i32
        %parallel_loop3A_118 = arith.addi %parallel_loop3A_117, %parallel_loop3A_80 : i32
        %parallel_loop3A_119 = arith.index_cast %parallel_loop3A_118 : i32 to index
        %parallel_loop3A_120 = tpu.vector_load %arg6[%parallel_loop3A_119] {strides = array<i32>} : memref<8192xf32, #tpu.memory_space<vmem>>, vector<16xf32>,
        %parallel_loop3A_121 = arith.addf %parallel_loop3A_112, %parallel_loop3A_120 : vector<16xf32>
        %parallel_loop3A_122 = arith.constant 2048 : i32
        %parallel_loop3A_123 = arith.addi %parallel_loop3A_122, %parallel_loop3A_80 : i32
        %parallel_loop3A_124 = arith.index_cast %parallel_loop3A_123 : i32 to index
        %parallel_loop3A_125 = tpu.vector_load %arg6[%parallel_loop3A_124] {strides = array<i32>} : memref<8192xf32, #tpu.memory_space<vmem>>, vector<16xf32>,
        tpu.vector_store %arg6[%parallel_loop3A_124], %broadcast_in_dim3A_8 {strides = array<i32>} : memref<8192xf32, #tpu.memory_space<vmem>>, vector<16xf32>,
        %parallel_loop3A_126 = arith.constant 2560 : i32
        %parallel_loop3A_127 = arith.addi %parallel_loop3A_126, %parallel_loop3A_80 : i32
        %parallel_loop3A_128 = arith.index_cast %parallel_loop3A_127 : i32 to index
        %parallel_loop3A_129 = tpu.vector_load %arg6[%parallel_loop3A_128] {strides = array<i32>} : memref<8192xf32, #tpu.memory_space<vmem>>, vector<16xf32>,
        %parallel_loop3A_130 = arith.addf %parallel_loop3A_121, %parallel_loop3A_129 : vector<16xf32>
        %parallel_loop3A_131 = arith.constant 2560 : i32
        %parallel_loop3A_132 = arith.addi %parallel_loop3A_131, %parallel_loop3A_80 : i32
        %parallel_loop3A_133 = arith.index_cast %parallel_loop3A_132 : i32 to index
        %parallel_loop3A_134 = tpu.vector_load %arg6[%parallel_loop3A_133] {strides = array<i32>} : memref<8192xf32, #tpu.memory_space<vmem>>, vector<16xf32>,
        tpu.vector_store %arg6[%parallel_loop3A_133], %broadcast_in_dim3A_8 {strides = array<i32>} : memref<8192xf32, #tpu.memory_space<vmem>>, vector<16xf32>,
        %parallel_loop3A_135 = arith.constant 3072 : i32
        %parallel_loop3A_136 = arith.addi %parallel_loop3A_135, %parallel_loop3A_80 : i32
        %parallel_loop3A_137 = arith.index_cast %parallel_loop3A_136 : i32 to index
        %parallel_loop3A_138 = tpu.vector_load %arg6[%parallel_loop3A_137] {strides = array<i32>} : memref<8192xf32, #tpu.memory_space<vmem>>, vector<16xf32>,
        %parallel_loop3A_139 = arith.addf %parallel_loop3A_130, %parallel_loop3A_138 : vector<16xf32>
        %parallel_loop3A_140 = arith.constant 3072 : i32
        %parallel_loop3A_141 = arith.addi %parallel_loop3A_140, %parallel_loop3A_80 : i32
        %parallel_loop3A_142 = arith.index_cast %parallel_loop3A_141 : i32 to index
        %parallel_loop3A_143 = tpu.vector_load %arg6[%parallel_loop3A_142] {strides = array<i32>} : memref<8192xf32, #tpu.memory_space<vmem>>, vector<16xf32>,
        tpu.vector_store %arg6[%parallel_loop3A_142], %broadcast_in_dim3A_8 {strides = array<i32>} : memref<8192xf32, #tpu.memory_space<vmem>>, vector<16xf32>,
        %parallel_loop3A_144 = arith.constant 3584 : i32
        %parallel_loop3A_145 = arith.addi %parallel_loop3A_144, %parallel_loop3A_80 : i32
        %parallel_loop3A_146 = arith.index_cast %parallel_loop3A_145 : i32 to index
        %parallel_loop3A_147 = tpu.vector_load %arg6[%parallel_loop3A_146] {strides = array<i32>} : memref<8192xf32, #tpu.memory_space<vmem>>, vector<16xf32>,
        %parallel_loop3A_148 = arith.addf %parallel_loop3A_139, %parallel_loop3A_147 : vector<16xf32>
        %parallel_loop3A_149 = arith.constant 3584 : i32
        %parallel_loop3A_150 = arith.addi %parallel_loop3A_149, %parallel_loop3A_80 : i32
        %parallel_loop3A_151 = arith.index_cast %parallel_loop3A_150 : i32 to index
        %parallel_loop3A_152 = tpu.vector_load %arg6[%parallel_loop3A_151] {strides = array<i32>} : memref<8192xf32, #tpu.memory_space<vmem>>, vector<16xf32>,
        tpu.vector_store %arg6[%parallel_loop3A_151], %broadcast_in_dim3A_8 {strides = array<i32>} : memref<8192xf32, #tpu.memory_space<vmem>>, vector<16xf32>,
        %parallel_loop3A_153 = arith.constant 4096 : i32
        %parallel_loop3A_154 = arith.addi %parallel_loop3A_153, %parallel_loop3A_80 : i32
        %parallel_loop3A_155 = arith.index_cast %parallel_loop3A_154 : i32 to index
        %parallel_loop3A_156 = tpu.vector_load %arg6[%parallel_loop3A_155] {strides = array<i32>} : memref<8192xf32, #tpu.memory_space<vmem>>, vector<16xf32>,
        %parallel_loop3A_157 = arith.addf %parallel_loop3A_148, %parallel_loop3A_156 : vector<16xf32>
        %parallel_loop3A_158 = arith.constant 4096 : i32
        %parallel_loop3A_159 = arith.addi %parallel_loop3A_158, %parallel_loop3A_80 : i32
        %parallel_loop3A_160 = arith.index_cast %parallel_loop3A_159 : i32 to index
        %parallel_loop3A_161 = tpu.vector_load %arg6[%parallel_loop3A_160] {strides = array<i32>} : memref<8192xf32, #tpu.memory_space<vmem>>, vector<16xf32>,
        tpu.vector_store %arg6[%parallel_loop3A_160], %broadcast_in_dim3A_8 {strides = array<i32>} : memref<8192xf32, #tpu.memory_space<vmem>>, vector<16xf32>,
        %parallel_loop3A_162 = arith.constant 4608 : i32
        %parallel_loop3A_163 = arith.addi %parallel_loop3A_162, %parallel_loop3A_80 : i32
        %parallel_loop3A_164 = arith.index_cast %parallel_loop3A_163 : i32 to index
        %parallel_loop3A_165 = tpu.vector_load %arg6[%parallel_loop3A_164] {strides = array<i32>} : memref<8192xf32, #tpu.memory_space<vmem>>, vector<16xf32>,
        %parallel_loop3A_166 = arith.addf %parallel_loop3A_157, %parallel_loop3A_165 : vector<16xf32>
        %parallel_loop3A_167 = arith.constant 4608 : i32
        %parallel_loop3A_168 = arith.addi %parallel_loop3A_167, %parallel_loop3A_80 : i32
        %parallel_loop3A_169 = arith.index_cast %parallel_loop3A_168 : i32 to index
        %parallel_loop3A_170 = tpu.vector_load %arg6[%parallel_loop3A_169] {strides = array<i32>} : memref<8192xf32, #tpu.memory_space<vmem>>, vector<16xf32>,
        tpu.vector_store %arg6[%parallel_loop3A_169], %broadcast_in_dim3A_8 {strides = array<i32>} : memref<8192xf32, #tpu.memory_space<vmem>>, vector<16xf32>,
        %parallel_loop3A_171 = arith.constant 5120 : i32
        %parallel_loop3A_172 = arith.addi %parallel_loop3A_171, %parallel_loop3A_80 : i32
        %parallel_loop3A_173 = arith.index_cast %parallel_loop3A_172 : i32 to index
        %parallel_loop3A_174 = tpu.vector_load %arg6[%parallel_loop3A_173] {strides = array<i32>} : memref<8192xf32, #tpu.memory_space<vmem>>, vector<16xf32>,
        %parallel_loop3A_175 = arith.addf %parallel_loop3A_166, %parallel_loop3A_174 : vector<16xf32>
        %parallel_loop3A_176 = arith.constant 5120 : i32
        %parallel_loop3A_177 = arith.addi %parallel_loop3A_176, %parallel_loop3A_80 : i32
        %parallel_loop3A_178 = arith.index_cast %parallel_loop3A_177 : i32 to index
        %parallel_loop3A_179 = tpu.vector_load %arg6[%parallel_loop3A_178] {strides = array<i32>} : memref<8192xf32, #tpu.memory_space<vmem>>, vector<16xf32>,
        tpu.vector_store %arg6[%parallel_loop3A_178], %broadcast_in_dim3A_8 {strides = array<i32>} : memref<8192xf32, #tpu.memory_space<vmem>>, vector<16xf32>,
        %parallel_loop3A_180 = arith.constant 5632 : i32
        %parallel_loop3A_181 = arith.addi %parallel_loop3A_180, %parallel_loop3A_80 : i32
        %parallel_loop3A_182 = arith.index_cast %parallel_loop3A_181 : i32 to index
        %parallel_loop3A_183 = tpu.vector_load %arg6[%parallel_loop3A_182] {strides = array<i32>} : memref<8192xf32, #tpu.memory_space<vmem>>, vector<16xf32>,
        %parallel_loop3A_184 = arith.addf %parallel_loop3A_175, %parallel_loop3A_183 : vector<16xf32>
        %parallel_loop3A_185 = arith.constant 5632 : i32
        %parallel_loop3A_186 = arith.addi %parallel_loop3A_185, %parallel_loop3A_80 : i32
        %parallel_loop3A_187 = arith.index_cast %parallel_loop3A_186 : i32 to index
        %parallel_loop3A_188 = tpu.vector_load %arg6[%parallel_loop3A_187] {strides = array<i32>} : memref<8192xf32, #tpu.memory_space<vmem>>, vector<16xf32>,
        tpu.vector_store %arg6[%parallel_loop3A_187], %broadcast_in_dim3A_8 {strides = array<i32>} : memref<8192xf32, #tpu.memory_space<vmem>>, vector<16xf32>,
        %parallel_loop3A_189 = arith.constant 6144 : i32
        %parallel_loop3A_190 = arith.addi %parallel_loop3A_189, %parallel_loop3A_80 : i32
        %parallel_loop3A_191 = arith.index_cast %parallel_loop3A_190 : i32 to index
        %parallel_loop3A_192 = tpu.vector_load %arg6[%parallel_loop3A_191] {strides = array<i32>} : memref<8192xf32, #tpu.memory_space<vmem>>, vector<16xf32>,
        %parallel_loop3A_193 = arith.addf %parallel_loop3A_184, %parallel_loop3A_192 : vector<16xf32>
        %parallel_loop3A_194 = arith.constant 6144 : i32
        %parallel_loop3A_195 = arith.addi %parallel_loop3A_194, %parallel_loop3A_80 : i32
        %parallel_loop3A_196 = arith.index_cast %parallel_loop3A_195 : i32 to index
        %parallel_loop3A_197 = tpu.vector_load %arg6[%parallel_loop3A_196] {strides = array<i32>} : memref<8192xf32, #tpu.memory_space<vmem>>, vector<16xf32>,
        tpu.vector_store %arg6[%parallel_loop3A_196], %broadcast_in_dim3A_8 {strides = array<i32>} : memref<8192xf32, #tpu.memory_space<vmem>>, vector<16xf32>,
        %parallel_loop3A_198 = arith.constant 6656 : i32
        %parallel_loop3A_199 = arith.addi %parallel_loop3A_198, %parallel_loop3A_80 : i32
        %parallel_loop3A_200 = arith.index_cast %parallel_loop3A_199 : i32 to index
        %parallel_loop3A_201 = tpu.vector_load %arg6[%parallel_loop3A_200] {strides = array<i32>} : memref<8192xf32, #tpu.memory_space<vmem>>, vector<16xf32>,
        %parallel_loop3A_202 = arith.addf %parallel_loop3A_193, %parallel_loop3A_201 : vector<16xf32>
        %parallel_loop3A_203 = arith.constant 6656 : i32
        %parallel_loop3A_204 = arith.addi %parallel_loop3A_203, %parallel_loop3A_80 : i32
        %parallel_loop3A_205 = arith.index_cast %parallel_loop3A_204 : i32 to index
        %parallel_loop3A_206 = tpu.vector_load %arg6[%parallel_loop3A_205] {strides = array<i32>} : memref<8192xf32, #tpu.memory_space<vmem>>, vector<16xf32>,
        tpu.vector_store %arg6[%parallel_loop3A_205], %broadcast_in_dim3A_8 {strides = array<i32>} : memref<8192xf32, #tpu.memory_space<vmem>>, vector<16xf32>,
        %parallel_loop3A_207 = arith.constant 7168 : i32
        %parallel_loop3A_208 = arith.addi %parallel_loop3A_207, %parallel_loop3A_80 : i32
        %parallel_loop3A_209 = arith.index_cast %parallel_loop3A_208 : i32 to index
        %parallel_loop3A_210 = tpu.vector_load %arg6[%parallel_loop3A_209] {strides = array<i32>} : memref<8192xf32, #tpu.memory_space<vmem>>, vector<16xf32>,
        %parallel_loop3A_211 = arith.addf %parallel_loop3A_202, %parallel_loop3A_210 : vector<16xf32>
        %parallel_loop3A_212 = arith.constant 7168 : i32
        %parallel_loop3A_213 = arith.addi %parallel_loop3A_212, %parallel_loop3A_80 : i32
        %parallel_loop3A_214 = arith.index_cast %parallel_loop3A_213 : i32 to index
        %parallel_loop3A_215 = tpu.vector_load %arg6[%parallel_loop3A_214] {strides = array<i32>} : memref<8192xf32, #tpu.memory_space<vmem>>, vector<16xf32>,
        tpu.vector_store %arg6[%parallel_loop3A_214], %broadcast_in_dim3A_8 {strides = array<i32>} : memref<8192xf32, #tpu.memory_space<vmem>>, vector<16xf32>,
        %parallel_loop3A_216 = arith.constant 7680 : i32
        %parallel_loop3A_217 = arith.addi %parallel_loop3A_216, %parallel_loop3A_80 : i32
        %parallel_loop3A_218 = arith.index_cast %parallel_loop3A_217 : i32 to index
        %parallel_loop3A_219 = tpu.vector_load %arg6[%parallel_loop3A_218] {strides = array<i32>} : memref<8192xf32, #tpu.memory_space<vmem>>, vector<16xf32>,
        %parallel_loop3A_220 = arith.addf %parallel_loop3A_211, %parallel_loop3A_219 : vector<16xf32>
        %parallel_loop3A_221 = arith.constant 7680 : i32
        %parallel_loop3A_222 = arith.addi %parallel_loop3A_221, %parallel_loop3A_80 : i32
        %parallel_loop3A_223 = arith.index_cast %parallel_loop3A_222 : i32 to index
        %parallel_loop3A_224 = tpu.vector_load %arg6[%parallel_loop3A_223] {strides = array<i32>} : memref<8192xf32, #tpu.memory_space<vmem>>, vector<16xf32>,
        tpu.vector_store %arg6[%parallel_loop3A_223], %broadcast_in_dim3A_8 {strides = array<i32>} : memref<8192xf32, #tpu.memory_space<vmem>>, vector<16xf32>,
        %parallel_loop3A_225 = arith.index_cast %parallel_loop3A_80 : i32 to index
        %parallel_loop3A_226 = tpu.vector_load %arg7[%parallel_loop3A_225] {strides = array<i32>} : memref<512xf32, #tpu.memory_space<vmem>>, vector<16xf32>,
        tpu.vector_store %arg7[%parallel_loop3A_225], %parallel_loop3A_220 {strides = array<i32>} : memref<512xf32, #tpu.memory_space<vmem>>, vector<16xf32>,
      } {sc.loop_unroll_factor = 2 : i64, sc.parallel_access}
      %mul3A_49 = arith.constant 512 : i32
      %mul3A_50 = arith.muli %add3A_35, %mul3A_49 : i32
      "tpu.region"() ({
        %run_scoped3A = tpu.sem_alloc : memref<!tpu.dma_semaphore, #tpu.memory_space<semaphore_mem>>
        %dma_start3A_78 = tpu.memref_slice %arg3[%mul3A_50] : memref<262144xf32, #tpu.memory_space<hbm>> -> memref<512xf32, #tpu.memory_space<hbm>>
        %dma_start3A_79 = tpu.memref_slice %arg3[%mul3A_50] : memref<262144xf32, #tpu.memory_space<hbm>> -> memref<512xf32, #tpu.memory_space<hbm>>
        tpu.enqueue_dma source(%arg7 : memref<512xf32, #tpu.memory_space<vmem>>) target(%dma_start3A_79 : memref<512xf32, #tpu.memory_space<hbm>>) target_semaphore(%run_scoped3A : memref<!tpu.dma_semaphore, #tpu.memory_space<semaphore_mem>>)
        %dma_wait3A_80 = tpu.memref_slice %arg3[%mul3A_50] : memref<262144xf32, #tpu.memory_space<hbm>> -> memref<512xf32, #tpu.memory_space<hbm>>
        %dma_wait3A_81 = tpu.memref_slice %arg3[%mul3A_50] : memref<262144xf32, #tpu.memory_space<hbm>> -> memref<512xf32, #tpu.memory_space<hbm>>
        tpu.wait_dma2 semaphore(%run_scoped3A : memref<!tpu.dma_semaphore, #tpu.memory_space<semaphore_mem>>) src(%arg7 : memref<512xf32, #tpu.memory_space<vmem>>) dst(%dma_wait3A_81 : memref<512xf32, #tpu.memory_space<hbm>>)
        tpu.yield
      }) : () -> ()
      %lt3A = arith.constant 7 : i32
      %lt3A_51 = arith.cmpi slt, %scan3A_32, %lt3A : i32
      %convert_element_type3A = arith.extui %lt3A_51 : i1 to i32
      %cond3A = arith.constant 0 : i32
      %cond3A_52 = arith.cmpi ne, %convert_element_type3A, %cond3A : i32
      scf.if %cond3A_52 {
        %add3A_78 = arith.constant 2 : i32
        %add3A_79 = arith.addi %add3A_35, %add3A_78 : i32
        %mul3A_80 = arith.constant 3 : i32
        %mul3A_81 = arith.muli %add3A_79, %mul3A_80 : i32
        %dma_start3A_82 = arith.constant 0 : i32
        %dma_start3A_83 = arith.constant 0 : i32
        %dma_start3A_84 = tpu.memref_slice %arg2[%mul3A_81, %dma_start3A_82, %dma_start3A_83] : memref<1536x128x128xf32, #tpu.memory_space<hbm>> -> memref<3x128x128xf32, #tpu.memory_space<hbm>>
        %dma_start3A_85 = arith.constant 0 : i32
        %dma_start3A_86 = arith.constant 0 : i32
        %dma_start3A_87 = tpu.memref_slice %arg2[%mul3A_81, %dma_start3A_85, %dma_start3A_86] : memref<1536x128x128xf32, #tpu.memory_space<hbm>> -> memref<3x128x128xf32, #tpu.memory_space<hbm>>
        tpu.enqueue_dma source(%dma_start3A_87 : memref<3x128x128xf32, #tpu.memory_space<hbm>>) target(%arg4 : memref<3x128x128xf32, #tpu.memory_space<vmem>>) target_semaphore(%arg8 : memref<!tpu.dma_semaphore, #tpu.memory_space<semaphore_mem>>)
      } else {
      }
      %add3A_53 = arith.constant 1 : i32
      %add3A_54 = arith.addi %add3A_35, %add3A_53 : i32
      %mul3A_55 = arith.constant 3 : i32
      %mul3A_56 = arith.muli %add3A_54, %mul3A_55 : i32
      %dma_wait3A_57 = arith.constant 0 : i32
      %dma_wait3A_58 = arith.constant 0 : i32
      %dma_wait3A_59 = tpu.memref_slice %arg2[%mul3A_56, %dma_wait3A_57, %dma_wait3A_58] : memref<1536x128x128xf32, #tpu.memory_space<hbm>> -> memref<3x128x128xf32, #tpu.memory_space<hbm>>
      %dma_wait3A_60 = arith.constant 0 : i32
      %dma_wait3A_61 = arith.constant 0 : i32
      %dma_wait3A_62 = tpu.memref_slice %arg2[%mul3A_56, %dma_wait3A_60, %dma_wait3A_61] : memref<1536x128x128xf32, #tpu.memory_space<hbm>> -> memref<3x128x128xf32, #tpu.memory_space<hbm>>
      tpu.wait_dma2 semaphore(%arg9 : memref<!tpu.dma_semaphore, #tpu.memory_space<semaphore_mem>>) src(%dma_wait3A_62 : memref<3x128x128xf32, #tpu.memory_space<hbm>>) dst(%arg5 : memref<3x128x128xf32, #tpu.memory_space<vmem>>)
      %add3A_63 = arith.constant 1 : i32
      %add3A_64 = arith.addi %add3A_35, %add3A_63 : i32
      %parallel_loop3A_65 = arith.constant 0 : i32
      %parallel_loop3A_66 = arith.constant 128 : i32
      %parallel_loop3A_67 = arith.constant 1 : i32
      scf.for %parallel_loop3A_78 = %parallel_loop3A_65 to %parallel_loop3A_66 step %parallel_loop3A_67  : i32 {
        %parallel_loop3A_79 = arith.constant 0 : i32
        %parallel_loop3A_80 = arith.index_cast %parallel_loop3A_79 : i32 to index
        %parallel_loop3A_81 = arith.index_cast %parallel_loop3A_78 : i32 to index
        %parallel_loop3A_82 = arith.constant 0 : index
        %parallel_loop3A_83 = tpu.vector_load %arg5[%parallel_loop3A_80, %parallel_loop3A_81, %parallel_loop3A_82] {strides = array<i32>} : memref<3x128x128xf32, #tpu.memory_space<vmem>>, vector<16xf32>,
        %parallel_loop3A_84 = arith.constant 1 : i32
        %parallel_loop3A_85 = arith.index_cast %parallel_loop3A_84 : i32 to index
        %parallel_loop3A_86 = arith.index_cast %parallel_loop3A_78 : i32 to index
        %parallel_loop3A_87 = arith.constant 0 : index
        %parallel_loop3A_88 = tpu.vector_load %arg5[%parallel_loop3A_85, %parallel_loop3A_86, %parallel_loop3A_87] {strides = array<i32>} : memref<3x128x128xf32, #tpu.memory_space<vmem>>, vector<16xf32>,
        %parallel_loop3A_89 = arith.constant 2 : i32
        %parallel_loop3A_90 = arith.index_cast %parallel_loop3A_89 : i32 to index
        %parallel_loop3A_91 = arith.index_cast %parallel_loop3A_78 : i32 to index
        %parallel_loop3A_92 = arith.constant 0 : index
        %parallel_loop3A_93 = tpu.vector_load %arg5[%parallel_loop3A_90, %parallel_loop3A_91, %parallel_loop3A_92] {strides = array<i32>} : memref<3x128x128xf32, #tpu.memory_space<vmem>>, vector<16xf32>,
        %parallel_loop3A_94 = arith.fptosi %parallel_loop3A_83 : vector<16xf32> to vector<16xi32>
        %parallel_loop3A_95 = arith.constant 5 : i32
        %parallel_loop3A_96 = vector.broadcast %parallel_loop3A_95 : i32 to vector<16xi32>
        %parallel_loop3A_97 = arith.shrsi %parallel_loop3A_94, %parallel_loop3A_96 : vector<16xi32>
        %parallel_loop3A_98 = arith.fptosi %parallel_loop3A_88 : vector<16xf32> to vector<16xi32>
        %parallel_loop3A_99 = arith.constant 5 : i32
        %parallel_loop3A_100 = vector.broadcast %parallel_loop3A_99 : i32 to vector<16xi32>
        %parallel_loop3A_101 = arith.shrsi %parallel_loop3A_98, %parallel_loop3A_100 : vector<16xi32>
        %parallel_loop3A_102 = arith.fptosi %parallel_loop3A_93 : vector<16xf32> to vector<16xi32>
        %parallel_loop3A_103 = arith.constant 5 : i32
        %parallel_loop3A_104 = vector.broadcast %parallel_loop3A_103 : i32 to vector<16xi32>
        %parallel_loop3A_105 = arith.shrsi %parallel_loop3A_102, %parallel_loop3A_104 : vector<16xi32>
        %parallel_loop3A_106 = arith.constant 6 : i32
        %parallel_loop3A_107 = vector.broadcast %parallel_loop3A_106 : i32 to vector<16xi32>
        %parallel_loop3A_108 = arith.shli %parallel_loop3A_97, %parallel_loop3A_107 : vector<16xi32>
        %parallel_loop3A_109 = arith.constant 3 : i32
        %parallel_loop3A_110 = vector.broadcast %parallel_loop3A_109 : i32 to vector<16xi32>
        %parallel_loop3A_111 = arith.shli %parallel_loop3A_101, %parallel_loop3A_110 : vector<16xi32>
        %parallel_loop3A_112 = arith.addi %parallel_loop3A_108, %parallel_loop3A_111 : vector<16xi32>
        %parallel_loop3A_113 = arith.addi %parallel_loop3A_112, %parallel_loop3A_105 : vector<16xi32>
        %parallel_loop3A_114 = arith.addi %mul3A_5, %parallel_loop3A_113 : vector<16xi32>
        tpu.vector_store_idx %arg6[%parallel_loop3A_114], %broadcast_in_dim3A_6 {add = true} : memref<8192xf32, #tpu.memory_space<vmem>>[vector<16xi32>], vector<16xf32>,
        %parallel_loop3A_115 = arith.constant 0 : i32
        %parallel_loop3A_116 = arith.index_cast %parallel_loop3A_115 : i32 to index
        %parallel_loop3A_117 = arith.index_cast %parallel_loop3A_78 : i32 to index
        %parallel_loop3A_118 = arith.constant 16 : index
        %parallel_loop3A_119 = tpu.vector_load %arg5[%parallel_loop3A_116, %parallel_loop3A_117, %parallel_loop3A_118] {strides = array<i32>} : memref<3x128x128xf32, #tpu.memory_space<vmem>>, vector<16xf32>,
        %parallel_loop3A_120 = arith.constant 1 : i32
        %parallel_loop3A_121 = arith.index_cast %parallel_loop3A_120 : i32 to index
        %parallel_loop3A_122 = arith.index_cast %parallel_loop3A_78 : i32 to index
        %parallel_loop3A_123 = arith.constant 16 : index
        %parallel_loop3A_124 = tpu.vector_load %arg5[%parallel_loop3A_121, %parallel_loop3A_122, %parallel_loop3A_123] {strides = array<i32>} : memref<3x128x128xf32, #tpu.memory_space<vmem>>, vector<16xf32>,
        %parallel_loop3A_125 = arith.constant 2 : i32
        %parallel_loop3A_126 = arith.index_cast %parallel_loop3A_125 : i32 to index
        %parallel_loop3A_127 = arith.index_cast %parallel_loop3A_78 : i32 to index
        %parallel_loop3A_128 = arith.constant 16 : index
        %parallel_loop3A_129 = tpu.vector_load %arg5[%parallel_loop3A_126, %parallel_loop3A_127, %parallel_loop3A_128] {strides = array<i32>} : memref<3x128x128xf32, #tpu.memory_space<vmem>>, vector<16xf32>,
        %parallel_loop3A_130 = arith.fptosi %parallel_loop3A_119 : vector<16xf32> to vector<16xi32>
        %parallel_loop3A_131 = arith.constant 5 : i32
        %parallel_loop3A_132 = vector.broadcast %parallel_loop3A_131 : i32 to vector<16xi32>
        %parallel_loop3A_133 = arith.shrsi %parallel_loop3A_130, %parallel_loop3A_132 : vector<16xi32>
        %parallel_loop3A_134 = arith.fptosi %parallel_loop3A_124 : vector<16xf32> to vector<16xi32>
        %parallel_loop3A_135 = arith.constant 5 : i32
        %parallel_loop3A_136 = vector.broadcast %parallel_loop3A_135 : i32 to vector<16xi32>
        %parallel_loop3A_137 = arith.shrsi %parallel_loop3A_134, %parallel_loop3A_136 : vector<16xi32>
        %parallel_loop3A_138 = arith.fptosi %parallel_loop3A_129 : vector<16xf32> to vector<16xi32>
        %parallel_loop3A_139 = arith.constant 5 : i32
        %parallel_loop3A_140 = vector.broadcast %parallel_loop3A_139 : i32 to vector<16xi32>
        %parallel_loop3A_141 = arith.shrsi %parallel_loop3A_138, %parallel_loop3A_140 : vector<16xi32>
        %parallel_loop3A_142 = arith.constant 6 : i32
        %parallel_loop3A_143 = vector.broadcast %parallel_loop3A_142 : i32 to vector<16xi32>
        %parallel_loop3A_144 = arith.shli %parallel_loop3A_133, %parallel_loop3A_143 : vector<16xi32>
        %parallel_loop3A_145 = arith.constant 3 : i32
        %parallel_loop3A_146 = vector.broadcast %parallel_loop3A_145 : i32 to vector<16xi32>
        %parallel_loop3A_147 = arith.shli %parallel_loop3A_137, %parallel_loop3A_146 : vector<16xi32>
        %parallel_loop3A_148 = arith.addi %parallel_loop3A_144, %parallel_loop3A_147 : vector<16xi32>
        %parallel_loop3A_149 = arith.addi %parallel_loop3A_148, %parallel_loop3A_141 : vector<16xi32>
        %parallel_loop3A_150 = arith.addi %mul3A_5, %parallel_loop3A_149 : vector<16xi32>
        tpu.vector_store_idx %arg6[%parallel_loop3A_150], %broadcast_in_dim3A_6 {add = true} : memref<8192xf32, #tpu.memory_space<vmem>>[vector<16xi32>], vector<16xf32>,
        %parallel_loop3A_151 = arith.constant 0 : i32
        %parallel_loop3A_152 = arith.index_cast %parallel_loop3A_151 : i32 to index
        %parallel_loop3A_153 = arith.index_cast %parallel_loop3A_78 : i32 to index
        %parallel_loop3A_154 = arith.constant 32 : index
        %parallel_loop3A_155 = tpu.vector_load %arg5[%parallel_loop3A_152, %parallel_loop3A_153, %parallel_loop3A_154] {strides = array<i32>} : memref<3x128x128xf32, #tpu.memory_space<vmem>>, vector<16xf32>,
        %parallel_loop3A_156 = arith.constant 1 : i32
        %parallel_loop3A_157 = arith.index_cast %parallel_loop3A_156 : i32 to index
        %parallel_loop3A_158 = arith.index_cast %parallel_loop3A_78 : i32 to index
        %parallel_loop3A_159 = arith.constant 32 : index
        %parallel_loop3A_160 = tpu.vector_load %arg5[%parallel_loop3A_157, %parallel_loop3A_158, %parallel_loop3A_159] {strides = array<i32>} : memref<3x128x128xf32, #tpu.memory_space<vmem>>, vector<16xf32>,
        %parallel_loop3A_161 = arith.constant 2 : i32
        %parallel_loop3A_162 = arith.index_cast %parallel_loop3A_161 : i32 to index
        %parallel_loop3A_163 = arith.index_cast %parallel_loop3A_78 : i32 to index
        %parallel_loop3A_164 = arith.constant 32 : index
        %parallel_loop3A_165 = tpu.vector_load %arg5[%parallel_loop3A_162, %parallel_loop3A_163, %parallel_loop3A_164] {strides = array<i32>} : memref<3x128x128xf32, #tpu.memory_space<vmem>>, vector<16xf32>,
        %parallel_loop3A_166 = arith.fptosi %parallel_loop3A_155 : vector<16xf32> to vector<16xi32>
        %parallel_loop3A_167 = arith.constant 5 : i32
        %parallel_loop3A_168 = vector.broadcast %parallel_loop3A_167 : i32 to vector<16xi32>
        %parallel_loop3A_169 = arith.shrsi %parallel_loop3A_166, %parallel_loop3A_168 : vector<16xi32>
        %parallel_loop3A_170 = arith.fptosi %parallel_loop3A_160 : vector<16xf32> to vector<16xi32>
        %parallel_loop3A_171 = arith.constant 5 : i32
        %parallel_loop3A_172 = vector.broadcast %parallel_loop3A_171 : i32 to vector<16xi32>
        %parallel_loop3A_173 = arith.shrsi %parallel_loop3A_170, %parallel_loop3A_172 : vector<16xi32>
        %parallel_loop3A_174 = arith.fptosi %parallel_loop3A_165 : vector<16xf32> to vector<16xi32>
        %parallel_loop3A_175 = arith.constant 5 : i32
        %parallel_loop3A_176 = vector.broadcast %parallel_loop3A_175 : i32 to vector<16xi32>
        %parallel_loop3A_177 = arith.shrsi %parallel_loop3A_174, %parallel_loop3A_176 : vector<16xi32>
        %parallel_loop3A_178 = arith.constant 6 : i32
        %parallel_loop3A_179 = vector.broadcast %parallel_loop3A_178 : i32 to vector<16xi32>
        %parallel_loop3A_180 = arith.shli %parallel_loop3A_169, %parallel_loop3A_179 : vector<16xi32>
        %parallel_loop3A_181 = arith.constant 3 : i32
        %parallel_loop3A_182 = vector.broadcast %parallel_loop3A_181 : i32 to vector<16xi32>
        %parallel_loop3A_183 = arith.shli %parallel_loop3A_173, %parallel_loop3A_182 : vector<16xi32>
        %parallel_loop3A_184 = arith.addi %parallel_loop3A_180, %parallel_loop3A_183 : vector<16xi32>
        %parallel_loop3A_185 = arith.addi %parallel_loop3A_184, %parallel_loop3A_177 : vector<16xi32>
        %parallel_loop3A_186 = arith.addi %mul3A_5, %parallel_loop3A_185 : vector<16xi32>
        tpu.vector_store_idx %arg6[%parallel_loop3A_186], %broadcast_in_dim3A_6 {add = true} : memref<8192xf32, #tpu.memory_space<vmem>>[vector<16xi32>], vector<16xf32>,
        %parallel_loop3A_187 = arith.constant 0 : i32
        %parallel_loop3A_188 = arith.index_cast %parallel_loop3A_187 : i32 to index
        %parallel_loop3A_189 = arith.index_cast %parallel_loop3A_78 : i32 to index
        %parallel_loop3A_190 = arith.constant 48 : index
        %parallel_loop3A_191 = tpu.vector_load %arg5[%parallel_loop3A_188, %parallel_loop3A_189, %parallel_loop3A_190] {strides = array<i32>} : memref<3x128x128xf32, #tpu.memory_space<vmem>>, vector<16xf32>,
        %parallel_loop3A_192 = arith.constant 1 : i32
        %parallel_loop3A_193 = arith.index_cast %parallel_loop3A_192 : i32 to index
        %parallel_loop3A_194 = arith.index_cast %parallel_loop3A_78 : i32 to index
        %parallel_loop3A_195 = arith.constant 48 : index
        %parallel_loop3A_196 = tpu.vector_load %arg5[%parallel_loop3A_193, %parallel_loop3A_194, %parallel_loop3A_195] {strides = array<i32>} : memref<3x128x128xf32, #tpu.memory_space<vmem>>, vector<16xf32>,
        %parallel_loop3A_197 = arith.constant 2 : i32
        %parallel_loop3A_198 = arith.index_cast %parallel_loop3A_197 : i32 to index
        %parallel_loop3A_199 = arith.index_cast %parallel_loop3A_78 : i32 to index
        %parallel_loop3A_200 = arith.constant 48 : index
        %parallel_loop3A_201 = tpu.vector_load %arg5[%parallel_loop3A_198, %parallel_loop3A_199, %parallel_loop3A_200] {strides = array<i32>} : memref<3x128x128xf32, #tpu.memory_space<vmem>>, vector<16xf32>,
        %parallel_loop3A_202 = arith.fptosi %parallel_loop3A_191 : vector<16xf32> to vector<16xi32>
        %parallel_loop3A_203 = arith.constant 5 : i32
        %parallel_loop3A_204 = vector.broadcast %parallel_loop3A_203 : i32 to vector<16xi32>
        %parallel_loop3A_205 = arith.shrsi %parallel_loop3A_202, %parallel_loop3A_204 : vector<16xi32>
        %parallel_loop3A_206 = arith.fptosi %parallel_loop3A_196 : vector<16xf32> to vector<16xi32>
        %parallel_loop3A_207 = arith.constant 5 : i32
        %parallel_loop3A_208 = vector.broadcast %parallel_loop3A_207 : i32 to vector<16xi32>
        %parallel_loop3A_209 = arith.shrsi %parallel_loop3A_206, %parallel_loop3A_208 : vector<16xi32>
        %parallel_loop3A_210 = arith.fptosi %parallel_loop3A_201 : vector<16xf32> to vector<16xi32>
        %parallel_loop3A_211 = arith.constant 5 : i32
        %parallel_loop3A_212 = vector.broadcast %parallel_loop3A_211 : i32 to vector<16xi32>
        %parallel_loop3A_213 = arith.shrsi %parallel_loop3A_210, %parallel_loop3A_212 : vector<16xi32>
        %parallel_loop3A_214 = arith.constant 6 : i32
        %parallel_loop3A_215 = vector.broadcast %parallel_loop3A_214 : i32 to vector<16xi32>
        %parallel_loop3A_216 = arith.shli %parallel_loop3A_205, %parallel_loop3A_215 : vector<16xi32>
        %parallel_loop3A_217 = arith.constant 3 : i32
        %parallel_loop3A_218 = vector.broadcast %parallel_loop3A_217 : i32 to vector<16xi32>
        %parallel_loop3A_219 = arith.shli %parallel_loop3A_209, %parallel_loop3A_218 : vector<16xi32>
        %parallel_loop3A_220 = arith.addi %parallel_loop3A_216, %parallel_loop3A_219 : vector<16xi32>
        %parallel_loop3A_221 = arith.addi %parallel_loop3A_220, %parallel_loop3A_213 : vector<16xi32>
        %parallel_loop3A_222 = arith.addi %mul3A_5, %parallel_loop3A_221 : vector<16xi32>
        tpu.vector_store_idx %arg6[%parallel_loop3A_222], %broadcast_in_dim3A_6 {add = true} : memref<8192xf32, #tpu.memory_space<vmem>>[vector<16xi32>], vector<16xf32>,
        %parallel_loop3A_223 = arith.constant 0 : i32
        %parallel_loop3A_224 = arith.index_cast %parallel_loop3A_223 : i32 to index
        %parallel_loop3A_225 = arith.index_cast %parallel_loop3A_78 : i32 to index
        %parallel_loop3A_226 = arith.constant 64 : index
        %parallel_loop3A_227 = tpu.vector_load %arg5[%parallel_loop3A_224, %parallel_loop3A_225, %parallel_loop3A_226] {strides = array<i32>} : memref<3x128x128xf32, #tpu.memory_space<vmem>>, vector<16xf32>,
        %parallel_loop3A_228 = arith.constant 1 : i32
        %parallel_loop3A_229 = arith.index_cast %parallel_loop3A_228 : i32 to index
        %parallel_loop3A_230 = arith.index_cast %parallel_loop3A_78 : i32 to index
        %parallel_loop3A_231 = arith.constant 64 : index
        %parallel_loop3A_232 = tpu.vector_load %arg5[%parallel_loop3A_229, %parallel_loop3A_230, %parallel_loop3A_231] {strides = array<i32>} : memref<3x128x128xf32, #tpu.memory_space<vmem>>, vector<16xf32>,
        %parallel_loop3A_233 = arith.constant 2 : i32
        %parallel_loop3A_234 = arith.index_cast %parallel_loop3A_233 : i32 to index
        %parallel_loop3A_235 = arith.index_cast %parallel_loop3A_78 : i32 to index
        %parallel_loop3A_236 = arith.constant 64 : index
        %parallel_loop3A_237 = tpu.vector_load %arg5[%parallel_loop3A_234, %parallel_loop3A_235, %parallel_loop3A_236] {strides = array<i32>} : memref<3x128x128xf32, #tpu.memory_space<vmem>>, vector<16xf32>,
        %parallel_loop3A_238 = arith.fptosi %parallel_loop3A_227 : vector<16xf32> to vector<16xi32>
        %parallel_loop3A_239 = arith.constant 5 : i32
        %parallel_loop3A_240 = vector.broadcast %parallel_loop3A_239 : i32 to vector<16xi32>
        %parallel_loop3A_241 = arith.shrsi %parallel_loop3A_238, %parallel_loop3A_240 : vector<16xi32>
        %parallel_loop3A_242 = arith.fptosi %parallel_loop3A_232 : vector<16xf32> to vector<16xi32>
        %parallel_loop3A_243 = arith.constant 5 : i32
        %parallel_loop3A_244 = vector.broadcast %parallel_loop3A_243 : i32 to vector<16xi32>
        %parallel_loop3A_245 = arith.shrsi %parallel_loop3A_242, %parallel_loop3A_244 : vector<16xi32>
        %parallel_loop3A_246 = arith.fptosi %parallel_loop3A_237 : vector<16xf32> to vector<16xi32>
        %parallel_loop3A_247 = arith.constant 5 : i32
        %parallel_loop3A_248 = vector.broadcast %parallel_loop3A_247 : i32 to vector<16xi32>
        %parallel_loop3A_249 = arith.shrsi %parallel_loop3A_246, %parallel_loop3A_248 : vector<16xi32>
        %parallel_loop3A_250 = arith.constant 6 : i32
        %parallel_loop3A_251 = vector.broadcast %parallel_loop3A_250 : i32 to vector<16xi32>
        %parallel_loop3A_252 = arith.shli %parallel_loop3A_241, %parallel_loop3A_251 : vector<16xi32>
        %parallel_loop3A_253 = arith.constant 3 : i32
        %parallel_loop3A_254 = vector.broadcast %parallel_loop3A_253 : i32 to vector<16xi32>
        %parallel_loop3A_255 = arith.shli %parallel_loop3A_245, %parallel_loop3A_254 : vector<16xi32>
        %parallel_loop3A_256 = arith.addi %parallel_loop3A_252, %parallel_loop3A_255 : vector<16xi32>
        %parallel_loop3A_257 = arith.addi %parallel_loop3A_256, %parallel_loop3A_249 : vector<16xi32>
        %parallel_loop3A_258 = arith.addi %mul3A_5, %parallel_loop3A_257 : vector<16xi32>
        tpu.vector_store_idx %arg6[%parallel_loop3A_258], %broadcast_in_dim3A_6 {add = true} : memref<8192xf32, #tpu.memory_space<vmem>>[vector<16xi32>], vector<16xf32>,
        %parallel_loop3A_259 = arith.constant 0 : i32
        %parallel_loop3A_260 = arith.index_cast %parallel_loop3A_259 : i32 to index
        %parallel_loop3A_261 = arith.index_cast %parallel_loop3A_78 : i32 to index
        %parallel_loop3A_262 = arith.constant 80 : index
        %parallel_loop3A_263 = tpu.vector_load %arg5[%parallel_loop3A_260, %parallel_loop3A_261, %parallel_loop3A_262] {strides = array<i32>} : memref<3x128x128xf32, #tpu.memory_space<vmem>>, vector<16xf32>,
        %parallel_loop3A_264 = arith.constant 1 : i32
        %parallel_loop3A_265 = arith.index_cast %parallel_loop3A_264 : i32 to index
        %parallel_loop3A_266 = arith.index_cast %parallel_loop3A_78 : i32 to index
        %parallel_loop3A_267 = arith.constant 80 : index
        %parallel_loop3A_268 = tpu.vector_load %arg5[%parallel_loop3A_265, %parallel_loop3A_266, %parallel_loop3A_267] {strides = array<i32>} : memref<3x128x128xf32, #tpu.memory_space<vmem>>, vector<16xf32>,
        %parallel_loop3A_269 = arith.constant 2 : i32
        %parallel_loop3A_270 = arith.index_cast %parallel_loop3A_269 : i32 to index
        %parallel_loop3A_271 = arith.index_cast %parallel_loop3A_78 : i32 to index
        %parallel_loop3A_272 = arith.constant 80 : index
        %parallel_loop3A_273 = tpu.vector_load %arg5[%parallel_loop3A_270, %parallel_loop3A_271, %parallel_loop3A_272] {strides = array<i32>} : memref<3x128x128xf32, #tpu.memory_space<vmem>>, vector<16xf32>,
        %parallel_loop3A_274 = arith.fptosi %parallel_loop3A_263 : vector<16xf32> to vector<16xi32>
        %parallel_loop3A_275 = arith.constant 5 : i32
        %parallel_loop3A_276 = vector.broadcast %parallel_loop3A_275 : i32 to vector<16xi32>
        %parallel_loop3A_277 = arith.shrsi %parallel_loop3A_274, %parallel_loop3A_276 : vector<16xi32>
        %parallel_loop3A_278 = arith.fptosi %parallel_loop3A_268 : vector<16xf32> to vector<16xi32>
        %parallel_loop3A_279 = arith.constant 5 : i32
        %parallel_loop3A_280 = vector.broadcast %parallel_loop3A_279 : i32 to vector<16xi32>
        %parallel_loop3A_281 = arith.shrsi %parallel_loop3A_278, %parallel_loop3A_280 : vector<16xi32>
        %parallel_loop3A_282 = arith.fptosi %parallel_loop3A_273 : vector<16xf32> to vector<16xi32>
        %parallel_loop3A_283 = arith.constant 5 : i32
        %parallel_loop3A_284 = vector.broadcast %parallel_loop3A_283 : i32 to vector<16xi32>
        %parallel_loop3A_285 = arith.shrsi %parallel_loop3A_282, %parallel_loop3A_284 : vector<16xi32>
        %parallel_loop3A_286 = arith.constant 6 : i32
        %parallel_loop3A_287 = vector.broadcast %parallel_loop3A_286 : i32 to vector<16xi32>
        %parallel_loop3A_288 = arith.shli %parallel_loop3A_277, %parallel_loop3A_287 : vector<16xi32>
        %parallel_loop3A_289 = arith.constant 3 : i32
        %parallel_loop3A_290 = vector.broadcast %parallel_loop3A_289 : i32 to vector<16xi32>
        %parallel_loop3A_291 = arith.shli %parallel_loop3A_281, %parallel_loop3A_290 : vector<16xi32>
        %parallel_loop3A_292 = arith.addi %parallel_loop3A_288, %parallel_loop3A_291 : vector<16xi32>
        %parallel_loop3A_293 = arith.addi %parallel_loop3A_292, %parallel_loop3A_285 : vector<16xi32>
        %parallel_loop3A_294 = arith.addi %mul3A_5, %parallel_loop3A_293 : vector<16xi32>
        tpu.vector_store_idx %arg6[%parallel_loop3A_294], %broadcast_in_dim3A_6 {add = true} : memref<8192xf32, #tpu.memory_space<vmem>>[vector<16xi32>], vector<16xf32>,
        %parallel_loop3A_295 = arith.constant 0 : i32
        %parallel_loop3A_296 = arith.index_cast %parallel_loop3A_295 : i32 to index
        %parallel_loop3A_297 = arith.index_cast %parallel_loop3A_78 : i32 to index
        %parallel_loop3A_298 = arith.constant 96 : index
        %parallel_loop3A_299 = tpu.vector_load %arg5[%parallel_loop3A_296, %parallel_loop3A_297, %parallel_loop3A_298] {strides = array<i32>} : memref<3x128x128xf32, #tpu.memory_space<vmem>>, vector<16xf32>,
        %parallel_loop3A_300 = arith.constant 1 : i32
        %parallel_loop3A_301 = arith.index_cast %parallel_loop3A_300 : i32 to index
        %parallel_loop3A_302 = arith.index_cast %parallel_loop3A_78 : i32 to index
        %parallel_loop3A_303 = arith.constant 96 : index
        %parallel_loop3A_304 = tpu.vector_load %arg5[%parallel_loop3A_301, %parallel_loop3A_302, %parallel_loop3A_303] {strides = array<i32>} : memref<3x128x128xf32, #tpu.memory_space<vmem>>, vector<16xf32>,
        %parallel_loop3A_305 = arith.constant 2 : i32
        %parallel_loop3A_306 = arith.index_cast %parallel_loop3A_305 : i32 to index
        %parallel_loop3A_307 = arith.index_cast %parallel_loop3A_78 : i32 to index
        %parallel_loop3A_308 = arith.constant 96 : index
        %parallel_loop3A_309 = tpu.vector_load %arg5[%parallel_loop3A_306, %parallel_loop3A_307, %parallel_loop3A_308] {strides = array<i32>} : memref<3x128x128xf32, #tpu.memory_space<vmem>>, vector<16xf32>,
        %parallel_loop3A_310 = arith.fptosi %parallel_loop3A_299 : vector<16xf32> to vector<16xi32>
        %parallel_loop3A_311 = arith.constant 5 : i32
        %parallel_loop3A_312 = vector.broadcast %parallel_loop3A_311 : i32 to vector<16xi32>
        %parallel_loop3A_313 = arith.shrsi %parallel_loop3A_310, %parallel_loop3A_312 : vector<16xi32>
        %parallel_loop3A_314 = arith.fptosi %parallel_loop3A_304 : vector<16xf32> to vector<16xi32>
        %parallel_loop3A_315 = arith.constant 5 : i32
        %parallel_loop3A_316 = vector.broadcast %parallel_loop3A_315 : i32 to vector<16xi32>
        %parallel_loop3A_317 = arith.shrsi %parallel_loop3A_314, %parallel_loop3A_316 : vector<16xi32>
        %parallel_loop3A_318 = arith.fptosi %parallel_loop3A_309 : vector<16xf32> to vector<16xi32>
        %parallel_loop3A_319 = arith.constant 5 : i32
        %parallel_loop3A_320 = vector.broadcast %parallel_loop3A_319 : i32 to vector<16xi32>
        %parallel_loop3A_321 = arith.shrsi %parallel_loop3A_318, %parallel_loop3A_320 : vector<16xi32>
        %parallel_loop3A_322 = arith.constant 6 : i32
        %parallel_loop3A_323 = vector.broadcast %parallel_loop3A_322 : i32 to vector<16xi32>
        %parallel_loop3A_324 = arith.shli %parallel_loop3A_313, %parallel_loop3A_323 : vector<16xi32>
        %parallel_loop3A_325 = arith.constant 3 : i32
        %parallel_loop3A_326 = vector.broadcast %parallel_loop3A_325 : i32 to vector<16xi32>
        %parallel_loop3A_327 = arith.shli %parallel_loop3A_317, %parallel_loop3A_326 : vector<16xi32>
        %parallel_loop3A_328 = arith.addi %parallel_loop3A_324, %parallel_loop3A_327 : vector<16xi32>
        %parallel_loop3A_329 = arith.addi %parallel_loop3A_328, %parallel_loop3A_321 : vector<16xi32>
        %parallel_loop3A_330 = arith.addi %mul3A_5, %parallel_loop3A_329 : vector<16xi32>
        tpu.vector_store_idx %arg6[%parallel_loop3A_330], %broadcast_in_dim3A_6 {add = true} : memref<8192xf32, #tpu.memory_space<vmem>>[vector<16xi32>], vector<16xf32>,
        %parallel_loop3A_331 = arith.constant 0 : i32
        %parallel_loop3A_332 = arith.index_cast %parallel_loop3A_331 : i32 to index
        %parallel_loop3A_333 = arith.index_cast %parallel_loop3A_78 : i32 to index
        %parallel_loop3A_334 = arith.constant 112 : index
        %parallel_loop3A_335 = tpu.vector_load %arg5[%parallel_loop3A_332, %parallel_loop3A_333, %parallel_loop3A_334] {strides = array<i32>} : memref<3x128x128xf32, #tpu.memory_space<vmem>>, vector<16xf32>,
        %parallel_loop3A_336 = arith.constant 1 : i32
        %parallel_loop3A_337 = arith.index_cast %parallel_loop3A_336 : i32 to index
        %parallel_loop3A_338 = arith.index_cast %parallel_loop3A_78 : i32 to index
        %parallel_loop3A_339 = arith.constant 112 : index
        %parallel_loop3A_340 = tpu.vector_load %arg5[%parallel_loop3A_337, %parallel_loop3A_338, %parallel_loop3A_339] {strides = array<i32>} : memref<3x128x128xf32, #tpu.memory_space<vmem>>, vector<16xf32>,
        %parallel_loop3A_341 = arith.constant 2 : i32
        %parallel_loop3A_342 = arith.index_cast %parallel_loop3A_341 : i32 to index
        %parallel_loop3A_343 = arith.index_cast %parallel_loop3A_78 : i32 to index
        %parallel_loop3A_344 = arith.constant 112 : index
        %parallel_loop3A_345 = tpu.vector_load %arg5[%parallel_loop3A_342, %parallel_loop3A_343, %parallel_loop3A_344] {strides = array<i32>} : memref<3x128x128xf32, #tpu.memory_space<vmem>>, vector<16xf32>,
        %parallel_loop3A_346 = arith.fptosi %parallel_loop3A_335 : vector<16xf32> to vector<16xi32>
        %parallel_loop3A_347 = arith.constant 5 : i32
        %parallel_loop3A_348 = vector.broadcast %parallel_loop3A_347 : i32 to vector<16xi32>
        %parallel_loop3A_349 = arith.shrsi %parallel_loop3A_346, %parallel_loop3A_348 : vector<16xi32>
        %parallel_loop3A_350 = arith.fptosi %parallel_loop3A_340 : vector<16xf32> to vector<16xi32>
        %parallel_loop3A_351 = arith.constant 5 : i32
        %parallel_loop3A_352 = vector.broadcast %parallel_loop3A_351 : i32 to vector<16xi32>
        %parallel_loop3A_353 = arith.shrsi %parallel_loop3A_350, %parallel_loop3A_352 : vector<16xi32>
        %parallel_loop3A_354 = arith.fptosi %parallel_loop3A_345 : vector<16xf32> to vector<16xi32>
        %parallel_loop3A_355 = arith.constant 5 : i32
        %parallel_loop3A_356 = vector.broadcast %parallel_loop3A_355 : i32 to vector<16xi32>
        %parallel_loop3A_357 = arith.shrsi %parallel_loop3A_354, %parallel_loop3A_356 : vector<16xi32>
        %parallel_loop3A_358 = arith.constant 6 : i32
        %parallel_loop3A_359 = vector.broadcast %parallel_loop3A_358 : i32 to vector<16xi32>
        %parallel_loop3A_360 = arith.shli %parallel_loop3A_349, %parallel_loop3A_359 : vector<16xi32>
        %parallel_loop3A_361 = arith.constant 3 : i32
        %parallel_loop3A_362 = vector.broadcast %parallel_loop3A_361 : i32 to vector<16xi32>
        %parallel_loop3A_363 = arith.shli %parallel_loop3A_353, %parallel_loop3A_362 : vector<16xi32>
        %parallel_loop3A_364 = arith.addi %parallel_loop3A_360, %parallel_loop3A_363 : vector<16xi32>
        %parallel_loop3A_365 = arith.addi %parallel_loop3A_364, %parallel_loop3A_357 : vector<16xi32>
        %parallel_loop3A_366 = arith.addi %mul3A_5, %parallel_loop3A_365 : vector<16xi32>
        tpu.vector_store_idx %arg6[%parallel_loop3A_366], %broadcast_in_dim3A_6 {add = true} : memref<8192xf32, #tpu.memory_space<vmem>>[vector<16xi32>], vector<16xf32>,
      } {sc.loop_unroll_factor = 4 : i64, sc.parallel_access}
      %parallel_loop3A_68 = arith.constant 0 : i32
      %parallel_loop3A_69 = arith.constant 32 : i32
      %parallel_loop3A_70 = arith.constant 1 : i32
      scf.for %parallel_loop3A_78 = %parallel_loop3A_68 to %parallel_loop3A_69 step %parallel_loop3A_70  : i32 {
        %parallel_loop3A_79 = arith.constant 16 : i32
        %parallel_loop3A_80 = arith.muli %parallel_loop3A_78, %parallel_loop3A_79 : i32
        %parallel_loop3A_81 = arith.constant 0 : i32
        %parallel_loop3A_82 = arith.addi %parallel_loop3A_81, %parallel_loop3A_80 : i32
        %parallel_loop3A_83 = arith.index_cast %parallel_loop3A_82 : i32 to index
        %parallel_loop3A_84 = tpu.vector_load %arg6[%parallel_loop3A_83] {strides = array<i32>} : memref<8192xf32, #tpu.memory_space<vmem>>, vector<16xf32>,
        %parallel_loop3A_85 = arith.addf %broadcast_in_dim3A_8, %parallel_loop3A_84 : vector<16xf32>
        %parallel_loop3A_86 = arith.constant 0 : i32
        %parallel_loop3A_87 = arith.addi %parallel_loop3A_86, %parallel_loop3A_80 : i32
        %parallel_loop3A_88 = arith.index_cast %parallel_loop3A_87 : i32 to index
        %parallel_loop3A_89 = tpu.vector_load %arg6[%parallel_loop3A_88] {strides = array<i32>} : memref<8192xf32, #tpu.memory_space<vmem>>, vector<16xf32>,
        tpu.vector_store %arg6[%parallel_loop3A_88], %broadcast_in_dim3A_8 {strides = array<i32>} : memref<8192xf32, #tpu.memory_space<vmem>>, vector<16xf32>,
        %parallel_loop3A_90 = arith.constant 512 : i32
        %parallel_loop3A_91 = arith.addi %parallel_loop3A_90, %parallel_loop3A_80 : i32
        %parallel_loop3A_92 = arith.index_cast %parallel_loop3A_91 : i32 to index
        %parallel_loop3A_93 = tpu.vector_load %arg6[%parallel_loop3A_92] {strides = array<i32>} : memref<8192xf32, #tpu.memory_space<vmem>>, vector<16xf32>,
        %parallel_loop3A_94 = arith.addf %parallel_loop3A_85, %parallel_loop3A_93 : vector<16xf32>
        %parallel_loop3A_95 = arith.constant 512 : i32
        %parallel_loop3A_96 = arith.addi %parallel_loop3A_95, %parallel_loop3A_80 : i32
        %parallel_loop3A_97 = arith.index_cast %parallel_loop3A_96 : i32 to index
        %parallel_loop3A_98 = tpu.vector_load %arg6[%parallel_loop3A_97] {strides = array<i32>} : memref<8192xf32, #tpu.memory_space<vmem>>, vector<16xf32>,
        tpu.vector_store %arg6[%parallel_loop3A_97], %broadcast_in_dim3A_8 {strides = array<i32>} : memref<8192xf32, #tpu.memory_space<vmem>>, vector<16xf32>,
        %parallel_loop3A_99 = arith.constant 1024 : i32
        %parallel_loop3A_100 = arith.addi %parallel_loop3A_99, %parallel_loop3A_80 : i32
        %parallel_loop3A_101 = arith.index_cast %parallel_loop3A_100 : i32 to index
        %parallel_loop3A_102 = tpu.vector_load %arg6[%parallel_loop3A_101] {strides = array<i32>} : memref<8192xf32, #tpu.memory_space<vmem>>, vector<16xf32>,
        %parallel_loop3A_103 = arith.addf %parallel_loop3A_94, %parallel_loop3A_102 : vector<16xf32>
        %parallel_loop3A_104 = arith.constant 1024 : i32
        %parallel_loop3A_105 = arith.addi %parallel_loop3A_104, %parallel_loop3A_80 : i32
        %parallel_loop3A_106 = arith.index_cast %parallel_loop3A_105 : i32 to index
        %parallel_loop3A_107 = tpu.vector_load %arg6[%parallel_loop3A_106] {strides = array<i32>} : memref<8192xf32, #tpu.memory_space<vmem>>, vector<16xf32>,
        tpu.vector_store %arg6[%parallel_loop3A_106], %broadcast_in_dim3A_8 {strides = array<i32>} : memref<8192xf32, #tpu.memory_space<vmem>>, vector<16xf32>,
        %parallel_loop3A_108 = arith.constant 1536 : i32
        %parallel_loop3A_109 = arith.addi %parallel_loop3A_108, %parallel_loop3A_80 : i32
        %parallel_loop3A_110 = arith.index_cast %parallel_loop3A_109 : i32 to index
        %parallel_loop3A_111 = tpu.vector_load %arg6[%parallel_loop3A_110] {strides = array<i32>} : memref<8192xf32, #tpu.memory_space<vmem>>, vector<16xf32>,
        %parallel_loop3A_112 = arith.addf %parallel_loop3A_103, %parallel_loop3A_111 : vector<16xf32>
        %parallel_loop3A_113 = arith.constant 1536 : i32
        %parallel_loop3A_114 = arith.addi %parallel_loop3A_113, %parallel_loop3A_80 : i32
        %parallel_loop3A_115 = arith.index_cast %parallel_loop3A_114 : i32 to index
        %parallel_loop3A_116 = tpu.vector_load %arg6[%parallel_loop3A_115] {strides = array<i32>} : memref<8192xf32, #tpu.memory_space<vmem>>, vector<16xf32>,
        tpu.vector_store %arg6[%parallel_loop3A_115], %broadcast_in_dim3A_8 {strides = array<i32>} : memref<8192xf32, #tpu.memory_space<vmem>>, vector<16xf32>,
        %parallel_loop3A_117 = arith.constant 2048 : i32
        %parallel_loop3A_118 = arith.addi %parallel_loop3A_117, %parallel_loop3A_80 : i32
        %parallel_loop3A_119 = arith.index_cast %parallel_loop3A_118 : i32 to index
        %parallel_loop3A_120 = tpu.vector_load %arg6[%parallel_loop3A_119] {strides = array<i32>} : memref<8192xf32, #tpu.memory_space<vmem>>, vector<16xf32>,
        %parallel_loop3A_121 = arith.addf %parallel_loop3A_112, %parallel_loop3A_120 : vector<16xf32>
        %parallel_loop3A_122 = arith.constant 2048 : i32
        %parallel_loop3A_123 = arith.addi %parallel_loop3A_122, %parallel_loop3A_80 : i32
        %parallel_loop3A_124 = arith.index_cast %parallel_loop3A_123 : i32 to index
        %parallel_loop3A_125 = tpu.vector_load %arg6[%parallel_loop3A_124] {strides = array<i32>} : memref<8192xf32, #tpu.memory_space<vmem>>, vector<16xf32>,
        tpu.vector_store %arg6[%parallel_loop3A_124], %broadcast_in_dim3A_8 {strides = array<i32>} : memref<8192xf32, #tpu.memory_space<vmem>>, vector<16xf32>,
        %parallel_loop3A_126 = arith.constant 2560 : i32
        %parallel_loop3A_127 = arith.addi %parallel_loop3A_126, %parallel_loop3A_80 : i32
        %parallel_loop3A_128 = arith.index_cast %parallel_loop3A_127 : i32 to index
        %parallel_loop3A_129 = tpu.vector_load %arg6[%parallel_loop3A_128] {strides = array<i32>} : memref<8192xf32, #tpu.memory_space<vmem>>, vector<16xf32>,
        %parallel_loop3A_130 = arith.addf %parallel_loop3A_121, %parallel_loop3A_129 : vector<16xf32>
        %parallel_loop3A_131 = arith.constant 2560 : i32
        %parallel_loop3A_132 = arith.addi %parallel_loop3A_131, %parallel_loop3A_80 : i32
        %parallel_loop3A_133 = arith.index_cast %parallel_loop3A_132 : i32 to index
        %parallel_loop3A_134 = tpu.vector_load %arg6[%parallel_loop3A_133] {strides = array<i32>} : memref<8192xf32, #tpu.memory_space<vmem>>, vector<16xf32>,
        tpu.vector_store %arg6[%parallel_loop3A_133], %broadcast_in_dim3A_8 {strides = array<i32>} : memref<8192xf32, #tpu.memory_space<vmem>>, vector<16xf32>,
        %parallel_loop3A_135 = arith.constant 3072 : i32
        %parallel_loop3A_136 = arith.addi %parallel_loop3A_135, %parallel_loop3A_80 : i32
        %parallel_loop3A_137 = arith.index_cast %parallel_loop3A_136 : i32 to index
        %parallel_loop3A_138 = tpu.vector_load %arg6[%parallel_loop3A_137] {strides = array<i32>} : memref<8192xf32, #tpu.memory_space<vmem>>, vector<16xf32>,
        %parallel_loop3A_139 = arith.addf %parallel_loop3A_130, %parallel_loop3A_138 : vector<16xf32>
        %parallel_loop3A_140 = arith.constant 3072 : i32
        %parallel_loop3A_141 = arith.addi %parallel_loop3A_140, %parallel_loop3A_80 : i32
        %parallel_loop3A_142 = arith.index_cast %parallel_loop3A_141 : i32 to index
        %parallel_loop3A_143 = tpu.vector_load %arg6[%parallel_loop3A_142] {strides = array<i32>} : memref<8192xf32, #tpu.memory_space<vmem>>, vector<16xf32>,
        tpu.vector_store %arg6[%parallel_loop3A_142], %broadcast_in_dim3A_8 {strides = array<i32>} : memref<8192xf32, #tpu.memory_space<vmem>>, vector<16xf32>,
        %parallel_loop3A_144 = arith.constant 3584 : i32
        %parallel_loop3A_145 = arith.addi %parallel_loop3A_144, %parallel_loop3A_80 : i32
        %parallel_loop3A_146 = arith.index_cast %parallel_loop3A_145 : i32 to index
        %parallel_loop3A_147 = tpu.vector_load %arg6[%parallel_loop3A_146] {strides = array<i32>} : memref<8192xf32, #tpu.memory_space<vmem>>, vector<16xf32>,
        %parallel_loop3A_148 = arith.addf %parallel_loop3A_139, %parallel_loop3A_147 : vector<16xf32>
        %parallel_loop3A_149 = arith.constant 3584 : i32
        %parallel_loop3A_150 = arith.addi %parallel_loop3A_149, %parallel_loop3A_80 : i32
        %parallel_loop3A_151 = arith.index_cast %parallel_loop3A_150 : i32 to index
        %parallel_loop3A_152 = tpu.vector_load %arg6[%parallel_loop3A_151] {strides = array<i32>} : memref<8192xf32, #tpu.memory_space<vmem>>, vector<16xf32>,
        tpu.vector_store %arg6[%parallel_loop3A_151], %broadcast_in_dim3A_8 {strides = array<i32>} : memref<8192xf32, #tpu.memory_space<vmem>>, vector<16xf32>,
        %parallel_loop3A_153 = arith.constant 4096 : i32
        %parallel_loop3A_154 = arith.addi %parallel_loop3A_153, %parallel_loop3A_80 : i32
        %parallel_loop3A_155 = arith.index_cast %parallel_loop3A_154 : i32 to index
        %parallel_loop3A_156 = tpu.vector_load %arg6[%parallel_loop3A_155] {strides = array<i32>} : memref<8192xf32, #tpu.memory_space<vmem>>, vector<16xf32>,
        %parallel_loop3A_157 = arith.addf %parallel_loop3A_148, %parallel_loop3A_156 : vector<16xf32>
        %parallel_loop3A_158 = arith.constant 4096 : i32
        %parallel_loop3A_159 = arith.addi %parallel_loop3A_158, %parallel_loop3A_80 : i32
        %parallel_loop3A_160 = arith.index_cast %parallel_loop3A_159 : i32 to index
        %parallel_loop3A_161 = tpu.vector_load %arg6[%parallel_loop3A_160] {strides = array<i32>} : memref<8192xf32, #tpu.memory_space<vmem>>, vector<16xf32>,
        tpu.vector_store %arg6[%parallel_loop3A_160], %broadcast_in_dim3A_8 {strides = array<i32>} : memref<8192xf32, #tpu.memory_space<vmem>>, vector<16xf32>,
        %parallel_loop3A_162 = arith.constant 4608 : i32
        %parallel_loop3A_163 = arith.addi %parallel_loop3A_162, %parallel_loop3A_80 : i32
        %parallel_loop3A_164 = arith.index_cast %parallel_loop3A_163 : i32 to index
        %parallel_loop3A_165 = tpu.vector_load %arg6[%parallel_loop3A_164] {strides = array<i32>} : memref<8192xf32, #tpu.memory_space<vmem>>, vector<16xf32>,
        %parallel_loop3A_166 = arith.addf %parallel_loop3A_157, %parallel_loop3A_165 : vector<16xf32>
        %parallel_loop3A_167 = arith.constant 4608 : i32
        %parallel_loop3A_168 = arith.addi %parallel_loop3A_167, %parallel_loop3A_80 : i32
        %parallel_loop3A_169 = arith.index_cast %parallel_loop3A_168 : i32 to index
        %parallel_loop3A_170 = tpu.vector_load %arg6[%parallel_loop3A_169] {strides = array<i32>} : memref<8192xf32, #tpu.memory_space<vmem>>, vector<16xf32>,
        tpu.vector_store %arg6[%parallel_loop3A_169], %broadcast_in_dim3A_8 {strides = array<i32>} : memref<8192xf32, #tpu.memory_space<vmem>>, vector<16xf32>,
        %parallel_loop3A_171 = arith.constant 5120 : i32
        %parallel_loop3A_172 = arith.addi %parallel_loop3A_171, %parallel_loop3A_80 : i32
        %parallel_loop3A_173 = arith.index_cast %parallel_loop3A_172 : i32 to index
        %parallel_loop3A_174 = tpu.vector_load %arg6[%parallel_loop3A_173] {strides = array<i32>} : memref<8192xf32, #tpu.memory_space<vmem>>, vector<16xf32>,
        %parallel_loop3A_175 = arith.addf %parallel_loop3A_166, %parallel_loop3A_174 : vector<16xf32>
        %parallel_loop3A_176 = arith.constant 5120 : i32
        %parallel_loop3A_177 = arith.addi %parallel_loop3A_176, %parallel_loop3A_80 : i32
        %parallel_loop3A_178 = arith.index_cast %parallel_loop3A_177 : i32 to index
        %parallel_loop3A_179 = tpu.vector_load %arg6[%parallel_loop3A_178] {strides = array<i32>} : memref<8192xf32, #tpu.memory_space<vmem>>, vector<16xf32>,
        tpu.vector_store %arg6[%parallel_loop3A_178], %broadcast_in_dim3A_8 {strides = array<i32>} : memref<8192xf32, #tpu.memory_space<vmem>>, vector<16xf32>,
        %parallel_loop3A_180 = arith.constant 5632 : i32
        %parallel_loop3A_181 = arith.addi %parallel_loop3A_180, %parallel_loop3A_80 : i32
        %parallel_loop3A_182 = arith.index_cast %parallel_loop3A_181 : i32 to index
        %parallel_loop3A_183 = tpu.vector_load %arg6[%parallel_loop3A_182] {strides = array<i32>} : memref<8192xf32, #tpu.memory_space<vmem>>, vector<16xf32>,
        %parallel_loop3A_184 = arith.addf %parallel_loop3A_175, %parallel_loop3A_183 : vector<16xf32>
        %parallel_loop3A_185 = arith.constant 5632 : i32
        %parallel_loop3A_186 = arith.addi %parallel_loop3A_185, %parallel_loop3A_80 : i32
        %parallel_loop3A_187 = arith.index_cast %parallel_loop3A_186 : i32 to index
        %parallel_loop3A_188 = tpu.vector_load %arg6[%parallel_loop3A_187] {strides = array<i32>} : memref<8192xf32, #tpu.memory_space<vmem>>, vector<16xf32>,
        tpu.vector_store %arg6[%parallel_loop3A_187], %broadcast_in_dim3A_8 {strides = array<i32>} : memref<8192xf32, #tpu.memory_space<vmem>>, vector<16xf32>,
        %parallel_loop3A_189 = arith.constant 6144 : i32
        %parallel_loop3A_190 = arith.addi %parallel_loop3A_189, %parallel_loop3A_80 : i32
        %parallel_loop3A_191 = arith.index_cast %parallel_loop3A_190 : i32 to index
        %parallel_loop3A_192 = tpu.vector_load %arg6[%parallel_loop3A_191] {strides = array<i32>} : memref<8192xf32, #tpu.memory_space<vmem>>, vector<16xf32>,
        %parallel_loop3A_193 = arith.addf %parallel_loop3A_184, %parallel_loop3A_192 : vector<16xf32>
        %parallel_loop3A_194 = arith.constant 6144 : i32
        %parallel_loop3A_195 = arith.addi %parallel_loop3A_194, %parallel_loop3A_80 : i32
        %parallel_loop3A_196 = arith.index_cast %parallel_loop3A_195 : i32 to index
        %parallel_loop3A_197 = tpu.vector_load %arg6[%parallel_loop3A_196] {strides = array<i32>} : memref<8192xf32, #tpu.memory_space<vmem>>, vector<16xf32>,
        tpu.vector_store %arg6[%parallel_loop3A_196], %broadcast_in_dim3A_8 {strides = array<i32>} : memref<8192xf32, #tpu.memory_space<vmem>>, vector<16xf32>,
        %parallel_loop3A_198 = arith.constant 6656 : i32
        %parallel_loop3A_199 = arith.addi %parallel_loop3A_198, %parallel_loop3A_80 : i32
        %parallel_loop3A_200 = arith.index_cast %parallel_loop3A_199 : i32 to index
        %parallel_loop3A_201 = tpu.vector_load %arg6[%parallel_loop3A_200] {strides = array<i32>} : memref<8192xf32, #tpu.memory_space<vmem>>, vector<16xf32>,
        %parallel_loop3A_202 = arith.addf %parallel_loop3A_193, %parallel_loop3A_201 : vector<16xf32>
        %parallel_loop3A_203 = arith.constant 6656 : i32
        %parallel_loop3A_204 = arith.addi %parallel_loop3A_203, %parallel_loop3A_80 : i32
        %parallel_loop3A_205 = arith.index_cast %parallel_loop3A_204 : i32 to index
        %parallel_loop3A_206 = tpu.vector_load %arg6[%parallel_loop3A_205] {strides = array<i32>} : memref<8192xf32, #tpu.memory_space<vmem>>, vector<16xf32>,
        tpu.vector_store %arg6[%parallel_loop3A_205], %broadcast_in_dim3A_8 {strides = array<i32>} : memref<8192xf32, #tpu.memory_space<vmem>>, vector<16xf32>,
        %parallel_loop3A_207 = arith.constant 7168 : i32
        %parallel_loop3A_208 = arith.addi %parallel_loop3A_207, %parallel_loop3A_80 : i32
        %parallel_loop3A_209 = arith.index_cast %parallel_loop3A_208 : i32 to index
        %parallel_loop3A_210 = tpu.vector_load %arg6[%parallel_loop3A_209] {strides = array<i32>} : memref<8192xf32, #tpu.memory_space<vmem>>, vector<16xf32>,
        %parallel_loop3A_211 = arith.addf %parallel_loop3A_202, %parallel_loop3A_210 : vector<16xf32>
        %parallel_loop3A_212 = arith.constant 7168 : i32
        %parallel_loop3A_213 = arith.addi %parallel_loop3A_212, %parallel_loop3A_80 : i32
        %parallel_loop3A_214 = arith.index_cast %parallel_loop3A_213 : i32 to index
        %parallel_loop3A_215 = tpu.vector_load %arg6[%parallel_loop3A_214] {strides = array<i32>} : memref<8192xf32, #tpu.memory_space<vmem>>, vector<16xf32>,
        tpu.vector_store %arg6[%parallel_loop3A_214], %broadcast_in_dim3A_8 {strides = array<i32>} : memref<8192xf32, #tpu.memory_space<vmem>>, vector<16xf32>,
        %parallel_loop3A_216 = arith.constant 7680 : i32
        %parallel_loop3A_217 = arith.addi %parallel_loop3A_216, %parallel_loop3A_80 : i32
        %parallel_loop3A_218 = arith.index_cast %parallel_loop3A_217 : i32 to index
        %parallel_loop3A_219 = tpu.vector_load %arg6[%parallel_loop3A_218] {strides = array<i32>} : memref<8192xf32, #tpu.memory_space<vmem>>, vector<16xf32>,
        %parallel_loop3A_220 = arith.addf %parallel_loop3A_211, %parallel_loop3A_219 : vector<16xf32>
        %parallel_loop3A_221 = arith.constant 7680 : i32
        %parallel_loop3A_222 = arith.addi %parallel_loop3A_221, %parallel_loop3A_80 : i32
        %parallel_loop3A_223 = arith.index_cast %parallel_loop3A_222 : i32 to index
        %parallel_loop3A_224 = tpu.vector_load %arg6[%parallel_loop3A_223] {strides = array<i32>} : memref<8192xf32, #tpu.memory_space<vmem>>, vector<16xf32>,
        tpu.vector_store %arg6[%parallel_loop3A_223], %broadcast_in_dim3A_8 {strides = array<i32>} : memref<8192xf32, #tpu.memory_space<vmem>>, vector<16xf32>,
        %parallel_loop3A_225 = arith.index_cast %parallel_loop3A_80 : i32 to index
        %parallel_loop3A_226 = tpu.vector_load %arg7[%parallel_loop3A_225] {strides = array<i32>} : memref<512xf32, #tpu.memory_space<vmem>>, vector<16xf32>,
        tpu.vector_store %arg7[%parallel_loop3A_225], %parallel_loop3A_220 {strides = array<i32>} : memref<512xf32, #tpu.memory_space<vmem>>, vector<16xf32>,
      } {sc.loop_unroll_factor = 2 : i64, sc.parallel_access}
      %mul3A_71 = arith.constant 512 : i32
      %mul3A_72 = arith.muli %add3A_64, %mul3A_71 : i32
      "tpu.region"() ({
        %run_scoped3A = tpu.sem_alloc : memref<!tpu.dma_semaphore, #tpu.memory_space<semaphore_mem>>
        %dma_start3A_78 = tpu.memref_slice %arg3[%mul3A_72] : memref<262144xf32, #tpu.memory_space<hbm>> -> memref<512xf32, #tpu.memory_space<hbm>>
        %dma_start3A_79 = tpu.memref_slice %arg3[%mul3A_72] : memref<262144xf32, #tpu.memory_space<hbm>> -> memref<512xf32, #tpu.memory_space<hbm>>
        tpu.enqueue_dma source(%arg7 : memref<512xf32, #tpu.memory_space<vmem>>) target(%dma_start3A_79 : memref<512xf32, #tpu.memory_space<hbm>>) target_semaphore(%run_scoped3A : memref<!tpu.dma_semaphore, #tpu.memory_space<semaphore_mem>>)
        %dma_wait3A_80 = tpu.memref_slice %arg3[%mul3A_72] : memref<262144xf32, #tpu.memory_space<hbm>> -> memref<512xf32, #tpu.memory_space<hbm>>
        %dma_wait3A_81 = tpu.memref_slice %arg3[%mul3A_72] : memref<262144xf32, #tpu.memory_space<hbm>> -> memref<512xf32, #tpu.memory_space<hbm>>
        tpu.wait_dma2 semaphore(%run_scoped3A : memref<!tpu.dma_semaphore, #tpu.memory_space<semaphore_mem>>) src(%arg7 : memref<512xf32, #tpu.memory_space<vmem>>) dst(%dma_wait3A_81 : memref<512xf32, #tpu.memory_space<hbm>>)
        tpu.yield
      }) : () -> ()
      %lt3A_73 = arith.constant 7 : i32
      %lt3A_74 = arith.cmpi slt, %scan3A_32, %lt3A_73 : i32
      %convert_element_type3A_75 = arith.extui %lt3A_74 : i1 to i32
      %cond3A_76 = arith.constant 0 : i32
      %cond3A_77 = arith.cmpi ne, %convert_element_type3A_75, %cond3A_76 : i32
      scf.if %cond3A_77 {
        %add3A_78 = arith.constant 3 : i32
        %add3A_79 = arith.addi %add3A_35, %add3A_78 : i32
        %mul3A_80 = arith.constant 3 : i32
        %mul3A_81 = arith.muli %add3A_79, %mul3A_80 : i32
        %dma_start3A_82 = arith.constant 0 : i32
        %dma_start3A_83 = arith.constant 0 : i32
        %dma_start3A_84 = tpu.memref_slice %arg2[%mul3A_81, %dma_start3A_82, %dma_start3A_83] : memref<1536x128x128xf32, #tpu.memory_space<hbm>> -> memref<3x128x128xf32, #tpu.memory_space<hbm>>
        %dma_start3A_85 = arith.constant 0 : i32
        %dma_start3A_86 = arith.constant 0 : i32
        %dma_start3A_87 = tpu.memref_slice %arg2[%mul3A_81, %dma_start3A_85, %dma_start3A_86] : memref<1536x128x128xf32, #tpu.memory_space<hbm>> -> memref<3x128x128xf32, #tpu.memory_space<hbm>>
        tpu.enqueue_dma source(%dma_start3A_87 : memref<3x128x128xf32, #tpu.memory_space<hbm>>) target(%arg5 : memref<3x128x128xf32, #tpu.memory_space<vmem>>) target_semaphore(%arg9 : memref<!tpu.dma_semaphore, #tpu.memory_space<semaphore_mem>>)
      } else {
      }
    }
    %scan3A_31 = arith.constant 8 : i32
    return
  }
}

module attributes {stable_mosaic.version = 14 : i64} {
  func.func @_tc_post_body(%arg0: i32, %arg1: memref<32768xf32, #tpu.memory_space<vmem>>, %arg2: memref<1x64x101xf32, #tpu.memory_space<vmem>>) attributes {dimension_semantics = [#tpu.dimension_semantics<arbitrary>], iteration_bounds = array<i64: 8>, scalar_prefetch = 0 : i64, scratch_operands = 0 : i64, tpu.core_type = #tpu.core_type<tc>, window_params = [{transform_indices = @transform_0, window_bounds = array<i64: 32768>}, {transform_indices = @transform_1, window_bounds = array<i64: 1, 64, 101>}]} {
    %get3A = arith.constant 0 : index
    %get3A_0 = vector.load %arg1[%get3A] : memref<32768xf32, #tpu.memory_space<vmem>>, vector<32768xf32>
    %reshape3A = vector.shape_cast %get3A_0 : vector<32768xf32> to vector<64x512xf32>
    %mul3A = arith.mulf %reshape3A, %reshape3A : vector<64x512xf32>
    %reduce_sum3A = arith.constant dense<0.000000e+00> : vector<64xf32>
    %reduce_sum3A_1 = vector.multi_reduction <add>, %mul3A, %reduce_sum3A [1] : vector<64x512xf32> to vector<64xf32>
    %broadcast_in_dim3A = vector.shape_cast %reduce_sum3A_1 : vector<64xf32> to vector<64x1xf32>
    %sqrt3A = math.sqrt %broadcast_in_dim3A : vector<64x1xf32>
    %max3A = arith.constant 9.99999996E-13 : f32
    %max3A_2 = vector.broadcast %max3A : f32 to vector<64x1xf32>
    %max3A_3 = arith.maximumf %sqrt3A, %max3A_2 : vector<64x1xf32>
    %div3A = vector.broadcast %max3A_3 : vector<64x1xf32> to vector<64x512xf32>
    %div3A_4 = arith.divf %reshape3A, %div3A : vector<64x512xf32>
    %dot_general3A = arith.constant dense<0.000000e+00> : vector<64x64xf32>
    %dot_general3A_5 = tpu.matmul %div3A_4, %div3A_4, %dot_general3A {dimension_numbers = #tpu.dot_dimension_numbers<[1], [1], [0], [0], [0, 0, 1, 0], [], []>, precision = #tpu.contract_precision<fp32>, transpose_lhs_hint = false} : vector<64x512xf32>, vector<64x512xf32>, vector<64x64xf32> -> vector<64x64xf32>
    %broadcast_in_dim3A_6 = arith.constant 0.000000e+00 : f32
    %broadcast_in_dim3A_7 = vector.broadcast %broadcast_in_dim3A_6 : f32 to vector<64x50xf32>
    %broadcast_in_dim3A_8 = arith.constant 0.000000e+00 : f32
    %broadcast_in_dim3A_9 = vector.broadcast %broadcast_in_dim3A_8 : f32 to vector<64x142xf32>
    %concatenate3A = tpu.concatenate %broadcast_in_dim3A_7, %dot_general3A_5, %broadcast_in_dim3A_9 in 1 : vector<64x50xf32>, vector<64x64xf32>, vector<64x142xf32> -> vector<64x256xf32>
    %iota3A = tpu.iota {dimensions = array<i32: 0>} : vector<64x1xi32>
    %slice3A = vector.extract_strided_slice %concatenate3A {offsets = [0, 1], sizes = [64, 255], strides = [1, 1]} : vector<64x256xf32> to vector<64x255xf32>
    %slice3A_10 = vector.extract_strided_slice %concatenate3A {offsets = [0, 0], sizes = [64, 1], strides = [1, 1]} : vector<64x256xf32> to vector<64x1xf32>
    %concatenate3A_11 = tpu.concatenate %slice3A, %slice3A_10 in 1 : vector<64x255xf32>, vector<64x1xf32> -> vector<64x256xf32>
    %and3A = arith.constant 1 : i32
    %and3A_12 = vector.broadcast %and3A : i32 to vector<64x1xi32>
    %and3A_13 = arith.andi %iota3A, %and3A_12 : vector<64x1xi32>
    %ne3A = arith.constant 0 : i32
    %ne3A_14 = vector.broadcast %ne3A : i32 to vector<64x1xi32>
    %ne3A_15 = arith.cmpi ne, %and3A_13, %ne3A_14 : vector<64x1xi32>
    %broadcast_in_dim3A_16 = vector.shape_cast %ne3A_15 : vector<64x1xi1> to vector<64x1xi1>
    %broadcast_in_dim3A_17 = vector.broadcast %broadcast_in_dim3A_16 : vector<64x1xi1> to vector<64x256xi1>
    %select_n3A = arith.select %broadcast_in_dim3A_17, %concatenate3A_11, %concatenate3A : vector<64x256xi1>, vector<64x256xf32>
    %slice3A_18 = vector.extract_strided_slice %select_n3A {offsets = [0, 2], sizes = [64, 254], strides = [1, 1]} : vector<64x256xf32> to vector<64x254xf32>
    %slice3A_19 = vector.extract_strided_slice %select_n3A {offsets = [0, 0], sizes = [64, 2], strides = [1, 1]} : vector<64x256xf32> to vector<64x2xf32>
    %concatenate3A_20 = tpu.concatenate %slice3A_18, %slice3A_19 in 1 : vector<64x254xf32>, vector<64x2xf32> -> vector<64x256xf32>
    %and3A_21 = arith.constant 2 : i32
    %and3A_22 = vector.broadcast %and3A_21 : i32 to vector<64x1xi32>
    %and3A_23 = arith.andi %iota3A, %and3A_22 : vector<64x1xi32>
    %ne3A_24 = arith.constant 0 : i32
    %ne3A_25 = vector.broadcast %ne3A_24 : i32 to vector<64x1xi32>
    %ne3A_26 = arith.cmpi ne, %and3A_23, %ne3A_25 : vector<64x1xi32>
    %broadcast_in_dim3A_27 = vector.shape_cast %ne3A_26 : vector<64x1xi1> to vector<64x1xi1>
    %broadcast_in_dim3A_28 = vector.broadcast %broadcast_in_dim3A_27 : vector<64x1xi1> to vector<64x256xi1>
    %select_n3A_29 = arith.select %broadcast_in_dim3A_28, %concatenate3A_20, %select_n3A : vector<64x256xi1>, vector<64x256xf32>
    %slice3A_30 = vector.extract_strided_slice %select_n3A_29 {offsets = [0, 4], sizes = [64, 252], strides = [1, 1]} : vector<64x256xf32> to vector<64x252xf32>
    %slice3A_31 = vector.extract_strided_slice %select_n3A_29 {offsets = [0, 0], sizes = [64, 4], strides = [1, 1]} : vector<64x256xf32> to vector<64x4xf32>
    %concatenate3A_32 = tpu.concatenate %slice3A_30, %slice3A_31 in 1 : vector<64x252xf32>, vector<64x4xf32> -> vector<64x256xf32>
    %and3A_33 = arith.constant 4 : i32
    %and3A_34 = vector.broadcast %and3A_33 : i32 to vector<64x1xi32>
    %and3A_35 = arith.andi %iota3A, %and3A_34 : vector<64x1xi32>
    %ne3A_36 = arith.constant 0 : i32
    %ne3A_37 = vector.broadcast %ne3A_36 : i32 to vector<64x1xi32>
    %ne3A_38 = arith.cmpi ne, %and3A_35, %ne3A_37 : vector<64x1xi32>
    %broadcast_in_dim3A_39 = vector.shape_cast %ne3A_38 : vector<64x1xi1> to vector<64x1xi1>
    %broadcast_in_dim3A_40 = vector.broadcast %broadcast_in_dim3A_39 : vector<64x1xi1> to vector<64x256xi1>
    %select_n3A_41 = arith.select %broadcast_in_dim3A_40, %concatenate3A_32, %select_n3A_29 : vector<64x256xi1>, vector<64x256xf32>
    %slice3A_42 = vector.extract_strided_slice %select_n3A_41 {offsets = [0, 8], sizes = [64, 248], strides = [1, 1]} : vector<64x256xf32> to vector<64x248xf32>
    %slice3A_43 = vector.extract_strided_slice %select_n3A_41 {offsets = [0, 0], sizes = [64, 8], strides = [1, 1]} : vector<64x256xf32> to vector<64x8xf32>
    %concatenate3A_44 = tpu.concatenate %slice3A_42, %slice3A_43 in 1 : vector<64x248xf32>, vector<64x8xf32> -> vector<64x256xf32>
    %and3A_45 = arith.constant 8 : i32
    %and3A_46 = vector.broadcast %and3A_45 : i32 to vector<64x1xi32>
    %and3A_47 = arith.andi %iota3A, %and3A_46 : vector<64x1xi32>
    %ne3A_48 = arith.constant 0 : i32
    %ne3A_49 = vector.broadcast %ne3A_48 : i32 to vector<64x1xi32>
    %ne3A_50 = arith.cmpi ne, %and3A_47, %ne3A_49 : vector<64x1xi32>
    %broadcast_in_dim3A_51 = vector.shape_cast %ne3A_50 : vector<64x1xi1> to vector<64x1xi1>
    %broadcast_in_dim3A_52 = vector.broadcast %broadcast_in_dim3A_51 : vector<64x1xi1> to vector<64x256xi1>
    %select_n3A_53 = arith.select %broadcast_in_dim3A_52, %concatenate3A_44, %select_n3A_41 : vector<64x256xi1>, vector<64x256xf32>
    %slice3A_54 = vector.extract_strided_slice %select_n3A_53 {offsets = [0, 16], sizes = [64, 240], strides = [1, 1]} : vector<64x256xf32> to vector<64x240xf32>
    %slice3A_55 = vector.extract_strided_slice %select_n3A_53 {offsets = [0, 0], sizes = [64, 16], strides = [1, 1]} : vector<64x256xf32> to vector<64x16xf32>
    %concatenate3A_56 = tpu.concatenate %slice3A_54, %slice3A_55 in 1 : vector<64x240xf32>, vector<64x16xf32> -> vector<64x256xf32>
    %and3A_57 = arith.constant 16 : i32
    %and3A_58 = vector.broadcast %and3A_57 : i32 to vector<64x1xi32>
    %and3A_59 = arith.andi %iota3A, %and3A_58 : vector<64x1xi32>
    %ne3A_60 = arith.constant 0 : i32
    %ne3A_61 = vector.broadcast %ne3A_60 : i32 to vector<64x1xi32>
    %ne3A_62 = arith.cmpi ne, %and3A_59, %ne3A_61 : vector<64x1xi32>
    %broadcast_in_dim3A_63 = vector.shape_cast %ne3A_62 : vector<64x1xi1> to vector<64x1xi1>
    %broadcast_in_dim3A_64 = vector.broadcast %broadcast_in_dim3A_63 : vector<64x1xi1> to vector<64x256xi1>
    %select_n3A_65 = arith.select %broadcast_in_dim3A_64, %concatenate3A_56, %select_n3A_53 : vector<64x256xi1>, vector<64x256xf32>
    %slice3A_66 = vector.extract_strided_slice %select_n3A_65 {offsets = [0, 32], sizes = [64, 224], strides = [1, 1]} : vector<64x256xf32> to vector<64x224xf32>
    %slice3A_67 = vector.extract_strided_slice %select_n3A_65 {offsets = [0, 0], sizes = [64, 32], strides = [1, 1]} : vector<64x256xf32> to vector<64x32xf32>
    %concatenate3A_68 = tpu.concatenate %slice3A_66, %slice3A_67 in 1 : vector<64x224xf32>, vector<64x32xf32> -> vector<64x256xf32>
    %and3A_69 = arith.constant 32 : i32
    %and3A_70 = vector.broadcast %and3A_69 : i32 to vector<64x1xi32>
    %and3A_71 = arith.andi %iota3A, %and3A_70 : vector<64x1xi32>
    %ne3A_72 = arith.constant 0 : i32
    %ne3A_73 = vector.broadcast %ne3A_72 : i32 to vector<64x1xi32>
    %ne3A_74 = arith.cmpi ne, %and3A_71, %ne3A_73 : vector<64x1xi32>
    %broadcast_in_dim3A_75 = vector.shape_cast %ne3A_74 : vector<64x1xi1> to vector<64x1xi1>
    %broadcast_in_dim3A_76 = vector.broadcast %broadcast_in_dim3A_75 : vector<64x1xi1> to vector<64x256xi1>
    %select_n3A_77 = arith.select %broadcast_in_dim3A_76, %concatenate3A_68, %select_n3A_65 : vector<64x256xi1>, vector<64x256xf32>
    %slice3A_78 = vector.extract_strided_slice %select_n3A_77 {offsets = [0, 0], sizes = [64, 101], strides = [1, 1]} : vector<64x256xf32> to vector<64x101xf32>
    %swap3A = arith.constant 0 : index
    %swap3A_79 = arith.constant 0 : index
    %swap3A_80 = arith.constant 0 : index
    %swap3A_81 = vector.load %arg2[%swap3A, %swap3A_79, %swap3A_80] : memref<1x64x101xf32, #tpu.memory_space<vmem>>, vector<1x64x101xf32>
    %swap3A_82 = vector.shape_cast %swap3A_81 : vector<1x64x101xf32> to vector<64x101xf32>
    %swap3A_83 = vector.shape_cast %slice3A_78 : vector<64x101xf32> to vector<1x64x101xf32>
    tpu.vector_store %arg2[%swap3A, %swap3A_79, %swap3A_80], %swap3A_83 {strides = array<i32>} : memref<1x64x101xf32, #tpu.memory_space<vmem>>, vector<1x64x101xf32>,
    return
  }
  func.func @transform_0(%arg0: i32) -> i32 {
    %c0_i32 = arith.constant 0 : i32
    return %arg0 : i32
  }
  func.func @transform_1(%arg0: i32) -> (i32, i32, i32) {
    %c0_i32 = arith.constant 0 : i32
    %c0_i32_0 = arith.constant 0 : i32
    %c0_i32_1 = arith.constant 0 : i32
    return %arg0, %c0_i32, %c0_i32_0 : i32, i32, i32
  }
}

</mosaic_0001>

<sc_bundles>
// kernel: kernel.4.cloned.1.call-start
scs
__scs_entry_jumppad:
0x0: {  	(pc) =	sbr.rel $0x88, $3  }
0x1: {  	(tag) =	ssettag $0x0;
	lr =	simm.s32 $0x1  }
0x2: {  	[smem:$0x3FA0] =	sst lr;
	_ =	strace $0xD0000000  }
0x3: {  	_ = 	snop  }
0x4: {  	_ = 	snop  }
0x5: {  	_ = 	snop  }
0x6: {  	_ = 	snop  }
0x7: {  	_ = 	snop  }
__scs_overlays_trampoline_lowered:
0x8: {  	[smem:$0x3FAF] =	sst s0  }
0x9: {  	[smem:$0x3FB0] =	sst s1  }
0xa: {  	[smem:$0x3FB1] =	sst s2  }
0xb: {  	[smem:$0x3FB2] =	sst s3  }
0xc: {  	[smem:$0x3FB3] =	sst s4  }
0xd: {  	[smem:$0x3FB4] =	sst s5  }
0xe: {  	[smem:$0x3FB5] =	sst s6  }
0xf: {  	[smem:$0x3FB6] =	sst s7  }
0x10: {  	[smem:$0x3FB7] =	sst s8  }
0x11: {  	[smem:$0x3FB8] =	sst s9;
	s0 =	simm.s32 @!p0 $0x0  }
0x12: {  	s1 =	sld [smem:$0x3F9E];
	s0 =	simm.s32 @p0 $0x1  }
0x13: {  	[smem:$0x3FB9] =	sst s0;
	s0 =	simm.s32 @!p1 $0x0  }
0x14: {  	s2 =	sld [smem:$0x3F9D];
	s0 =	simm.s32 @p1 $0x1  }
0x15: {  	[smem:$0x3FBA] =	sst s0;
	s0 =	simm.s32 @!p2 $0x0  }
0x16: {  	s3 =	sld [smem:$0x3FDB];
	s0 =	simm.s32 @p2 $0x1  }
0x17: {  	s4 =	simm.s32 $0x1BF5;
	[smem:$0x3FBC] =	sst s0  }
0x18: {  	s0 =	sld [smem:$0x3F9F];
	_ =	swait.ge [sflag:s4], $0x0  }
0x19: {  	s7 =	sld [smem:$0x3FA0]  }
0x1a: {  	s8 =	sadd.s32 $0xFFFFE003, lr  }
0x1b: {  	s9 =	sadd.s32 $0xFFFFFEF7, lr;
	s5 =	simm.s32 $0xFFFFFFFF;
	p2 =	slt.u32 s8, $0xFFFFF086  }
0x1c: {  	p1 =	slt.u32 s9, $0xF7A;
	s5 =	simm.s32 @!p2 $0x0  }
0x1d: {  	s5 =	simm.s32 @p1 $0x1;
	p0 =	seq.s32 s7, s2  }
0x1e: {  	s7 =	smul.u32 @!p0 $0xF7A, s2;
	p2 =	seq.s32 @!p0 s5, $0x0  }
0x1f: {  	s9 =	smul.u32 $0xF7A, s1;
	s8 =	simm.s32 @!p0 $0x1BF5;
	p2 =	por !p2, p0  }
0x20: {  	[sflag:s8] =	ssyncset.s32 @!p0 $0xFFFFF086;
	s6 =	sadd.s32 @!p0 s3, s7;
	s7 =	simm.s32 @!p0 $0x108  }
0x21: {  	s3 =	sadd.s32 s3, s9;
	s6 =	sadd.s32 @!p0 $0x88, s6;
	s7 =	simm.s32 @p2 $0x1082  }
0x22: {  	[simem:s7], [sflag:s8] =	dma.local @!p0 [hbm:s6], $0xF7A  }
0x23: {  	s9 =	sor.u32 $0xD0000000, s2;
	s6 =	simm.s32 $0x108;
	_ =	swait.ge @!p0 [sflag:s8], $0x0  }
0x24: {  	s3 =	sadd.s32 $0x88, s3;
	s6 =	simm.s32 @!p1 $0x1082;
	[sflag:s4] =	ssyncset.s32 $0xFFFFF086  }
0x25: {  	[simem:s6], [sflag:s4] =	dma.local [hbm:s3], $0xF7A  }
0x26: {  	[smem:$0x3FA0] =	sst s1;
	(tag) =	ssettag s2;
	_ =	strace s9  }
0x27: {  	s1 =	sld [smem:$0x3FB0]  }
0x28: {  	s2 =	sld [smem:$0x3FB1]  }
0x29: {  	s4 =	sld [smem:$0x3FB3]  }
0x2a: {  	p0 =	seq.s32 s5, $0x0;
	s5 =	sld [smem:$0x3FB4]  }
0x2b: {  	s6 =	sld [smem:$0x3FB5]  }
0x2c: {  	s7 =	sld [smem:$0x3FB6]  }
0x2d: {  	s3 =	simm.s32 $0x108;
	s8 =	sld [smem:$0x3FB7]  }
0x2e: {  	s3 =	simm.s32 @!p0 $0x1082;
	s9 =	sld [smem:$0x3FB8]  }
0x2f: {  	lr =	sadd.s32 s0, s3;
	s0 =	sld [smem:$0x3FAF]  }
0x30: {  	s3 =	sld [smem:$0x3FB2]  }
0x31: {  	[smem:$0x3FBB] =	sst s10  }
0x32: {  	s10 =	sld [smem:$0x3FB9];
	_ =	sdelay $0x3  }
0x33: {  	p0 =	seq.s32 s10, $0x1;
	s10 =	sld [smem:$0x3FBB];
	_ =	sdelay $0x3  }
0x34: {  	[smem:$0x3FBB] =	sst s10  }
0x35: {  	s10 =	sld [smem:$0x3FBA];
	_ =	sdelay $0x3  }
0x36: {  	p1 =	seq.s32 s10, $0x1;
	s10 =	sld [smem:$0x3FBB];
	_ =	sdelay $0x3  }
0x37: {  	[smem:$0x3FBB] =	sst s10  }
0x38: {  	s10 =	sld [smem:$0x3FBC]  }
0x39: {  	_ = 	snop;
	(pc) =	sbr.ind lr, $3  }
0x3a: {  	_ = 	snop  }
0x3b: {  	_ = 	snop  }
0x3c: {  	p2 =	seq.s32 s10, $0x1;
	s10 =	sld [smem:$0x3FBB]  }
0x3d: {  	_ =	shalt  }
0x3e: {  	_ =	shalt  }
0x3f: {  	_ =	shalt  }
0x40: {  	_ =	shalt  }
0x41: {  	_ =	shalt  }
0x42: {  	_ =	shalt  }
0x43: {  	_ =	shalt  }
0x44: {  	_ =	shalt  }
0x45: {  	_ =	shalt  }
0x46: {  	_ =	shalt  }
0x47: {  	_ =	shalt  }
0x48: {  	_ =	shalt  }
0x49: {  	_ =	shalt  }
0x4a: {  	_ =	shalt  }
0x4b: {  	_ =	shalt  }
0x4c: {  	_ =	shalt  }
0x4d: {  	_ =	shalt  }
0x4e: {  	_ =	shalt  }
0x4f: {  	_ =	shalt  }
0x50: {  	_ =	shalt  }
0x51: {  	_ =	shalt  }
0x52: {  	_ =	shalt  }
0x53: {  	_ =	shalt  }
0x54: {  	_ =	shalt  }
0x55: {  	_ =	shalt  }
0x56: {  	_ =	shalt  }
0x57: {  	_ =	shalt  }
0x58: {  	_ =	shalt  }
0x59: {  	_ =	shalt  }
0x5a: {  	_ =	shalt  }
0x5b: {  	_ =	shalt  }
0x5c: {  	_ =	shalt  }
0x5d: {  	_ =	shalt  }
0x5e: {  	_ =	shalt  }
0x5f: {  	_ =	shalt  }
0x60: {  	_ =	shalt  }
0x61: {  	_ =	shalt  }
0x62: {  	_ =	shalt  }
0x63: {  	_ =	shalt  }
0x64: {  	_ =	shalt  }
0x65: {  	_ =	shalt  }
0x66: {  	_ =	shalt  }
0x67: {  	_ =	shalt  }
0x68: {  	_ =	shalt  }
0x69: {  	_ =	shalt  }
0x6a: {  	_ =	shalt  }
0x6b: {  	_ =	shalt  }
0x6c: {  	_ =	shalt  }
0x6d: {  	_ =	shalt  }
0x6e: {  	_ =	shalt  }
0x6f: {  	_ =	shalt  }
0x70: {  	_ =	shalt  }
0x71: {  	_ =	shalt  }
0x72: {  	_ =	shalt  }
0x73: {  	_ =	shalt  }
0x74: {  	_ =	shalt  }
0x75: {  	_ =	shalt  }
0x76: {  	_ =	shalt  }
0x77: {  	_ =	shalt  }
0x78: {  	_ =	shalt  }
0x79: {  	_ =	shalt  }
0x7a: {  	_ =	shalt  }
0x7b: {  	_ =	shalt  }
0x7c: {  	_ =	shalt  }
0x7d: {  	_ =	shalt  }
0x7e: {  	_ =	shalt  }
0x7f: {  	_ =	shalt  }
0x80: {  	_ =	shalt  }
0x81: {  	_ =	shalt  }
0x82: {  	_ =	shalt  }
0x83: {  	_ =	shalt  }
0x84: {  	_ =	shalt  }
0x85: {  	_ =	shalt  }
0x86: {  	_ =	shalt  }
0x87: {  	_ =	shalt  }
.Lfunc_end0:
.L_simem_size_0:
called_computation_lowered:
.L_overlay_start_0:
0x88: {  	s2 =	sld [smem:$0x3FD9]  }
0x89: {  	s3 =	sld [smem:$0x3FFE];
	_ =	sdelay $0x1  }
0x8a: {  	s1 =	srdreg.scid  }
0x8b: {  	s0 =	sand.u32 $0x1, s1  }
0x8c: {  	s17 =	sshll.u32 s0, $0xA;
	s2 =	sadd.s32 s3, s2  }
0x8d: {  	s2 =	sadd.s32 s2, s17  }
0x8e: {  	[smem:$0x3FC7] =	sst s2  }
0x8f: {  	_ = 	snop  }
0x90: {  	s2 =	sld [smem:$0x3FC9];
	(tm) =	ssettm $0x1  }
0x91: {  	s18 =	sld [smem:$0x3FFB];
	_ =	sdelay $0x3  }
0x92: {  	_ =	strace s18  }
0x93: {  	s3 =	sld [smem:$0x3FFC];
	_ =	sdelay $0x3  }
0x94: {  	_ =	strace s3  }
0x95: {  	s3 =	sld [smem:$0x3FFD];
	_ =	sdelay $0x3  }
0x96: {  	_ =	strace s3  }
0x97: {  	_ =	strace $0x8FFFFFFF  }
0x98: {  	s19 =	sld [smem:$0x3FDB];
	_ =	sdelay $0x1  }
0x99: {  	s4 =	simm.s32 $_scs_section_size  }
0x9a: {  	s5 =	simm.s32 $_size__tile_overlayer_lowered;
	s6 =	simm.s32 $_tile_overlayer_lowered  }
0x9b: {  	s22 =	simm.s32 $0x1BFF;
	s21 =	sshll.u32 s6, $0x1;
	s3 =	sadd.s32 s4, s19  }
0x9c: {  	s7 =	simm.s32 $0x0;
	s20 =	sshll.u32 s5, $0x1;
	s5 =	sadd.s32 s21, s3  }
0x9d: {  	[timem:s7], [sflag:s22] =	dma.local [hbm:s5], s20  }
0x9e: {  	_ =	swait.ge [sflag:s22], s20  }
0x9f: {  	s4 =	ssub.s32 $0x0, s20;
	[sflag:s22] =	ssyncset.done $0x0  }
0xa0: {  	[sflag:s22] =	ssyncadd.s32 s4;
	_ =	sdelay $0x1  }
0xa1: {  	s23 =	simm.s32 $0x1B8B  }
0xa2: {  	_ =	swait.ge [sflag:s23], $0x1  }
0xa3: {  	[sflag:s23] =	ssyncset.done $0x0  }
0xa4: {  	s25 =	simm.s32 $0x1B8E;
	s24 =	sld [smem:$0x3FFE];
	[sflag:s23] =	ssyncadd.s32 $0xFFFFFFFF  }
0xa5: {  	s26 =	simm.s32 $execute0_lowered;
	[smem:$0x3FD2] =	sst s25  }
0xa6: {  	s5 =	sshll.u32 s26, $0x1;
	_ =	strace $0x80000046;
	[dreg:$0x1] =	wrdreg $0xFFFFFFFF  }
0xa7: {  	s28 =	simm.s32 $_size_execute0_lowered;
	s3 =	sadd.s32 s3, s5;
	[dreg:$0x0] =	wrdreg $0x0  }
0xa8: {  	s5 =	sshll.u32 s28, $0x1;
	[dreg:$0x2] =	wrdreg s3  }
0xa9: {  	[dreg:$0x3] =	wrdreg s5  }
0xaa: {  	[dreg:$0x4] =	wrdreg $0xC0  }
0xab: {  	_ =	task [dreg:s7], $0x5FFFF  }
0xac: {  	[dreg:$0x1] =	wrdreg $0xFFFFFFFF  }
0xad: {  	[dreg:$0x0] =	wrdreg $0x60  }
0xae: {  	[dreg:$0x2] =	wrdreg s2  }
0xaf: {  	[dreg:$0x3] =	wrdreg s24  }
0xb0: {  	[dreg:$0x4] =	wrdreg $0x9  }
0xb1: {  	_ =	task.clear_ibuf [dreg:s7], $0x5FFFF;
	_ =	strace $0x90000046  }
0xb2: {  	s29 =	simm.s32 $0x9;
	_ =	strace $0x80000048  }
0xb3: {  	_ =	swait.ge [sflag:s29], $0x1  }
0xb4: {  	[sflag:s29] =	ssyncadd.s32 $0xFFFFFFFF  }
0xb5: {  	_ =	strace $0x90000048  }
0xb6: {  	_ =	sfence  }
0xb7: {  	s30 =	sld [smem:$0x0];
	_ =	sdelay $0x2  }
0xb8: {  	s31 =	sshll.u32 s1, $0xD;
	s1 =	sshrl.u32 s1, $0x2  }
0xb9: {  	s3 =	sand.u32 $0x4000, s31;
	s1 =	sadd.s32 s1, s30  }
0xba: {  	s0 =	sor.u32 s3, s0;
	s1 =	sshll.u32 s1, $0x11  }
0xbb: {  	s0 =	sor.u32 s1, s0  }
0xbc: {  	s0 =	sadd.s32 $0x8F2B, s0  }
0xbd: {  	[sflag:s0] =	ssyncadd.remote.s32 $0x1  }
0xbe: {  	_ =	sfence.sel $0xFFFF  }
0xbf: {  	[dreg:$0x0] =	wrdreg $0xFFFFFFFF;
	(pc) =	sbr.abs _section_cstart, $3  }
0xc0: {  	[dreg:$0x1] =	wrdreg $0xFFFFFFFF  }
0xc1: {  	_ =	task.clear_ibuf [dreg:s7], $0x2FFFF;
	_ =	strace $0x9FFFFFFF  }
0xc2: {  	(tm) =	ssettm $0x7FFFFFFF  }
0xc3: {  	_ =	shalt  }
tec
execute0_lowered:
.L_overlay_start_1:
0x0: {  	(tag) =	ssettag $0x1  }
0x1: {  	s2 =	rddreg [dreg:$0x0];
	s1 =	srdreg.scid  }
0x2: {  	s0 =	stileid.u32;
	s8 =	rddreg [dreg:$0x1];
	s3 =	simm.s32 $0x0  }
0x3: {  	s10 =	simm.s32 $0xC000;
	s11 =	simm.s32 $0x1;
	s12 =	simm.s32 $0x18000  }
0x4: {  	s13 =	simm.s32 $0x1A000;
	s14 =	simm.s32 $0x3;
	s15 =	simm.s32 $0x2  }
0x5: {  	s16 =	simm.s32 $0x0;
	s4 =	sand.u32 $0x1, s1;
	s5 =	sshll.u32 s0, $0x1  }
.Ltmp0:
0x6: {  	s1 =	rddreg [dreg:$0x2];
	s6 =	sor.u32 s4, s5;
	(pc) =	sbr.rel .LBB2_1-.Ltmp0, $4  }
0x7: {  	[smem:$0x7FF] =	sst s3;
	s7 =	ssub.s32 $0x2, s4;
	s5 =	smul.u32 $0x18000, s6  }
0x8: {  	_ =	strace $0x80000047;
	s4 =	sadd.s32 $0x600, s8;
	s9 =	sshrl.u32 s7, $0x1  }
0x9: {  	v1 =	vlaneseq.u32;
	s8 =	sadd.s32 $0x640, s8;
	s9 =	ssub.s32 s7, s9;
	s5 =	sadd.s32 s2, s5  }
0xa: {  	v0 =	vimm.f32 $0.0e+00;
	v2 =	vimm.f32 $1.000000000e+00;
	v1 =	vmul.u32 $0x200, v1;
	s6 =	sshll.u32 s6, $0x4;
	s9 =	smax.u32 s9, $0x1;
	s7 =	sadd.s32 $0x1800, s5  }
.LBB2_22:
0xb: {  	s16 =	sadd.s32 $0x1, s16  }
0xc: {  	p0 =	sne.s32 s16, s9  }
.Ltmp1:
0xd: {  	_ = 	snop;
	(pc) =	sbr.rel @!p0 .LBB2_23-.Ltmp1, $1  }
0xe: {  	_ =	sdelay $0x3  }
.LBB2_1:
0xf: {  	s17 =	simm.s32 $0x18040  }
0x10: {  	[tilespmem:s17+$0xFFFFFFC0] =	vst v0  }
0x11: {  	[tilespmem:s17+$0x30] =	vst v0  }
0x12: {  	[tilespmem:s17+$0x20] =	vst v0  }
0x13: {  	[tilespmem:s17+$0x10] =	vst v0  }
0x14: {  	[tilespmem:s17+$0x0] =	vst v0  }
0x15: {  	[tilespmem:s17+$0xFFFFFFF0] =	vst v0  }
0x16: {  	s18 =	simm.s32 $0x0;
	[tilespmem:s17+$0xFFFFFFE0] =	vst v0  }
.LBB2_2:
0x17: {  	s18 =	sadd.s32 $0x8, s18;
	[tilespmem:s17+$0xFFFFFFD0] =	vst v0;
	s17 =	sadd.s32 $0x80, s17  }
0x18: {  	[tilespmem:s17+$0xFFFFFFC0] =	vst v0;
	p0 =	slt.u32 s18, $0x1F8  }
0x19: {  	[tilespmem:s17+$0x30] =	vst v0  }
.Ltmp2:
0x1a: {  	[tilespmem:s17+$0x20] =	vst v0;
	(pc) =	sbr.rel @p0 .LBB2_2-.Ltmp2, $4  }
0x1b: {  	[tilespmem:s17+$0x10] =	vst v0  }
0x1c: {  	[tilespmem:s17+$0x0] =	vst v0  }
0x1d: {  	[tilespmem:s17+$0xFFFFFFF0] =	vst v0  }
0x1e: {  	[tilespmem:s17+$0xFFFFFFE0] =	vst v0  }
0x1f: {  	[tilespmem:s17+$0xFFFFFFD0] =	vst v0;
	s17 =	simm.s32 $0x0  }
0x20: {  	[tilespmem:s17], [sflag:$0x1] =	stream.linear.gather [hbm4b:s5+s17], $0xC000, $0x38;
	[tilespmem:$0x1A200] =	vst v63  }
0x21: {  	s18 =	simm.s32 $0x0  }
0x22: {  	[tilespmem:s10], [sflag:$0x2] =	stream.linear.gather [hbm4b:s7+s17], $0xC000, $0x38;
	[tilespmem:$0x1A200] =	vst v63  }
.LBB2_4:
0x23: {  	_ =	swait.ge [sflag:s11], $0xC000  }
0x24: {  	[sflag:s11] =	ssyncset.done $0x0  }
0x25: {  	[sflag:s11] =	ssyncadd.s32 $0xFFFF4000  }
0x26: {  	v3 =	vld [tilespmem:s17+$0x180]  }
0x27: {  	v4 =	vld [tilespmem:s17+$0x4180];
	_ =	sdelay $0x1  }
0x28: {  	v5 =	vld [tilespmem:s17+$0x8180];
	_ =	sdelay $0x2  }
0x29: {  	v3 =	vtrunc.f32 v3;
	v4 =	vtrunc.f32 v4  }
0x2a: {  	v3 =	vcvt.f32.s32 v3;
	v4 =	vcvt.f32.s32 v4  }
0x2b: {  	v6 =	vld [tilespmem:s17+$0x4000];
	v5 =	vtrunc.f32 v5  }
0x2c: {  	v7 =	vld [tilespmem:s17+$0x80];
	v5 =	vcvt.f32.s32 v5;
	v3 =	vshll.u32 v3, $0x1;
	v4 =	vshra.s32 v4, $0x2  }
0x2d: {  	v8 =	vld [tilespmem:s17+$0x8000];
	v3 =	vand.u32 $0xFFFFFFC0, v3;
	v4 =	vand.u32 $0xFFFFFFF8, v4  }
0x2e: {  	v9 =	vld [tilespmem:s17+$0x8080];
	v5 =	vshra.s32 v5, $0x5;
	v3 =	vadd.s32 v4, v3  }
0x2f: {  	v4 =	vld [tilespmem:s17+$0x0];
	v3 =	vadd.s32 v5, v3  }
0x30: {  	v5 =	vld [tilespmem:s17+$0x4080];
	v3 =	vadd.s32 v1, v3;
	_ =	sdelay $0x1  }
0x31: {  	v6 =	vtrunc.f32 v6;
	v7 =	vtrunc.f32 v7  }
0x32: {  	v8 =	vtrunc.f32 v8;
	v9 =	vtrunc.f32 v9  }
0x33: {  	v6 =	vcvt.f32.s32 v6;
	v4 =	vtrunc.f32 v4  }
0x34: {  	v5 =	vtrunc.f32 v5;
	v4 =	vcvt.f32.s32 v4;
	[tilespmem:v3+s12+$0x0] =	vst.idx.add.f32.msk $0xffff, v2  }
0x35: {  	v6 =	vshra.s32 v6, $0x2;
	v3 =	vcvt.f32.s32 v7;
	v5 =	vcvt.f32.s32 v5;
	v7 =	vld [tilespmem:s17+$0x190]  }
0x36: {  	v8 =	vcvt.f32.s32 v8;
	v9 =	vcvt.f32.s32 v9;
	v6 =	vand.u32 $0xFFFFFFF8, v6;
	v10 =	vld [tilespmem:s17+$0x4190]  }
0x37: {  	v4 =	vshll.u32 v4, $0x1;
	v3 =	vshll.u32 v3, $0x1;
	v5 =	vshra.s32 v5, $0x2  }
0x38: {  	v11 =	vld [tilespmem:s17+$0x8190];
	v4 =	vand.u32 $0xFFFFFFC0, v4;
	v3 =	vand.u32 $0xFFFFFFC0, v3;
	v5 =	vand.u32 $0xFFFFFFF8, v5  }
0x39: {  	v4 =	vadd.s32 v6, v4;
	v3 =	vadd.s32 v5, v3;
	v5 =	vshra.s32 v8, $0x5  }
0x3a: {  	v6 =	vshra.s32 v9, $0x5;
	v4 =	vadd.s32 v5, v4  }
0x3b: {  	v8 =	vld [tilespmem:s17+$0x100];
	v3 =	vadd.s32 v6, v3;
	v5 =	vtrunc.f32 v7;
	v7 =	vtrunc.f32 v10  }
0x3c: {  	v4 =	vadd.s32 v1, v4;
	v5 =	vcvt.f32.s32 v5;
	v6 =	vcvt.f32.s32 v7;
	v7 =	vld [tilespmem:s17+$0x4100]  }
0x3d: {  	v3 =	vadd.s32 v1, v3;
	v9 =	vtrunc.f32 v11  }
0x3e: {  	v9 =	vcvt.f32.s32 v9;
	v5 =	vshll.u32 v5, $0x1;
	v6 =	vshra.s32 v6, $0x2  }
0x3f: {  	v10 =	vld [tilespmem:s17+$0x8100];
	v5 =	vand.u32 $0xFFFFFFC0, v5;
	v6 =	vand.u32 $0xFFFFFFF8, v6  }
0x40: {  	v9 =	vshra.s32 v9, $0x5;
	v5 =	vadd.s32 v6, v5  }
0x41: {  	v6 =	vtrunc.f32 v8;
	[tilespmem:v4+s12+$0x0] =	vst.idx.add.f32.msk $0xffff, v2;
	v5 =	vadd.s32 v9, v5;
	v7 =	vtrunc.f32 v7  }
0x42: {  	[tilespmem:v3+s12+$0x0] =	vst.idx.add.f32.msk $0xffff, v2;
	v4 =	vadd.s32 v1, v5;
	v5 =	vcvt.f32.s32 v6;
	v6 =	vcvt.f32.s32 v7  }
0x43: {  	v8 =	vld [tilespmem:s17+$0x4010]  }
0x44: {  	v3 =	vtrunc.f32 v10;
	v9 =	vld [tilespmem:s17+$0x90];
	v5 =	vshll.u32 v5, $0x1;
	v6 =	vshra.s32 v6, $0x2  }
0x45: {  	v3 =	vcvt.f32.s32 v3;
	v7 =	vld [tilespmem:s17+$0x10];
	v5 =	vand.u32 $0xFFFFFFC0, v5;
	v6 =	vand.u32 $0xFFFFFFF8, v6  }
0x46: {  	v5 =	vadd.s32 v6, v5;
	v6 =	vld [tilespmem:s17+$0x4090]  }
0x47: {  	v3 =	vshra.s32 v3, $0x5;
	[tilespmem:v4+s12+$0x0] =	vst.idx.add.f32.msk $0xffff, v2  }
0x48: {  	v3 =	vadd.s32 v3, v5;
	v4 =	vld [tilespmem:s17+$0x1A0]  }
0x49: {  	v3 =	vadd.s32 v1, v3;
	v5 =	vld [tilespmem:s17+$0x41A0]  }
0x4a: {  	v8 =	vtrunc.f32 v8  }
0x4b: {  	v9 =	vtrunc.f32 v9;
	v7 =	vtrunc.f32 v7;
	v10 =	vld [tilespmem:s17+$0x81A0]  }
0x4c: {  	v8 =	vcvt.f32.s32 v8;
	v9 =	vcvt.f32.s32 v9  }
0x4d: {  	v12 =	vld [tilespmem:s17+$0x8010];
	v7 =	vcvt.f32.s32 v7;
	v6 =	vtrunc.f32 v6  }
0x4e: {  	[tilespmem:v3+s12+$0x0] =	vst.idx.add.f32.msk $0xffff, v2;
	v3 =	vtrunc.f32 v4;
	v4 =	vtrunc.f32 v5  }
0x4f: {  	v8 =	vshra.s32 v8, $0x2;
	v5 =	vld [tilespmem:s17+$0x110];
	v3 =	vcvt.f32.s32 v3;
	v4 =	vcvt.f32.s32 v4  }
0x50: {  	v7 =	vshll.u32 v7, $0x1;
	v6 =	vcvt.f32.s32 v6;
	v10 =	vtrunc.f32 v10;
	v11 =	vld [tilespmem:s17+$0x4110]  }
0x51: {  	v13 =	vld [tilespmem:s17+$0x8090];
	v10 =	vcvt.f32.s32 v10;
	v3 =	vshll.u32 v3, $0x1;
	v4 =	vshra.s32 v4, $0x2  }
0x52: {  	v7 =	vand.u32 $0xFFFFFFC0, v7;
	v14 =	vld [tilespmem:s17+$0x8110];
	v3 =	vand.u32 $0xFFFFFFC0, v3;
	v4 =	vand.u32 $0xFFFFFFF8, v4  }
0x53: {  	v6 =	vshra.s32 v6, $0x2;
	v10 =	vshra.s32 v10, $0x5;
	v3 =	vadd.s32 v4, v3  }
0x54: {  	v4 =	vand.u32 $0xFFFFFFF8, v8;
	v8 =	vshll.u32 v9, $0x1;
	v3 =	vadd.s32 v10, v3  }
0x55: {  	v5 =	vtrunc.f32 v5;
	v9 =	vtrunc.f32 v11;
	v3 =	vadd.s32 v1, v3  }
0x56: {  	v6 =	vand.u32 $0xFFFFFFF8, v6;
	v10 =	vtrunc.f32 v12;
	v11 =	vtrunc.f32 v13  }
0x57: {  	v8 =	vand.u32 $0xFFFFFFC0, v8;
	v12 =	vtrunc.f32 v14;
	v5 =	vcvt.f32.s32 v5  }
0x58: {  	v4 =	vadd.s32 v4, v7;
	v9 =	vcvt.f32.s32 v9;
	v10 =	vcvt.f32.s32 v10  }
0x59: {  	v11 =	vcvt.f32.s32 v11;
	v12 =	vcvt.f32.s32 v12;
	v5 =	vshll.u32 v5, $0x1  }
0x5a: {  	v9 =	vshra.s32 v9, $0x2;
	v7 =	vshra.s32 v10, $0x5;
	v5 =	vand.u32 $0xFFFFFFC0, v5;
	[tilespmem:v3+s12+$0x0] =	vst.idx.add.f32.msk $0xffff, v2  }
0x5b: {  	v4 =	vadd.s32 v7, v4;
	v3 =	vadd.s32 v6, v8;
	v6 =	vand.u32 $0xFFFFFFF8, v9;
	v8 =	vld [tilespmem:s17+$0x1B0]  }
0x5c: {  	v4 =	vadd.s32 v1, v4;
	v9 =	vshra.s32 v11, $0x5;
	v5 =	vadd.s32 v6, v5;
	v6 =	vld [tilespmem:s17+$0x41B0]  }
0x5d: {  	v7 =	vshra.s32 v12, $0x5;
	v3 =	vadd.s32 v9, v3  }
0x5e: {  	v3 =	vadd.s32 v1, v3;
	v5 =	vadd.s32 v7, v5;
	v7 =	vld [tilespmem:s17+$0x81B0]  }
0x5f: {  	v5 =	vadd.s32 v1, v5;
	_ =	sdelay $0x1  }
0x60: {  	[tilespmem:v4+s12+$0x0] =	vst.idx.add.f32.msk $0xffff, v2;
	v8 =	vtrunc.f32 v8;
	v6 =	vtrunc.f32 v6  }
0x61: {  	v10 =	vld [tilespmem:s17+$0x8020];
	v4 =	vcvt.f32.s32 v8;
	v6 =	vcvt.f32.s32 v6  }
0x62: {  	[tilespmem:v3+s12+$0x0] =	vst.idx.add.f32.msk $0xffff, v2;
	v3 =	vtrunc.f32 v7  }
0x63: {  	[tilespmem:v5+s12+$0x0] =	vst.idx.add.f32.msk $0xffff, v2;
	v3 =	vcvt.f32.s32 v3;
	v4 =	vshll.u32 v4, $0x1;
	v5 =	vshra.s32 v6, $0x2  }
0x64: {  	v7 =	vld [tilespmem:s17+$0x4020];
	v4 =	vand.u32 $0xFFFFFFC0, v4;
	v5 =	vand.u32 $0xFFFFFFF8, v5  }
0x65: {  	v11 =	vld [tilespmem:s17+$0x80A0];
	v3 =	vshra.s32 v3, $0x5;
	v4 =	vadd.s32 v5, v4  }
0x66: {  	v6 =	vld [tilespmem:s17+$0x20];
	v3 =	vadd.s32 v3, v4  }
0x67: {  	v5 =	vld [tilespmem:s17+$0xA0];
	v3 =	vadd.s32 v1, v3  }
0x68: {  	v4 =	vld [tilespmem:s17+$0x40A0]  }
0x69: {  	v10 =	vtrunc.f32 v10  }
0x6a: {  	v10 =	vcvt.f32.s32 v10;
	v7 =	vtrunc.f32 v7  }
0x6b: {  	v8 =	vld [tilespmem:s17+$0x120];
	v11 =	vtrunc.f32 v11;
	v6 =	vtrunc.f32 v6  }
0x6c: {  	v6 =	vcvt.f32.s32 v6;
	v5 =	vtrunc.f32 v5;
	[tilespmem:v3+s12+$0x0] =	vst.idx.add.f32.msk $0xffff, v2  }
0x6d: {  	v4 =	vtrunc.f32 v4;
	v3 =	vcvt.f32.s32 v7;
	v7 =	vld [tilespmem:s17+$0x1C0]  }
0x6e: {  	v5 =	vcvt.f32.s32 v5;
	v6 =	vshll.u32 v6, $0x1;
	v4 =	vcvt.f32.s32 v4;
	v12 =	vld [tilespmem:s17+$0x41C0]  }
0x6f: {  	v10 =	vshra.s32 v10, $0x5;
	v11 =	vcvt.f32.s32 v11;
	v6 =	vand.u32 $0xFFFFFFC0, v6  }
0x70: {  	v5 =	vshll.u32 v5, $0x1;
	v14 =	vld [tilespmem:s17+$0x81C0];
	v3 =	vshra.s32 v3, $0x2;
	v4 =	vshra.s32 v4, $0x2  }
0x71: {  	v5 =	vand.u32 $0xFFFFFFC0, v5;
	v3 =	vand.u32 $0xFFFFFFF8, v3;
	v4 =	vand.u32 $0xFFFFFFF8, v4  }
0x72: {  	v8 =	vtrunc.f32 v8;
	v3 =	vadd.s32 v3, v6;
	v4 =	vadd.s32 v4, v5  }
0x73: {  	v9 =	vld [tilespmem:s17+$0x4120];
	v5 =	vshra.s32 v11, $0x5;
	v7 =	vtrunc.f32 v7;
	v12 =	vtrunc.f32 v12  }
0x74: {  	v3 =	vadd.s32 v10, v3;
	v7 =	vcvt.f32.s32 v7;
	v12 =	vcvt.f32.s32 v12  }
0x75: {  	v13 =	vld [tilespmem:s17+$0x8120];
	v4 =	vadd.s32 v5, v4;
	v6 =	vtrunc.f32 v14;
	v3 =	vadd.s32 v1, v3  }
0x76: {  	v6 =	vcvt.f32.s32 v6;
	v7 =	vshll.u32 v7, $0x1;
	v12 =	vshra.s32 v12, $0x2  }
0x77: {  	v4 =	vadd.s32 v1, v4;
	v7 =	vand.u32 $0xFFFFFFC0, v7;
	v12 =	vand.u32 $0xFFFFFFF8, v12  }
0x78: {  	v9 =	vtrunc.f32 v9;
	v6 =	vshra.s32 v6, $0x5;
	v7 =	vadd.s32 v12, v7  }
0x79: {  	v8 =	vcvt.f32.s32 v8;
	v9 =	vcvt.f32.s32 v9;
	v6 =	vadd.s32 v6, v7  }
0x7a: {  	v13 =	vtrunc.f32 v13;
	v6 =	vadd.s32 v1, v6  }
0x7b: {  	v8 =	vshll.u32 v8, $0x1;
	v9 =	vshra.s32 v9, $0x2;
	[tilespmem:v3+s12+$0x0] =	vst.idx.add.f32.msk $0xffff, v2;
	v7 =	vcvt.f32.s32 v13  }
0x7c: {  	v8 =	vand.u32 $0xFFFFFFC0, v8;
	v9 =	vand.u32 $0xFFFFFFF8, v9;
	[tilespmem:v4+s12+$0x0] =	vst.idx.add.f32.msk $0xffff, v2  }
0x7d: {  	v5 =	vadd.s32 v9, v8;
	v8 =	vld [tilespmem:s17+$0xB0];
	v7 =	vshra.s32 v7, $0x5  }
0x7e: {  	v12 =	vld [tilespmem:s17+$0x8030];
	v5 =	vadd.s32 v7, v5  }
0x7f: {  	v3 =	vadd.s32 v1, v5;
	[tilespmem:v6+s12+$0x0] =	vst.idx.add.f32.msk $0xffff, v2  }
0x80: {  	v5 =	vld [tilespmem:s17+$0x1D0]  }
0x81: {  	v6 =	vld [tilespmem:s17+$0x41D0]  }
0x82: {  	v4 =	vld [tilespmem:s17+$0x81D0]  }
0x83: {  	v7 =	vld [tilespmem:s17+$0x4030]  }
0x84: {  	[tilespmem:v3+s12+$0x0] =	vst.idx.add.f32.msk $0xffff, v2  }
0x85: {  	v8 =	vtrunc.f32 v8;
	v12 =	vtrunc.f32 v12;
	v3 =	vld [tilespmem:s17+$0x30]  }
0x86: {  	v8 =	vcvt.f32.s32 v8;
	v10 =	vld [tilespmem:s17+$0x130];
	v5 =	vtrunc.f32 v5  }
0x87: {  	v11 =	vld [tilespmem:s17+$0x4130];
	v6 =	vtrunc.f32 v6;
	v4 =	vtrunc.f32 v4  }
0x88: {  	v5 =	vcvt.f32.s32 v5;
	v6 =	vcvt.f32.s32 v6  }
0x89: {  	v9 =	vld [tilespmem:s17+$0x40B0];
	v7 =	vtrunc.f32 v7;
	v8 =	vshll.u32 v8, $0x1;
	v4 =	vcvt.f32.s32 v4  }
0x8a: {  	v3 =	vtrunc.f32 v3;
	v5 =	vshll.u32 v5, $0x1;
	v6 =	vshra.s32 v6, $0x2  }
0x8b: {  	v4 =	vshra.s32 v4, $0x5;
	v3 =	vcvt.f32.s32 v3;
	v10 =	vtrunc.f32 v10  }
0x8c: {  	v11 =	vtrunc.f32 v11;
	v5 =	vand.u32 $0xFFFFFFC0, v5;
	v6 =	vand.u32 $0xFFFFFFF8, v6  }
0x8d: {  	v10 =	vcvt.f32.s32 v10;
	v11 =	vcvt.f32.s32 v11;
	v5 =	vadd.s32 v6, v5;
	v6 =	vld [tilespmem:s17+$0x80B0]  }
0x8e: {  	v4 =	vadd.s32 v4, v5;
	v5 =	vcvt.f32.s32 v7;
	v7 =	vtrunc.f32 v9;
	v9 =	vld [tilespmem:s17+$0x8130]  }
0x8f: {  	v12 =	vcvt.f32.s32 v12;
	v8 =	vand.u32 $0xFFFFFFC0, v8;
	v3 =	vshll.u32 v3, $0x1  }
0x90: {  	v10 =	vshll.u32 v10, $0x1;
	v11 =	vshra.s32 v11, $0x2;
	v7 =	vcvt.f32.s32 v7  }
0x91: {  	v3 =	vand.u32 $0xFFFFFFC0, v3;
	v4 =	vadd.s32 v1, v4;
	v5 =	vshra.s32 v5, $0x2  }
0x92: {  	v7 =	vshra.s32 v7, $0x2;
	v5 =	vand.u32 $0xFFFFFFF8, v5;
	v6 =	vtrunc.f32 v6  }
0x93: {  	s19 =	simm.s32 $0x200;
	v7 =	vand.u32 $0xFFFFFFF8, v7;
	v3 =	vadd.s32 v5, v3;
	v9 =	vtrunc.f32 v9  }
0x94: {  	v15 =	vld [tilespmem:s19+$0x8180];
	v6 =	vcvt.f32.s32 v6;
	v5 =	vadd.s32 v7, v8;
	v7 =	vshra.s32 v12, $0x5  }
0x95: {  	v14 =	vld [tilespmem:s19+$0x4180];
	v10 =	vand.u32 $0xFFFFFFC0, v10;
	v9 =	vcvt.f32.s32 v9;
	v3 =	vadd.s32 v7, v3  }
0x96: {  	v13 =	vld [tilespmem:s19+$0x180];
	v11 =	vand.u32 $0xFFFFFFF8, v11;
	v6 =	vshra.s32 v6, $0x5;
	v3 =	vadd.s32 v1, v3  }
0x97: {  	v8 =	vadd.s32 v11, v10;
	[tilespmem:v4+s12+$0x0] =	vst.idx.add.f32.msk $0xffff, v2;
	v7 =	vshra.s32 v9, $0x5;
	v5 =	vadd.s32 v6, v5  }
0x98: {  	v6 =	vld [tilespmem:s17+$0x1E0];
	v4 =	vadd.s32 v7, v8;
	v5 =	vadd.s32 v1, v5  }
0x99: {  	v7 =	vld [tilespmem:s17+$0x41E0];
	v4 =	vadd.s32 v1, v4  }
0x9a: {  	v8 =	vld [tilespmem:s17+$0x81E0]  }
0x9b: {  	[tilespmem:v3+s12+$0x0] =	vst.idx.add.f32.msk $0xffff, v2  }
0x9c: {  	v3 =	vld [tilespmem:s17+$0x40]  }
0x9d: {  	v15 =	vtrunc.f32 v15;
	[tilespmem:v5+s12+$0x0] =	vst.idx.add.f32.msk $0xffff, v2  }
0x9e: {  	v15 =	vcvt.f32.s32 v15;
	[tilespmem:v4+s12+$0x0] =	vst.idx.add.f32.msk $0xffff, v2  }
0x9f: {  	v5 =	vtrunc.f32 v7;
	v4 =	vtrunc.f32 v6;
	v6 =	vld [tilespmem:s17+$0x4040]  }
0xa0: {  	v8 =	vtrunc.f32 v8;
	v5 =	vcvt.f32.s32 v5;
	v7 =	vld [tilespmem:s17+$0xC0]  }
0xa1: {  	v9 =	vld [tilespmem:s17+$0x40C0];
	v8 =	vcvt.f32.s32 v8;
	v4 =	vcvt.f32.s32 v4  }
0xa2: {  	v15 =	vshra.s32 v15, $0x5;
	v14 =	vtrunc.f32 v14;
	v13 =	vtrunc.f32 v13;
	v10 =	vld [tilespmem:s17+$0x140]  }
0xa3: {  	v11 =	vld [tilespmem:s17+$0x4140];
	v5 =	vshra.s32 v5, $0x2;
	v8 =	vshra.s32 v8, $0x5;
	v4 =	vshll.u32 v4, $0x1  }
0xa4: {  	v12 =	vld [tilespmem:s17+$0x8140];
	v5 =	vand.u32 $0xFFFFFFF8, v5;
	v3 =	vtrunc.f32 v3;
	v4 =	vand.u32 $0xFFFFFFC0, v4  }
0xa5: {  	v3 =	vcvt.f32.s32 v3;
	v4 =	vadd.s32 v5, v4;
	v6 =	vtrunc.f32 v6  }
0xa6: {  	v7 =	vtrunc.f32 v7;
	v9 =	vtrunc.f32 v9;
	v4 =	vadd.s32 v8, v4  }
0xa7: {  	v5 =	vld [tilespmem:s17+$0x8040];
	v6 =	vcvt.f32.s32 v6;
	v3 =	vshll.u32 v3, $0x1;
	v7 =	vcvt.f32.s32 v7  }
0xa8: {  	v9 =	vcvt.f32.s32 v9;
	v10 =	vtrunc.f32 v10;
	v4 =	vadd.s32 v1, v4  }
0xa9: {  	v11 =	vtrunc.f32 v11;
	v12 =	vtrunc.f32 v12;
	v3 =	vand.u32 $0xFFFFFFC0, v3  }
0xaa: {  	v8 =	vld [tilespmem:s17+$0x80C0];
	v10 =	vcvt.f32.s32 v10;
	v11 =	vcvt.f32.s32 v11;
	v6 =	vshra.s32 v6, $0x2  }
0xab: {  	v7 =	vshll.u32 v7, $0x1;
	v9 =	vshra.s32 v9, $0x2;
	v6 =	vand.u32 $0xFFFFFFF8, v6  }
0xac: {  	v7 =	vand.u32 $0xFFFFFFC0, v7;
	v9 =	vand.u32 $0xFFFFFFF8, v9;
	v5 =	vtrunc.f32 v5  }
0xad: {  	[tilespmem:v4+s12+$0x0] =	vst.idx.add.f32.msk $0xffff, v2;
	v4 =	vshll.u32 v10, $0x1;
	v10 =	vcvt.f32.s32 v13;
	v13 =	vcvt.f32.s32 v14  }
0xae: {  	v16 =	vld [tilespmem:s19+$0x4000];
	v3 =	vadd.s32 v6, v3;
	v6 =	vadd.s32 v9, v7;
	v5 =	vcvt.f32.s32 v5  }
0xaf: {  	v17 =	vld [tilespmem:s19+$0x80];
	v8 =	vtrunc.f32 v8;
	v10 =	vshll.u32 v10, $0x1;
	v13 =	vshra.s32 v13, $0x2  }
0xb0: {  	v7 =	vld [tilespmem:s19+$0x0];
	v5 =	vshra.s32 v5, $0x5;
	v10 =	vand.u32 $0xFFFFFFC0, v10;
	v13 =	vand.u32 $0xFFFFFFF8, v13  }
0xb1: {  	v18 =	vld [tilespmem:s19+$0x4080];
	v8 =	vcvt.f32.s32 v8;
	v3 =	vadd.s32 v5, v3;
	v10 =	vadd.s32 v13, v10  }
0xb2: {  	v12 =	vcvt.f32.s32 v12;
	v14 =	vld [tilespmem:s17+$0x1F0];
	v3 =	vadd.s32 v1, v3;
	v9 =	vadd.s32 v15, v10  }
0xb3: {  	v11 =	vshra.s32 v11, $0x2;
	v8 =	vshra.s32 v8, $0x5;
	v5 =	vld [tilespmem:s19+$0x8000];
	v9 =	vadd.s32 v1, v9  }
0xb4: {  	v4 =	vand.u32 $0xFFFFFFC0, v4;
	v6 =	vadd.s32 v8, v6;
	v8 =	vshra.s32 v12, $0x5;
	v12 =	vld [tilespmem:s19+$0x4100]  }
0xb5: {  	v7 =	vtrunc.f32 v7;
	v6 =	vadd.s32 v1, v6;
	v10 =	vand.u32 $0xFFFFFFF8, v11;
	v11 =	vld [tilespmem:s19+$0x100]  }
0xb6: {  	v13 =	vtrunc.f32 v16;
	v7 =	vcvt.f32.s32 v7;
	v4 =	vadd.s32 v10, v4;
	v10 =	vld [tilespmem:s19+$0x8080]  }
0xb7: {  	v16 =	vtrunc.f32 v18;
	v13 =	vcvt.f32.s32 v13;
	v4 =	vadd.s32 v8, v4;
	[tilespmem:v3+s12+$0x0] =	vst.idx.add.f32.msk $0xffff, v2  }
0xb8: {  	v15 =	vtrunc.f32 v17;
	v7 =	vshll.u32 v7, $0x1;
	v4 =	vadd.s32 v1, v4;
	[tilespmem:v9+s12+$0x0] =	vst.idx.add.f32.msk $0xffff, v2  }
0xb9: {  	v13 =	vshra.s32 v13, $0x2;
	v9 =	vcvt.f32.s32 v15;
	v15 =	vcvt.f32.s32 v16;
	v16 =	vld [tilespmem:s19+$0x190]  }
0xba: {  	v5 =	vtrunc.f32 v5;
	v7 =	vand.u32 $0xFFFFFFC0, v7;
	v13 =	vand.u32 $0xFFFFFFF8, v13;
	v17 =	vld [tilespmem:s19+$0x4190]  }
0xbb: {  	v5 =	vcvt.f32.s32 v5;
	[tilespmem:v6+s12+$0x0] =	vst.idx.add.f32.msk $0xffff, v2;
	v7 =	vadd.s32 v13, v7;
	v10 =	vtrunc.f32 v10  }
0xbc: {  	v10 =	vcvt.f32.s32 v10;
	v3 =	vshll.u32 v9, $0x1;
	v9 =	vshra.s32 v15, $0x2;
	v15 =	vld [tilespmem:s19+$0x8190]  }
0xbd: {  	[tilespmem:v4+s12+$0x0] =	vst.idx.add.f32.msk $0xffff, v2;
	v4 =	vshra.s32 v5, $0x5;
	v3 =	vand.u32 $0xFFFFFFC0, v3;
	v6 =	vand.u32 $0xFFFFFFF8, v9  }
0xbe: {  	v8 =	vld [tilespmem:s19+$0x8100];
	v5 =	vshra.s32 v10, $0x5;
	v4 =	vadd.s32 v4, v7;
	v3 =	vadd.s32 v6, v3  }
0xbf: {  	v10 =	vld [tilespmem:s17+$0x4050];
	v4 =	vadd.s32 v1, v4;
	v7 =	vtrunc.f32 v16;
	v9 =	vtrunc.f32 v17  }
0xc0: {  	v6 =	vld [tilespmem:s17+$0x50];
	v3 =	vadd.s32 v5, v3;
	v5 =	vcvt.f32.s32 v7;
	v7 =	vcvt.f32.s32 v9  }
0xc1: {  	v13 =	vadd.s32 v1, v3;
	v16 =	vld [tilespmem:s17+$0x150];
	v3 =	vtrunc.f32 v15  }
0xc2: {  	v17 =	vld [tilespmem:s17+$0x4150];
	v3 =	vcvt.f32.s32 v3;
	v5 =	vshll.u32 v5, $0x1;
	v7 =	vshra.s32 v7, $0x2  }
0xc3: {  	v9 =	vld [tilespmem:s17+$0xD0];
	v5 =	vand.u32 $0xFFFFFFC0, v5;
	v7 =	vand.u32 $0xFFFFFFF8, v7  }
0xc4: {  	v11 =	vtrunc.f32 v11;
	v15 =	vld [tilespmem:s17+$0x40D0];
	v3 =	vshra.s32 v3, $0x5;
	v5 =	vadd.s32 v7, v5  }
0xc5: {  	v11 =	vcvt.f32.s32 v11;
	[tilespmem:v4+s12+$0x0] =	vst.idx.add.f32.msk $0xffff, v2;
	v3 =	vadd.s32 v3, v5  }
0xc6: {  	v10 =	vtrunc.f32 v10;
	v7 =	vtrunc.f32 v12;
	v12 =	vld [tilespmem:s17+$0x8050];
	v4 =	vadd.s32 v1, v3  }
0xc7: {  	v6 =	vtrunc.f32 v6;
	[tilespmem:v13+s12+$0x0] =	vst.idx.add.f32.msk $0xffff, v2;
	v5 =	vcvt.f32.s32 v7  }
0xc8: {  	v6 =	vcvt.f32.s32 v6;
	v13 =	vld [tilespmem:s19+$0x4010];
	v7 =	vtrunc.f32 v8  }
0xc9: {  	v8 =	vshll.u32 v11, $0x1;
	v11 =	vld [tilespmem:s19+$0x10];
	v7 =	vcvt.f32.s32 v7;
	v5 =	vshra.s32 v5, $0x2  }
0xca: {  	v3 =	vtrunc.f32 v14;
	v8 =	vand.u32 $0xFFFFFFC0, v8;
	v14 =	vld [tilespmem:s19+$0x90];
	v5 =	vand.u32 $0xFFFFFFF8, v5  }
0xcb: {  	v3 =	vcvt.f32.s32 v3;
	v7 =	vshra.s32 v7, $0x5;
	v5 =	vadd.s32 v5, v8;
	[tilespmem:v4+s12+$0x0] =	vst.idx.add.f32.msk $0xffff, v2  }
0xcc: {  	v8 =	vtrunc.f32 v9;
	v4 =	vadd.s32 v7, v5;
	v5 =	vtrunc.f32 v17;
	v17 =	vld [tilespmem:s19+$0x4090]  }
0xcd: {  	v9 =	vtrunc.f32 v15;
	v7 =	vcvt.f32.s32 v10;
	v10 =	vld [tilespmem:s19+$0x1A0]  }
0xce: {  	v15 =	vtrunc.f32 v16;
	v12 =	vtrunc.f32 v12;
	v4 =	vadd.s32 v1, v4;
	v16 =	vld [tilespmem:s19+$0x41A0]  }
0xcf: {  	v13 =	vtrunc.f32 v13;
	v8 =	vcvt.f32.s32 v8;
	v18 =	vld [tilespmem:s19+$0x81A0]  }
0xd0: {  	v11 =	vtrunc.f32 v11;
	v13 =	vcvt.f32.s32 v13  }
0xd1: {  	v11 =	vcvt.f32.s32 v11;
	v14 =	vtrunc.f32 v14  }
0xd2: {  	v6 =	vshll.u32 v6, $0x1;
	v14 =	vcvt.f32.s32 v14;
	v17 =	vtrunc.f32 v17  }
0xd3: {  	[tilespmem:v4+s12+$0x0] =	vst.idx.add.f32.msk $0xffff, v2;
	v4 =	vshra.s32 v7, $0x2;
	v7 =	vtrunc.f32 v10;
	v10 =	vtrunc.f32 v16  }
0xd4: {  	v20 =	vld [tilespmem:s19+$0x8010];
	v6 =	vand.u32 $0xFFFFFFC0, v6;
	v18 =	vtrunc.f32 v18;
	v17 =	vcvt.f32.s32 v17  }
0xd5: {  	v11 =	vshll.u32 v11, $0x1;
	v16 =	vld [tilespmem:s19+$0x110];
	v7 =	vcvt.f32.s32 v7;
	v10 =	vcvt.f32.s32 v10  }
0xd6: {  	v13 =	vshra.s32 v13, $0x2;
	v11 =	vand.u32 $0xFFFFFFC0, v11;
	v19 =	vld [tilespmem:s19+$0x4110];
	v18 =	vcvt.f32.s32 v18  }
0xd7: {  	v21 =	vld [tilespmem:s19+$0x8090];
	v17 =	vshra.s32 v17, $0x2;
	v7 =	vshll.u32 v7, $0x1;
	v10 =	vshra.s32 v10, $0x2  }
0xd8: {  	v22 =	vld [tilespmem:s19+$0x8110];
	v18 =	vshra.s32 v18, $0x5;
	v7 =	vand.u32 $0xFFFFFFC0, v7;
	v10 =	vand.u32 $0xFFFFFFF8, v10  }
0xd9: {  	v17 =	vand.u32 $0xFFFFFFF8, v17;
	v7 =	vadd.s32 v10, v7;
	v10 =	vand.u32 $0xFFFFFFF8, v13  }
0xda: {  	v13 =	vshll.u32 v14, $0x1;
	v7 =	vadd.s32 v18, v7;
	v14 =	vtrunc.f32 v16  }
0xdb: {  	v16 =	vtrunc.f32 v19;
	v18 =	vtrunc.f32 v20;
	v13 =	vand.u32 $0xFFFFFFC0, v13  }
0xdc: {  	v7 =	vadd.s32 v1, v7;
	v14 =	vcvt.f32.s32 v14;
	v16 =	vcvt.f32.s32 v16  }
0xdd: {  	v19 =	vtrunc.f32 v21;
	v21 =	vtrunc.f32 v22;
	v10 =	vadd.s32 v10, v11  }
0xde: {  	v21 =	vcvt.f32.s32 v21;
	v14 =	vshll.u32 v14, $0x1;
	v16 =	vshra.s32 v16, $0x2  }
0xdf: {  	v18 =	vcvt.f32.s32 v18;
	v14 =	vand.u32 $0xFFFFFFC0, v14;
	v11 =	vand.u32 $0xFFFFFFF8, v16  }
0xe0: {  	v19 =	vcvt.f32.s32 v19;
	v11 =	vadd.s32 v11, v14;
	v14 =	vshra.s32 v21, $0x5  }
0xe1: {  	[tilespmem:v7+s12+$0x0] =	vst.idx.add.f32.msk $0xffff, v2;
	v7 =	vadd.s32 v17, v13;
	v13 =	vshra.s32 v18, $0x5;
	v11 =	vadd.s32 v14, v11  }
0xe2: {  	v17 =	vshra.s32 v19, $0x5;
	v16 =	vld [tilespmem:s19+$0x1B0];
	v10 =	vadd.s32 v13, v10;
	v11 =	vadd.s32 v1, v11  }
0xe3: {  	v9 =	vcvt.f32.s32 v9;
	v13 =	vld [tilespmem:s19+$0x41B0];
	v7 =	vadd.s32 v17, v7;
	v10 =	vadd.s32 v1, v10  }
0xe4: {  	v3 =	vshll.u32 v3, $0x1;
	v15 =	vcvt.f32.s32 v15;
	v20 =	vld [tilespmem:s17+$0x80D0];
	v7 =	vadd.s32 v1, v7  }
0xe5: {  	v12 =	vcvt.f32.s32 v12;
	v8 =	vshll.u32 v8, $0x1;
	v9 =	vshra.s32 v9, $0x2;
	v14 =	vld [tilespmem:s19+$0x81B0]  }
0xe6: {  	v5 =	vcvt.f32.s32 v5;
	v8 =	vand.u32 $0xFFFFFFC0, v8;
	v9 =	vand.u32 $0xFFFFFFF8, v9;
	v22 =	vld [tilespmem:s17+$0x8150]  }
0xe7: {  	v15 =	vshll.u32 v15, $0x1;
	v12 =	vshra.s32 v12, $0x5;
	v8 =	vadd.s32 v9, v8;
	[tilespmem:v11+s12+$0x0] =	vst.idx.add.f32.msk $0xffff, v2  }
0xe8: {  	v4 =	vand.u32 $0xFFFFFFF8, v4;
	v16 =	vtrunc.f32 v16;
	v13 =	vtrunc.f32 v13;
	[tilespmem:v10+s12+$0x0] =	vst.idx.add.f32.msk $0xffff, v2  }
0xe9: {  	v4 =	vadd.s32 v4, v6;
	v10 =	vcvt.f32.s32 v16;
	v13 =	vcvt.f32.s32 v13;
	[tilespmem:v7+s12+$0x0] =	vst.idx.add.f32.msk $0xffff, v2  }
0xea: {  	v4 =	vadd.s32 v12, v4;
	v17 =	vtrunc.f32 v20;
	v7 =	vtrunc.f32 v14;
	v9 =	vld [tilespmem:s19+$0x120]  }
0xeb: {  	v12 =	vld [tilespmem:s19+$0x4120];
	v7 =	vcvt.f32.s32 v7;
	v10 =	vshll.u32 v10, $0x1;
	v11 =	vshra.s32 v13, $0x2  }
0xec: {  	v14 =	vcvt.f32.s32 v17;
	v17 =	vld [tilespmem:s19+$0xA0];
	v10 =	vand.u32 $0xFFFFFFC0, v10;
	v11 =	vand.u32 $0xFFFFFFF8, v11  }
0xed: {  	v5 =	vshra.s32 v5, $0x2;
	v13 =	vld [tilespmem:s19+$0x20];
	v7 =	vshra.s32 v7, $0x5;
	v10 =	vadd.s32 v11, v10  }
0xee: {  	v5 =	vand.u32 $0xFFFFFFF8, v5;
	v6 =	vand.u32 $0xFFFFFFC0, v15;
	v16 =	vld [tilespmem:s19+$0x4020];
	v7 =	vadd.s32 v7, v10  }
0xef: {  	v5 =	vadd.s32 v5, v6;
	v18 =	vtrunc.f32 v22;
	v7 =	vadd.s32 v1, v7  }
0xf0: {  	v4 =	vadd.s32 v1, v4;
	v6 =	vshra.s32 v14, $0x5;
	v11 =	vcvt.f32.s32 v18;
	v10 =	vld [tilespmem:s19+$0x40A0]  }
0xf1: {  	v6 =	vadd.s32 v6, v8;
	v9 =	vtrunc.f32 v9;
	v15 =	vtrunc.f32 v17;
	v17 =	vld [tilespmem:s19+$0x8120]  }
0xf2: {  	v12 =	vtrunc.f32 v12;
	v11 =	vshra.s32 v11, $0x5;
	v8 =	vtrunc.f32 v13;
	v13 =	vld [tilespmem:s19+$0x8020]  }
0xf3: {  	v14 =	vtrunc.f32 v16;
	v9 =	vcvt.f32.s32 v9;
	v5 =	vadd.s32 v11, v5;
	v11 =	vld [tilespmem:s19+$0x80A0]  }
0xf4: {  	v6 =	vadd.s32 v1, v6;
	v12 =	vcvt.f32.s32 v12;
	v8 =	vcvt.f32.s32 v8;
	[tilespmem:v7+s12+$0x0] =	vst.idx.add.f32.msk $0xffff, v2  }
0xf5: {  	v5 =	vadd.s32 v1, v5;
	v7 =	vcvt.f32.s32 v14;
	v14 =	vcvt.f32.s32 v15;
	v15 =	vld [tilespmem:s19+$0x1C0]  }
0xf6: {  	v9 =	vshll.u32 v9, $0x1;
	v8 =	vshll.u32 v8, $0x1;
	v10 =	vtrunc.f32 v10;
	v16 =	vld [tilespmem:s19+$0x41C0]  }
0xf7: {  	[tilespmem:v4+s12+$0x0] =	vst.idx.add.f32.msk $0xffff, v2;
	v9 =	vand.u32 $0xFFFFFFC0, v9;
	v10 =	vcvt.f32.s32 v10;
	v8 =	vand.u32 $0xFFFFFFC0, v8  }
0xf8: {  	v4 =	vtrunc.f32 v17;
	v13 =	vtrunc.f32 v13;
	v18 =	vld [tilespmem:s19+$0x81C0];
	v7 =	vshra.s32 v7, $0x2  }
0xf9: {  	v11 =	vtrunc.f32 v11;
	v13 =	vcvt.f32.s32 v13;
	v7 =	vand.u32 $0xFFFFFFF8, v7  }
0xfa: {  	v4 =	vcvt.f32.s32 v4;
	v14 =	vshll.u32 v14, $0x1;
	v7 =	vadd.s32 v7, v8  }
0xfb: {  	[tilespmem:v5+s12+$0x0] =	vst.idx.add.f32.msk $0xffff, v2;
	v5 =	vshra.s32 v13, $0x5;
	v15 =	vtrunc.f32 v15;
	v16 =	vtrunc.f32 v16  }
0xfc: {  	v19 =	vld [tilespmem:s17+$0x41F0];
	v5 =	vadd.s32 v5, v7;
	v15 =	vcvt.f32.s32 v15;
	v16 =	vcvt.f32.s32 v16  }
0xfd: {  	v20 =	vld [tilespmem:s17+$0x81F0];
	v10 =	vshra.s32 v10, $0x2;
	v8 =	vtrunc.f32 v18;
	v5 =	vadd.s32 v1, v5  }
0xfe: {  	[tilespmem:v6+s12+$0x0] =	vst.idx.add.f32.msk $0xffff, v2;
	v6 =	vcvt.f32.s32 v8;
	v8 =	vshll.u32 v15, $0x1;
	v15 =	vshra.s32 v16, $0x2  }
0xff: {  	v11 =	vcvt.f32.s32 v11;
	v8 =	vand.u32 $0xFFFFFFC0, v8;
	v13 =	vand.u32 $0xFFFFFFF8, v15;
	v15 =	vld [tilespmem:s17+$0x60]  }
0x100: {  	v6 =	vshra.s32 v6, $0x5;
	v7 =	vadd.s32 v13, v8;
	v8 =	vshra.s32 v12, $0x2;
	v12 =	vld [tilespmem:s17+$0x4060]  }
0x101: {  	v10 =	vand.u32 $0xFFFFFFF8, v10;
	v4 =	vshra.s32 v4, $0x5;
	v13 =	vld [tilespmem:s17+$0xE0];
	v6 =	vadd.s32 v6, v7  }
0x102: {  	v7 =	vand.u32 $0xFFFFFFC0, v14;
	v8 =	vand.u32 $0xFFFFFFF8, v8;
	v14 =	vld [tilespmem:s17+$0x160];
	v6 =	vadd.s32 v1, v6  }
0x103: {  	[tilespmem:v5+s12+$0x0] =	vst.idx.add.f32.msk $0xffff, v2;
	v7 =	vadd.s32 v10, v7;
	v10 =	vshra.s32 v11, $0x5;
	v8 =	vadd.s32 v8, v9  }
0x104: {  	v11 =	vld [tilespmem:s17+$0x40E0];
	v7 =	vadd.s32 v10, v7;
	v10 =	vtrunc.f32 v19;
	v4 =	vadd.s32 v4, v8  }
0x105: {  	v9 =	vld [tilespmem:s17+$0x4160];
	v8 =	vtrunc.f32 v20;
	v7 =	vadd.s32 v1, v7;
	v5 =	vcvt.f32.s32 v10  }
0x106: {  	v3 =	vand.u32 $0xFFFFFFC0, v3;
	v19 =	vld [tilespmem:s19+$0x8030];
	v12 =	vtrunc.f32 v12;
	v13 =	vtrunc.f32 v13  }
0x107: {  	v4 =	vadd.s32 v1, v4;
	v14 =	vtrunc.f32 v14;
	v12 =	vcvt.f32.s32 v12;
	[tilespmem:v6+s12+$0x0] =	vst.idx.add.f32.msk $0xffff, v2  }
0x108: {  	v5 =	vshra.s32 v5, $0x2;
	v13 =	vcvt.f32.s32 v13;
	v6 =	vcvt.f32.s32 v8;
	v10 =	vld [tilespmem:s19+$0x1D0]  }
0x109: {  	v8 =	vtrunc.f32 v15;
	v11 =	vtrunc.f32 v11;
	v5 =	vand.u32 $0xFFFFFFF8, v5;
	v15 =	vld [tilespmem:s19+$0x41D0]  }
0x10a: {  	v8 =	vcvt.f32.s32 v8;
	v3 =	vadd.s32 v5, v3;
	v5 =	vcvt.f32.s32 v14;
	[tilespmem:v7+s12+$0x0] =	vst.idx.add.f32.msk $0xffff, v2  }
0x10b: {  	v19 =	vtrunc.f32 v19;
	v12 =	vshra.s32 v12, $0x2;
	v7 =	vtrunc.f32 v9;
	v9 =	vld [tilespmem:s19+$0x81D0]  }
0x10c: {  	v13 =	vshll.u32 v13, $0x1;
	v6 =	vshra.s32 v6, $0x5;
	[tilespmem:v4+s12+$0x0] =	vst.idx.add.f32.msk $0xffff, v2;
	v4 =	vcvt.f32.s32 v11  }
0x10d: {  	v11 =	vld [tilespmem:s19+$0x30];
	v12 =	vand.u32 $0xFFFFFFF8, v12;
	v13 =	vand.u32 $0xFFFFFFC0, v13;
	v7 =	vcvt.f32.s32 v7  }
0x10e: {  	v3 =	vadd.s32 v6, v3;
	v6 =	vld [tilespmem:s19+$0x4030];
	v10 =	vtrunc.f32 v10;
	v14 =	vtrunc.f32 v15  }
0x10f: {  	v8 =	vshll.u32 v8, $0x1;
	v17 =	vld [tilespmem:s19+$0x130];
	v10 =	vcvt.f32.s32 v10;
	v14 =	vcvt.f32.s32 v14  }
0x110: {  	v18 =	vld [tilespmem:s19+$0x4130];
	v5 =	vshll.u32 v5, $0x1;
	v4 =	vshra.s32 v4, $0x2;
	v9 =	vtrunc.f32 v9  }
0x111: {  	v16 =	vld [tilespmem:s19+$0x40B0];
	v9 =	vcvt.f32.s32 v9;
	v10 =	vshll.u32 v10, $0x1;
	v14 =	vshra.s32 v14, $0x2  }
0x112: {  	v15 =	vld [tilespmem:s19+$0xB0];
	v11 =	vtrunc.f32 v11;
	v10 =	vand.u32 $0xFFFFFFC0, v10;
	v14 =	vand.u32 $0xFFFFFFF8, v14  }
0x113: {  	v6 =	vtrunc.f32 v6;
	v9 =	vshra.s32 v9, $0x5;
	v10 =	vadd.s32 v14, v10  }
0x114: {  	v11 =	vcvt.f32.s32 v11;
	v17 =	vtrunc.f32 v17;
	v9 =	vadd.s32 v9, v10  }
0x115: {  	v18 =	vtrunc.f32 v18;
	v6 =	vcvt.f32.s32 v6;
	v9 =	vadd.s32 v1, v9  }
0x116: {  	v17 =	vcvt.f32.s32 v17;
	v18 =	vcvt.f32.s32 v18;
	v11 =	vshll.u32 v11, $0x1;
	v14 =	vld [tilespmem:s19+$0x80B0]  }
0x117: {  	v15 =	vtrunc.f32 v15;
	v6 =	vshra.s32 v6, $0x2;
	v10 =	vtrunc.f32 v16;
	v16 =	vld [tilespmem:s19+$0x8130]  }
0x118: {  	v17 =	vshll.u32 v17, $0x1;
	v18 =	vshra.s32 v18, $0x2;
	v11 =	vand.u32 $0xFFFFFFC0, v11  }
0x119: {  	v15 =	vcvt.f32.s32 v15;
	v6 =	vand.u32 $0xFFFFFFF8, v6;
	v10 =	vcvt.f32.s32 v10  }
0x11a: {  	v17 =	vand.u32 $0xFFFFFFC0, v17;
	v18 =	vand.u32 $0xFFFFFFF8, v18;
	v6 =	vadd.s32 v6, v11;
	[tilespmem:v9+s12+$0x0] =	vst.idx.add.f32.msk $0xffff, v2  }
0x11b: {  	v15 =	vshll.u32 v15, $0x1;
	v10 =	vshra.s32 v10, $0x2;
	v9 =	vcvt.f32.s32 v19;
	v19 =	vld [tilespmem:s19+$0x1E0]  }
0x11c: {  	v15 =	vand.u32 $0xFFFFFFC0, v15;
	v14 =	vtrunc.f32 v14;
	v16 =	vtrunc.f32 v16;
	v20 =	vld [tilespmem:s19+$0x41E0]  }
0x11d: {  	v21 =	vld [tilespmem:s17+$0x8060];
	v10 =	vand.u32 $0xFFFFFFF8, v10;
	v14 =	vcvt.f32.s32 v14;
	v16 =	vcvt.f32.s32 v16  }
0x11e: {  	v11 =	vadd.s32 v18, v17;
	v10 =	vadd.s32 v10, v15;
	v15 =	vld [tilespmem:s19+$0x81E0];
	v9 =	vshra.s32 v9, $0x5  }
0x11f: {  	v14 =	vshra.s32 v14, $0x5;
	v16 =	vshra.s32 v16, $0x5;
	v6 =	vadd.s32 v9, v6  }
0x120: {  	v9 =	vadd.s32 v14, v10;
	v10 =	vadd.s32 v16, v11;
	v6 =	vadd.s32 v1, v6  }
0x121: {  	v17 =	vld [tilespmem:s17+$0x8160];
	v9 =	vadd.s32 v1, v9;
	v14 =	vtrunc.f32 v19;
	v16 =	vtrunc.f32 v20  }
0x122: {  	s20 =	simm.s32 $0x400;
	v11 =	vld [tilespmem:s17+$0x80E0];
	v10 =	vadd.s32 v1, v10;
	v14 =	vcvt.f32.s32 v14;
	v16 =	vcvt.f32.s32 v16  }
0x123: {  	v8 =	vand.u32 $0xFFFFFFC0, v8;
	v18 =	vtrunc.f32 v21;
	v21 =	vld [tilespmem:s20+$0x8180];
	v15 =	vtrunc.f32 v15  }
0x124: {  	v20 =	vld [tilespmem:s20+$0x4000];
	v15 =	vcvt.f32.s32 v15;
	v14 =	vshll.u32 v14, $0x1;
	v16 =	vshra.s32 v16, $0x2  }
0x125: {  	v5 =	vand.u32 $0xFFFFFFC0, v5;
	[tilespmem:v6+s12+$0x0] =	vst.idx.add.f32.msk $0xffff, v2;
	v14 =	vand.u32 $0xFFFFFFC0, v14;
	v16 =	vand.u32 $0xFFFFFFF8, v16  }
0x126: {  	v7 =	vshra.s32 v7, $0x2;
	v6 =	vshra.s32 v15, $0x5;
	[tilespmem:v9+s12+$0x0] =	vst.idx.add.f32.msk $0xffff, v2;
	v14 =	vadd.s32 v16, v14  }
0x127: {  	v4 =	vand.u32 $0xFFFFFFF8, v4;
	v11 =	vtrunc.f32 v11;
	[tilespmem:v10+s12+$0x0] =	vst.idx.add.f32.msk $0xffff, v2;
	v6 =	vadd.s32 v6, v14  }
0x128: {  	v8 =	vadd.s32 v12, v8;
	v11 =	vcvt.f32.s32 v11;
	v12 =	vld [tilespmem:s19+$0x40C0];
	v6 =	vadd.s32 v1, v6  }
0x129: {  	v7 =	vand.u32 $0xFFFFFFF8, v7;
	v4 =	vadd.s32 v4, v13;
	v21 =	vtrunc.f32 v21;
	v16 =	vld [tilespmem:s19+$0xC0]  }
0x12a: {  	v5 =	vadd.s32 v7, v5;
	v21 =	vcvt.f32.s32 v21;
	v10 =	vld [tilespmem:s19+$0x40];
	v11 =	vshra.s32 v11, $0x5  }
0x12b: {  	v9 =	vtrunc.f32 v17;
	v14 =	vcvt.f32.s32 v18;
	v4 =	vadd.s32 v11, v4;
	v11 =	vld [tilespmem:s19+$0x140]  }
0x12c: {  	v21 =	vshra.s32 v21, $0x5;
	v9 =	vcvt.f32.s32 v9;
	v15 =	vld [tilespmem:s19+$0x4040];
	v20 =	vtrunc.f32 v20  }
0x12d: {  	v4 =	vadd.s32 v1, v4;
	v7 =	vshra.s32 v14, $0x5;
	v12 =	vtrunc.f32 v12;
	[tilespmem:v6+s12+$0x0] =	vst.idx.add.f32.msk $0xffff, v2  }
0x12e: {  	v13 =	vtrunc.f32 v16;
	v12 =	vcvt.f32.s32 v12;
	v6 =	vadd.s32 v7, v8;
	v8 =	vld [tilespmem:s19+$0x1F0]  }
0x12f: {  	v13 =	vcvt.f32.s32 v13;
	v7 =	vshra.s32 v9, $0x5;
	v9 =	vtrunc.f32 v10;
	v10 =	vld [tilespmem:s19+$0x41F0]  }
0x130: {  	v11 =	vtrunc.f32 v11;
	v5 =	vadd.s32 v7, v5;
	v7 =	vcvt.f32.s32 v9;
	v14 =	vld [tilespmem:s19+$0x81F0]  }
0x131: {  	v12 =	vshra.s32 v12, $0x2;
	v6 =	vadd.s32 v1, v6;
	v9 =	vtrunc.f32 v15  }
0x132: {  	v17 =	vld [tilespmem:s19+$0x80C0];
	v13 =	vshll.u32 v13, $0x1;
	v9 =	vcvt.f32.s32 v9;
	v7 =	vshll.u32 v7, $0x1  }
0x133: {  	v15 =	vld [tilespmem:s19+$0x4140];
	v5 =	vadd.s32 v1, v5;
	v13 =	vand.u32 $0xFFFFFFC0, v13;
	v7 =	vand.u32 $0xFFFFFFC0, v7  }
0x134: {  	v18 =	vld [tilespmem:s19+$0x8140];
	v9 =	vshra.s32 v9, $0x2;
	v8 =	vtrunc.f32 v8;
	v10 =	vtrunc.f32 v10  }
0x135: {  	v16 =	vld [tilespmem:s19+$0x8040];
	v9 =	vand.u32 $0xFFFFFFF8, v9;
	v14 =	vtrunc.f32 v14;
	v8 =	vcvt.f32.s32 v8  }
0x136: {  	[tilespmem:v6+s12+$0x0] =	vst.idx.add.f32.msk $0xffff, v2;
	v6 =	vand.u32 $0xFFFFFFF8, v12;
	v10 =	vcvt.f32.s32 v10;
	v12 =	vcvt.f32.s32 v14  }
0x137: {  	[tilespmem:v4+s12+$0x0] =	vst.idx.add.f32.msk $0xffff, v2;
	v7 =	vadd.s32 v9, v7;
	v6 =	vadd.s32 v6, v13;
	v4 =	vshll.u32 v8, $0x1  }
0x138: {  	[tilespmem:v5+s12+$0x0] =	vst.idx.add.f32.msk $0xffff, v2;
	v8 =	vshra.s32 v10, $0x2;
	v10 =	vtrunc.f32 v15;
	v12 =	vshra.s32 v12, $0x5  }
0x139: {  	v14 =	vld [tilespmem:s17+$0x4070];
	v4 =	vand.u32 $0xFFFFFFC0, v4;
	v5 =	vand.u32 $0xFFFFFFF8, v8;
	v8 =	vcvt.f32.s32 v11  }
0x13a: {  	v15 =	vld [tilespmem:s17+$0xF0];
	v10 =	vcvt.f32.s32 v10;
	v4 =	vadd.s32 v5, v4;
	v5 =	vtrunc.f32 v16  }
0x13b: {  	v11 =	vld [tilespmem:s17+$0x70];
	v16 =	vtrunc.f32 v18;
	v4 =	vadd.s32 v12, v4;
	v12 =	vtrunc.f32 v17  }
0x13c: {  	v19 =	vld [tilespmem:s20+$0x180];
	v5 =	vcvt.f32.s32 v5;
	v8 =	vshll.u32 v8, $0x1;
	v10 =	vshra.s32 v10, $0x2  }
0x13d: {  	v18 =	vld [tilespmem:s17+$0x170];
	v12 =	vcvt.f32.s32 v12;
	v8 =	vand.u32 $0xFFFFFFC0, v8;
	v9 =	vand.u32 $0xFFFFFFF8, v10  }
0x13e: {  	v16 =	vcvt.f32.s32 v16;
	v10 =	vld [tilespmem:s20+$0x4180];
	v5 =	vshra.s32 v5, $0x5;
	v13 =	vadd.s32 v9, v8  }
0x13f: {  	v17 =	vld [tilespmem:s17+$0x40F0];
	v9 =	vtrunc.f32 v14;
	v8 =	vtrunc.f32 v15;
	v12 =	vshra.s32 v12, $0x5  }
0x140: {  	v14 =	vld [tilespmem:s20+$0x80];
	v5 =	vadd.s32 v5, v7;
	v7 =	vtrunc.f32 v11;
	v11 =	vshra.s32 v16, $0x5  }
0x141: {  	v15 =	vld [tilespmem:s20+$0x4080];
	v12 =	vadd.s32 v12, v6;
	v5 =	vadd.s32 v1, v5;
	v16 =	vcvt.f32.s32 v7  }
0x142: {  	v7 =	vtrunc.f32 v18;
	v18 =	vtrunc.f32 v19;
	v11 =	vadd.s32 v11, v13;
	v13 =	vld [tilespmem:s20+$0x4100]  }
0x143: {  	v19 =	vld [tilespmem:s20+$0x0];
	v12 =	vadd.s32 v1, v12;
	v18 =	vcvt.f32.s32 v18;
	v10 =	vtrunc.f32 v10  }
0x144: {  	v6 =	vtrunc.f32 v17;
	v17 =	vld [tilespmem:s20+$0x100];
	v11 =	vadd.s32 v1, v11;
	v10 =	vcvt.f32.s32 v10  }
0x145: {  	v22 =	vld [tilespmem:s20+$0x8000];
	v20 =	vcvt.f32.s32 v20;
	v18 =	vshll.u32 v18, $0x1;
	v14 =	vtrunc.f32 v14  }
0x146: {  	v23 =	vld [tilespmem:s20+$0x8080];
	v15 =	vtrunc.f32 v15;
	v18 =	vand.u32 $0xFFFFFFC0, v18;
	v10 =	vshra.s32 v10, $0x2  }
0x147: {  	v14 =	vcvt.f32.s32 v14;
	v15 =	vcvt.f32.s32 v15;
	[tilespmem:v5+s12+$0x0] =	vst.idx.add.f32.msk $0xffff, v2;
	v10 =	vand.u32 $0xFFFFFFF8, v10  }
0x148: {  	v13 =	vtrunc.f32 v13;
	v19 =	vtrunc.f32 v19;
	[tilespmem:v12+s12+$0x0] =	vst.idx.add.f32.msk $0xffff, v2;
	v10 =	vadd.s32 v10, v18  }
0x149: {  	v17 =	vtrunc.f32 v17;
	v5 =	vcvt.f32.s32 v19;
	[tilespmem:v11+s12+$0x0] =	vst.idx.add.f32.msk $0xffff, v2;
	v10 =	vadd.s32 v21, v10  }
0x14a: {  	v12 =	vshra.s32 v20, $0x2;
	v11 =	vtrunc.f32 v22;
	v19 =	vld [tilespmem:s19+$0x50];
	v10 =	vadd.s32 v1, v10  }
0x14b: {  	v13 =	vcvt.f32.s32 v13;
	v20 =	vtrunc.f32 v23;
	v14 =	vshll.u32 v14, $0x1;
	v18 =	vld [tilespmem:s20+$0x8100]  }
0x14c: {  	v15 =	vshra.s32 v15, $0x2;
	v22 =	vld [tilespmem:s19+$0x4050];
	v17 =	vcvt.f32.s32 v17;
	v12 =	vand.u32 $0xFFFFFFF8, v12  }
0x14d: {  	v14 =	vand.u32 $0xFFFFFFC0, v14;
	v15 =	vand.u32 $0xFFFFFFF8, v15;
	v23 =	vld [tilespmem:s19+$0x80D0];
	v5 =	vshll.u32 v5, $0x1  }
0x14e: {  	v24 =	vld [tilespmem:s19+$0x8150];
	v13 =	vshra.s32 v13, $0x2;
	v17 =	vshll.u32 v17, $0x1;
	v5 =	vand.u32 $0xFFFFFFC0, v5  }
0x14f: {  	v13 =	vand.u32 $0xFFFFFFF8, v13;
	v5 =	vadd.s32 v12, v5;
	[tilespmem:v10+s12+$0x0] =	vst.idx.add.f32.msk $0xffff, v2;
	v10 =	vcvt.f32.s32 v11  }
0x150: {  	v12 =	vadd.s32 v15, v14;
	v15 =	vld [tilespmem:s19+$0xD0];
	v18 =	vtrunc.f32 v18;
	v11 =	vcvt.f32.s32 v20  }
0x151: {  	v17 =	vand.u32 $0xFFFFFFC0, v17;
	v18 =	vcvt.f32.s32 v18;
	v20 =	vld [tilespmem:s20+$0x190];
	v10 =	vshra.s32 v10, $0x5  }
0x152: {  	v13 =	vadd.s32 v13, v17;
	v21 =	vld [tilespmem:s20+$0x4190];
	v11 =	vshra.s32 v11, $0x5;
	v5 =	vadd.s32 v10, v5  }
0x153: {  	v14 =	vld [tilespmem:s20+$0x8190];
	v17 =	vshra.s32 v18, $0x5;
	v10 =	vadd.s32 v11, v12;
	v5 =	vadd.s32 v1, v5  }
0x154: {  	v18 =	vld [tilespmem:s19+$0x40D0];
	v11 =	vadd.s32 v17, v13;
	v10 =	vadd.s32 v1, v10  }
0x155: {  	v12 =	vld [tilespmem:s19+$0x150];
	v11 =	vadd.s32 v1, v11  }
0x156: {  	v8 =	vcvt.f32.s32 v8;
	v13 =	vtrunc.f32 v20;
	v20 =	vld [tilespmem:s19+$0x4150]  }
0x157: {  	v19 =	vtrunc.f32 v19;
	v17 =	vtrunc.f32 v21;
	v21 =	vld [tilespmem:s19+$0x8050]  }
0x158: {  	v22 =	vtrunc.f32 v22;
	v14 =	vtrunc.f32 v14;
	[tilespmem:v5+s12+$0x0] =	vst.idx.add.f32.msk $0xffff, v2  }
0x159: {  	v13 =	vcvt.f32.s32 v13;
	v17 =	vcvt.f32.s32 v17;
	[tilespmem:v10+s12+$0x0] =	vst.idx.add.f32.msk $0xffff, v2  }
0x15a: {  	v16 =	vshll.u32 v16, $0x1;
	v14 =	vcvt.f32.s32 v14;
	v12 =	vtrunc.f32 v12;
	[tilespmem:v11+s12+$0x0] =	vst.idx.add.f32.msk $0xffff, v2  }
0x15b: {  	v13 =	vshll.u32 v13, $0x1;
	v17 =	vshra.s32 v17, $0x2;
	v10 =	vtrunc.f32 v18;
	v18 =	vld [tilespmem:s20+$0x4010]  }
0x15c: {  	v5 =	vshra.s32 v14, $0x5;
	v13 =	vand.u32 $0xFFFFFFC0, v13;
	v17 =	vand.u32 $0xFFFFFFF8, v17;
	v25 =	vld [tilespmem:s20+$0x110]  }
0x15d: {  	v14 =	vtrunc.f32 v15;
	v12 =	vcvt.f32.s32 v12;
	v27 =	vld [tilespmem:s20+$0x4110];
	v13 =	vadd.s32 v17, v13  }
0x15e: {  	v14 =	vcvt.f32.s32 v14;
	v10 =	vcvt.f32.s32 v10;
	v28 =	vld [tilespmem:s20+$0x8010];
	v5 =	vadd.s32 v5, v13  }
0x15f: {  	v29 =	vld [tilespmem:s20+$0x8090];
	v15 =	vtrunc.f32 v20;
	v17 =	vcvt.f32.s32 v22;
	v11 =	vadd.s32 v1, v5  }
0x160: {  	v20 =	vtrunc.f32 v21;
	v22 =	vtrunc.f32 v23;
	v5 =	vand.u32 $0xFFFFFFC0, v16;
	v16 =	vld [tilespmem:s20+$0x10]  }
0x161: {  	v30 =	vld [tilespmem:s20+$0x8110];
	v23 =	vtrunc.f32 v24;
	v13 =	vcvt.f32.s32 v19  }
0x162: {  	v21 =	vld [tilespmem:s20+$0x4090];
	v15 =	vcvt.f32.s32 v15;
	v18 =	vtrunc.f32 v18  }
0x163: {  	v19 =	vld [tilespmem:s20+$0x90];
	v25 =	vtrunc.f32 v25;
	v27 =	vtrunc.f32 v27  }
0x164: {  	v45 =	vtrunc.f32 v28;
	v46 =	vtrunc.f32 v29;
	[tilespmem:v11+s12+$0x0] =	vst.idx.add.f32.msk $0xffff, v2  }
0x165: {  	v11 =	vshll.u32 v12, $0x1;
	v12 =	vshra.s32 v15, $0x2;
	v15 =	vtrunc.f32 v16;
	v16 =	vld [tilespmem:s20+$0x1A0]  }
0x166: {  	v47 =	vtrunc.f32 v30;
	v18 =	vcvt.f32.s32 v18;
	v44 =	vld [tilespmem:s20+$0x41A0]  }
0x167: {  	v21 =	vtrunc.f32 v21;
	v25 =	vcvt.f32.s32 v25  }
0x168: {  	v27 =	vcvt.f32.s32 v27;
	v28 =	vcvt.f32.s32 v47;
	v26 =	vld [tilespmem:s20+$0x81A0]  }
0x169: {  	v17 =	vshra.s32 v17, $0x2;
	v19 =	vtrunc.f32 v19;
	v21 =	vcvt.f32.s32 v21  }
0x16a: {  	v19 =	vcvt.f32.s32 v19;
	v18 =	vshra.s32 v18, $0x2;
	v15 =	vcvt.f32.s32 v15  }
0x16b: {  	v25 =	vshll.u32 v25, $0x1;
	v16 =	vtrunc.f32 v16;
	v24 =	vtrunc.f32 v44  }
0x16c: {  	v27 =	vshra.s32 v27, $0x2;
	v16 =	vcvt.f32.s32 v16;
	v24 =	vcvt.f32.s32 v24  }
0x16d: {  	v18 =	vand.u32 $0xFFFFFFF8, v18;
	v21 =	vshra.s32 v21, $0x2;
	v26 =	vtrunc.f32 v26  }
0x16e: {  	v26 =	vcvt.f32.s32 v26;
	v16 =	vshll.u32 v16, $0x1;
	v24 =	vshra.s32 v24, $0x2  }
0x16f: {  	v25 =	vand.u32 $0xFFFFFFC0, v25;
	v16 =	vand.u32 $0xFFFFFFC0, v16;
	v24 =	vand.u32 $0xFFFFFFF8, v24  }
0x170: {  	v11 =	vand.u32 $0xFFFFFFC0, v11;
	v26 =	vshra.s32 v26, $0x5;
	v16 =	vadd.s32 v24, v16  }
0x171: {  	v12 =	vand.u32 $0xFFFFFFF8, v12;
	v19 =	vshll.u32 v19, $0x1;
	v16 =	vadd.s32 v26, v16  }
0x172: {  	v21 =	vand.u32 $0xFFFFFFF8, v21;
	v15 =	vshll.u32 v15, $0x1;
	v16 =	vadd.s32 v1, v16  }
0x173: {  	v11 =	vadd.s32 v12, v11;
	v15 =	vand.u32 $0xFFFFFFC0, v15;
	v24 =	vcvt.f32.s32 v45  }
0x174: {  	v19 =	vand.u32 $0xFFFFFFC0, v19;
	v15 =	vadd.s32 v18, v15;
	v26 =	vcvt.f32.s32 v46  }
0x175: {  	v18 =	vadd.s32 v21, v19;
	v19 =	vand.u32 $0xFFFFFFF8, v27;
	v24 =	vshra.s32 v24, $0x5  }
0x176: {  	v12 =	vld [tilespmem:s17+$0x8070];
	v19 =	vadd.s32 v19, v25;
	v26 =	vshra.s32 v26, $0x5;
	v15 =	vadd.s32 v24, v15  }
0x177: {  	v48 =	vshra.s32 v28, $0x5;
	v18 =	vadd.s32 v26, v18;
	v15 =	vadd.s32 v1, v15;
	[tilespmem:v16+s12+$0x0] =	vst.idx.add.f32.msk $0xffff, v2  }
0x178: {  	v13 =	vshll.u32 v13, $0x1;
	v16 =	vadd.s32 v1, v18;
	v18 =	vadd.s32 v48, v19;
	v19 =	vld [tilespmem:s20+$0x1B0]  }
0x179: {  	v17 =	vand.u32 $0xFFFFFFF8, v17;
	v13 =	vand.u32 $0xFFFFFFC0, v13;
	v18 =	vadd.s32 v1, v18;
	v49 =	vld [tilespmem:s20+$0x41B0]  }
0x17a: {  	v9 =	vcvt.f32.s32 v9;
	v50 =	vshll.u32 v8, $0x1;
	v13 =	vadd.s32 v17, v13;
	v17 =	vld [tilespmem:s20+$0x81B0]  }
0x17b: {  	v14 =	vshll.u32 v14, $0x1;
	v10 =	vshra.s32 v10, $0x2;
	v20 =	vcvt.f32.s32 v20;
	v21 =	vld [tilespmem:s17+$0x4170]  }
0x17c: {  	v22 =	vcvt.f32.s32 v22;
	v14 =	vand.u32 $0xFFFFFFC0, v14;
	v10 =	vand.u32 $0xFFFFFFF8, v10;
	[tilespmem:v15+s12+$0x0] =	vst.idx.add.f32.msk $0xffff, v2  }
0x17d: {  	v23 =	vcvt.f32.s32 v23;
	v20 =	vshra.s32 v20, $0x5;
	v10 =	vadd.s32 v10, v14;
	[tilespmem:v16+s12+$0x0] =	vst.idx.add.f32.msk $0xffff, v2  }
0x17e: {  	v14 =	vshra.s32 v22, $0x5;
	v13 =	vadd.s32 v20, v13;
	v15 =	vtrunc.f32 v19;
	[tilespmem:v18+s12+$0x0] =	vst.idx.add.f32.msk $0xffff, v2  }
0x17f: {  	v20 =	vshra.s32 v23, $0x5;
	v16 =	vtrunc.f32 v49;
	v17 =	vtrunc.f32 v17;
	v19 =	vld [tilespmem:s20+$0x4020]  }
0x180: {  	v11 =	vadd.s32 v20, v11;
	v20 =	vld [tilespmem:s20+$0xA0];
	v15 =	vcvt.f32.s32 v15;
	v16 =	vcvt.f32.s32 v16  }
0x181: {  	v10 =	vadd.s32 v14, v10;
	v23 =	vshra.s32 v9, $0x2;
	v18 =	vld [tilespmem:s20+$0x20];
	v17 =	vcvt.f32.s32 v17  }
0x182: {  	v14 =	vtrunc.f32 v21;
	v21 =	vld [tilespmem:s20+$0x40A0];
	v15 =	vshll.u32 v15, $0x1;
	v16 =	vshra.s32 v16, $0x2  }
0x183: {  	v22 =	vld [tilespmem:s20+$0x120];
	v17 =	vshra.s32 v17, $0x5;
	v15 =	vand.u32 $0xFFFFFFC0, v15;
	v16 =	vand.u32 $0xFFFFFFF8, v16  }
0x184: {  	v15 =	vadd.s32 v16, v15;
	v16 =	vcvt.f32.s32 v6;
	v19 =	vtrunc.f32 v19  }
0x185: {  	v20 =	vtrunc.f32 v20;
	v6 =	vadd.s32 v17, v15;
	v15 =	vcvt.f32.s32 v7  }
0x186: {  	v7 =	vtrunc.f32 v18;
	v17 =	vld [tilespmem:s20+$0x4120];
	v9 =	vcvt.f32.s32 v19;
	v18 =	vadd.s32 v1, v6  }
0x187: {  	v10 =	vadd.s32 v1, v10;
	v19 =	vld [tilespmem:s20+$0x80A0];
	v8 =	vcvt.f32.s32 v20;
	v20 =	vtrunc.f32 v21  }
0x188: {  	v13 =	vadd.s32 v1, v13;
	v22 =	vtrunc.f32 v22;
	v6 =	vtrunc.f32 v12;
	v12 =	vld [tilespmem:s20+$0x8020]  }
0x189: {  	v11 =	vadd.s32 v1, v11;
	v21 =	vld [tilespmem:s20+$0x8120];
	v7 =	vcvt.f32.s32 v7;
	v22 =	vcvt.f32.s32 v22  }
0x18a: {  	v20 =	vcvt.f32.s32 v20;
	v9 =	vshra.s32 v9, $0x2;
	v8 =	vshll.u32 v8, $0x1  }
0x18b: {  	v7 =	vshll.u32 v7, $0x1;
	v22 =	vshll.u32 v22, $0x1;
	v9 =	vand.u32 $0xFFFFFFF8, v9;
	[tilespmem:v18+s12+$0x0] =	vst.idx.add.f32.msk $0xffff, v2  }
0x18c: {  	v17 =	vtrunc.f32 v17;
	v19 =	vtrunc.f32 v19;
	v18 =	vshra.s32 v20, $0x2;
	v20 =	vld [tilespmem:s20+$0x1C0]  }
0x18d: {  	v8 =	vand.u32 $0xFFFFFFC0, v8;
	v12 =	vtrunc.f32 v12;
	v17 =	vcvt.f32.s32 v17;
	v51 =	vld [tilespmem:s20+$0x41C0]  }
0x18e: {  	[tilespmem:v13+s12+$0x0] =	vst.idx.add.f32.msk $0xffff, v2;
	v7 =	vand.u32 $0xFFFFFFC0, v7;
	v13 =	vcvt.f32.s32 v19;
	v19 =	vtrunc.f32 v21  }
0x18f: {  	v7 =	vadd.s32 v9, v7;
	v12 =	vcvt.f32.s32 v12;
	v19 =	vcvt.f32.s32 v19;
	v21 =	vld [tilespmem:s20+$0x81C0]  }
0x190: {  	[tilespmem:v10+s12+$0x0] =	vst.idx.add.f32.msk $0xffff, v2;
	v10 =	vand.u32 $0xFFFFFFF8, v18;
	v18 =	vand.u32 $0xFFFFFFC0, v22;
	v17 =	vshra.s32 v17, $0x2  }
0x191: {  	v8 =	vadd.s32 v10, v8;
	v13 =	vshra.s32 v13, $0x5;
	v9 =	vand.u32 $0xFFFFFFF8, v17  }
0x192: {  	[tilespmem:v11+s12+$0x0] =	vst.idx.add.f32.msk $0xffff, v2;
	v12 =	vshra.s32 v12, $0x5;
	v11 =	vtrunc.f32 v20;
	v17 =	vtrunc.f32 v51  }
0x193: {  	v53 =	vld [tilespmem:s19+$0x8060];
	v19 =	vshra.s32 v19, $0x5;
	v11 =	vcvt.f32.s32 v11;
	v17 =	vcvt.f32.s32 v17  }
0x194: {  	v52 =	vld [tilespmem:s19+$0x160];
	v8 =	vadd.s32 v13, v8;
	v9 =	vadd.s32 v9, v18;
	v21 =	vtrunc.f32 v21  }
0x195: {  	v10 =	vld [tilespmem:s19+$0x60];
	v21 =	vcvt.f32.s32 v21;
	v11 =	vshll.u32 v11, $0x1;
	v17 =	vshra.s32 v17, $0x2  }
0x196: {  	v18 =	vld [tilespmem:s19+$0x4060];
	v7 =	vadd.s32 v12, v7;
	v11 =	vand.u32 $0xFFFFFFC0, v11;
	v12 =	vand.u32 $0xFFFFFFF8, v17  }
0x197: {  	v20 =	vld [tilespmem:s19+$0xE0];
	v13 =	vshra.s32 v21, $0x5;
	v11 =	vadd.s32 v12, v11;
	v12 =	vadd.s32 v1, v7  }
0x198: {  	v22 =	vld [tilespmem:s19+$0x40E0];
	v7 =	vadd.s32 v19, v9;
	v9 =	vadd.s32 v13, v11;
	v13 =	vadd.s32 v1, v8  }
0x199: {  	v14 =	vcvt.f32.s32 v14;
	v17 =	vld [tilespmem:s19+$0x4160];
	v19 =	vadd.s32 v1, v7  }
0x19a: {  	v54 =	vtrunc.f32 v53;
	v7 =	vshra.s32 v16, $0x2;
	v16 =	vld [tilespmem:s19+$0x80E0];
	v21 =	vadd.s32 v1, v9  }
0x19b: {  	v24 =	vcvt.f32.s32 v54;
	v10 =	vtrunc.f32 v10;
	v8 =	vshll.u32 v15, $0x1;
	v15 =	vld [tilespmem:s19+$0x8160]  }
0x19c: {  	v3 =	vadd.s32 v1, v3;
	v11 =	vtrunc.f32 v18;
	v18 =	vtrunc.f32 v20;
	[tilespmem:v12+s12+$0x0] =	vst.idx.add.f32.msk $0xffff, v2  }
0x19d: {  	v4 =	vadd.s32 v1, v4;
	v20 =	vtrunc.f32 v22;
	v22 =	vtrunc.f32 v52;
	[tilespmem:v13+s12+$0x0] =	vst.idx.add.f32.msk $0xffff, v2  }
0x19e: {  	v9 =	vshra.s32 v14, $0x2;
	v14 =	vcvt.f32.s32 v11;
	v18 =	vcvt.f32.s32 v18;
	[tilespmem:v19+s12+$0x0] =	vst.idx.add.f32.msk $0xffff, v2  }
0x19f: {  	v11 =	vand.u32 $0xFFFFFFF8, v23;
	v20 =	vcvt.f32.s32 v20;
	v22 =	vcvt.f32.s32 v22;
	[tilespmem:v21+s12+$0x0] =	vst.idx.add.f32.msk $0xffff, v2  }
0x1a0: {  	v7 =	vand.u32 $0xFFFFFFF8, v7;
	v8 =	vand.u32 $0xFFFFFFC0, v8;
	v5 =	vadd.s32 v11, v5;
	v21 =	vld [tilespmem:s20+$0x1D0]  }
0x1a1: {  	v17 =	vtrunc.f32 v17;
	v14 =	vshra.s32 v14, $0x2;
	v22 =	vshll.u32 v22, $0x1;
	v23 =	vld [tilespmem:s20+$0x41D0]  }
0x1a2: {  	v12 =	vcvt.f32.s32 v10;
	v17 =	vcvt.f32.s32 v17;
	v14 =	vand.u32 $0xFFFFFFF8, v14;
	v19 =	vld [tilespmem:s20+$0x30]  }
0x1a3: {  	v22 =	vand.u32 $0xFFFFFFC0, v22;
	v13 =	vshll.u32 v18, $0x1;
	v18 =	vshra.s32 v20, $0x2;
	v20 =	vld [tilespmem:s20+$0x81D0]  }
0x1a4: {  	v16 =	vtrunc.f32 v16;
	v15 =	vtrunc.f32 v15;
	v12 =	vshll.u32 v12, $0x1  }
0x1a5: {  	v55 =	vld [tilespmem:s20+$0x4030];
	v17 =	vshra.s32 v17, $0x2;
	v13 =	vand.u32 $0xFFFFFFC0, v13;
	v18 =	vand.u32 $0xFFFFFFF8, v18  }
0x1a6: {  	v58 =	vld [tilespmem:s20+$0x8030];
	v12 =	vand.u32 $0xFFFFFFC0, v12;
	v21 =	vtrunc.f32 v21;
	v23 =	vtrunc.f32 v23  }
0x1a7: {  	v56 =	vld [tilespmem:s20+$0xB0];
	v13 =	vadd.s32 v18, v13;
	v21 =	vcvt.f32.s32 v21;
	v23 =	vcvt.f32.s32 v23  }
0x1a8: {  	v60 =	vld [tilespmem:s20+$0x8130];
	v12 =	vadd.s32 v14, v12;
	v19 =	vtrunc.f32 v19;
	v20 =	vtrunc.f32 v20  }
0x1a9: {  	v57 =	vld [tilespmem:s20+$0x40B0];
	v18 =	vcvt.f32.s32 v20;
	v20 =	vshll.u32 v21, $0x1;
	v21 =	vshra.s32 v23, $0x2  }
0x1aa: {  	v14 =	vld [tilespmem:s20+$0x130];
	v25 =	vtrunc.f32 v55;
	v20 =	vand.u32 $0xFFFFFFC0, v20;
	v21 =	vand.u32 $0xFFFFFFF8, v21  }
0x1ab: {  	v28 =	vtrunc.f32 v58;
	v18 =	vshra.s32 v18, $0x5;
	v20 =	vadd.s32 v21, v20  }
0x1ac: {  	v19 =	vcvt.f32.s32 v19;
	v26 =	vtrunc.f32 v56;
	v23 =	vld [tilespmem:s20+$0x4130];
	v18 =	vadd.s32 v18, v20  }
0x1ad: {  	v27 =	vtrunc.f32 v60;
	v26 =	vcvt.f32.s32 v26;
	v18 =	vadd.s32 v1, v18  }
0x1ae: {  	v17 =	vand.u32 $0xFFFFFFF8, v17;
	v59 =	vtrunc.f32 v57;
	v27 =	vcvt.f32.s32 v27  }
0x1af: {  	v19 =	vshll.u32 v19, $0x1;
	v14 =	vtrunc.f32 v14;
	v26 =	vshll.u32 v26, $0x1;
	v21 =	vld [tilespmem:s20+$0x80B0]  }
0x1b0: {  	v14 =	vcvt.f32.s32 v14;
	v19 =	vand.u32 $0xFFFFFFC0, v19;
	v20 =	vcvt.f32.s32 v25  }
0x1b1: {  	v63 =	vshra.s32 v27, $0x5;
	v25 =	vcvt.f32.s32 v59;
	v23 =	vtrunc.f32 v23  }
0x1b2: {  	v26 =	vand.u32 $0xFFFFFFC0, v26;
	v14 =	vshll.u32 v14, $0x1;
	v23 =	vcvt.f32.s32 v23;
	[tilespmem:v18+s12+$0x0] =	vst.idx.add.f32.msk $0xffff, v2  }
0x1b3: {  	v14 =	vand.u32 $0xFFFFFFC0, v14;
	v20 =	vshra.s32 v20, $0x2;
	v25 =	vshra.s32 v25, $0x2;
	v61 =	vld [tilespmem:s20+$0x1E0]  }
0x1b4: {  	v20 =	vand.u32 $0xFFFFFFF8, v20;
	v21 =	vtrunc.f32 v21;
	v23 =	vshra.s32 v23, $0x2;
	v62 =	vld [tilespmem:s20+$0x41E0]  }
0x1b5: {  	v21 =	vcvt.f32.s32 v21;
	v18 =	vcvt.f32.s32 v28;
	v23 =	vand.u32 $0xFFFFFFF8, v23  }
0x1b6: {  	v25 =	vand.u32 $0xFFFFFFF8, v25;
	v19 =	vadd.s32 v20, v19;
	v14 =	vadd.s32 v23, v14;
	v23 =	vld [tilespmem:s20+$0x81E0]  }
0x1b7: {  	v20 =	vadd.s32 v25, v26;
	v21 =	vshra.s32 v21, $0x5;
	v18 =	vshra.s32 v18, $0x5  }
0x1b8: {  	v14 =	vadd.s32 v63, v14;
	v18 =	vadd.s32 v18, v19;
	v19 =	vadd.s32 v21, v20  }
0x1b9: {  	v18 =	vadd.s32 v1, v18;
	v20 =	vtrunc.f32 v61;
	v21 =	vtrunc.f32 v62  }
0x1ba: {  	[tilespmem:v3+s12+$0x0] =	vst.idx.add.f32.msk $0xffff, v2;
	v3 =	vadd.s32 v1, v19;
	v19 =	vcvt.f32.s32 v20;
	v20 =	vcvt.f32.s32 v21  }
0x1bb: {  	[tilespmem:v4+s12+$0x0] =	vst.idx.add.f32.msk $0xffff, v2;
	v17 =	vadd.s32 v17, v22;
	v14 =	vadd.s32 v1, v14;
	v23 =	vtrunc.f32 v23  }
0x1bc: {  	v22 =	vld [tilespmem:s17+$0x8170];
	v4 =	vcvt.f32.s32 v23;
	v19 =	vshll.u32 v19, $0x1;
	v20 =	vshra.s32 v20, $0x2  }
0x1bd: {  	v16 =	vcvt.f32.s32 v16;
	v21 =	vld [tilespmem:s17+$0x80F0];
	v19 =	vand.u32 $0xFFFFFFC0, v19;
	v20 =	vand.u32 $0xFFFFFFF8, v20  }
0x1be: {  	v15 =	vcvt.f32.s32 v15;
	[tilespmem:v18+s12+$0x0] =	vst.idx.add.f32.msk $0xffff, v2;
	v4 =	vshra.s32 v4, $0x5;
	v18 =	vadd.s32 v20, v19  }
0x1bf: {  	v16 =	vshra.s32 v16, $0x5;
	v23 =	vshra.s32 v24, $0x5;
	[tilespmem:v3+s12+$0x0] =	vst.idx.add.f32.msk $0xffff, v2;
	v3 =	vadd.s32 v4, v18  }
0x1c0: {  	[tilespmem:v14+s12+$0x0] =	vst.idx.add.f32.msk $0xffff, v2;
	v4 =	vadd.s32 v23, v12;
	v12 =	vshra.s32 v15, $0x5;
	v3 =	vadd.s32 v1, v3  }
0x1c1: {  	v13 =	vadd.s32 v16, v13;
	v15 =	vld [tilespmem:s20+$0x40];
	v16 =	vadd.s32 v1, v4;
	v4 =	vadd.s32 v12, v17  }
0x1c2: {  	v12 =	vld [tilespmem:s20+$0x4040];
	v17 =	vadd.s32 v1, v4;
	v4 =	vcvt.f32.s32 v6;
	v6 =	vtrunc.f32 v22  }
0x1c3: {  	v14 =	vtrunc.f32 v21;
	v18 =	vadd.s32 v1, v13;
	v13 =	vld [tilespmem:s20+$0xC0];
	v6 =	vcvt.f32.s32 v6  }
0x1c4: {  	v9 =	vand.u32 $0xFFFFFFF8, v9;
	v10 =	vand.u32 $0xFFFFFFC0, v50;
	v19 =	vld [tilespmem:s20+$0x40C0];
	v14 =	vcvt.f32.s32 v14  }
0x1c5: {  	v6 =	vshra.s32 v6, $0x5;
	[tilespmem:v3+s12+$0x0] =	vst.idx.add.f32.msk $0xffff, v2;
	v3 =	vshra.s32 v4, $0x5;
	v4 =	vadd.s32 v7, v10  }
0x1c6: {  	v7 =	vadd.s32 v9, v8;
	v8 =	vtrunc.f32 v15;
	v9 =	vshra.s32 v14, $0x5;
	v10 =	vld [tilespmem:s20+$0x1F0]  }
0x1c7: {  	v11 =	vtrunc.f32 v12;
	v8 =	vcvt.f32.s32 v8;
	v12 =	vld [tilespmem:s20+$0x41F0];
	v3 =	vadd.s32 v3, v5  }
0x1c8: {  	v21 =	vld [tilespmem:s20+$0x4140];
	v5 =	vcvt.f32.s32 v11;
	v11 =	vtrunc.f32 v13;
	v4 =	vadd.s32 v9, v4  }
0x1c9: {  	v13 =	vtrunc.f32 v19;
	v19 =	vld [tilespmem:s20+$0x81F0];
	v11 =	vcvt.f32.s32 v11;
	v8 =	vshll.u32 v8, $0x1  }
0x1ca: {  	v20 =	vld [tilespmem:s20+$0x140];
	v5 =	vshra.s32 v5, $0x2;
	v9 =	vand.u32 $0xFFFFFFC0, v8;
	v8 =	vcvt.f32.s32 v13  }
0x1cb: {  	v22 =	vld [tilespmem:s20+$0x8040];
	v13 =	vand.u32 $0xFFFFFFF8, v5;
	v11 =	vshll.u32 v11, $0x1;
	v5 =	vadd.s32 v6, v7  }
0x1cc: {  	[tilespmem:v16+s12+$0x0] =	vst.idx.add.f32.msk $0xffff, v2;
	v7 =	vshra.s32 v8, $0x2;
	v8 =	vtrunc.f32 v10;
	v10 =	vtrunc.f32 v12  }
0x1cd: {  	v14 =	vand.u32 $0xFFFFFFC0, v11;
	v11 =	vld [tilespmem:s20+$0x8140];
	v8 =	vcvt.f32.s32 v8;
	v10 =	vcvt.f32.s32 v10  }
0x1ce: {  	v16 =	vtrunc.f32 v21;
	v6 =	vld [tilespmem:s20+$0x80C0];
	v12 =	vtrunc.f32 v19;
	v15 =	vand.u32 $0xFFFFFFF8, v7  }
0x1cf: {  	[tilespmem:v18+s12+$0x0] =	vst.idx.add.f32.msk $0xffff, v2;
	v12 =	vcvt.f32.s32 v12;
	v8 =	vshll.u32 v8, $0x1;
	v10 =	vshra.s32 v10, $0x2  }
0x1d0: {  	[tilespmem:v17+s12+$0x0] =	vst.idx.add.f32.msk $0xffff, v2;
	v7 =	vtrunc.f32 v20;
	v8 =	vand.u32 $0xFFFFFFC0, v8;
	v10 =	vand.u32 $0xFFFFFFF8, v10  }
0x1d1: {  	v17 =	vcvt.f32.s32 v7;
	v7 =	vld [tilespmem:s19+$0x70];
	v12 =	vshra.s32 v12, $0x5;
	v8 =	vadd.s32 v10, v8  }
0x1d2: {  	v19 =	vcvt.f32.s32 v16;
	v20 =	vtrunc.f32 v11;
	v11 =	vld [tilespmem:s19+$0x40F0];
	v10 =	vadd.s32 v12, v8  }
0x1d3: {  	v18 =	vtrunc.f32 v22;
	v8 =	vld [tilespmem:s19+$0x4070];
	v12 =	vtrunc.f32 v6;
	v6 =	vadd.s32 v1, v10  }
0x1d4: {  	v16 =	vcvt.f32.s32 v18;
	v18 =	vshra.s32 v19, $0x2;
	v21 =	vshll.u32 v17, $0x1;
	v10 =	vld [tilespmem:s19+$0xF0]  }
0x1d5: {  	s21 =	simm.s32 $0x8;
	s22 =	simm.s32 $0x600;
	v17 =	vcvt.f32.s32 v20;
	v20 =	vand.u32 $0xFFFFFFC0, v21;
	v19 =	vcvt.f32.s32 v12;
	v12 =	vld [tilespmem:s19+$0x170]  }
.LBB2_5:
0x1d6: {  	v21 =	vld [tilespmem:s22+$0x180];
	v9 =	vadd.s32 v13, v9;
	v13 =	vadd.s32 v15, v14;
	v14 =	vand.u32 $0xFFFFFFF8, v18  }
0x1d7: {  	v16 =	vshra.s32 v16, $0x5;
	v15 =	vld [tilespmem:s22+$0x4180];
	v18 =	vshra.s32 v19, $0x5;
	v14 =	vadd.s32 v14, v20  }
0x1d8: {  	v9 =	vadd.s32 v16, v9;
	v16 =	vshra.s32 v17, $0x5;
	v13 =	vadd.s32 v18, v13;
	[tilespmem:v6+s12+$0x0] =	vst.idx.add.f32.msk $0xffff, v2  }
0x1d9: {  	v18 =	vadd.s32 v1, v9;
	v6 =	vadd.s32 v16, v14;
	v17 =	vld [tilespmem:s22+$0x4000];
	v13 =	vadd.s32 v1, v13  }
0x1da: {  	v7 =	vtrunc.f32 v7;
	v9 =	vtrunc.f32 v8;
	v16 =	vadd.s32 v1, v6;
	v14 =	vld [tilespmem:s22+$0x8180]  }
0x1db: {  	v8 =	vtrunc.f32 v10;
	v10 =	vadd.s32 v1, v3;
	v6 =	vtrunc.f32 v11;
	v19 =	vld [tilespmem:s22+$0x80]  }
0x1dc: {  	v3 =	vcvt.f32.s32 v7;
	v11 =	vadd.s32 v1, v4;
	v7 =	vtrunc.f32 v12;
	v20 =	vld [tilespmem:s22+$0x4080]  }
0x1dd: {  	v12 =	vadd.s32 v1, v5;
	v21 =	vtrunc.f32 v21;
	v15 =	vtrunc.f32 v15;
	v4 =	vld [tilespmem:s22+$0x100]  }
0x1de: {  	v3 =	vshll.u32 v3, $0x1;
	v21 =	vcvt.f32.s32 v21;
	v15 =	vcvt.f32.s32 v15;
	v5 =	vld [tilespmem:s22+$0x4100]  }
0x1df: {  	s21 =	sadd.s32 $0x4, s21;
	v3 =	vand.u32 $0xFFFFFFC0, v3;
	v17 =	vtrunc.f32 v17;
	v22 =	vld [tilespmem:s22+$0x0];
	v14 =	vtrunc.f32 v14  }
0x1e0: {  	p0 =	slt.u32 s21, $0x7C;
	v21 =	vshll.u32 v21, $0x1;
	v15 =	vshra.s32 v15, $0x2;
	v23 =	vld [tilespmem:s22+$0x8000];
	v14 =	vcvt.f32.s32 v14  }
0x1e1: {  	v21 =	vand.u32 $0xFFFFFFC0, v21;
	v19 =	vtrunc.f32 v19;
	v15 =	vand.u32 $0xFFFFFFF8, v15;
	v24 =	vld [tilespmem:s22+$0x8080]  }
0x1e2: {  	v20 =	vtrunc.f32 v20;
	v15 =	vadd.s32 v15, v21;
	v25 =	vld [tilespmem:s22+$0x8100];
	v14 =	vshra.s32 v14, $0x5  }
0x1e3: {  	v4 =	vtrunc.f32 v4;
	v5 =	vtrunc.f32 v5;
	v14 =	vadd.s32 v14, v15;
	[tilespmem:v18+s12+$0x0] =	vst.idx.add.f32.msk $0xffff, v2  }
0x1e4: {  	v17 =	vcvt.f32.s32 v17;
	v15 =	vtrunc.f32 v22;
	v14 =	vadd.s32 v1, v14;
	[tilespmem:v13+s12+$0x0] =	vst.idx.add.f32.msk $0xffff, v2  }
0x1e5: {  	v13 =	vcvt.f32.s32 v15;
	v15 =	vcvt.f32.s32 v19;
	[tilespmem:v16+s12+$0x0] =	vst.idx.add.f32.msk $0xffff, v2  }
0x1e6: {  	v4 =	vcvt.f32.s32 v4;
	v16 =	vshra.s32 v17, $0x2;
	v17 =	vcvt.f32.s32 v20;
	v18 =	vld [tilespmem:s20+$0x50]  }
0x1e7: {  	v5 =	vcvt.f32.s32 v5;
	v19 =	vtrunc.f32 v23;
	v13 =	vshll.u32 v13, $0x1;
	v20 =	vld [tilespmem:s20+$0x4050]  }
0x1e8: {  	v21 =	vtrunc.f32 v24;
	v15 =	vshll.u32 v15, $0x1;
	v22 =	vtrunc.f32 v25;
	v23 =	vld [tilespmem:s20+$0xD0]  }
0x1e9: {  	v4 =	vshll.u32 v4, $0x1;
	v5 =	vshra.s32 v5, $0x2;
	v17 =	vshra.s32 v17, $0x2;
	[tilespmem:v14+s12+$0x0] =	vst.idx.add.f32.msk $0xffff, v2  }
0x1ea: {  	v13 =	vand.u32 $0xFFFFFFC0, v13;
	v14 =	vcvt.f32.s32 v19;
	v19 =	vcvt.f32.s32 v21;
	v21 =	vld [tilespmem:s22+$0x190]  }
0x1eb: {  	v16 =	vand.u32 $0xFFFFFFF8, v16;
	v15 =	vand.u32 $0xFFFFFFC0, v15;
	v22 =	vcvt.f32.s32 v22;
	v24 =	vld [tilespmem:s22+$0x4190]  }
0x1ec: {  	v4 =	vand.u32 $0xFFFFFFC0, v4;
	v5 =	vand.u32 $0xFFFFFFF8, v5;
	v17 =	vand.u32 $0xFFFFFFF8, v17;
	v25 =	vld [tilespmem:s20+$0x40D0]  }
0x1ed: {  	v4 =	vadd.s32 v5, v4;
	v13 =	vadd.s32 v16, v13;
	v15 =	vadd.s32 v17, v15;
	v5 =	vld [tilespmem:s22+$0x8190]  }
0x1ee: {  	v17 =	vshra.s32 v22, $0x5;
	v14 =	vshra.s32 v14, $0x5;
	v16 =	vshra.s32 v19, $0x5;
	v19 =	vld [tilespmem:s20+$0x150]  }
0x1ef: {  	v4 =	vadd.s32 v17, v4;
	v13 =	vadd.s32 v14, v13;
	v14 =	vadd.s32 v16, v15;
	v15 =	vld [tilespmem:s20+$0x4150]  }
0x1f0: {  	v16 =	vadd.s32 v1, v13;
	v13 =	vtrunc.f32 v21;
	v17 =	vtrunc.f32 v24;
	v21 =	vld [tilespmem:s20+$0x8050]  }
0x1f1: {  	v22 =	vadd.s32 v1, v14;
	v13 =	vcvt.f32.s32 v13;
	v14 =	vcvt.f32.s32 v17;
	v17 =	vld [tilespmem:s20+$0x80D0]  }
0x1f2: {  	v18 =	vtrunc.f32 v18;
	v4 =	vadd.s32 v1, v4;
	v5 =	vtrunc.f32 v5;
	v24 =	vld [tilespmem:s20+$0x8150]  }
0x1f3: {  	v13 =	vshll.u32 v13, $0x1;
	v5 =	vcvt.f32.s32 v5;
	v26 =	vshra.s32 v14, $0x2;
	v14 =	vld [tilespmem:s19+$0x4170]  }
0x1f4: {  	v20 =	vtrunc.f32 v20;
	v27 =	vand.u32 $0xFFFFFFC0, v13;
	v26 =	vand.u32 $0xFFFFFFF8, v26;
	v13 =	vld [tilespmem:s19+$0x8070]  }
0x1f5: {  	v23 =	vtrunc.f32 v23;
	[tilespmem:v16+s12+$0x0] =	vst.idx.add.f32.msk $0xffff, v2;
	v5 =	vshra.s32 v5, $0x5;
	v16 =	vadd.s32 v26, v27  }
0x1f6: {  	v19 =	vtrunc.f32 v19;
	[tilespmem:v22+s12+$0x0] =	vst.idx.add.f32.msk $0xffff, v2;
	v5 =	vadd.s32 v5, v16;
	v16 =	vtrunc.f32 v25  }
0x1f7: {  	v15 =	vtrunc.f32 v15;
	[tilespmem:v4+s12+$0x0] =	vst.idx.add.f32.msk $0xffff, v2;
	v4 =	vadd.s32 v1, v5;
	v5 =	vcvt.f32.s32 v18  }
0x1f8: {  	v20 =	vcvt.f32.s32 v20;
	v22 =	vcvt.f32.s32 v23;
	v18 =	vld [tilespmem:s22+$0x10]  }
0x1f9: {  	v19 =	vcvt.f32.s32 v19;
	v16 =	vcvt.f32.s32 v16;
	v23 =	vld [tilespmem:s22+$0x4010];
	v5 =	vshll.u32 v5, $0x1  }
0x1fa: {  	v20 =	vshra.s32 v20, $0x2;
	v21 =	vtrunc.f32 v21;
	v15 =	vcvt.f32.s32 v15;
	v25 =	vld [tilespmem:s22+$0x90]  }
0x1fb: {  	v17 =	vtrunc.f32 v17;
	v24 =	vtrunc.f32 v24;
	v22 =	vshll.u32 v22, $0x1;
	v26 =	vld [tilespmem:s22+$0x4090]  }
0x1fc: {  	v19 =	vshll.u32 v19, $0x1;
	v15 =	vshra.s32 v15, $0x2;
	v16 =	vshra.s32 v16, $0x2;
	[tilespmem:v4+s12+$0x0] =	vst.idx.add.f32.msk $0xffff, v2  }
0x1fd: {  	v21 =	vcvt.f32.s32 v21;
	v27 =	vand.u32 $0xFFFFFFC0, v5;
	v4 =	vtrunc.f32 v18;
	v18 =	vld [tilespmem:s22+$0x1A0]  }
0x1fe: {  	v20 =	vand.u32 $0xFFFFFFF8, v20;
	v4 =	vcvt.f32.s32 v4;
	v5 =	vtrunc.f32 v23;
	v23 =	vld [tilespmem:s22+$0x41A0]  }
0x1ff: {  	v22 =	vand.u32 $0xFFFFFFC0, v22;
	v5 =	vcvt.f32.s32 v5;
	v25 =	vtrunc.f32 v25;
	v28 =	vld [tilespmem:s22+$0x110]  }
0x200: {  	v4 =	vshll.u32 v4, $0x1;
	v25 =	vcvt.f32.s32 v25;
	v26 =	vtrunc.f32 v26;
	v29 =	vld [tilespmem:s22+$0x81A0]  }
0x201: {  	v30 =	vand.u32 $0xFFFFFFC0, v4;
	v4 =	vshra.s32 v5, $0x2;
	v5 =	vcvt.f32.s32 v26;
	v26 =	vld [tilespmem:s22+$0x4110]  }
0x202: {  	v17 =	vcvt.f32.s32 v17;
	v31 =	vld [tilespmem:s22+$0x8010];
	v32 =	vand.u32 $0xFFFFFFF8, v4;
	v4 =	vshll.u32 v25, $0x1  }
0x203: {  	v18 =	vtrunc.f32 v18;
	v25 =	vld [tilespmem:s22+$0x8090];
	v5 =	vshra.s32 v5, $0x2;
	v23 =	vtrunc.f32 v23  }
0x204: {  	v33 =	vand.u32 $0xFFFFFFC0, v4;
	v4 =	vcvt.f32.s32 v18;
	v34 =	vld [tilespmem:s22+$0x8110];
	v18 =	vcvt.f32.s32 v23  }
0x205: {  	v23 =	vand.u32 $0xFFFFFFF8, v5;
	v28 =	vtrunc.f32 v28;
	v29 =	vtrunc.f32 v29;
	v5 =	vld [tilespmem:s19+$0x80F0]  }
0x206: {  	v35 =	vshll.u32 v4, $0x1;
	v29 =	vcvt.f32.s32 v29;
	v18 =	vshra.s32 v18, $0x2;
	v4 =	vld [tilespmem:s19+$0x8170];
	s19 =	smov.u32 s20;
	s20 =	smov.u32 s22  }
0x207: {  	v26 =	vtrunc.f32 v26;
	v35 =	vand.u32 $0xFFFFFFC0, v35;
	v18 =	vand.u32 $0xFFFFFFF8, v18;
	[tilespmem:v10+s12+$0x0] =	vst.idx.add.f32.msk $0xffff, v2  }
0x208: {  	v10 =	vcvt.f32.s32 v28;
	v28 =	vshra.s32 v29, $0x5;
	v18 =	vadd.s32 v18, v35;
	[tilespmem:v11+s12+$0x0] =	vst.idx.add.f32.msk $0xffff, v2  }
0x209: {  	v26 =	vcvt.f32.s32 v26;
	v11 =	vtrunc.f32 v31;
	v18 =	vadd.s32 v28, v18;
	[tilespmem:v12+s12+$0x0] =	vst.idx.add.f32.msk $0xffff, v2  }
0x20a: {  	v12 =	vtrunc.f32 v25;
	v25 =	vtrunc.f32 v34;
	v18 =	vadd.s32 v1, v18  }
0x20b: {  	v11 =	vcvt.f32.s32 v11;
	v10 =	vshll.u32 v10, $0x1;
	v26 =	vshra.s32 v26, $0x2  }
0x20c: {  	v12 =	vcvt.f32.s32 v12;
	v25 =	vcvt.f32.s32 v25;
	v10 =	vand.u32 $0xFFFFFFC0, v10  }
0x20d: {  	v23 =	vadd.s32 v23, v33;
	v28 =	vadd.s32 v32, v30;
	v26 =	vand.u32 $0xFFFFFFF8, v26  }
0x20e: {  	v11 =	vshra.s32 v11, $0x5;
	v10 =	vadd.s32 v26, v10;
	v12 =	vshra.s32 v12, $0x5  }
0x20f: {  	v11 =	vadd.s32 v11, v28;
	v12 =	vadd.s32 v12, v23;
	v23 =	vshra.s32 v25, $0x5;
	[tilespmem:v18+s12+$0x0] =	vst.idx.add.f32.msk $0xffff, v2  }
0x210: {  	v11 =	vadd.s32 v1, v11;
	v12 =	vadd.s32 v1, v12;
	v10 =	vadd.s32 v23, v10;
	v18 =	vld [tilespmem:s22+$0x1B0]  }
0x211: {  	v24 =	vcvt.f32.s32 v24;
	v16 =	vand.u32 $0xFFFFFFF8, v16;
	v10 =	vadd.s32 v1, v10;
	v23 =	vld [tilespmem:s22+$0x41B0]  }
0x212: {  	v19 =	vand.u32 $0xFFFFFFC0, v19;
	v15 =	vand.u32 $0xFFFFFFF8, v15;
	v20 =	vadd.s32 v20, v27  }
0x213: {  	v21 =	vshra.s32 v21, $0x5;
	v15 =	vadd.s32 v15, v19;
	v16 =	vadd.s32 v16, v22;
	v25 =	vld [tilespmem:s22+$0x81B0]  }
0x214: {  	v17 =	vshra.s32 v17, $0x5;
	v19 =	vadd.s32 v21, v20;
	v20 =	vshra.s32 v24, $0x5  }
0x215: {  	v14 =	vtrunc.f32 v14;
	v15 =	vadd.s32 v20, v15;
	[tilespmem:v11+s12+$0x0] =	vst.idx.add.f32.msk $0xffff, v2;
	v11 =	vadd.s32 v17, v16  }
0x216: {  	v17 =	vadd.s32 v1, v19;
	[tilespmem:v12+s12+$0x0] =	vst.idx.add.f32.msk $0xffff, v2;
	v12 =	vtrunc.f32 v18;
	v16 =	vtrunc.f32 v23  }
0x217: {  	v11 =	vadd.s32 v1, v11;
	[tilespmem:v10+s12+$0x0] =	vst.idx.add.f32.msk $0xffff, v2;
	v10 =	vcvt.f32.s32 v12;
	v12 =	vcvt.f32.s32 v16  }
0x218: {  	v9 =	vcvt.f32.s32 v9;
	v15 =	vadd.s32 v1, v15;
	v16 =	vld [tilespmem:s22+$0x20];
	v18 =	vtrunc.f32 v25  }
0x219: {  	v19 =	vld [tilespmem:s22+$0x4020];
	v18 =	vcvt.f32.s32 v18;
	v10 =	vshll.u32 v10, $0x1;
	v12 =	vshra.s32 v12, $0x2  }
0x21a: {  	v8 =	vcvt.f32.s32 v8;
	v20 =	vld [tilespmem:s22+$0xA0];
	v10 =	vand.u32 $0xFFFFFFC0, v10;
	v12 =	vand.u32 $0xFFFFFFF8, v12  }
0x21b: {  	v21 =	vld [tilespmem:s22+$0x40A0];
	v18 =	vshra.s32 v18, $0x5;
	v10 =	vadd.s32 v12, v10;
	v12 =	vcvt.f32.s32 v6  }
0x21c: {  	v7 =	vcvt.f32.s32 v7;
	v22 =	vld [tilespmem:s22+$0x120];
	v6 =	vadd.s32 v18, v10;
	v10 =	vcvt.f32.s32 v14  }
0x21d: {  	v14 =	vtrunc.f32 v16;
	v16 =	vld [tilespmem:s22+$0x4120];
	v18 =	vadd.s32 v1, v6;
	v6 =	vtrunc.f32 v13  }
0x21e: {  	v23 =	vshra.s32 v9, $0x2;
	v13 =	vld [tilespmem:s22+$0x8020];
	v14 =	vcvt.f32.s32 v14;
	v19 =	vtrunc.f32 v19  }
0x21f: {  	v24 =	vshll.u32 v8, $0x1;
	v9 =	vcvt.f32.s32 v19;
	v19 =	vld [tilespmem:s22+$0x80A0];
	v20 =	vtrunc.f32 v20  }
0x220: {  	v8 =	vshll.u32 v14, $0x1;
	v14 =	vcvt.f32.s32 v20;
	v20 =	vtrunc.f32 v21;
	v21 =	vld [tilespmem:s22+$0x8120]  }
0x221: {  	v9 =	vshra.s32 v9, $0x2;
	v20 =	vcvt.f32.s32 v20;
	v22 =	vtrunc.f32 v22;
	[tilespmem:v17+s12+$0x0] =	vst.idx.add.f32.msk $0xffff, v2  }
0x222: {  	v14 =	vshll.u32 v14, $0x1;
	v17 =	vcvt.f32.s32 v22;
	v16 =	vtrunc.f32 v16;
	[tilespmem:v18+s12+$0x0] =	vst.idx.add.f32.msk $0xffff, v2  }
0x223: {  	v13 =	vtrunc.f32 v13;
	v18 =	vshra.s32 v20, $0x2;
	v16 =	vcvt.f32.s32 v16;
	v20 =	vld [tilespmem:s22+$0x1C0]  }
0x224: {  	v13 =	vcvt.f32.s32 v13;
	v19 =	vtrunc.f32 v19;
	v17 =	vshll.u32 v17, $0x1;
	v22 =	vld [tilespmem:s22+$0x41C0]  }
0x225: {  	v19 =	vcvt.f32.s32 v19;
	v21 =	vtrunc.f32 v21;
	v16 =	vshra.s32 v16, $0x2;
	[tilespmem:v11+s12+$0x0] =	vst.idx.add.f32.msk $0xffff, v2  }
0x226: {  	v8 =	vand.u32 $0xFFFFFFC0, v8;
	v9 =	vand.u32 $0xFFFFFFF8, v9;
	v11 =	vcvt.f32.s32 v21;
	v21 =	vld [tilespmem:s22+$0x81C0]  }
0x227: {  	v14 =	vand.u32 $0xFFFFFFC0, v14;
	v18 =	vand.u32 $0xFFFFFFF8, v18;
	v17 =	vand.u32 $0xFFFFFFC0, v17;
	[tilespmem:v15+s12+$0x0] =	vst.idx.add.f32.msk $0xffff, v2  }
0x228: {  	v8 =	vadd.s32 v9, v8;
	v9 =	vadd.s32 v18, v14;
	v14 =	vand.u32 $0xFFFFFFF8, v16;
	v15 =	vld [tilespmem:s19+$0x60]  }
0x229: {  	v14 =	vadd.s32 v14, v17;
	v16 =	vtrunc.f32 v20;
	v17 =	vtrunc.f32 v22;
	v18 =	vld [tilespmem:s19+$0x4060]  }
0x22a: {  	v13 =	vshra.s32 v13, $0x5;
	v16 =	vcvt.f32.s32 v16;
	v17 =	vcvt.f32.s32 v17;
	v20 =	vld [tilespmem:s19+$0xE0]  }
0x22b: {  	v19 =	vshra.s32 v19, $0x5;
	v11 =	vshra.s32 v11, $0x5;
	v21 =	vtrunc.f32 v21;
	v22 =	vld [tilespmem:s19+$0x40E0]  }
0x22c: {  	v16 =	vshll.u32 v16, $0x1;
	v21 =	vcvt.f32.s32 v21;
	v17 =	vshra.s32 v17, $0x2;
	v25 =	vld [tilespmem:s19+$0x160]  }
0x22d: {  	v8 =	vadd.s32 v13, v8;
	v13 =	vand.u32 $0xFFFFFFC0, v16;
	v16 =	vand.u32 $0xFFFFFFF8, v17;
	v17 =	vld [tilespmem:s19+$0x4160]  }
0x22e: {  	v9 =	vadd.s32 v19, v9;
	v19 =	vshra.s32 v21, $0x5;
	v13 =	vadd.s32 v16, v13;
	v16 =	vld [tilespmem:s19+$0x8060]  }
0x22f: {  	v21 =	vadd.s32 v1, v8;
	v8 =	vadd.s32 v11, v14;
	v11 =	vadd.s32 v19, v13;
	v13 =	vld [tilespmem:s19+$0x80E0]  }
0x230: {  	v14 =	vadd.s32 v1, v9;
	v19 =	vadd.s32 v1, v8;
	v26 =	vadd.s32 v1, v11;
	v27 =	vld [tilespmem:s19+$0x8160]  }
0x231: {  	v8 =	vshra.s32 v12, $0x2;
	v11 =	vtrunc.f32 v15;
	v15 =	vtrunc.f32 v18  }
0x232: {  	v7 =	vshll.u32 v7, $0x1;
	v12 =	vtrunc.f32 v20;
	v18 =	vtrunc.f32 v22  }
0x233: {  	v9 =	vshra.s32 v10, $0x2;
	v20 =	vtrunc.f32 v25;
	v17 =	vtrunc.f32 v17  }
0x234: {  	v15 =	vcvt.f32.s32 v15;
	[tilespmem:v21+s12+$0x0] =	vst.idx.add.f32.msk $0xffff, v2;
	v21 =	vcvt.f32.s32 v11;
	v11 =	vand.u32 $0xFFFFFFF8, v23  }
0x235: {  	v10 =	vand.u32 $0xFFFFFFC0, v24;
	v12 =	vcvt.f32.s32 v12;
	v18 =	vcvt.f32.s32 v18;
	[tilespmem:v26+s12+$0x0] =	vst.idx.add.f32.msk $0xffff, v2  }
0x236: {  	v20 =	vcvt.f32.s32 v20;
	v17 =	vcvt.f32.s32 v17;
	v22 =	vld [tilespmem:s22+$0x1D0];
	v21 =	vshll.u32 v21, $0x1  }
0x237: {  	v16 =	vtrunc.f32 v16;
	v15 =	vshra.s32 v15, $0x2;
	v13 =	vtrunc.f32 v13;
	v23 =	vld [tilespmem:s22+$0x41D0]  }
0x238: {  	v12 =	vshll.u32 v12, $0x1;
	[tilespmem:v14+s12+$0x0] =	vst.idx.add.f32.msk $0xffff, v2;
	v14 =	vshra.s32 v18, $0x2;
	v18 =	vtrunc.f32 v27  }
0x239: {  	v16 =	vcvt.f32.s32 v16;
	v20 =	vshll.u32 v20, $0x1;
	v17 =	vshra.s32 v17, $0x2;
	v24 =	vld [tilespmem:s22+$0x81D0]  }
0x23a: {  	v13 =	vcvt.f32.s32 v13;
	v18 =	vcvt.f32.s32 v18;
	[tilespmem:v19+s12+$0x0] =	vst.idx.add.f32.msk $0xffff, v2;
	v19 =	vand.u32 $0xFFFFFFC0, v21  }
0x23b: {  	v12 =	vand.u32 $0xFFFFFFC0, v12;
	v15 =	vand.u32 $0xFFFFFFF8, v15;
	v14 =	vand.u32 $0xFFFFFFF8, v14;
	v21 =	vld [tilespmem:s22+$0x30]  }
0x23c: {  	v20 =	vand.u32 $0xFFFFFFC0, v20;
	v22 =	vtrunc.f32 v22;
	v25 =	vld [tilespmem:s22+$0x4030];
	v23 =	vtrunc.f32 v23  }
0x23d: {  	v17 =	vand.u32 $0xFFFFFFF8, v17;
	v22 =	vcvt.f32.s32 v22;
	v26 =	vld [tilespmem:s22+$0xB0];
	v23 =	vcvt.f32.s32 v23  }
0x23e: {  	v12 =	vadd.s32 v14, v12;
	v15 =	vadd.s32 v15, v19;
	v27 =	vld [tilespmem:s22+$0x40B0];
	v24 =	vtrunc.f32 v24  }
0x23f: {  	v22 =	vshll.u32 v22, $0x1;
	v14 =	vld [tilespmem:s22+$0x130];
	v19 =	vcvt.f32.s32 v24;
	v23 =	vshra.s32 v23, $0x2  }
0x240: {  	v22 =	vand.u32 $0xFFFFFFC0, v22;
	v21 =	vtrunc.f32 v21;
	v24 =	vld [tilespmem:s22+$0x4130];
	v23 =	vand.u32 $0xFFFFFFF8, v23  }
0x241: {  	v28 =	vld [tilespmem:s22+$0x8030];
	v25 =	vtrunc.f32 v25;
	v19 =	vshra.s32 v19, $0x5;
	v22 =	vadd.s32 v23, v22  }
0x242: {  	v21 =	vcvt.f32.s32 v21;
	v23 =	vld [tilespmem:s22+$0x80B0];
	v26 =	vtrunc.f32 v26;
	v19 =	vadd.s32 v19, v22  }
0x243: {  	v22 =	vcvt.f32.s32 v25;
	v25 =	vtrunc.f32 v27;
	v27 =	vld [tilespmem:s22+$0x8130];
	v19 =	vadd.s32 v1, v19  }
0x244: {  	v21 =	vshll.u32 v21, $0x1;
	v26 =	vcvt.f32.s32 v26;
	v14 =	vtrunc.f32 v14  }
0x245: {  	v22 =	vshra.s32 v22, $0x2;
	v25 =	vcvt.f32.s32 v25;
	v24 =	vtrunc.f32 v24  }
0x246: {  	v26 =	vshll.u32 v26, $0x1;
	v14 =	vcvt.f32.s32 v14;
	v24 =	vcvt.f32.s32 v24  }
0x247: {  	v28 =	vtrunc.f32 v28;
	v25 =	vshra.s32 v25, $0x2;
	v23 =	vtrunc.f32 v23  }
0x248: {  	v14 =	vshll.u32 v14, $0x1;
	v27 =	vtrunc.f32 v27;
	v24 =	vshra.s32 v24, $0x2;
	[tilespmem:v19+s12+$0x0] =	vst.idx.add.f32.msk $0xffff, v2  }
0x249: {  	v21 =	vand.u32 $0xFFFFFFC0, v21;
	v19 =	vcvt.f32.s32 v28;
	v23 =	vcvt.f32.s32 v23;
	v28 =	vld [tilespmem:s22+$0x1E0]  }
0x24a: {  	v22 =	vand.u32 $0xFFFFFFF8, v22;
	v26 =	vand.u32 $0xFFFFFFC0, v26;
	v27 =	vcvt.f32.s32 v27;
	v29 =	vld [tilespmem:s22+$0x41E0]  }
0x24b: {  	v25 =	vand.u32 $0xFFFFFFF8, v25;
	v14 =	vand.u32 $0xFFFFFFC0, v14;
	v24 =	vand.u32 $0xFFFFFFF8, v24  }
0x24c: {  	v21 =	vadd.s32 v22, v21;
	v22 =	vadd.s32 v25, v26;
	v14 =	vadd.s32 v24, v14;
	v24 =	vld [tilespmem:s22+$0x81E0]  }
0x24d: {  	v19 =	vshra.s32 v19, $0x5;
	v23 =	vshra.s32 v23, $0x5;
	v25 =	vshra.s32 v27, $0x5  }
0x24e: {  	v19 =	vadd.s32 v19, v21;
	v21 =	vadd.s32 v23, v22;
	v14 =	vadd.s32 v25, v14  }
0x24f: {  	v19 =	vadd.s32 v1, v19;
	v22 =	vtrunc.f32 v28;
	v23 =	vtrunc.f32 v29  }
0x250: {  	v21 =	vadd.s32 v1, v21;
	v22 =	vcvt.f32.s32 v22;
	v23 =	vcvt.f32.s32 v23  }
0x251: {  	v17 =	vadd.s32 v17, v20;
	v14 =	vadd.s32 v1, v14;
	v24 =	vtrunc.f32 v24  }
0x252: {  	v22 =	vshll.u32 v22, $0x1;
	v20 =	vcvt.f32.s32 v24;
	v23 =	vshra.s32 v23, $0x2  }
0x253: {  	v16 =	vshra.s32 v16, $0x5;
	v22 =	vand.u32 $0xFFFFFFC0, v22;
	v23 =	vand.u32 $0xFFFFFFF8, v23  }
0x254: {  	v13 =	vshra.s32 v13, $0x5;
	[tilespmem:v19+s12+$0x0] =	vst.idx.add.f32.msk $0xffff, v2;
	v19 =	vshra.s32 v20, $0x5;
	v20 =	vadd.s32 v23, v22  }
0x255: {  	v15 =	vadd.s32 v16, v15;
	v16 =	vshra.s32 v18, $0x5;
	[tilespmem:v21+s12+$0x0] =	vst.idx.add.f32.msk $0xffff, v2;
	v19 =	vadd.s32 v19, v20  }
0x256: {  	v5 =	vtrunc.f32 v5;
	v12 =	vadd.s32 v13, v12;
	[tilespmem:v14+s12+$0x0] =	vst.idx.add.f32.msk $0xffff, v2;
	v14 =	vadd.s32 v1, v19  }
0x257: {  	v12 =	vadd.s32 v1, v12;
	v18 =	vadd.s32 v1, v15;
	v15 =	vadd.s32 v16, v17;
	v13 =	vld [tilespmem:s22+$0x40]  }
0x258: {  	v4 =	vtrunc.f32 v4;
	v6 =	vcvt.f32.s32 v6;
	v17 =	vadd.s32 v1, v15;
	v16 =	vld [tilespmem:s22+$0x4040]  }
0x259: {  	v5 =	vcvt.f32.s32 v5;
	v4 =	vcvt.f32.s32 v4;
	v8 =	vand.u32 $0xFFFFFFF8, v8;
	v15 =	vld [tilespmem:s22+$0xC0]  }
0x25a: {  	v7 =	vand.u32 $0xFFFFFFC0, v7;
	v9 =	vand.u32 $0xFFFFFFF8, v9;
	v3 =	vadd.s32 v11, v3;
	v19 =	vld [tilespmem:s22+$0x40C0]  }
0x25b: {  	v6 =	vshra.s32 v6, $0x5;
	v7 =	vadd.s32 v9, v7;
	v8 =	vadd.s32 v8, v10;
	[tilespmem:v14+s12+$0x0] =	vst.idx.add.f32.msk $0xffff, v2  }
0x25c: {  	v5 =	vshra.s32 v5, $0x5;
	v11 =	vshra.s32 v4, $0x5;
	v9 =	vtrunc.f32 v13;
	v10 =	vld [tilespmem:s22+$0x1F0]  }
0x25d: {  	v3 =	vadd.s32 v6, v3;
	v9 =	vcvt.f32.s32 v9;
	v4 =	vtrunc.f32 v16;
	v14 =	vld [tilespmem:s22+$0x41F0]  }
0x25e: {  	v6 =	vcvt.f32.s32 v4;
	v13 =	vtrunc.f32 v15;
	v16 =	vld [tilespmem:s22+$0x140];
	v4 =	vadd.s32 v5, v8  }
0x25f: {  	v5 =	vshll.u32 v9, $0x1;
	v8 =	vcvt.f32.s32 v13;
	v13 =	vtrunc.f32 v19;
	v19 =	vld [tilespmem:s22+$0x81F0]  }
0x260: {  	v9 =	vand.u32 $0xFFFFFFC0, v5;
	v5 =	vshra.s32 v6, $0x2;
	v6 =	vcvt.f32.s32 v13;
	v20 =	vld [tilespmem:s22+$0x4140]  }
0x261: {  	v21 =	vld [tilespmem:s22+$0x8040];
	v13 =	vand.u32 $0xFFFFFFF8, v5;
	v8 =	vshll.u32 v8, $0x1;
	v5 =	vadd.s32 v11, v7  }
0x262: {  	v7 =	vtrunc.f32 v10;
	v11 =	vld [tilespmem:s22+$0x80C0];
	v6 =	vshra.s32 v6, $0x2;
	v10 =	vtrunc.f32 v14  }
0x263: {  	v14 =	vand.u32 $0xFFFFFFC0, v8;
	v7 =	vcvt.f32.s32 v7;
	v22 =	vld [tilespmem:s22+$0x8140];
	v8 =	vcvt.f32.s32 v10  }
0x264: {  	v15 =	vand.u32 $0xFFFFFFF8, v6;
	v6 =	vtrunc.f32 v16;
	v10 =	vtrunc.f32 v19;
	[tilespmem:v18+s12+$0x0] =	vst.idx.add.f32.msk $0xffff, v2  }
0x265: {  	v7 =	vshll.u32 v7, $0x1;
	v10 =	vcvt.f32.s32 v10;
	v8 =	vshra.s32 v8, $0x2;
	[tilespmem:v12+s12+$0x0] =	vst.idx.add.f32.msk $0xffff, v2  }
0x266: {  	v12 =	vtrunc.f32 v20;
	v7 =	vand.u32 $0xFFFFFFC0, v7;
	v8 =	vand.u32 $0xFFFFFFF8, v8;
	[tilespmem:v17+s12+$0x0] =	vst.idx.add.f32.msk $0xffff, v2  }
.Ltmp3:
0x267: {  	v17 =	vcvt.f32.s32 v6;
	v6 =	vshra.s32 v10, $0x5;
	v8 =	vadd.s32 v8, v7;
	v7 =	vld [tilespmem:s19+$0x70];
	(pc) =	sbr.rel @p0 .LBB2_5-.Ltmp3, $4  }
0x268: {  	v16 =	vtrunc.f32 v21;
	v12 =	vcvt.f32.s32 v12;
	v6 =	vadd.s32 v6, v8;
	v8 =	vld [tilespmem:s19+$0x4070]  }
0x269: {  	v19 =	vtrunc.f32 v11;
	v20 =	vtrunc.f32 v22;
	v6 =	vadd.s32 v1, v6;
	v10 =	vld [tilespmem:s19+$0xF0]  }
0x26a: {  	v16 =	vcvt.f32.s32 v16;
	v21 =	vshll.u32 v17, $0x1;
	v18 =	vshra.s32 v12, $0x2;
	v11 =	vld [tilespmem:s19+$0x40F0]  }
0x26b: {  	s22 =	sadd.s32 $0x200, s22;
	v19 =	vcvt.f32.s32 v19;
	v17 =	vcvt.f32.s32 v20;
	v20 =	vand.u32 $0xFFFFFFC0, v21;
	v12 =	vld [tilespmem:s19+$0x170]  }
0x26c: {  	v9 =	vadd.s32 v13, v9  }
0x26d: {  	v51 =	vadd.s32 v15, v14;
	v52 =	vand.u32 $0xFFFFFFF8, v18;
	v53 =	vshra.s32 v16, $0x5  }
0x26e: {  	v54 =	vshra.s32 v19, $0x5;
	v14 =	vadd.s32 v52, v20;
	v9 =	vadd.s32 v53, v9  }
0x26f: {  	v55 =	vshra.s32 v17, $0x5;
	v13 =	vadd.s32 v54, v51;
	v9 =	vadd.s32 v1, v9  }
0x270: {  	v14 =	vadd.s32 v55, v14;
	v13 =	vadd.s32 v1, v13  }
0x271: {  	v14 =	vadd.s32 v1, v14;
	_ =	sdelay $0x2  }
0x272: {  	[tilespmem:v9+s12+$0x0] =	vst.idx.add.f32.msk $0xffff, v2  }
0x273: {  	[tilespmem:v13+s12+$0x0] =	vst.idx.add.f32.msk $0xffff, v2  }
0x274: {  	[tilespmem:v14+s12+$0x0] =	vst.idx.add.f32.msk $0xffff, v2  }
0x275: {  	v9 =	vld [tilespmem:s20+$0x50]  }
0x276: {  	v56 =	vld [tilespmem:s20+$0x4050]  }
0x277: {  	v61 =	vld [tilespmem:s20+$0x8050]  }
0x278: {  	v57 =	vld [tilespmem:s20+$0xD0]  }
0x279: {  	v58 =	vld [tilespmem:s20+$0x40D0]  }
0x27a: {  	v59 =	vld [tilespmem:s20+$0x150]  }
0x27b: {  	v60 =	vld [tilespmem:s20+$0x4150]  }
0x27c: {  	v62 =	vld [tilespmem:s20+$0x80D0]  }
0x27d: {  	v63 =	vld [tilespmem:s20+$0x8150];
	v9 =	vtrunc.f32 v9;
	v13 =	vtrunc.f32 v56  }
0x27e: {  	v18 =	vtrunc.f32 v61;
	v14 =	vtrunc.f32 v57  }
0x27f: {  	v15 =	vtrunc.f32 v58;
	v16 =	vtrunc.f32 v59  }
0x280: {  	v9 =	vcvt.f32.s32 v9;
	v17 =	vtrunc.f32 v60  }
0x281: {  	v13 =	vcvt.f32.s32 v13;
	v19 =	vtrunc.f32 v62  }
0x282: {  	v20 =	vtrunc.f32 v63;
	v18 =	vcvt.f32.s32 v18  }
0x283: {  	v14 =	vcvt.f32.s32 v14;
	v15 =	vcvt.f32.s32 v15  }
0x284: {  	v16 =	vcvt.f32.s32 v16;
	v17 =	vcvt.f32.s32 v17  }
0x285: {  	v19 =	vcvt.f32.s32 v19;
	v20 =	vcvt.f32.s32 v20  }
0x286: {  	v9 =	vshll.u32 v9, $0x1;
	v13 =	vshra.s32 v13, $0x2;
	v26 =	vshra.s32 v18, $0x5  }
0x287: {  	v14 =	vshll.u32 v14, $0x1;
	v15 =	vshra.s32 v15, $0x2;
	v16 =	vshll.u32 v16, $0x1  }
0x288: {  	v17 =	vshra.s32 v17, $0x2;
	v9 =	vand.u32 $0xFFFFFFC0, v9;
	v13 =	vand.u32 $0xFFFFFFF8, v13  }
0x289: {  	v27 =	vshra.s32 v19, $0x5;
	v28 =	vshra.s32 v20, $0x5;
	v14 =	vand.u32 $0xFFFFFFC0, v14  }
0x28a: {  	v15 =	vand.u32 $0xFFFFFFF8, v15;
	v9 =	vadd.s32 v13, v9;
	v24 =	vand.u32 $0xFFFFFFC0, v16  }
0x28b: {  	v25 =	vand.u32 $0xFFFFFFF8, v17;
	v14 =	vadd.s32 v15, v14;
	v9 =	vadd.s32 v26, v9  }
0x28c: {  	v13 =	vadd.s32 v25, v24;
	v14 =	vadd.s32 v27, v14;
	v9 =	vadd.s32 v1, v9  }
0x28d: {  	v13 =	vadd.s32 v28, v13;
	v14 =	vadd.s32 v1, v14  }
0x28e: {  	v13 =	vadd.s32 v1, v13;
	_ =	sdelay $0x2  }
0x28f: {  	[tilespmem:v9+s12+$0x0] =	vst.idx.add.f32.msk $0xffff, v2  }
0x290: {  	[tilespmem:v14+s12+$0x0] =	vst.idx.add.f32.msk $0xffff, v2  }
0x291: {  	[tilespmem:v13+s12+$0x0] =	vst.idx.add.f32.msk $0xffff, v2  }
0x292: {  	v9 =	vld [tilespmem:s20+$0x60]  }
0x293: {  	v29 =	vld [tilespmem:s20+$0x4060]  }
0x294: {  	v33 =	vld [tilespmem:s20+$0x8060]  }
0x295: {  	v14 =	vld [tilespmem:s20+$0xE0]  }
0x296: {  	v30 =	vld [tilespmem:s20+$0x40E0]  }
0x297: {  	v31 =	vld [tilespmem:s20+$0x160]  }
0x298: {  	v32 =	vld [tilespmem:s20+$0x4160]  }
0x299: {  	v34 =	vld [tilespmem:s20+$0x80E0]  }
0x29a: {  	v35 =	vld [tilespmem:s20+$0x8160];
	v9 =	vtrunc.f32 v9;
	v13 =	vtrunc.f32 v29  }
0x29b: {  	v18 =	vtrunc.f32 v33;
	v14 =	vtrunc.f32 v14  }
0x29c: {  	v15 =	vtrunc.f32 v30;
	v16 =	vtrunc.f32 v31  }
0x29d: {  	v17 =	vtrunc.f32 v32;
	v9 =	vcvt.f32.s32 v9  }
0x29e: {  	v13 =	vcvt.f32.s32 v13;
	v19 =	vtrunc.f32 v34  }
0x29f: {  	v20 =	vtrunc.f32 v35;
	v18 =	vcvt.f32.s32 v18  }
0x2a0: {  	v14 =	vcvt.f32.s32 v14;
	v15 =	vcvt.f32.s32 v15  }
0x2a1: {  	v16 =	vcvt.f32.s32 v16;
	v17 =	vcvt.f32.s32 v17  }
0x2a2: {  	v19 =	vcvt.f32.s32 v19;
	v20 =	vcvt.f32.s32 v20  }
0x2a3: {  	v9 =	vshll.u32 v9, $0x1;
	v13 =	vshra.s32 v13, $0x2;
	v37 =	vshra.s32 v18, $0x5  }
0x2a4: {  	v14 =	vshll.u32 v14, $0x1;
	v15 =	vshra.s32 v15, $0x2;
	v16 =	vshll.u32 v16, $0x1  }
0x2a5: {  	v17 =	vshra.s32 v17, $0x2;
	v9 =	vand.u32 $0xFFFFFFC0, v9;
	v13 =	vand.u32 $0xFFFFFFF8, v13  }
0x2a6: {  	v39 =	vshra.s32 v19, $0x5;
	v40 =	vshra.s32 v20, $0x5;
	v14 =	vand.u32 $0xFFFFFFC0, v14  }
0x2a7: {  	v15 =	vand.u32 $0xFFFFFFF8, v15;
	v16 =	vand.u32 $0xFFFFFFC0, v16;
	v9 =	vadd.s32 v13, v9  }
0x2a8: {  	v17 =	vand.u32 $0xFFFFFFF8, v17;
	v36 =	vadd.s32 v15, v14;
	v9 =	vadd.s32 v37, v9  }
0x2a9: {  	v16 =	vadd.s32 v17, v16;
	v13 =	vadd.s32 v39, v36;
	v9 =	vadd.s32 v1, v9  }
0x2aa: {  	v41 =	vld [tilespmem:s19+$0x8070];
	v14 =	vadd.s32 v40, v16;
	v13 =	vadd.s32 v1, v13  }
0x2ab: {  	v42 =	vld [tilespmem:s19+$0x80F0];
	v14 =	vadd.s32 v1, v14  }
0x2ac: {  	v7 =	vtrunc.f32 v7;
	v3 =	vadd.s32 v1, v3;
	v43 =	vld [tilespmem:s19+$0x8170];
	v8 =	vtrunc.f32 v8  }
0x2ad: {  	v38 =	vld [tilespmem:s19+$0x4170];
	v4 =	vadd.s32 v1, v4;
	v7 =	vcvt.f32.s32 v7;
	v10 =	vtrunc.f32 v10  }
0x2ae: {  	v5 =	vadd.s32 v1, v5;
	v8 =	vcvt.f32.s32 v8;
	v11 =	vtrunc.f32 v11;
	[tilespmem:v9+s12+$0x0] =	vst.idx.add.f32.msk $0xffff, v2  }
0x2af: {  	v10 =	vcvt.f32.s32 v10;
	v7 =	vshll.u32 v7, $0x1;
	v12 =	vtrunc.f32 v12;
	[tilespmem:v13+s12+$0x0] =	vst.idx.add.f32.msk $0xffff, v2  }
0x2b0: {  	v7 =	vand.u32 $0xFFFFFFC0, v7;
	v8 =	vshra.s32 v8, $0x2;
	v45 =	vtrunc.f32 v41;
	[tilespmem:v14+s12+$0x0] =	vst.idx.add.f32.msk $0xffff, v2  }
0x2b1: {  	v10 =	vshll.u32 v10, $0x1;
	v48 =	vtrunc.f32 v42;
	v18 =	vtrunc.f32 v43;
	v46 =	vld [tilespmem:s20+$0x70]  }
0x2b2: {  	v8 =	vand.u32 $0xFFFFFFF8, v8;
	v18 =	vcvt.f32.s32 v18;
	v15 =	vtrunc.f32 v38;
	v47 =	vld [tilespmem:s20+$0x4070]  }
0x2b3: {  	v10 =	vand.u32 $0xFFFFFFC0, v10;
	v44 =	vcvt.f32.s32 v15;
	v16 =	vcvt.f32.s32 v48;
	v56 =	vld [tilespmem:s20+$0x8070]  }
0x2b4: {  	v7 =	vadd.s32 v8, v7;
	v9 =	vcvt.f32.s32 v11;
	v11 =	vcvt.f32.s32 v12;
	v49 =	vld [tilespmem:s20+$0xF0]  }
0x2b5: {  	v52 =	vshra.s32 v18, $0x5;
	v51 =	vshra.s32 v16, $0x5;
	v12 =	vshra.s32 v44, $0x2;
	v50 =	vld [tilespmem:s20+$0x40F0]  }
0x2b6: {  	v13 =	vcvt.f32.s32 v45;
	v9 =	vshra.s32 v9, $0x2;
	v11 =	vshll.u32 v11, $0x1;
	v58 =	vld [tilespmem:s20+$0x80F0]  }
0x2b7: {  	v12 =	vand.u32 $0xFFFFFFF8, v12;
	v59 =	vld [tilespmem:s20+$0x8170];
	v9 =	vand.u32 $0xFFFFFFF8, v9;
	v8 =	vand.u32 $0xFFFFFFC0, v11  }
0x2b8: {  	v11 =	vld [tilespmem:s20+$0x170];
	v13 =	vshra.s32 v13, $0x5;
	v9 =	vadd.s32 v9, v10;
	v53 =	vtrunc.f32 v46  }
0x2b9: {  	v8 =	vadd.s32 v12, v8;
	v54 =	vtrunc.f32 v47;
	v15 =	vtrunc.f32 v56  }
0x2ba: {  	v7 =	vadd.s32 v13, v7;
	v55 =	vtrunc.f32 v49;
	v57 =	vtrunc.f32 v50  }
0x2bb: {  	v10 =	vld [tilespmem:s20+$0x4170];
	v9 =	vadd.s32 v51, v9;
	v12 =	vcvt.f32.s32 v53;
	v13 =	vcvt.f32.s32 v54  }
0x2bc: {  	v8 =	vadd.s32 v52, v8;
	v17 =	vtrunc.f32 v58;
	v15 =	vcvt.f32.s32 v15  }
0x2bd: {  	v7 =	vadd.s32 v1, v7;
	v18 =	vtrunc.f32 v59;
	v11 =	vtrunc.f32 v11  }
0x2be: {  	v9 =	vadd.s32 v1, v9;
	v14 =	vcvt.f32.s32 v55;
	v16 =	vcvt.f32.s32 v57  }
0x2bf: {  	v8 =	vadd.s32 v1, v8;
	v17 =	vcvt.f32.s32 v17;
	v18 =	vcvt.f32.s32 v18  }
0x2c0: {  	v10 =	vtrunc.f32 v10;
	v12 =	vshll.u32 v12, $0x1;
	v11 =	vcvt.f32.s32 v11  }
0x2c1: {  	v13 =	vshra.s32 v13, $0x2;
	v12 =	vand.u32 $0xFFFFFFC0, v12;
	v10 =	vcvt.f32.s32 v10  }
0x2c2: {  	v14 =	vshll.u32 v14, $0x1;
	v16 =	vshra.s32 v16, $0x2;
	v13 =	vand.u32 $0xFFFFFFF8, v13  }
0x2c3: {  	v11 =	vshll.u32 v11, $0x1;
	v14 =	vand.u32 $0xFFFFFFC0, v14;
	v16 =	vand.u32 $0xFFFFFFF8, v16  }
0x2c4: {  	v12 =	vadd.s32 v13, v12;
	v10 =	vshra.s32 v10, $0x2;
	v11 =	vand.u32 $0xFFFFFFC0, v11  }
0x2c5: {  	[tilespmem:v6+s12+$0x0] =	vst.idx.add.f32.msk $0xffff, v2;
	v60 =	vadd.s32 v16, v14;
	v6 =	vand.u32 $0xFFFFFFF8, v10;
	v10 =	vshra.s32 v15, $0x5  }
0x2c6: {  	[tilespmem:v3+s12+$0x0] =	vst.idx.add.f32.msk $0xffff, v2;
	v3 =	vadd.s32 v6, v11;
	v6 =	vshra.s32 v17, $0x5;
	v10 =	vadd.s32 v10, v12  }
0x2c7: {  	[tilespmem:v4+s12+$0x0] =	vst.idx.add.f32.msk $0xffff, v2;
	v4 =	vshra.s32 v18, $0x5;
	v6 =	vadd.s32 v6, v60;
	v10 =	vadd.s32 v1, v10  }
0x2c8: {  	[tilespmem:v5+s12+$0x0] =	vst.idx.add.f32.msk $0xffff, v2;
	v3 =	vadd.s32 v4, v3;
	v4 =	vadd.s32 v1, v6  }
0x2c9: {  	[tilespmem:v7+s12+$0x0] =	vst.idx.add.f32.msk $0xffff, v2;
	v3 =	vadd.s32 v1, v3  }
0x2ca: {  	[tilespmem:v9+s12+$0x0] =	vst.idx.add.f32.msk $0xffff, v2  }
0x2cb: {  	[tilespmem:v8+s12+$0x0] =	vst.idx.add.f32.msk $0xffff, v2  }
0x2cc: {  	[tilespmem:v10+s12+$0x0] =	vst.idx.add.f32.msk $0xffff, v2  }
0x2cd: {  	[tilespmem:v4+s12+$0x0] =	vst.idx.add.f32.msk $0xffff, v2  }
0x2ce: {  	s22 =	simm.s32 $0x19010;
	[tilespmem:v3+s12+$0x0] =	vst.idx.add.f32.msk $0xffff, v2  }
0x2cf: {  	v3 =	vld [tilespmem:s22+$0xFFFFF000];
	_ =	sdelay $0x1  }
0x2d0: {  	v4 =	vld [tilespmem:s22+$0xFFFFF200];
	_ =	sdelay $0x1  }
0x2d1: {  	v5 =	vld [tilespmem:s22+$0xFFFFF400]  }
0x2d2: {  	s31 =	simm.s32 $0x0;
	v6 =	vld [tilespmem:s22+$0xFFFFF600];
	v3 =	vadd.f32 $0.0e+00, v3  }
0x2d3: {  	s23 =	sand.u32 $0x1E0, s31;
	v7 =	vld [tilespmem:s22+$0xFFFFEFF0];
	[tilespmem:s22+$0xFFFFEFF0] =	vst v0  }
0x2d4: {  	v8 =	vld [tilespmem:s23+$0x18200];
	v3 =	vadd.f32 v4, v3  }
0x2d5: {  	[tilespmem:s22+$0xFFFFF400] =	vst v0;
	v4 =	vld [tilespmem:s22+$0xFFFFF800]  }
0x2d6: {  	[tilespmem:s22+$0xFFFFF200] =	vst v0;
	v9 =	vld [tilespmem:s23+$0x18400];
	v3 =	vadd.f32 v5, v3  }
0x2d7: {  	[tilespmem:s22+$0xFFFFF600] =	vst v0;
	v5 =	vld [tilespmem:s22+$0xFFFFFA00]  }
0x2d8: {  	[tilespmem:s22+$0xFFFFF000] =	vst v0;
	v10 =	vld [tilespmem:s23+$0x18600];
	v3 =	vadd.f32 v6, v3  }
0x2d9: {  	[tilespmem:s23+$0x18200] =	vst v0;
	v6 =	vld [tilespmem:s22+$0xFFFFFC00]  }
0x2da: {  	[tilespmem:s23+$0x18400] =	vst v0;
	v11 =	vld [tilespmem:s23+$0x18800];
	v3 =	vadd.f32 v4, v3  }
0x2db: {  	[tilespmem:s23+$0x18600] =	vst v0;
	v4 =	vld [tilespmem:s22+$0xFFFFFE00]  }
0x2dc: {  	[tilespmem:s23+$0x18800] =	vst v0;
	v61 =	vld [tilespmem:s23+$0x18A00];
	v7 =	vadd.f32 $0.0e+00, v7;
	v3 =	vadd.f32 v5, v3  }
0x2dd: {  	[tilespmem:s23+$0x18A00] =	vst v0;
	v5 =	vld [tilespmem:s22+$0x0]  }
0x2de: {  	v62 =	vld [tilespmem:s23+$0x19000];
	[tilespmem:s23+$0x19000] =	vst v0;
	v7 =	vadd.f32 v8, v7;
	v3 =	vadd.f32 v6, v3  }
0x2df: {  	[tilespmem:s22+$0xFFFFF800] =	vst v0;
	v6 =	vld [tilespmem:s22+$0x200]  }
0x2e0: {  	v8 =	vld [tilespmem:s23+$0x18C00];
	[tilespmem:s23+$0x18C00] =	vst v0;
	v7 =	vadd.f32 v9, v7;
	v3 =	vadd.f32 v4, v3  }
0x2e1: {  	[tilespmem:s22+$0xFFFFFA00] =	vst v0;
	v4 =	vld [tilespmem:s22+$0x400]  }
0x2e2: {  	v9 =	vld [tilespmem:s23+$0x18E00];
	[tilespmem:s23+$0x18E00] =	vst v0;
	v7 =	vadd.f32 v10, v7;
	v3 =	vadd.f32 v5, v3  }
0x2e3: {  	[tilespmem:s22+$0xFFFFFC00] =	vst v0;
	v10 =	vld [tilespmem:s22+$0x600]  }
0x2e4: {  	[tilespmem:s22+$0x600] =	vst v0;
	v5 =	vadd.f32 v11, v7;
	v3 =	vadd.f32 v6, v3  }
0x2e5: {  	[tilespmem:s22+$0xFFFFFE00] =	vst v0;
	v7 =	vld [tilespmem:s22+$0x800]  }
0x2e6: {  	[tilespmem:s22+$0x0] =	vst v0;
	v6 =	vadd.f32 v61, v5;
	v3 =	vadd.f32 v4, v3  }
0x2e7: {  	v63 =	vld [tilespmem:s22+$0xA00];
	[tilespmem:s22+$0x200] =	vst v0  }
0x2e8: {  	[tilespmem:s22+$0x400] =	vst v0;
	v11 =	vld [tilespmem:s23+$0x19200];
	v4 =	vadd.f32 v8, v6;
	v3 =	vadd.f32 v10, v3  }
0x2e9: {  	p1 =	por $0x1, $0x1;
	[tilespmem:s22+$0x800] =	vst v0;
	v8 =	vld [tilespmem:s22+$0xC00]  }
.Ltmp4:
0x2ea: {  	[tilespmem:s23+$0x19200] =	vst v0;
	v5 =	vld [tilespmem:s23+$0x19400];
	v9 =	vadd.f32 v9, v4;
	v3 =	vadd.f32 v7, v3;
	(pc) =	sbr.rel @!p1 .LBB2_7-.Ltmp4, $4  }
0x2eb: {  	[tilespmem:s23+$0x19400] =	vst v0;
	v6 =	vld [tilespmem:s23+$0x19600]  }
0x2ec: {  	[tilespmem:s23+$0x19600] =	vst v0;
	v4 =	vld [tilespmem:s23+$0x19800];
	v9 =	vadd.f32 v62, v9;
	v10 =	vadd.f32 v63, v3  }
0x2ed: {  	[tilespmem:s23+$0x19800] =	vst v0;
	v7 =	vld [tilespmem:s22+$0xE00]  }
0x2ee: {  	s21 =	simm.s32 $0x1A010;
	s19 =	simm.s32 $0x19030;
	p0 =	por $0x0, $0x0;
	v3 =	vld [tilespmem:s23+$0x19A00];
	v9 =	vadd.f32 v11, v9;
	[tilespmem:s23+$0x19A00] =	vst v0;
	v8 =	vadd.f32 v8, v10  }
0x2ef: {  	v10 =	vld [tilespmem:s19+$0xFFFFF000]  }
0x2f0: {  	v11 =	vld [tilespmem:s19+$0xFFFFF200]  }
0x2f1: {  	[tilespmem:s22+$0xA00] =	vst v0;
	v12 =	vld [tilespmem:s19+$0xFFFFF400]  }
0x2f2: {  	[tilespmem:s22+$0xC00] =	vst v0;
	v13 =	vld [tilespmem:s19+$0xFFFFEFF0]  }
0x2f3: {  	[tilespmem:s19+$0xFFFFF400] =	vst v0;
	v14 =	vld [tilespmem:s19+$0xFFFFF600]  }
0x2f4: {  	[tilespmem:s19+$0xFFFFF200] =	vst v0;
	v15 =	vld [tilespmem:s23+$0x19C00]  }
0x2f5: {  	[tilespmem:s22+$0xE00] =	vst v0;
	v56 =	vld [tilespmem:s19+$0xFFFFFA00];
	v10 =	vadd.f32 $0.0e+00, v10  }
0x2f6: {  	[tilespmem:s19+$0xFFFFF600] =	vst v0;
	v57 =	vld [tilespmem:s19+$0xFFFFFC00]  }
0x2f7: {  	[tilespmem:s19+$0xFFFFF000] =	vst v0;
	v58 =	vld [tilespmem:s19+$0x0];
	v10 =	vadd.f32 v11, v10  }
0x2f8: {  	[tilespmem:s19+$0xFFFFEFF0] =	vst v0;
	v11 =	vld [tilespmem:s19+$0xFFFFF800]  }
0x2f9: {  	[tilespmem:s19+$0xFFFFFA00] =	vst v0;
	v59 =	vld [tilespmem:s19+$0x200];
	v10 =	vadd.f32 v12, v10  }
0x2fa: {  	s22 =	simm.s32 $0x20;
	[tilespmem:s19+$0xFFFFFC00] =	vst v0;
	v61 =	vld [tilespmem:s19+$0x600]  }
0x2fb: {  	[tilespmem:s19+$0x0] =	vst v0;
	v63 =	vld [tilespmem:s19+$0x800];
	s20 =	sand.u32 $0x1E0, s22;
	v10 =	vadd.f32 v14, v10  }
0x2fc: {  	[tilespmem:s19+$0x200] =	vst v0;
	v17 =	vld [tilespmem:s20+$0x18200]  }
0x2fd: {  	[tilespmem:s19+$0x600] =	vst v0;
	v18 =	vld [tilespmem:s20+$0x18400];
	v10 =	vadd.f32 v11, v10  }
0x2fe: {  	[tilespmem:s19+$0x800] =	vst v0;
	v11 =	vld [tilespmem:s19+$0xFFFFFE00]  }
0x2ff: {  	v16 =	vld [tilespmem:s23+$0x19E00];
	[tilespmem:s23+$0x19C00] =	vst v0;
	v13 =	vadd.f32 $0.0e+00, v13;
	v10 =	vadd.f32 v56, v10  }
0x300: {  	[tilespmem:s23+$0x19E00] =	vst v0;
	v19 =	vld [tilespmem:s20+$0x18600]  }
0x301: {  	[tilespmem:s20+$0x18200] =	vst v0;
	v13 =	vadd.f32 v17, v13;
	v10 =	vadd.f32 v57, v10  }
0x302: {  	v5 =	vadd.f32 v5, v9;
	[tilespmem:s20+$0x18400] =	vst v0;
	v20 =	vld [tilespmem:s20+$0x18800]  }
0x303: {  	[tilespmem:s20+$0x18600] =	vst v0;
	v21 =	vld [tilespmem:s20+$0x18A00];
	v13 =	vadd.f32 v18, v13;
	v10 =	vadd.f32 v11, v10  }
0x304: {  	[tilespmem:s20+$0x18800] =	vst v0;
	v5 =	vadd.f32 v6, v5;
	v11 =	vld [tilespmem:s19+$0x400]  }
0x305: {  	[tilespmem:s20+$0x18A00] =	vst v0;
	v13 =	vadd.f32 v19, v13;
	v10 =	vadd.f32 v58, v10  }
0x306: {  	v60 =	vld [tilespmem:s20+$0x18C00];
	[tilespmem:s20+$0x18C00] =	vst v0;
	v4 =	vadd.f32 v4, v5  }
0x307: {  	v9 =	vld [tilespmem:s20+$0x18E00];
	[tilespmem:s20+$0x18E00] =	vst v0;
	v6 =	vadd.f32 v20, v13;
	v10 =	vadd.f32 v59, v10  }
0x308: {  	v62 =	vld [tilespmem:s20+$0x19000];
	[tilespmem:s20+$0x19000] =	vst v0;
	v7 =	vadd.f32 v7, v8;
	v3 =	vadd.f32 v3, v4  }
0x309: {  	v8 =	vld [tilespmem:s20+$0x19200];
	[tilespmem:s20+$0x19200] =	vst v0;
	v6 =	vadd.f32 v21, v6;
	v10 =	vadd.f32 v11, v10  }
0x30a: {  	[tilespmem:s21+$0x0] =	vst v7;
	v3 =	vadd.f32 v15, v3;
	v11 =	vld [tilespmem:s19+$0xA00]  }
0x30b: {  	v5 =	vld [tilespmem:s20+$0x19400];
	[tilespmem:s20+$0x19400] =	vst v0;
	v4 =	vadd.f32 v60, v6;
	v7 =	vadd.f32 v61, v10  }
0x30c: {  	[tilespmem:s19+$0xFFFFF800] =	vst v0;
	v3 =	vadd.f32 v16, v3  }
0x30d: {  	p1 =	por $0x1, $0x1;
	[tilespmem:s19+$0xFFFFFE00] =	vst v0;
	v9 =	vadd.f32 v9, v4;
	v10 =	vld [tilespmem:s19+$0xC00];
	v7 =	vadd.f32 v63, v7  }
.Ltmp5:
0x30e: {  	[tilespmem:s21+$0xFFFFFFF0] =	vst v3;
	v3 =	vld [tilespmem:s20+$0x19A00];
	(pc) =	sbr.rel @!p1 .LBB2_9-.Ltmp5, $4  }
0x30f: {  	[tilespmem:s20+$0x19A00] =	vst v0;
	v9 =	vadd.f32 v62, v9;
	v11 =	vadd.f32 v11, v7;
	v7 =	vld [tilespmem:s19+$0xE00]  }
0x310: {  	v6 =	vld [tilespmem:s20+$0x19600];
	[tilespmem:s20+$0x19600] =	vst v0  }
0x311: {  	s23 =	simm.s32 $0x2;
	[tilespmem:s19+$0x400] =	vst v0;
	v9 =	vadd.f32 v8, v9  }
0x312: {  	s25 =	simm.s32 $0x19050;
	p0 =	por $0x1, $0x1;
	s24 =	simm.s32 $0x1A010;
	v4 =	vld [tilespmem:s20+$0x19800];
	[tilespmem:s20+$0x19800] =	vst v0;
	v8 =	vadd.f32 v10, v11  }
.LBB2_10:
0x313: {  	v10 =	vld [tilespmem:s25+$0xFFFFF000];
	s23 =	sadd.s32 $0x2, s23;
	v5 =	vadd.f32 v5, v9;
	[tilespmem:s19+$0xA00] =	vst v0  }
0x314: {  	v9 =	vld [tilespmem:s25+$0xFFFFEFF0];
	p1 =	slt.u32 s23, $0x1E;
	[tilespmem:s19+$0xC00] =	vst v0;
	v7 =	vadd.f32 v7, v8  }
0x315: {  	s24 =	sadd.s32 $0x20, s24;
	v8 =	vld [tilespmem:s25+$0xFFFFF200];
	v5 =	vadd.f32 v6, v5;
	[tilespmem:s19+$0xE00] =	vst v0;
	s19 =	smov.u32 s25  }
0x316: {  	v6 =	vld [tilespmem:s20+$0x19C00];
	[tilespmem:s24+$0x0] =	vst v7  }
0x317: {  	v7 =	vld [tilespmem:s25+$0xFFFFF400];
	[tilespmem:s25+$0xFFFFF400] =	vst v0;
	v4 =	vadd.f32 v4, v5  }
0x318: {  	v5 =	vadd.f32 $0.0e+00, v10;
	[tilespmem:s25+$0xFFFFF200] =	vst v0;
	v10 =	vld [tilespmem:s20+$0x19E00]  }
0x319: {  	v9 =	vadd.f32 $0.0e+00, v9;
	v11 =	vld [tilespmem:s25+$0xFFFFF600];
	[tilespmem:s25+$0xFFFFF600] =	vst v0;
	v3 =	vadd.f32 v3, v4  }
0x31a: {  	[tilespmem:s25+$0xFFFFF000] =	vst v0;
	v4 =	vadd.f32 v8, v5  }
0x31b: {  	v5 =	vld [tilespmem:s25+$0xFFFFF800];
	[tilespmem:s25+$0xFFFFF800] =	vst v0;
	v3 =	vadd.f32 v6, v3  }
0x31c: {  	s22 =	sadd.s32 $0x20, s22;
	[tilespmem:s25+$0xFFFFEFF0] =	vst v0;
	v4 =	vadd.f32 v7, v4  }
0x31d: {  	s26 =	sand.u32 $0x1E0, s22;
	v6 =	vld [tilespmem:s25+$0xFFFFFA00];
	[tilespmem:s25+$0xFFFFFA00] =	vst v0;
	v3 =	vadd.f32 v10, v3  }
0x31e: {  	v7 =	vld [tilespmem:s26+$0x18200];
	[tilespmem:s26+$0x18200] =	vst v0;
	v4 =	vadd.f32 v11, v4  }
0x31f: {  	v8 =	vld [tilespmem:s25+$0xFFFFFC00];
	[tilespmem:s25+$0xFFFFFC00] =	vst v0  }
0x320: {  	v10 =	vld [tilespmem:s26+$0x18400];
	[tilespmem:s26+$0x18400] =	vst v0;
	v4 =	vadd.f32 v5, v4  }
0x321: {  	v5 =	vld [tilespmem:s25+$0xFFFFFE00];
	[tilespmem:s25+$0xFFFFFE00] =	vst v0  }
0x322: {  	v11 =	vld [tilespmem:s26+$0x18600];
	[tilespmem:s26+$0x18600] =	vst v0;
	v4 =	vadd.f32 v6, v4  }
0x323: {  	v6 =	vadd.f32 v7, v9;
	v7 =	vld [tilespmem:s25+$0x0];
	[tilespmem:s25+$0x0] =	vst v0  }
0x324: {  	v9 =	vld [tilespmem:s26+$0x18800];
	[tilespmem:s26+$0x18800] =	vst v0;
	v4 =	vadd.f32 v8, v4  }
0x325: {  	v6 =	vadd.f32 v10, v6;
	v8 =	vld [tilespmem:s25+$0x200];
	[tilespmem:s25+$0x200] =	vst v0  }
0x326: {  	v10 =	vld [tilespmem:s26+$0x18A00];
	[tilespmem:s26+$0x18A00] =	vst v0;
	v4 =	vadd.f32 v5, v4  }
0x327: {  	v5 =	vadd.f32 v11, v6;
	v6 =	vld [tilespmem:s25+$0x400];
	[tilespmem:s25+$0x400] =	vst v0  }
0x328: {  	v11 =	vld [tilespmem:s26+$0x18C00];
	[tilespmem:s26+$0x18C00] =	vst v0;
	v4 =	vadd.f32 v7, v4  }
0x329: {  	v5 =	vadd.f32 v9, v5;
	v7 =	vld [tilespmem:s25+$0x600];
	[tilespmem:s25+$0x600] =	vst v0  }
0x32a: {  	v9 =	vld [tilespmem:s26+$0x18E00];
	[tilespmem:s26+$0x18E00] =	vst v0;
	v4 =	vadd.f32 v8, v4  }
0x32b: {  	v5 =	vadd.f32 v10, v5;
	v8 =	vld [tilespmem:s25+$0x800];
	[tilespmem:s25+$0x800] =	vst v0  }
0x32c: {  	v10 =	vld [tilespmem:s26+$0x19000];
	[tilespmem:s26+$0x19000] =	vst v0;
	v4 =	vadd.f32 v6, v4  }
0x32d: {  	v5 =	vadd.f32 v11, v5;
	v11 =	vld [tilespmem:s25+$0xA00];
	[tilespmem:s20+$0x19C00] =	vst v0  }
0x32e: {  	v12 =	vld [tilespmem:s26+$0x19200];
	[tilespmem:s26+$0x19200] =	vst v0;
	v4 =	vadd.f32 v7, v4  }
0x32f: {  	v6 =	vadd.f32 v9, v5;
	v13 =	vld [tilespmem:s25+$0xC00];
	[tilespmem:s20+$0x19E00] =	vst v0;
	s20 =	smov.u32 s26  }
.Ltmp6:
0x330: {  	v5 =	vld [tilespmem:s20+$0x19400];
	[tilespmem:s20+$0x19400] =	vst v0;
	v4 =	vadd.f32 v8, v4;
	(pc) =	sbr.rel @p1 .LBB2_10-.Ltmp6, $4  }
0x331: {  	v8 =	vadd.f32 v10, v6;
	v7 =	vld [tilespmem:s25+$0xE00];
	[tilespmem:s24+$0xFFFFFFF0] =	vst v3  }
0x332: {  	v6 =	vld [tilespmem:s20+$0x19600];
	[tilespmem:s20+$0x19600] =	vst v0;
	v10 =	vadd.f32 v11, v4  }
0x333: {  	v9 =	vadd.f32 v12, v8;
	v4 =	vld [tilespmem:s20+$0x19800];
	[tilespmem:s20+$0x19800] =	vst v0  }
0x334: {  	s25 =	sadd.s32 $0x20, s25;
	v3 =	vld [tilespmem:s20+$0x19A00];
	[tilespmem:s20+$0x19A00] =	vst v0;
	v8 =	vadd.f32 v13, v10  }
0x335: {  	s22 =	smov.u32 s19;
	s23 =	smov.u32 s20  }
.LBB2_12:
0x336: {  	v5 =	vadd.f32 v5, v9;
	_ =	sdelay $0x1  }
0x337: {  	v5 =	vadd.f32 v6, v5  }
0x338: {  	v6 =	vld [tilespmem:s23+$0x19C00]  }
0x339: {  	v4 =	vadd.f32 v4, v5  }
0x33a: {  	v5 =	vld [tilespmem:s23+$0x19E00]  }
0x33b: {  	[tilespmem:s22+$0xA00] =	vst v0;
	v3 =	vadd.f32 v3, v4  }
0x33c: {  	[tilespmem:s22+$0xC00] =	vst v0  }
0x33d: {  	[tilespmem:s22+$0xE00] =	vst v0;
	v3 =	vadd.f32 v6, v3  }
0x33e: {  	s19 =	sadd.s32 @p0 $0x20, s24;
	s29 =	sshll.u32 s18, $0x1;
	[tilespmem:s23+$0x19C00] =	vst v0;
	v4 =	vadd.f32 v7, v8  }
0x33f: {  	s21 =	smov.u32 @p0 s19;
	s19 =	sadd.s32 s6, s29;
	[tilespmem:s23+$0x19E00] =	vst v0;
	v3 =	vadd.f32 v5, v3  }
0x340: {  	p0 =	seq.s32 s18, $0x7;
	s20 =	sshll.u32 s19, $0x6;
	[tilespmem:s21+$0x0] =	vst v4  }
0x341: {  	s22 =	smul.u32 @!p0 $0xC000, s19;
	s30 =	sadd.s32 s4, s20;
	[tilespmem:s21+$0xFFFFFFF0] =	vst v3  }
0x342: {  	[hbm4b:s30+s3] =	stream.linear.scatter [tilespmem:s13], [sflag:$0x3], $0x200, $0x38;
	[tilespmem:$0x1A200] =	vst v63  }
0x343: {  	s21 =	sshrl.u32 @!p0 s22, $0x3;
	_ =	swait.ge [sflag:s14], $0x200  }
0x344: {  	s21 =	sadd.s32 @!p0 s2, s21;
	[sflag:s14] =	ssyncset.done $0x0  }
0x345: {  	s22 =	simm.s32 @!p0 $0x0;
	s21 =	sadd.s32 @!p0 $0x3000, s21;
	[sflag:s14] =	ssyncadd.s32 $0xFFFFFE00  }
0x346: {  	[tilespmem:s22], [sflag:$0x1] =	stream.linear.gather @!p0 [hbm4b:s21+s22], $0xC000, $0x38;
	[tilespmem:$0x1A200] =	vst v63  }
0x347: {  	_ =	swait.ge [sflag:s15], $0xC000  }
0x348: {  	[sflag:s15] =	ssyncset.done $0x0  }
0x349: {  	s31 =	simm.s32 $0xC000;
	[sflag:s15] =	ssyncadd.s32 $0xFFFF4000  }
0x34a: {  	v3 =	vld [tilespmem:s31+$0x180]  }
0x34b: {  	v4 =	vld [tilespmem:s31+$0x4180];
	_ =	sdelay $0x1  }
0x34c: {  	v5 =	vld [tilespmem:s31+$0x8180];
	_ =	sdelay $0x2  }
0x34d: {  	v3 =	vtrunc.f32 v3;
	v4 =	vtrunc.f32 v4  }
0x34e: {  	v3 =	vcvt.f32.s32 v3;
	v4 =	vcvt.f32.s32 v4  }
0x34f: {  	v6 =	vld [tilespmem:s31+$0x4000];
	v5 =	vtrunc.f32 v5  }
0x350: {  	v7 =	vld [tilespmem:s31+$0x80];
	v5 =	vcvt.f32.s32 v5;
	v3 =	vshll.u32 v3, $0x1;
	v4 =	vshra.s32 v4, $0x2  }
0x351: {  	v8 =	vld [tilespmem:s31+$0x8000];
	v3 =	vand.u32 $0xFFFFFFC0, v3;
	v4 =	vand.u32 $0xFFFFFFF8, v4  }
0x352: {  	v9 =	vld [tilespmem:s31+$0x8080];
	v5 =	vshra.s32 v5, $0x5;
	v3 =	vadd.s32 v4, v3  }
0x353: {  	v4 =	vld [tilespmem:s31+$0x0];
	v3 =	vadd.s32 v5, v3  }
0x354: {  	v5 =	vld [tilespmem:s31+$0x4080];
	v3 =	vadd.s32 v1, v3;
	_ =	sdelay $0x1  }
0x355: {  	v6 =	vtrunc.f32 v6;
	v7 =	vtrunc.f32 v7  }
0x356: {  	v8 =	vtrunc.f32 v8;
	v9 =	vtrunc.f32 v9  }
0x357: {  	v6 =	vcvt.f32.s32 v6;
	v4 =	vtrunc.f32 v4  }
0x358: {  	v5 =	vtrunc.f32 v5;
	v4 =	vcvt.f32.s32 v4;
	[tilespmem:v3+s12+$0x0] =	vst.idx.add.f32.msk $0xffff, v2  }
0x359: {  	v6 =	vshra.s32 v6, $0x2;
	v3 =	vcvt.f32.s32 v7;
	v5 =	vcvt.f32.s32 v5;
	v7 =	vld [tilespmem:s31+$0x190]  }
0x35a: {  	v8 =	vcvt.f32.s32 v8;
	v9 =	vcvt.f32.s32 v9;
	v6 =	vand.u32 $0xFFFFFFF8, v6;
	v10 =	vld [tilespmem:s31+$0x4190]  }
0x35b: {  	v4 =	vshll.u32 v4, $0x1;
	v3 =	vshll.u32 v3, $0x1;
	v5 =	vshra.s32 v5, $0x2  }
0x35c: {  	v11 =	vld [tilespmem:s31+$0x8190];
	v4 =	vand.u32 $0xFFFFFFC0, v4;
	v3 =	vand.u32 $0xFFFFFFC0, v3;
	v5 =	vand.u32 $0xFFFFFFF8, v5  }
0x35d: {  	v4 =	vadd.s32 v6, v4;
	v3 =	vadd.s32 v5, v3;
	v5 =	vshra.s32 v8, $0x5  }
0x35e: {  	v6 =	vshra.s32 v9, $0x5;
	v4 =	vadd.s32 v5, v4  }
0x35f: {  	v8 =	vld [tilespmem:s31+$0x100];
	v3 =	vadd.s32 v6, v3;
	v5 =	vtrunc.f32 v7;
	v7 =	vtrunc.f32 v10  }
0x360: {  	v4 =	vadd.s32 v1, v4;
	v5 =	vcvt.f32.s32 v5;
	v6 =	vcvt.f32.s32 v7;
	v7 =	vld [tilespmem:s31+$0x4100]  }
0x361: {  	v3 =	vadd.s32 v1, v3;
	v9 =	vtrunc.f32 v11  }
0x362: {  	v9 =	vcvt.f32.s32 v9;
	v5 =	vshll.u32 v5, $0x1;
	v6 =	vshra.s32 v6, $0x2  }
0x363: {  	v10 =	vld [tilespmem:s31+$0x8100];
	v5 =	vand.u32 $0xFFFFFFC0, v5;
	v6 =	vand.u32 $0xFFFFFFF8, v6  }
0x364: {  	v9 =	vshra.s32 v9, $0x5;
	v5 =	vadd.s32 v6, v5  }
0x365: {  	v6 =	vtrunc.f32 v8;
	[tilespmem:v4+s12+$0x0] =	vst.idx.add.f32.msk $0xffff, v2;
	v5 =	vadd.s32 v9, v5;
	v7 =	vtrunc.f32 v7  }
0x366: {  	[tilespmem:v3+s12+$0x0] =	vst.idx.add.f32.msk $0xffff, v2;
	v4 =	vadd.s32 v1, v5;
	v5 =	vcvt.f32.s32 v6;
	v6 =	vcvt.f32.s32 v7  }
0x367: {  	v8 =	vld [tilespmem:s31+$0x4010]  }
0x368: {  	v3 =	vtrunc.f32 v10;
	v9 =	vld [tilespmem:s31+$0x90];
	v5 =	vshll.u32 v5, $0x1;
	v6 =	vshra.s32 v6, $0x2  }
0x369: {  	v3 =	vcvt.f32.s32 v3;
	v7 =	vld [tilespmem:s31+$0x10];
	v5 =	vand.u32 $0xFFFFFFC0, v5;
	v6 =	vand.u32 $0xFFFFFFF8, v6  }
0x36a: {  	v5 =	vadd.s32 v6, v5;
	v6 =	vld [tilespmem:s31+$0x4090]  }
0x36b: {  	v3 =	vshra.s32 v3, $0x5;
	[tilespmem:v4+s12+$0x0] =	vst.idx.add.f32.msk $0xffff, v2  }
0x36c: {  	v3 =	vadd.s32 v3, v5;
	v4 =	vld [tilespmem:s31+$0x1A0]  }
0x36d: {  	v3 =	vadd.s32 v1, v3;
	v5 =	vld [tilespmem:s31+$0x41A0]  }
0x36e: {  	v8 =	vtrunc.f32 v8  }
0x36f: {  	v9 =	vtrunc.f32 v9;
	v7 =	vtrunc.f32 v7;
	v10 =	vld [tilespmem:s31+$0x81A0]  }
0x370: {  	v8 =	vcvt.f32.s32 v8;
	v9 =	vcvt.f32.s32 v9  }
0x371: {  	v12 =	vld [tilespmem:s31+$0x8010];
	v7 =	vcvt.f32.s32 v7;
	v6 =	vtrunc.f32 v6  }
0x372: {  	[tilespmem:v3+s12+$0x0] =	vst.idx.add.f32.msk $0xffff, v2;
	v3 =	vtrunc.f32 v4;
	v4 =	vtrunc.f32 v5  }
0x373: {  	v8 =	vshra.s32 v8, $0x2;
	v5 =	vld [tilespmem:s31+$0x110];
	v3 =	vcvt.f32.s32 v3;
	v4 =	vcvt.f32.s32 v4  }
0x374: {  	v7 =	vshll.u32 v7, $0x1;
	v6 =	vcvt.f32.s32 v6;
	v10 =	vtrunc.f32 v10;
	v11 =	vld [tilespmem:s31+$0x4110]  }
0x375: {  	v13 =	vld [tilespmem:s31+$0x8090];
	v10 =	vcvt.f32.s32 v10;
	v3 =	vshll.u32 v3, $0x1;
	v4 =	vshra.s32 v4, $0x2  }
0x376: {  	v7 =	vand.u32 $0xFFFFFFC0, v7;
	v14 =	vld [tilespmem:s31+$0x8110];
	v3 =	vand.u32 $0xFFFFFFC0, v3;
	v4 =	vand.u32 $0xFFFFFFF8, v4  }
0x377: {  	v6 =	vshra.s32 v6, $0x2;
	v10 =	vshra.s32 v10, $0x5;
	v3 =	vadd.s32 v4, v3  }
0x378: {  	v4 =	vand.u32 $0xFFFFFFF8, v8;
	v8 =	vshll.u32 v9, $0x1;
	v3 =	vadd.s32 v10, v3  }
0x379: {  	v5 =	vtrunc.f32 v5;
	v9 =	vtrunc.f32 v11;
	v3 =	vadd.s32 v1, v3  }
0x37a: {  	v6 =	vand.u32 $0xFFFFFFF8, v6;
	v10 =	vtrunc.f32 v12;
	v11 =	vtrunc.f32 v13  }
0x37b: {  	v8 =	vand.u32 $0xFFFFFFC0, v8;
	v12 =	vtrunc.f32 v14;
	v5 =	vcvt.f32.s32 v5  }
0x37c: {  	v4 =	vadd.s32 v4, v7;
	v9 =	vcvt.f32.s32 v9;
	v10 =	vcvt.f32.s32 v10  }
0x37d: {  	v11 =	vcvt.f32.s32 v11;
	v12 =	vcvt.f32.s32 v12;
	v5 =	vshll.u32 v5, $0x1  }
0x37e: {  	v9 =	vshra.s32 v9, $0x2;
	v7 =	vshra.s32 v10, $0x5;
	v5 =	vand.u32 $0xFFFFFFC0, v5;
	[tilespmem:v3+s12+$0x0] =	vst.idx.add.f32.msk $0xffff, v2  }
0x37f: {  	v4 =	vadd.s32 v7, v4;
	v3 =	vadd.s32 v6, v8;
	v6 =	vand.u32 $0xFFFFFFF8, v9;
	v8 =	vld [tilespmem:s31+$0x1B0]  }
0x380: {  	v4 =	vadd.s32 v1, v4;
	v9 =	vshra.s32 v11, $0x5;
	v5 =	vadd.s32 v6, v5;
	v6 =	vld [tilespmem:s31+$0x41B0]  }
0x381: {  	v7 =	vshra.s32 v12, $0x5;
	v3 =	vadd.s32 v9, v3  }
0x382: {  	v3 =	vadd.s32 v1, v3;
	v5 =	vadd.s32 v7, v5;
	v7 =	vld [tilespmem:s31+$0x81B0]  }
0x383: {  	v5 =	vadd.s32 v1, v5;
	_ =	sdelay $0x1  }
0x384: {  	[tilespmem:v4+s12+$0x0] =	vst.idx.add.f32.msk $0xffff, v2;
	v8 =	vtrunc.f32 v8;
	v6 =	vtrunc.f32 v6  }
0x385: {  	v10 =	vld [tilespmem:s31+$0x8020];
	v4 =	vcvt.f32.s32 v8;
	v6 =	vcvt.f32.s32 v6  }
0x386: {  	[tilespmem:v3+s12+$0x0] =	vst.idx.add.f32.msk $0xffff, v2;
	v3 =	vtrunc.f32 v7  }
0x387: {  	[tilespmem:v5+s12+$0x0] =	vst.idx.add.f32.msk $0xffff, v2;
	v3 =	vcvt.f32.s32 v3;
	v4 =	vshll.u32 v4, $0x1;
	v5 =	vshra.s32 v6, $0x2  }
0x388: {  	v7 =	vld [tilespmem:s31+$0x4020];
	v4 =	vand.u32 $0xFFFFFFC0, v4;
	v5 =	vand.u32 $0xFFFFFFF8, v5  }
0x389: {  	v11 =	vld [tilespmem:s31+$0x80A0];
	v3 =	vshra.s32 v3, $0x5;
	v4 =	vadd.s32 v5, v4  }
0x38a: {  	v6 =	vld [tilespmem:s31+$0x20];
	v3 =	vadd.s32 v3, v4  }
0x38b: {  	v5 =	vld [tilespmem:s31+$0xA0];
	v3 =	vadd.s32 v1, v3  }
0x38c: {  	v4 =	vld [tilespmem:s31+$0x40A0]  }
0x38d: {  	v10 =	vtrunc.f32 v10  }
0x38e: {  	v10 =	vcvt.f32.s32 v10;
	v7 =	vtrunc.f32 v7  }
0x38f: {  	v8 =	vld [tilespmem:s31+$0x120];
	v11 =	vtrunc.f32 v11;
	v6 =	vtrunc.f32 v6  }
0x390: {  	v6 =	vcvt.f32.s32 v6;
	v5 =	vtrunc.f32 v5;
	[tilespmem:v3+s12+$0x0] =	vst.idx.add.f32.msk $0xffff, v2  }
0x391: {  	v4 =	vtrunc.f32 v4;
	v3 =	vcvt.f32.s32 v7;
	v7 =	vld [tilespmem:s31+$0x1C0]  }
0x392: {  	v5 =	vcvt.f32.s32 v5;
	v6 =	vshll.u32 v6, $0x1;
	v4 =	vcvt.f32.s32 v4;
	v12 =	vld [tilespmem:s31+$0x41C0]  }
0x393: {  	v10 =	vshra.s32 v10, $0x5;
	v11 =	vcvt.f32.s32 v11;
	v6 =	vand.u32 $0xFFFFFFC0, v6  }
0x394: {  	v5 =	vshll.u32 v5, $0x1;
	v14 =	vld [tilespmem:s31+$0x81C0];
	v3 =	vshra.s32 v3, $0x2;
	v4 =	vshra.s32 v4, $0x2  }
0x395: {  	v5 =	vand.u32 $0xFFFFFFC0, v5;
	v3 =	vand.u32 $0xFFFFFFF8, v3;
	v4 =	vand.u32 $0xFFFFFFF8, v4  }
0x396: {  	v8 =	vtrunc.f32 v8;
	v3 =	vadd.s32 v3, v6;
	v4 =	vadd.s32 v4, v5  }
0x397: {  	v9 =	vld [tilespmem:s31+$0x4120];
	v5 =	vshra.s32 v11, $0x5;
	v7 =	vtrunc.f32 v7;
	v12 =	vtrunc.f32 v12  }
0x398: {  	v3 =	vadd.s32 v10, v3;
	v7 =	vcvt.f32.s32 v7;
	v12 =	vcvt.f32.s32 v12  }
0x399: {  	v13 =	vld [tilespmem:s31+$0x8120];
	v4 =	vadd.s32 v5, v4;
	v6 =	vtrunc.f32 v14;
	v3 =	vadd.s32 v1, v3  }
0x39a: {  	v6 =	vcvt.f32.s32 v6;
	v7 =	vshll.u32 v7, $0x1;
	v12 =	vshra.s32 v12, $0x2  }
0x39b: {  	v4 =	vadd.s32 v1, v4;
	v7 =	vand.u32 $0xFFFFFFC0, v7;
	v12 =	vand.u32 $0xFFFFFFF8, v12  }
0x39c: {  	v9 =	vtrunc.f32 v9;
	v6 =	vshra.s32 v6, $0x5;
	v7 =	vadd.s32 v12, v7  }
0x39d: {  	v8 =	vcvt.f32.s32 v8;
	v9 =	vcvt.f32.s32 v9;
	v6 =	vadd.s32 v6, v7  }
0x39e: {  	v13 =	vtrunc.f32 v13;
	v6 =	vadd.s32 v1, v6  }
0x39f: {  	v8 =	vshll.u32 v8, $0x1;
	v9 =	vshra.s32 v9, $0x2;
	[tilespmem:v3+s12+$0x0] =	vst.idx.add.f32.msk $0xffff, v2;
	v7 =	vcvt.f32.s32 v13  }
0x3a0: {  	v8 =	vand.u32 $0xFFFFFFC0, v8;
	v9 =	vand.u32 $0xFFFFFFF8, v9;
	[tilespmem:v4+s12+$0x0] =	vst.idx.add.f32.msk $0xffff, v2  }
0x3a1: {  	v5 =	vadd.s32 v9, v8;
	v8 =	vld [tilespmem:s31+$0xB0];
	v7 =	vshra.s32 v7, $0x5  }
0x3a2: {  	v12 =	vld [tilespmem:s31+$0x8030];
	v5 =	vadd.s32 v7, v5  }
0x3a3: {  	v3 =	vadd.s32 v1, v5;
	[tilespmem:v6+s12+$0x0] =	vst.idx.add.f32.msk $0xffff, v2  }
0x3a4: {  	v5 =	vld [tilespmem:s31+$0x1D0]  }
0x3a5: {  	v6 =	vld [tilespmem:s31+$0x41D0]  }
0x3a6: {  	v4 =	vld [tilespmem:s31+$0x81D0]  }
0x3a7: {  	v7 =	vld [tilespmem:s31+$0x4030]  }
0x3a8: {  	[tilespmem:v3+s12+$0x0] =	vst.idx.add.f32.msk $0xffff, v2  }
0x3a9: {  	v8 =	vtrunc.f32 v8;
	v12 =	vtrunc.f32 v12;
	v3 =	vld [tilespmem:s31+$0x30]  }
0x3aa: {  	v8 =	vcvt.f32.s32 v8;
	v10 =	vld [tilespmem:s31+$0x130];
	v5 =	vtrunc.f32 v5  }
0x3ab: {  	v11 =	vld [tilespmem:s31+$0x4130];
	v6 =	vtrunc.f32 v6;
	v4 =	vtrunc.f32 v4  }
0x3ac: {  	v5 =	vcvt.f32.s32 v5;
	v6 =	vcvt.f32.s32 v6  }
0x3ad: {  	v9 =	vld [tilespmem:s31+$0x40B0];
	v7 =	vtrunc.f32 v7;
	v8 =	vshll.u32 v8, $0x1;
	v4 =	vcvt.f32.s32 v4  }
0x3ae: {  	v3 =	vtrunc.f32 v3;
	v5 =	vshll.u32 v5, $0x1;
	v6 =	vshra.s32 v6, $0x2  }
0x3af: {  	v4 =	vshra.s32 v4, $0x5;
	v3 =	vcvt.f32.s32 v3;
	v10 =	vtrunc.f32 v10  }
0x3b0: {  	v11 =	vtrunc.f32 v11;
	v5 =	vand.u32 $0xFFFFFFC0, v5;
	v6 =	vand.u32 $0xFFFFFFF8, v6  }
0x3b1: {  	v10 =	vcvt.f32.s32 v10;
	v11 =	vcvt.f32.s32 v11;
	v5 =	vadd.s32 v6, v5;
	v6 =	vld [tilespmem:s31+$0x80B0]  }
0x3b2: {  	v4 =	vadd.s32 v4, v5;
	v5 =	vcvt.f32.s32 v7;
	v7 =	vtrunc.f32 v9;
	v9 =	vld [tilespmem:s31+$0x8130]  }
0x3b3: {  	v12 =	vcvt.f32.s32 v12;
	v8 =	vand.u32 $0xFFFFFFC0, v8;
	v3 =	vshll.u32 v3, $0x1  }
0x3b4: {  	v10 =	vshll.u32 v10, $0x1;
	v11 =	vshra.s32 v11, $0x2;
	v7 =	vcvt.f32.s32 v7  }
0x3b5: {  	v3 =	vand.u32 $0xFFFFFFC0, v3;
	v4 =	vadd.s32 v1, v4;
	v5 =	vshra.s32 v5, $0x2  }
0x3b6: {  	v7 =	vshra.s32 v7, $0x2;
	v5 =	vand.u32 $0xFFFFFFF8, v5;
	v6 =	vtrunc.f32 v6  }
0x3b7: {  	s21 =	simm.s32 $0xC200;
	v7 =	vand.u32 $0xFFFFFFF8, v7;
	v3 =	vadd.s32 v5, v3;
	v9 =	vtrunc.f32 v9  }
0x3b8: {  	v15 =	vld [tilespmem:s21+$0x8180];
	v6 =	vcvt.f32.s32 v6;
	v5 =	vadd.s32 v7, v8;
	v7 =	vshra.s32 v12, $0x5  }
0x3b9: {  	v14 =	vld [tilespmem:s21+$0x4180];
	v10 =	vand.u32 $0xFFFFFFC0, v10;
	v9 =	vcvt.f32.s32 v9;
	v3 =	vadd.s32 v7, v3  }
0x3ba: {  	v13 =	vld [tilespmem:s21+$0x180];
	v11 =	vand.u32 $0xFFFFFFF8, v11;
	v6 =	vshra.s32 v6, $0x5;
	v3 =	vadd.s32 v1, v3  }
0x3bb: {  	v8 =	vadd.s32 v11, v10;
	[tilespmem:v4+s12+$0x0] =	vst.idx.add.f32.msk $0xffff, v2;
	v7 =	vshra.s32 v9, $0x5;
	v5 =	vadd.s32 v6, v5  }
0x3bc: {  	v6 =	vld [tilespmem:s31+$0x1E0];
	v4 =	vadd.s32 v7, v8;
	v5 =	vadd.s32 v1, v5  }
0x3bd: {  	v7 =	vld [tilespmem:s31+$0x41E0];
	v4 =	vadd.s32 v1, v4  }
0x3be: {  	v8 =	vld [tilespmem:s31+$0x81E0]  }
0x3bf: {  	[tilespmem:v3+s12+$0x0] =	vst.idx.add.f32.msk $0xffff, v2  }
0x3c0: {  	v3 =	vld [tilespmem:s31+$0x40]  }
0x3c1: {  	v15 =	vtrunc.f32 v15;
	[tilespmem:v5+s12+$0x0] =	vst.idx.add.f32.msk $0xffff, v2  }
0x3c2: {  	v15 =	vcvt.f32.s32 v15;
	[tilespmem:v4+s12+$0x0] =	vst.idx.add.f32.msk $0xffff, v2  }
0x3c3: {  	v5 =	vtrunc.f32 v7;
	v4 =	vtrunc.f32 v6;
	v6 =	vld [tilespmem:s31+$0x4040]  }
0x3c4: {  	v8 =	vtrunc.f32 v8;
	v5 =	vcvt.f32.s32 v5;
	v7 =	vld [tilespmem:s31+$0xC0]  }
0x3c5: {  	v9 =	vld [tilespmem:s31+$0x40C0];
	v8 =	vcvt.f32.s32 v8;
	v4 =	vcvt.f32.s32 v4  }
0x3c6: {  	v15 =	vshra.s32 v15, $0x5;
	v14 =	vtrunc.f32 v14;
	v13 =	vtrunc.f32 v13;
	v10 =	vld [tilespmem:s31+$0x140]  }
0x3c7: {  	v11 =	vld [tilespmem:s31+$0x4140];
	v5 =	vshra.s32 v5, $0x2;
	v8 =	vshra.s32 v8, $0x5;
	v4 =	vshll.u32 v4, $0x1  }
0x3c8: {  	v12 =	vld [tilespmem:s31+$0x8140];
	v5 =	vand.u32 $0xFFFFFFF8, v5;
	v3 =	vtrunc.f32 v3;
	v4 =	vand.u32 $0xFFFFFFC0, v4  }
0x3c9: {  	v3 =	vcvt.f32.s32 v3;
	v4 =	vadd.s32 v5, v4;
	v6 =	vtrunc.f32 v6  }
0x3ca: {  	v7 =	vtrunc.f32 v7;
	v9 =	vtrunc.f32 v9;
	v4 =	vadd.s32 v8, v4  }
0x3cb: {  	v5 =	vld [tilespmem:s31+$0x8040];
	v6 =	vcvt.f32.s32 v6;
	v3 =	vshll.u32 v3, $0x1;
	v7 =	vcvt.f32.s32 v7  }
0x3cc: {  	v9 =	vcvt.f32.s32 v9;
	v10 =	vtrunc.f32 v10;
	v4 =	vadd.s32 v1, v4  }
0x3cd: {  	v11 =	vtrunc.f32 v11;
	v12 =	vtrunc.f32 v12;
	v3 =	vand.u32 $0xFFFFFFC0, v3  }
0x3ce: {  	v8 =	vld [tilespmem:s31+$0x80C0];
	v10 =	vcvt.f32.s32 v10;
	v11 =	vcvt.f32.s32 v11;
	v6 =	vshra.s32 v6, $0x2  }
0x3cf: {  	v7 =	vshll.u32 v7, $0x1;
	v9 =	vshra.s32 v9, $0x2;
	v6 =	vand.u32 $0xFFFFFFF8, v6  }
0x3d0: {  	v7 =	vand.u32 $0xFFFFFFC0, v7;
	v9 =	vand.u32 $0xFFFFFFF8, v9;
	v5 =	vtrunc.f32 v5  }
0x3d1: {  	[tilespmem:v4+s12+$0x0] =	vst.idx.add.f32.msk $0xffff, v2;
	v4 =	vshll.u32 v10, $0x1;
	v10 =	vcvt.f32.s32 v13;
	v13 =	vcvt.f32.s32 v14  }
0x3d2: {  	v16 =	vld [tilespmem:s21+$0x4000];
	v3 =	vadd.s32 v6, v3;
	v6 =	vadd.s32 v9, v7;
	v5 =	vcvt.f32.s32 v5  }
0x3d3: {  	v17 =	vld [tilespmem:s21+$0x80];
	v8 =	vtrunc.f32 v8;
	v10 =	vshll.u32 v10, $0x1;
	v13 =	vshra.s32 v13, $0x2  }
0x3d4: {  	v7 =	vld [tilespmem:s21+$0x0];
	v5 =	vshra.s32 v5, $0x5;
	v10 =	vand.u32 $0xFFFFFFC0, v10;
	v13 =	vand.u32 $0xFFFFFFF8, v13  }
0x3d5: {  	v18 =	vld [tilespmem:s21+$0x4080];
	v8 =	vcvt.f32.s32 v8;
	v3 =	vadd.s32 v5, v3;
	v10 =	vadd.s32 v13, v10  }
0x3d6: {  	v12 =	vcvt.f32.s32 v12;
	v14 =	vld [tilespmem:s31+$0x1F0];
	v3 =	vadd.s32 v1, v3;
	v9 =	vadd.s32 v15, v10  }
0x3d7: {  	v11 =	vshra.s32 v11, $0x2;
	v8 =	vshra.s32 v8, $0x5;
	v5 =	vld [tilespmem:s21+$0x8000];
	v9 =	vadd.s32 v1, v9  }
0x3d8: {  	v4 =	vand.u32 $0xFFFFFFC0, v4;
	v6 =	vadd.s32 v8, v6;
	v8 =	vshra.s32 v12, $0x5;
	v12 =	vld [tilespmem:s21+$0x4100]  }
0x3d9: {  	v7 =	vtrunc.f32 v7;
	v6 =	vadd.s32 v1, v6;
	v10 =	vand.u32 $0xFFFFFFF8, v11;
	v11 =	vld [tilespmem:s21+$0x100]  }
0x3da: {  	v13 =	vtrunc.f32 v16;
	v7 =	vcvt.f32.s32 v7;
	v4 =	vadd.s32 v10, v4;
	v10 =	vld [tilespmem:s21+$0x8080]  }
0x3db: {  	v16 =	vtrunc.f32 v18;
	v13 =	vcvt.f32.s32 v13;
	v4 =	vadd.s32 v8, v4;
	[tilespmem:v3+s12+$0x0] =	vst.idx.add.f32.msk $0xffff, v2  }
0x3dc: {  	v15 =	vtrunc.f32 v17;
	v7 =	vshll.u32 v7, $0x1;
	v4 =	vadd.s32 v1, v4;
	[tilespmem:v9+s12+$0x0] =	vst.idx.add.f32.msk $0xffff, v2  }
0x3dd: {  	v13 =	vshra.s32 v13, $0x2;
	v9 =	vcvt.f32.s32 v15;
	v15 =	vcvt.f32.s32 v16;
	v16 =	vld [tilespmem:s21+$0x190]  }
0x3de: {  	v5 =	vtrunc.f32 v5;
	v7 =	vand.u32 $0xFFFFFFC0, v7;
	v13 =	vand.u32 $0xFFFFFFF8, v13;
	v17 =	vld [tilespmem:s21+$0x4190]  }
0x3df: {  	v5 =	vcvt.f32.s32 v5;
	[tilespmem:v6+s12+$0x0] =	vst.idx.add.f32.msk $0xffff, v2;
	v7 =	vadd.s32 v13, v7;
	v10 =	vtrunc.f32 v10  }
0x3e0: {  	v10 =	vcvt.f32.s32 v10;
	v3 =	vshll.u32 v9, $0x1;
	v9 =	vshra.s32 v15, $0x2;
	v15 =	vld [tilespmem:s21+$0x8190]  }
0x3e1: {  	[tilespmem:v4+s12+$0x0] =	vst.idx.add.f32.msk $0xffff, v2;
	v4 =	vshra.s32 v5, $0x5;
	v3 =	vand.u32 $0xFFFFFFC0, v3;
	v6 =	vand.u32 $0xFFFFFFF8, v9  }
0x3e2: {  	v8 =	vld [tilespmem:s21+$0x8100];
	v5 =	vshra.s32 v10, $0x5;
	v4 =	vadd.s32 v4, v7;
	v3 =	vadd.s32 v6, v3  }
0x3e3: {  	v10 =	vld [tilespmem:s31+$0x4050];
	v4 =	vadd.s32 v1, v4;
	v7 =	vtrunc.f32 v16;
	v9 =	vtrunc.f32 v17  }
0x3e4: {  	v6 =	vld [tilespmem:s31+$0x50];
	v3 =	vadd.s32 v5, v3;
	v5 =	vcvt.f32.s32 v7;
	v7 =	vcvt.f32.s32 v9  }
0x3e5: {  	v13 =	vadd.s32 v1, v3;
	v16 =	vld [tilespmem:s31+$0x150];
	v3 =	vtrunc.f32 v15  }
0x3e6: {  	v17 =	vld [tilespmem:s31+$0x4150];
	v3 =	vcvt.f32.s32 v3;
	v5 =	vshll.u32 v5, $0x1;
	v7 =	vshra.s32 v7, $0x2  }
0x3e7: {  	v9 =	vld [tilespmem:s31+$0xD0];
	v5 =	vand.u32 $0xFFFFFFC0, v5;
	v7 =	vand.u32 $0xFFFFFFF8, v7  }
0x3e8: {  	v11 =	vtrunc.f32 v11;
	v15 =	vld [tilespmem:s31+$0x40D0];
	v3 =	vshra.s32 v3, $0x5;
	v5 =	vadd.s32 v7, v5  }
0x3e9: {  	v11 =	vcvt.f32.s32 v11;
	[tilespmem:v4+s12+$0x0] =	vst.idx.add.f32.msk $0xffff, v2;
	v3 =	vadd.s32 v3, v5  }
0x3ea: {  	v10 =	vtrunc.f32 v10;
	v7 =	vtrunc.f32 v12;
	v12 =	vld [tilespmem:s31+$0x8050];
	v4 =	vadd.s32 v1, v3  }
0x3eb: {  	v6 =	vtrunc.f32 v6;
	[tilespmem:v13+s12+$0x0] =	vst.idx.add.f32.msk $0xffff, v2;
	v5 =	vcvt.f32.s32 v7  }
0x3ec: {  	v6 =	vcvt.f32.s32 v6;
	v13 =	vld [tilespmem:s21+$0x4010];
	v7 =	vtrunc.f32 v8  }
0x3ed: {  	v8 =	vshll.u32 v11, $0x1;
	v11 =	vld [tilespmem:s21+$0x10];
	v7 =	vcvt.f32.s32 v7;
	v5 =	vshra.s32 v5, $0x2  }
0x3ee: {  	v3 =	vtrunc.f32 v14;
	v8 =	vand.u32 $0xFFFFFFC0, v8;
	v14 =	vld [tilespmem:s21+$0x90];
	v5 =	vand.u32 $0xFFFFFFF8, v5  }
0x3ef: {  	v3 =	vcvt.f32.s32 v3;
	v7 =	vshra.s32 v7, $0x5;
	v5 =	vadd.s32 v5, v8;
	[tilespmem:v4+s12+$0x0] =	vst.idx.add.f32.msk $0xffff, v2  }
0x3f0: {  	v8 =	vtrunc.f32 v9;
	v4 =	vadd.s32 v7, v5;
	v5 =	vtrunc.f32 v17;
	v17 =	vld [tilespmem:s21+$0x4090]  }
0x3f1: {  	v9 =	vtrunc.f32 v15;
	v7 =	vcvt.f32.s32 v10;
	v10 =	vld [tilespmem:s21+$0x1A0]  }
0x3f2: {  	v15 =	vtrunc.f32 v16;
	v12 =	vtrunc.f32 v12;
	v4 =	vadd.s32 v1, v4;
	v16 =	vld [tilespmem:s21+$0x41A0]  }
0x3f3: {  	v13 =	vtrunc.f32 v13;
	v8 =	vcvt.f32.s32 v8;
	v18 =	vld [tilespmem:s21+$0x81A0]  }
0x3f4: {  	v11 =	vtrunc.f32 v11;
	v13 =	vcvt.f32.s32 v13  }
0x3f5: {  	v11 =	vcvt.f32.s32 v11;
	v14 =	vtrunc.f32 v14  }
0x3f6: {  	v6 =	vshll.u32 v6, $0x1;
	v14 =	vcvt.f32.s32 v14;
	v17 =	vtrunc.f32 v17  }
0x3f7: {  	[tilespmem:v4+s12+$0x0] =	vst.idx.add.f32.msk $0xffff, v2;
	v4 =	vshra.s32 v7, $0x2;
	v7 =	vtrunc.f32 v10;
	v10 =	vtrunc.f32 v16  }
0x3f8: {  	v20 =	vld [tilespmem:s21+$0x8010];
	v6 =	vand.u32 $0xFFFFFFC0, v6;
	v18 =	vtrunc.f32 v18;
	v17 =	vcvt.f32.s32 v17  }
0x3f9: {  	v11 =	vshll.u32 v11, $0x1;
	v16 =	vld [tilespmem:s21+$0x110];
	v7 =	vcvt.f32.s32 v7;
	v10 =	vcvt.f32.s32 v10  }
0x3fa: {  	v13 =	vshra.s32 v13, $0x2;
	v11 =	vand.u32 $0xFFFFFFC0, v11;
	v19 =	vld [tilespmem:s21+$0x4110];
	v18 =	vcvt.f32.s32 v18  }
0x3fb: {  	v21 =	vld [tilespmem:s21+$0x8090];
	v17 =	vshra.s32 v17, $0x2;
	v7 =	vshll.u32 v7, $0x1;
	v10 =	vshra.s32 v10, $0x2  }
0x3fc: {  	v22 =	vld [tilespmem:s21+$0x8110];
	v18 =	vshra.s32 v18, $0x5;
	v7 =	vand.u32 $0xFFFFFFC0, v7;
	v10 =	vand.u32 $0xFFFFFFF8, v10  }
0x3fd: {  	v17 =	vand.u32 $0xFFFFFFF8, v17;
	v7 =	vadd.s32 v10, v7;
	v10 =	vand.u32 $0xFFFFFFF8, v13  }
0x3fe: {  	v13 =	vshll.u32 v14, $0x1;
	v7 =	vadd.s32 v18, v7;
	v14 =	vtrunc.f32 v16  }
0x3ff: {  	v16 =	vtrunc.f32 v19;
	v18 =	vtrunc.f32 v20;
	v13 =	vand.u32 $0xFFFFFFC0, v13  }
0x400: {  	v7 =	vadd.s32 v1, v7;
	v14 =	vcvt.f32.s32 v14;
	v16 =	vcvt.f32.s32 v16  }
0x401: {  	v19 =	vtrunc.f32 v21;
	v21 =	vtrunc.f32 v22;
	v10 =	vadd.s32 v10, v11  }
0x402: {  	v21 =	vcvt.f32.s32 v21;
	v14 =	vshll.u32 v14, $0x1;
	v16 =	vshra.s32 v16, $0x2  }
0x403: {  	v18 =	vcvt.f32.s32 v18;
	v14 =	vand.u32 $0xFFFFFFC0, v14;
	v11 =	vand.u32 $0xFFFFFFF8, v16  }
0x404: {  	v19 =	vcvt.f32.s32 v19;
	v11 =	vadd.s32 v11, v14;
	v14 =	vshra.s32 v21, $0x5  }
0x405: {  	[tilespmem:v7+s12+$0x0] =	vst.idx.add.f32.msk $0xffff, v2;
	v7 =	vadd.s32 v17, v13;
	v13 =	vshra.s32 v18, $0x5;
	v11 =	vadd.s32 v14, v11  }
0x406: {  	v17 =	vshra.s32 v19, $0x5;
	v16 =	vld [tilespmem:s21+$0x1B0];
	v10 =	vadd.s32 v13, v10;
	v11 =	vadd.s32 v1, v11  }
0x407: {  	v9 =	vcvt.f32.s32 v9;
	v13 =	vld [tilespmem:s21+$0x41B0];
	v7 =	vadd.s32 v17, v7;
	v10 =	vadd.s32 v1, v10  }
0x408: {  	v3 =	vshll.u32 v3, $0x1;
	v15 =	vcvt.f32.s32 v15;
	v20 =	vld [tilespmem:s31+$0x80D0];
	v7 =	vadd.s32 v1, v7  }
0x409: {  	v12 =	vcvt.f32.s32 v12;
	v8 =	vshll.u32 v8, $0x1;
	v9 =	vshra.s32 v9, $0x2;
	v14 =	vld [tilespmem:s21+$0x81B0]  }
0x40a: {  	v5 =	vcvt.f32.s32 v5;
	v8 =	vand.u32 $0xFFFFFFC0, v8;
	v9 =	vand.u32 $0xFFFFFFF8, v9;
	v22 =	vld [tilespmem:s31+$0x8150]  }
0x40b: {  	v15 =	vshll.u32 v15, $0x1;
	v12 =	vshra.s32 v12, $0x5;
	v8 =	vadd.s32 v9, v8;
	[tilespmem:v11+s12+$0x0] =	vst.idx.add.f32.msk $0xffff, v2  }
0x40c: {  	v4 =	vand.u32 $0xFFFFFFF8, v4;
	v16 =	vtrunc.f32 v16;
	v13 =	vtrunc.f32 v13;
	[tilespmem:v10+s12+$0x0] =	vst.idx.add.f32.msk $0xffff, v2  }
0x40d: {  	v4 =	vadd.s32 v4, v6;
	v10 =	vcvt.f32.s32 v16;
	v13 =	vcvt.f32.s32 v13;
	[tilespmem:v7+s12+$0x0] =	vst.idx.add.f32.msk $0xffff, v2  }
0x40e: {  	v4 =	vadd.s32 v12, v4;
	v17 =	vtrunc.f32 v20;
	v7 =	vtrunc.f32 v14;
	v9 =	vld [tilespmem:s21+$0x120]  }
0x40f: {  	v12 =	vld [tilespmem:s21+$0x4120];
	v7 =	vcvt.f32.s32 v7;
	v10 =	vshll.u32 v10, $0x1;
	v11 =	vshra.s32 v13, $0x2  }
0x410: {  	v14 =	vcvt.f32.s32 v17;
	v17 =	vld [tilespmem:s21+$0xA0];
	v10 =	vand.u32 $0xFFFFFFC0, v10;
	v11 =	vand.u32 $0xFFFFFFF8, v11  }
0x411: {  	v5 =	vshra.s32 v5, $0x2;
	v13 =	vld [tilespmem:s21+$0x20];
	v7 =	vshra.s32 v7, $0x5;
	v10 =	vadd.s32 v11, v10  }
0x412: {  	v5 =	vand.u32 $0xFFFFFFF8, v5;
	v6 =	vand.u32 $0xFFFFFFC0, v15;
	v16 =	vld [tilespmem:s21+$0x4020];
	v7 =	vadd.s32 v7, v10  }
0x413: {  	v5 =	vadd.s32 v5, v6;
	v18 =	vtrunc.f32 v22;
	v7 =	vadd.s32 v1, v7  }
0x414: {  	v4 =	vadd.s32 v1, v4;
	v6 =	vshra.s32 v14, $0x5;
	v11 =	vcvt.f32.s32 v18;
	v10 =	vld [tilespmem:s21+$0x40A0]  }
0x415: {  	v6 =	vadd.s32 v6, v8;
	v9 =	vtrunc.f32 v9;
	v15 =	vtrunc.f32 v17;
	v17 =	vld [tilespmem:s21+$0x8120]  }
0x416: {  	v12 =	vtrunc.f32 v12;
	v11 =	vshra.s32 v11, $0x5;
	v8 =	vtrunc.f32 v13;
	v13 =	vld [tilespmem:s21+$0x8020]  }
0x417: {  	v14 =	vtrunc.f32 v16;
	v9 =	vcvt.f32.s32 v9;
	v5 =	vadd.s32 v11, v5;
	v11 =	vld [tilespmem:s21+$0x80A0]  }
0x418: {  	v6 =	vadd.s32 v1, v6;
	v12 =	vcvt.f32.s32 v12;
	v8 =	vcvt.f32.s32 v8;
	[tilespmem:v7+s12+$0x0] =	vst.idx.add.f32.msk $0xffff, v2  }
0x419: {  	v5 =	vadd.s32 v1, v5;
	v7 =	vcvt.f32.s32 v14;
	v14 =	vcvt.f32.s32 v15;
	v15 =	vld [tilespmem:s21+$0x1C0]  }
0x41a: {  	v9 =	vshll.u32 v9, $0x1;
	v8 =	vshll.u32 v8, $0x1;
	v10 =	vtrunc.f32 v10;
	v16 =	vld [tilespmem:s21+$0x41C0]  }
0x41b: {  	[tilespmem:v4+s12+$0x0] =	vst.idx.add.f32.msk $0xffff, v2;
	v9 =	vand.u32 $0xFFFFFFC0, v9;
	v10 =	vcvt.f32.s32 v10;
	v8 =	vand.u32 $0xFFFFFFC0, v8  }
0x41c: {  	v4 =	vtrunc.f32 v17;
	v13 =	vtrunc.f32 v13;
	v18 =	vld [tilespmem:s21+$0x81C0];
	v7 =	vshra.s32 v7, $0x2  }
0x41d: {  	v11 =	vtrunc.f32 v11;
	v13 =	vcvt.f32.s32 v13;
	v7 =	vand.u32 $0xFFFFFFF8, v7  }
0x41e: {  	v4 =	vcvt.f32.s32 v4;
	v14 =	vshll.u32 v14, $0x1;
	v7 =	vadd.s32 v7, v8  }
0x41f: {  	[tilespmem:v5+s12+$0x0] =	vst.idx.add.f32.msk $0xffff, v2;
	v5 =	vshra.s32 v13, $0x5;
	v15 =	vtrunc.f32 v15;
	v16 =	vtrunc.f32 v16  }
0x420: {  	v19 =	vld [tilespmem:s31+$0x41F0];
	v5 =	vadd.s32 v5, v7;
	v15 =	vcvt.f32.s32 v15;
	v16 =	vcvt.f32.s32 v16  }
0x421: {  	v20 =	vld [tilespmem:s31+$0x81F0];
	v10 =	vshra.s32 v10, $0x2;
	v8 =	vtrunc.f32 v18;
	v5 =	vadd.s32 v1, v5  }
0x422: {  	[tilespmem:v6+s12+$0x0] =	vst.idx.add.f32.msk $0xffff, v2;
	v6 =	vcvt.f32.s32 v8;
	v8 =	vshll.u32 v15, $0x1;
	v15 =	vshra.s32 v16, $0x2  }
0x423: {  	v11 =	vcvt.f32.s32 v11;
	v8 =	vand.u32 $0xFFFFFFC0, v8;
	v13 =	vand.u32 $0xFFFFFFF8, v15;
	v15 =	vld [tilespmem:s31+$0x60]  }
0x424: {  	v6 =	vshra.s32 v6, $0x5;
	v7 =	vadd.s32 v13, v8;
	v8 =	vshra.s32 v12, $0x2;
	v12 =	vld [tilespmem:s31+$0x4060]  }
0x425: {  	v10 =	vand.u32 $0xFFFFFFF8, v10;
	v4 =	vshra.s32 v4, $0x5;
	v13 =	vld [tilespmem:s31+$0xE0];
	v6 =	vadd.s32 v6, v7  }
0x426: {  	v7 =	vand.u32 $0xFFFFFFC0, v14;
	v8 =	vand.u32 $0xFFFFFFF8, v8;
	v14 =	vld [tilespmem:s31+$0x160];
	v6 =	vadd.s32 v1, v6  }
0x427: {  	[tilespmem:v5+s12+$0x0] =	vst.idx.add.f32.msk $0xffff, v2;
	v7 =	vadd.s32 v10, v7;
	v10 =	vshra.s32 v11, $0x5;
	v8 =	vadd.s32 v8, v9  }
0x428: {  	v11 =	vld [tilespmem:s31+$0x40E0];
	v7 =	vadd.s32 v10, v7;
	v10 =	vtrunc.f32 v19;
	v4 =	vadd.s32 v4, v8  }
0x429: {  	v9 =	vld [tilespmem:s31+$0x4160];
	v8 =	vtrunc.f32 v20;
	v7 =	vadd.s32 v1, v7;
	v5 =	vcvt.f32.s32 v10  }
0x42a: {  	v3 =	vand.u32 $0xFFFFFFC0, v3;
	v19 =	vld [tilespmem:s21+$0x8030];
	v12 =	vtrunc.f32 v12;
	v13 =	vtrunc.f32 v13  }
0x42b: {  	v4 =	vadd.s32 v1, v4;
	v14 =	vtrunc.f32 v14;
	v12 =	vcvt.f32.s32 v12;
	[tilespmem:v6+s12+$0x0] =	vst.idx.add.f32.msk $0xffff, v2  }
0x42c: {  	v5 =	vshra.s32 v5, $0x2;
	v13 =	vcvt.f32.s32 v13;
	v6 =	vcvt.f32.s32 v8;
	v10 =	vld [tilespmem:s21+$0x1D0]  }
0x42d: {  	v8 =	vtrunc.f32 v15;
	v11 =	vtrunc.f32 v11;
	v5 =	vand.u32 $0xFFFFFFF8, v5;
	v15 =	vld [tilespmem:s21+$0x41D0]  }
0x42e: {  	v8 =	vcvt.f32.s32 v8;
	v3 =	vadd.s32 v5, v3;
	v5 =	vcvt.f32.s32 v14;
	[tilespmem:v7+s12+$0x0] =	vst.idx.add.f32.msk $0xffff, v2  }
0x42f: {  	v19 =	vtrunc.f32 v19;
	v12 =	vshra.s32 v12, $0x2;
	v7 =	vtrunc.f32 v9;
	v9 =	vld [tilespmem:s21+$0x81D0]  }
0x430: {  	v13 =	vshll.u32 v13, $0x1;
	v6 =	vshra.s32 v6, $0x5;
	[tilespmem:v4+s12+$0x0] =	vst.idx.add.f32.msk $0xffff, v2;
	v4 =	vcvt.f32.s32 v11  }
0x431: {  	v11 =	vld [tilespmem:s21+$0x30];
	v12 =	vand.u32 $0xFFFFFFF8, v12;
	v13 =	vand.u32 $0xFFFFFFC0, v13;
	v7 =	vcvt.f32.s32 v7  }
0x432: {  	v3 =	vadd.s32 v6, v3;
	v6 =	vld [tilespmem:s21+$0x4030];
	v10 =	vtrunc.f32 v10;
	v14 =	vtrunc.f32 v15  }
0x433: {  	v8 =	vshll.u32 v8, $0x1;
	v17 =	vld [tilespmem:s21+$0x130];
	v10 =	vcvt.f32.s32 v10;
	v14 =	vcvt.f32.s32 v14  }
0x434: {  	v18 =	vld [tilespmem:s21+$0x4130];
	v5 =	vshll.u32 v5, $0x1;
	v4 =	vshra.s32 v4, $0x2;
	v9 =	vtrunc.f32 v9  }
0x435: {  	v16 =	vld [tilespmem:s21+$0x40B0];
	v9 =	vcvt.f32.s32 v9;
	v10 =	vshll.u32 v10, $0x1;
	v14 =	vshra.s32 v14, $0x2  }
0x436: {  	v15 =	vld [tilespmem:s21+$0xB0];
	v11 =	vtrunc.f32 v11;
	v10 =	vand.u32 $0xFFFFFFC0, v10;
	v14 =	vand.u32 $0xFFFFFFF8, v14  }
0x437: {  	v6 =	vtrunc.f32 v6;
	v9 =	vshra.s32 v9, $0x5;
	v10 =	vadd.s32 v14, v10  }
0x438: {  	v11 =	vcvt.f32.s32 v11;
	v17 =	vtrunc.f32 v17;
	v9 =	vadd.s32 v9, v10  }
0x439: {  	v18 =	vtrunc.f32 v18;
	v6 =	vcvt.f32.s32 v6;
	v9 =	vadd.s32 v1, v9  }
0x43a: {  	v17 =	vcvt.f32.s32 v17;
	v18 =	vcvt.f32.s32 v18;
	v11 =	vshll.u32 v11, $0x1;
	v14 =	vld [tilespmem:s21+$0x80B0]  }
0x43b: {  	v15 =	vtrunc.f32 v15;
	v6 =	vshra.s32 v6, $0x2;
	v10 =	vtrunc.f32 v16;
	v16 =	vld [tilespmem:s21+$0x8130]  }
0x43c: {  	v17 =	vshll.u32 v17, $0x1;
	v18 =	vshra.s32 v18, $0x2;
	v11 =	vand.u32 $0xFFFFFFC0, v11  }
0x43d: {  	v15 =	vcvt.f32.s32 v15;
	v6 =	vand.u32 $0xFFFFFFF8, v6;
	v10 =	vcvt.f32.s32 v10  }
0x43e: {  	v17 =	vand.u32 $0xFFFFFFC0, v17;
	v18 =	vand.u32 $0xFFFFFFF8, v18;
	v6 =	vadd.s32 v6, v11;
	[tilespmem:v9+s12+$0x0] =	vst.idx.add.f32.msk $0xffff, v2  }
0x43f: {  	v15 =	vshll.u32 v15, $0x1;
	v10 =	vshra.s32 v10, $0x2;
	v9 =	vcvt.f32.s32 v19;
	v19 =	vld [tilespmem:s21+$0x1E0]  }
0x440: {  	v15 =	vand.u32 $0xFFFFFFC0, v15;
	v14 =	vtrunc.f32 v14;
	v16 =	vtrunc.f32 v16;
	v20 =	vld [tilespmem:s21+$0x41E0]  }
0x441: {  	v21 =	vld [tilespmem:s31+$0x8060];
	v10 =	vand.u32 $0xFFFFFFF8, v10;
	v14 =	vcvt.f32.s32 v14;
	v16 =	vcvt.f32.s32 v16  }
0x442: {  	v11 =	vadd.s32 v18, v17;
	v10 =	vadd.s32 v10, v15;
	v15 =	vld [tilespmem:s21+$0x81E0];
	v9 =	vshra.s32 v9, $0x5  }
0x443: {  	v14 =	vshra.s32 v14, $0x5;
	v16 =	vshra.s32 v16, $0x5;
	v6 =	vadd.s32 v9, v6  }
0x444: {  	v9 =	vadd.s32 v14, v10;
	v10 =	vadd.s32 v16, v11;
	v6 =	vadd.s32 v1, v6  }
0x445: {  	v17 =	vld [tilespmem:s31+$0x8160];
	v9 =	vadd.s32 v1, v9;
	v14 =	vtrunc.f32 v19;
	v16 =	vtrunc.f32 v20  }
0x446: {  	s22 =	simm.s32 $0xC400;
	v11 =	vld [tilespmem:s31+$0x80E0];
	v10 =	vadd.s32 v1, v10;
	v14 =	vcvt.f32.s32 v14;
	v16 =	vcvt.f32.s32 v16  }
0x447: {  	v8 =	vand.u32 $0xFFFFFFC0, v8;
	v18 =	vtrunc.f32 v21;
	v21 =	vld [tilespmem:s22+$0x8180];
	v15 =	vtrunc.f32 v15  }
0x448: {  	v20 =	vld [tilespmem:s22+$0x4000];
	v15 =	vcvt.f32.s32 v15;
	v14 =	vshll.u32 v14, $0x1;
	v16 =	vshra.s32 v16, $0x2  }
0x449: {  	v5 =	vand.u32 $0xFFFFFFC0, v5;
	[tilespmem:v6+s12+$0x0] =	vst.idx.add.f32.msk $0xffff, v2;
	v14 =	vand.u32 $0xFFFFFFC0, v14;
	v16 =	vand.u32 $0xFFFFFFF8, v16  }
0x44a: {  	v7 =	vshra.s32 v7, $0x2;
	v6 =	vshra.s32 v15, $0x5;
	[tilespmem:v9+s12+$0x0] =	vst.idx.add.f32.msk $0xffff, v2;
	v14 =	vadd.s32 v16, v14  }
0x44b: {  	v4 =	vand.u32 $0xFFFFFFF8, v4;
	v11 =	vtrunc.f32 v11;
	[tilespmem:v10+s12+$0x0] =	vst.idx.add.f32.msk $0xffff, v2;
	v6 =	vadd.s32 v6, v14  }
0x44c: {  	v8 =	vadd.s32 v12, v8;
	v11 =	vcvt.f32.s32 v11;
	v12 =	vld [tilespmem:s21+$0x40C0];
	v6 =	vadd.s32 v1, v6  }
0x44d: {  	v7 =	vand.u32 $0xFFFFFFF8, v7;
	v4 =	vadd.s32 v4, v13;
	v21 =	vtrunc.f32 v21;
	v16 =	vld [tilespmem:s21+$0xC0]  }
0x44e: {  	v5 =	vadd.s32 v7, v5;
	v21 =	vcvt.f32.s32 v21;
	v10 =	vld [tilespmem:s21+$0x40];
	v11 =	vshra.s32 v11, $0x5  }
0x44f: {  	v9 =	vtrunc.f32 v17;
	v14 =	vcvt.f32.s32 v18;
	v4 =	vadd.s32 v11, v4;
	v11 =	vld [tilespmem:s21+$0x140]  }
0x450: {  	v21 =	vshra.s32 v21, $0x5;
	v9 =	vcvt.f32.s32 v9;
	v15 =	vld [tilespmem:s21+$0x4040];
	v20 =	vtrunc.f32 v20  }
0x451: {  	v4 =	vadd.s32 v1, v4;
	v7 =	vshra.s32 v14, $0x5;
	v12 =	vtrunc.f32 v12;
	[tilespmem:v6+s12+$0x0] =	vst.idx.add.f32.msk $0xffff, v2  }
0x452: {  	v13 =	vtrunc.f32 v16;
	v12 =	vcvt.f32.s32 v12;
	v6 =	vadd.s32 v7, v8;
	v8 =	vld [tilespmem:s21+$0x1F0]  }
0x453: {  	v13 =	vcvt.f32.s32 v13;
	v7 =	vshra.s32 v9, $0x5;
	v9 =	vtrunc.f32 v10;
	v10 =	vld [tilespmem:s21+$0x41F0]  }
0x454: {  	v11 =	vtrunc.f32 v11;
	v5 =	vadd.s32 v7, v5;
	v7 =	vcvt.f32.s32 v9;
	v14 =	vld [tilespmem:s21+$0x81F0]  }
0x455: {  	v12 =	vshra.s32 v12, $0x2;
	v6 =	vadd.s32 v1, v6;
	v9 =	vtrunc.f32 v15  }
0x456: {  	v17 =	vld [tilespmem:s21+$0x80C0];
	v13 =	vshll.u32 v13, $0x1;
	v9 =	vcvt.f32.s32 v9;
	v7 =	vshll.u32 v7, $0x1  }
0x457: {  	v15 =	vld [tilespmem:s21+$0x4140];
	v5 =	vadd.s32 v1, v5;
	v13 =	vand.u32 $0xFFFFFFC0, v13;
	v7 =	vand.u32 $0xFFFFFFC0, v7  }
0x458: {  	v18 =	vld [tilespmem:s21+$0x8140];
	v9 =	vshra.s32 v9, $0x2;
	v8 =	vtrunc.f32 v8;
	v10 =	vtrunc.f32 v10  }
0x459: {  	v16 =	vld [tilespmem:s21+$0x8040];
	v9 =	vand.u32 $0xFFFFFFF8, v9;
	v14 =	vtrunc.f32 v14;
	v8 =	vcvt.f32.s32 v8  }
0x45a: {  	[tilespmem:v6+s12+$0x0] =	vst.idx.add.f32.msk $0xffff, v2;
	v6 =	vand.u32 $0xFFFFFFF8, v12;
	v10 =	vcvt.f32.s32 v10;
	v12 =	vcvt.f32.s32 v14  }
0x45b: {  	[tilespmem:v4+s12+$0x0] =	vst.idx.add.f32.msk $0xffff, v2;
	v7 =	vadd.s32 v9, v7;
	v6 =	vadd.s32 v6, v13;
	v4 =	vshll.u32 v8, $0x1  }
0x45c: {  	[tilespmem:v5+s12+$0x0] =	vst.idx.add.f32.msk $0xffff, v2;
	v8 =	vshra.s32 v10, $0x2;
	v10 =	vtrunc.f32 v15;
	v12 =	vshra.s32 v12, $0x5  }
0x45d: {  	v14 =	vld [tilespmem:s31+$0x4070];
	v4 =	vand.u32 $0xFFFFFFC0, v4;
	v5 =	vand.u32 $0xFFFFFFF8, v8;
	v8 =	vcvt.f32.s32 v11  }
0x45e: {  	v15 =	vld [tilespmem:s31+$0xF0];
	v10 =	vcvt.f32.s32 v10;
	v4 =	vadd.s32 v5, v4;
	v5 =	vtrunc.f32 v16  }
0x45f: {  	v11 =	vld [tilespmem:s31+$0x70];
	v16 =	vtrunc.f32 v18;
	v4 =	vadd.s32 v12, v4;
	v12 =	vtrunc.f32 v17  }
0x460: {  	v19 =	vld [tilespmem:s22+$0x180];
	v5 =	vcvt.f32.s32 v5;
	v8 =	vshll.u32 v8, $0x1;
	v10 =	vshra.s32 v10, $0x2  }
0x461: {  	v18 =	vld [tilespmem:s31+$0x170];
	v12 =	vcvt.f32.s32 v12;
	v8 =	vand.u32 $0xFFFFFFC0, v8;
	v9 =	vand.u32 $0xFFFFFFF8, v10  }
0x462: {  	v16 =	vcvt.f32.s32 v16;
	v10 =	vld [tilespmem:s22+$0x4180];
	v5 =	vshra.s32 v5, $0x5;
	v13 =	vadd.s32 v9, v8  }
0x463: {  	v17 =	vld [tilespmem:s31+$0x40F0];
	v9 =	vtrunc.f32 v14;
	v8 =	vtrunc.f32 v15;
	v12 =	vshra.s32 v12, $0x5  }
0x464: {  	v14 =	vld [tilespmem:s22+$0x80];
	v5 =	vadd.s32 v5, v7;
	v7 =	vtrunc.f32 v11;
	v11 =	vshra.s32 v16, $0x5  }
0x465: {  	v15 =	vld [tilespmem:s22+$0x4080];
	v12 =	vadd.s32 v12, v6;
	v5 =	vadd.s32 v1, v5;
	v16 =	vcvt.f32.s32 v7  }
0x466: {  	v7 =	vtrunc.f32 v18;
	v18 =	vtrunc.f32 v19;
	v11 =	vadd.s32 v11, v13;
	v13 =	vld [tilespmem:s22+$0x4100]  }
0x467: {  	v19 =	vld [tilespmem:s22+$0x0];
	v12 =	vadd.s32 v1, v12;
	v18 =	vcvt.f32.s32 v18;
	v10 =	vtrunc.f32 v10  }
0x468: {  	v6 =	vtrunc.f32 v17;
	v17 =	vld [tilespmem:s22+$0x100];
	v11 =	vadd.s32 v1, v11;
	v10 =	vcvt.f32.s32 v10  }
0x469: {  	v22 =	vld [tilespmem:s22+$0x8000];
	v20 =	vcvt.f32.s32 v20;
	v18 =	vshll.u32 v18, $0x1;
	v14 =	vtrunc.f32 v14  }
0x46a: {  	v23 =	vld [tilespmem:s22+$0x8080];
	v15 =	vtrunc.f32 v15;
	v18 =	vand.u32 $0xFFFFFFC0, v18;
	v10 =	vshra.s32 v10, $0x2  }
0x46b: {  	v14 =	vcvt.f32.s32 v14;
	v15 =	vcvt.f32.s32 v15;
	[tilespmem:v5+s12+$0x0] =	vst.idx.add.f32.msk $0xffff, v2;
	v10 =	vand.u32 $0xFFFFFFF8, v10  }
0x46c: {  	v13 =	vtrunc.f32 v13;
	v19 =	vtrunc.f32 v19;
	[tilespmem:v12+s12+$0x0] =	vst.idx.add.f32.msk $0xffff, v2;
	v10 =	vadd.s32 v10, v18  }
0x46d: {  	v17 =	vtrunc.f32 v17;
	v5 =	vcvt.f32.s32 v19;
	[tilespmem:v11+s12+$0x0] =	vst.idx.add.f32.msk $0xffff, v2;
	v10 =	vadd.s32 v21, v10  }
0x46e: {  	v12 =	vshra.s32 v20, $0x2;
	v11 =	vtrunc.f32 v22;
	v19 =	vld [tilespmem:s21+$0x50];
	v10 =	vadd.s32 v1, v10  }
0x46f: {  	v13 =	vcvt.f32.s32 v13;
	v20 =	vtrunc.f32 v23;
	v14 =	vshll.u32 v14, $0x1;
	v18 =	vld [tilespmem:s22+$0x8100]  }
0x470: {  	v15 =	vshra.s32 v15, $0x2;
	v22 =	vld [tilespmem:s21+$0x4050];
	v17 =	vcvt.f32.s32 v17;
	v12 =	vand.u32 $0xFFFFFFF8, v12  }
0x471: {  	v14 =	vand.u32 $0xFFFFFFC0, v14;
	v15 =	vand.u32 $0xFFFFFFF8, v15;
	v23 =	vld [tilespmem:s21+$0x80D0];
	v5 =	vshll.u32 v5, $0x1  }
0x472: {  	v24 =	vld [tilespmem:s21+$0x8150];
	v13 =	vshra.s32 v13, $0x2;
	v17 =	vshll.u32 v17, $0x1;
	v5 =	vand.u32 $0xFFFFFFC0, v5  }
0x473: {  	v13 =	vand.u32 $0xFFFFFFF8, v13;
	v5 =	vadd.s32 v12, v5;
	[tilespmem:v10+s12+$0x0] =	vst.idx.add.f32.msk $0xffff, v2;
	v10 =	vcvt.f32.s32 v11  }
0x474: {  	v12 =	vadd.s32 v15, v14;
	v15 =	vld [tilespmem:s21+$0xD0];
	v18 =	vtrunc.f32 v18;
	v11 =	vcvt.f32.s32 v20  }
0x475: {  	v17 =	vand.u32 $0xFFFFFFC0, v17;
	v18 =	vcvt.f32.s32 v18;
	v20 =	vld [tilespmem:s22+$0x190];
	v10 =	vshra.s32 v10, $0x5  }
0x476: {  	v13 =	vadd.s32 v13, v17;
	v21 =	vld [tilespmem:s22+$0x4190];
	v11 =	vshra.s32 v11, $0x5;
	v5 =	vadd.s32 v10, v5  }
0x477: {  	v14 =	vld [tilespmem:s22+$0x8190];
	v17 =	vshra.s32 v18, $0x5;
	v10 =	vadd.s32 v11, v12;
	v5 =	vadd.s32 v1, v5  }
0x478: {  	v18 =	vld [tilespmem:s21+$0x40D0];
	v11 =	vadd.s32 v17, v13;
	v10 =	vadd.s32 v1, v10  }
0x479: {  	v12 =	vld [tilespmem:s21+$0x150];
	v11 =	vadd.s32 v1, v11  }
0x47a: {  	v8 =	vcvt.f32.s32 v8;
	v13 =	vtrunc.f32 v20;
	v20 =	vld [tilespmem:s21+$0x4150]  }
0x47b: {  	v19 =	vtrunc.f32 v19;
	v17 =	vtrunc.f32 v21;
	v21 =	vld [tilespmem:s21+$0x8050]  }
0x47c: {  	v22 =	vtrunc.f32 v22;
	v14 =	vtrunc.f32 v14;
	[tilespmem:v5+s12+$0x0] =	vst.idx.add.f32.msk $0xffff, v2  }
0x47d: {  	v13 =	vcvt.f32.s32 v13;
	v17 =	vcvt.f32.s32 v17;
	[tilespmem:v10+s12+$0x0] =	vst.idx.add.f32.msk $0xffff, v2  }
0x47e: {  	v16 =	vshll.u32 v16, $0x1;
	v14 =	vcvt.f32.s32 v14;
	v12 =	vtrunc.f32 v12;
	[tilespmem:v11+s12+$0x0] =	vst.idx.add.f32.msk $0xffff, v2  }
0x47f: {  	v13 =	vshll.u32 v13, $0x1;
	v17 =	vshra.s32 v17, $0x2;
	v10 =	vtrunc.f32 v18;
	v18 =	vld [tilespmem:s22+$0x4010]  }
0x480: {  	v5 =	vshra.s32 v14, $0x5;
	v13 =	vand.u32 $0xFFFFFFC0, v13;
	v17 =	vand.u32 $0xFFFFFFF8, v17;
	v25 =	vld [tilespmem:s22+$0x110]  }
0x481: {  	v14 =	vtrunc.f32 v15;
	v12 =	vcvt.f32.s32 v12;
	v27 =	vld [tilespmem:s22+$0x4110];
	v13 =	vadd.s32 v17, v13  }
0x482: {  	v14 =	vcvt.f32.s32 v14;
	v10 =	vcvt.f32.s32 v10;
	v28 =	vld [tilespmem:s22+$0x8010];
	v5 =	vadd.s32 v5, v13  }
0x483: {  	v29 =	vld [tilespmem:s22+$0x8090];
	v15 =	vtrunc.f32 v20;
	v17 =	vcvt.f32.s32 v22;
	v11 =	vadd.s32 v1, v5  }
0x484: {  	v20 =	vtrunc.f32 v21;
	v22 =	vtrunc.f32 v23;
	v5 =	vand.u32 $0xFFFFFFC0, v16;
	v16 =	vld [tilespmem:s22+$0x10]  }
0x485: {  	v30 =	vld [tilespmem:s22+$0x8110];
	v23 =	vtrunc.f32 v24;
	v13 =	vcvt.f32.s32 v19  }
0x486: {  	v21 =	vld [tilespmem:s22+$0x4090];
	v15 =	vcvt.f32.s32 v15;
	v18 =	vtrunc.f32 v18  }
0x487: {  	v19 =	vld [tilespmem:s22+$0x90];
	v25 =	vtrunc.f32 v25;
	v27 =	vtrunc.f32 v27  }
0x488: {  	v45 =	vtrunc.f32 v28;
	v46 =	vtrunc.f32 v29;
	[tilespmem:v11+s12+$0x0] =	vst.idx.add.f32.msk $0xffff, v2  }
0x489: {  	v11 =	vshll.u32 v12, $0x1;
	v12 =	vshra.s32 v15, $0x2;
	v15 =	vtrunc.f32 v16;
	v16 =	vld [tilespmem:s22+$0x1A0]  }
0x48a: {  	v47 =	vtrunc.f32 v30;
	v18 =	vcvt.f32.s32 v18;
	v44 =	vld [tilespmem:s22+$0x41A0]  }
0x48b: {  	v21 =	vtrunc.f32 v21;
	v25 =	vcvt.f32.s32 v25  }
0x48c: {  	v27 =	vcvt.f32.s32 v27;
	v28 =	vcvt.f32.s32 v47;
	v26 =	vld [tilespmem:s22+$0x81A0]  }
0x48d: {  	v17 =	vshra.s32 v17, $0x2;
	v19 =	vtrunc.f32 v19;
	v21 =	vcvt.f32.s32 v21  }
0x48e: {  	v19 =	vcvt.f32.s32 v19;
	v18 =	vshra.s32 v18, $0x2;
	v15 =	vcvt.f32.s32 v15  }
0x48f: {  	v25 =	vshll.u32 v25, $0x1;
	v16 =	vtrunc.f32 v16;
	v24 =	vtrunc.f32 v44  }
0x490: {  	v27 =	vshra.s32 v27, $0x2;
	v16 =	vcvt.f32.s32 v16;
	v24 =	vcvt.f32.s32 v24  }
0x491: {  	v18 =	vand.u32 $0xFFFFFFF8, v18;
	v21 =	vshra.s32 v21, $0x2;
	v26 =	vtrunc.f32 v26  }
0x492: {  	v26 =	vcvt.f32.s32 v26;
	v16 =	vshll.u32 v16, $0x1;
	v24 =	vshra.s32 v24, $0x2  }
0x493: {  	v25 =	vand.u32 $0xFFFFFFC0, v25;
	v16 =	vand.u32 $0xFFFFFFC0, v16;
	v24 =	vand.u32 $0xFFFFFFF8, v24  }
0x494: {  	v11 =	vand.u32 $0xFFFFFFC0, v11;
	v26 =	vshra.s32 v26, $0x5;
	v16 =	vadd.s32 v24, v16  }
0x495: {  	v12 =	vand.u32 $0xFFFFFFF8, v12;
	v19 =	vshll.u32 v19, $0x1;
	v16 =	vadd.s32 v26, v16  }
0x496: {  	v21 =	vand.u32 $0xFFFFFFF8, v21;
	v15 =	vshll.u32 v15, $0x1;
	v16 =	vadd.s32 v1, v16  }
0x497: {  	v11 =	vadd.s32 v12, v11;
	v15 =	vand.u32 $0xFFFFFFC0, v15;
	v24 =	vcvt.f32.s32 v45  }
0x498: {  	v19 =	vand.u32 $0xFFFFFFC0, v19;
	v15 =	vadd.s32 v18, v15;
	v26 =	vcvt.f32.s32 v46  }
0x499: {  	v18 =	vadd.s32 v21, v19;
	v19 =	vand.u32 $0xFFFFFFF8, v27;
	v24 =	vshra.s32 v24, $0x5  }
0x49a: {  	v12 =	vld [tilespmem:s31+$0x8070];
	v19 =	vadd.s32 v19, v25;
	v26 =	vshra.s32 v26, $0x5;
	v15 =	vadd.s32 v24, v15  }
0x49b: {  	v48 =	vshra.s32 v28, $0x5;
	v18 =	vadd.s32 v26, v18;
	v15 =	vadd.s32 v1, v15;
	[tilespmem:v16+s12+$0x0] =	vst.idx.add.f32.msk $0xffff, v2  }
0x49c: {  	v13 =	vshll.u32 v13, $0x1;
	v16 =	vadd.s32 v1, v18;
	v18 =	vadd.s32 v48, v19;
	v19 =	vld [tilespmem:s22+$0x1B0]  }
0x49d: {  	v17 =	vand.u32 $0xFFFFFFF8, v17;
	v13 =	vand.u32 $0xFFFFFFC0, v13;
	v18 =	vadd.s32 v1, v18;
	v49 =	vld [tilespmem:s22+$0x41B0]  }
0x49e: {  	v9 =	vcvt.f32.s32 v9;
	v50 =	vshll.u32 v8, $0x1;
	v13 =	vadd.s32 v17, v13;
	v17 =	vld [tilespmem:s22+$0x81B0]  }
0x49f: {  	v14 =	vshll.u32 v14, $0x1;
	v10 =	vshra.s32 v10, $0x2;
	v20 =	vcvt.f32.s32 v20;
	v21 =	vld [tilespmem:s31+$0x4170]  }
0x4a0: {  	v22 =	vcvt.f32.s32 v22;
	v14 =	vand.u32 $0xFFFFFFC0, v14;
	v10 =	vand.u32 $0xFFFFFFF8, v10;
	[tilespmem:v15+s12+$0x0] =	vst.idx.add.f32.msk $0xffff, v2  }
0x4a1: {  	v23 =	vcvt.f32.s32 v23;
	v20 =	vshra.s32 v20, $0x5;
	v10 =	vadd.s32 v10, v14;
	[tilespmem:v16+s12+$0x0] =	vst.idx.add.f32.msk $0xffff, v2  }
0x4a2: {  	v14 =	vshra.s32 v22, $0x5;
	v13 =	vadd.s32 v20, v13;
	v15 =	vtrunc.f32 v19;
	[tilespmem:v18+s12+$0x0] =	vst.idx.add.f32.msk $0xffff, v2  }
0x4a3: {  	v20 =	vshra.s32 v23, $0x5;
	v16 =	vtrunc.f32 v49;
	v17 =	vtrunc.f32 v17;
	v19 =	vld [tilespmem:s22+$0x4020]  }
0x4a4: {  	v11 =	vadd.s32 v20, v11;
	v20 =	vld [tilespmem:s22+$0xA0];
	v15 =	vcvt.f32.s32 v15;
	v16 =	vcvt.f32.s32 v16  }
0x4a5: {  	v10 =	vadd.s32 v14, v10;
	v23 =	vshra.s32 v9, $0x2;
	v18 =	vld [tilespmem:s22+$0x20];
	v17 =	vcvt.f32.s32 v17  }
0x4a6: {  	v14 =	vtrunc.f32 v21;
	v21 =	vld [tilespmem:s22+$0x40A0];
	v15 =	vshll.u32 v15, $0x1;
	v16 =	vshra.s32 v16, $0x2  }
0x4a7: {  	v22 =	vld [tilespmem:s22+$0x120];
	v17 =	vshra.s32 v17, $0x5;
	v15 =	vand.u32 $0xFFFFFFC0, v15;
	v16 =	vand.u32 $0xFFFFFFF8, v16  }
0x4a8: {  	v15 =	vadd.s32 v16, v15;
	v16 =	vcvt.f32.s32 v6;
	v19 =	vtrunc.f32 v19  }
0x4a9: {  	v20 =	vtrunc.f32 v20;
	v6 =	vadd.s32 v17, v15;
	v15 =	vcvt.f32.s32 v7  }
0x4aa: {  	v7 =	vtrunc.f32 v18;
	v17 =	vld [tilespmem:s22+$0x4120];
	v9 =	vcvt.f32.s32 v19;
	v18 =	vadd.s32 v1, v6  }
0x4ab: {  	v10 =	vadd.s32 v1, v10;
	v19 =	vld [tilespmem:s22+$0x80A0];
	v8 =	vcvt.f32.s32 v20;
	v20 =	vtrunc.f32 v21  }
0x4ac: {  	v13 =	vadd.s32 v1, v13;
	v22 =	vtrunc.f32 v22;
	v6 =	vtrunc.f32 v12;
	v12 =	vld [tilespmem:s22+$0x8020]  }
0x4ad: {  	v11 =	vadd.s32 v1, v11;
	v21 =	vld [tilespmem:s22+$0x8120];
	v7 =	vcvt.f32.s32 v7;
	v22 =	vcvt.f32.s32 v22  }
0x4ae: {  	v20 =	vcvt.f32.s32 v20;
	v9 =	vshra.s32 v9, $0x2;
	v8 =	vshll.u32 v8, $0x1  }
0x4af: {  	v7 =	vshll.u32 v7, $0x1;
	v22 =	vshll.u32 v22, $0x1;
	v9 =	vand.u32 $0xFFFFFFF8, v9;
	[tilespmem:v18+s12+$0x0] =	vst.idx.add.f32.msk $0xffff, v2  }
0x4b0: {  	v17 =	vtrunc.f32 v17;
	v19 =	vtrunc.f32 v19;
	v18 =	vshra.s32 v20, $0x2;
	v20 =	vld [tilespmem:s22+$0x1C0]  }
0x4b1: {  	v8 =	vand.u32 $0xFFFFFFC0, v8;
	v12 =	vtrunc.f32 v12;
	v17 =	vcvt.f32.s32 v17;
	v51 =	vld [tilespmem:s22+$0x41C0]  }
0x4b2: {  	[tilespmem:v13+s12+$0x0] =	vst.idx.add.f32.msk $0xffff, v2;
	v7 =	vand.u32 $0xFFFFFFC0, v7;
	v13 =	vcvt.f32.s32 v19;
	v19 =	vtrunc.f32 v21  }
0x4b3: {  	v7 =	vadd.s32 v9, v7;
	v12 =	vcvt.f32.s32 v12;
	v19 =	vcvt.f32.s32 v19;
	v21 =	vld [tilespmem:s22+$0x81C0]  }
0x4b4: {  	[tilespmem:v10+s12+$0x0] =	vst.idx.add.f32.msk $0xffff, v2;
	v10 =	vand.u32 $0xFFFFFFF8, v18;
	v18 =	vand.u32 $0xFFFFFFC0, v22;
	v17 =	vshra.s32 v17, $0x2  }
0x4b5: {  	v8 =	vadd.s32 v10, v8;
	v13 =	vshra.s32 v13, $0x5;
	v9 =	vand.u32 $0xFFFFFFF8, v17  }
0x4b6: {  	[tilespmem:v11+s12+$0x0] =	vst.idx.add.f32.msk $0xffff, v2;
	v12 =	vshra.s32 v12, $0x5;
	v11 =	vtrunc.f32 v20;
	v17 =	vtrunc.f32 v51  }
0x4b7: {  	v53 =	vld [tilespmem:s21+$0x8060];
	v19 =	vshra.s32 v19, $0x5;
	v11 =	vcvt.f32.s32 v11;
	v17 =	vcvt.f32.s32 v17  }
0x4b8: {  	v52 =	vld [tilespmem:s21+$0x160];
	v8 =	vadd.s32 v13, v8;
	v9 =	vadd.s32 v9, v18;
	v21 =	vtrunc.f32 v21  }
0x4b9: {  	v10 =	vld [tilespmem:s21+$0x60];
	v21 =	vcvt.f32.s32 v21;
	v11 =	vshll.u32 v11, $0x1;
	v17 =	vshra.s32 v17, $0x2  }
0x4ba: {  	v18 =	vld [tilespmem:s21+$0x4060];
	v7 =	vadd.s32 v12, v7;
	v11 =	vand.u32 $0xFFFFFFC0, v11;
	v12 =	vand.u32 $0xFFFFFFF8, v17  }
0x4bb: {  	v20 =	vld [tilespmem:s21+$0xE0];
	v13 =	vshra.s32 v21, $0x5;
	v11 =	vadd.s32 v12, v11;
	v12 =	vadd.s32 v1, v7  }
0x4bc: {  	v22 =	vld [tilespmem:s21+$0x40E0];
	v7 =	vadd.s32 v19, v9;
	v9 =	vadd.s32 v13, v11;
	v13 =	vadd.s32 v1, v8  }
0x4bd: {  	v14 =	vcvt.f32.s32 v14;
	v17 =	vld [tilespmem:s21+$0x4160];
	v19 =	vadd.s32 v1, v7  }
0x4be: {  	v54 =	vtrunc.f32 v53;
	v7 =	vshra.s32 v16, $0x2;
	v16 =	vld [tilespmem:s21+$0x80E0];
	v21 =	vadd.s32 v1, v9  }
0x4bf: {  	v24 =	vcvt.f32.s32 v54;
	v10 =	vtrunc.f32 v10;
	v8 =	vshll.u32 v15, $0x1;
	v15 =	vld [tilespmem:s21+$0x8160]  }
0x4c0: {  	v3 =	vadd.s32 v1, v3;
	v11 =	vtrunc.f32 v18;
	v18 =	vtrunc.f32 v20;
	[tilespmem:v12+s12+$0x0] =	vst.idx.add.f32.msk $0xffff, v2  }
0x4c1: {  	v4 =	vadd.s32 v1, v4;
	v20 =	vtrunc.f32 v22;
	v22 =	vtrunc.f32 v52;
	[tilespmem:v13+s12+$0x0] =	vst.idx.add.f32.msk $0xffff, v2  }
0x4c2: {  	v9 =	vshra.s32 v14, $0x2;
	v14 =	vcvt.f32.s32 v11;
	v18 =	vcvt.f32.s32 v18;
	[tilespmem:v19+s12+$0x0] =	vst.idx.add.f32.msk $0xffff, v2  }
0x4c3: {  	v11 =	vand.u32 $0xFFFFFFF8, v23;
	v20 =	vcvt.f32.s32 v20;
	v22 =	vcvt.f32.s32 v22;
	[tilespmem:v21+s12+$0x0] =	vst.idx.add.f32.msk $0xffff, v2  }
0x4c4: {  	v7 =	vand.u32 $0xFFFFFFF8, v7;
	v8 =	vand.u32 $0xFFFFFFC0, v8;
	v5 =	vadd.s32 v11, v5;
	v21 =	vld [tilespmem:s22+$0x1D0]  }
0x4c5: {  	v17 =	vtrunc.f32 v17;
	v14 =	vshra.s32 v14, $0x2;
	v22 =	vshll.u32 v22, $0x1;
	v23 =	vld [tilespmem:s22+$0x41D0]  }
0x4c6: {  	v12 =	vcvt.f32.s32 v10;
	v17 =	vcvt.f32.s32 v17;
	v14 =	vand.u32 $0xFFFFFFF8, v14;
	v19 =	vld [tilespmem:s22+$0x30]  }
0x4c7: {  	v22 =	vand.u32 $0xFFFFFFC0, v22;
	v13 =	vshll.u32 v18, $0x1;
	v18 =	vshra.s32 v20, $0x2;
	v20 =	vld [tilespmem:s22+$0x81D0]  }
0x4c8: {  	v16 =	vtrunc.f32 v16;
	v15 =	vtrunc.f32 v15;
	v12 =	vshll.u32 v12, $0x1  }
0x4c9: {  	v55 =	vld [tilespmem:s22+$0x4030];
	v17 =	vshra.s32 v17, $0x2;
	v13 =	vand.u32 $0xFFFFFFC0, v13;
	v18 =	vand.u32 $0xFFFFFFF8, v18  }
0x4ca: {  	v58 =	vld [tilespmem:s22+$0x8030];
	v12 =	vand.u32 $0xFFFFFFC0, v12;
	v21 =	vtrunc.f32 v21;
	v23 =	vtrunc.f32 v23  }
0x4cb: {  	v56 =	vld [tilespmem:s22+$0xB0];
	v13 =	vadd.s32 v18, v13;
	v21 =	vcvt.f32.s32 v21;
	v23 =	vcvt.f32.s32 v23  }
0x4cc: {  	v60 =	vld [tilespmem:s22+$0x8130];
	v12 =	vadd.s32 v14, v12;
	v19 =	vtrunc.f32 v19;
	v20 =	vtrunc.f32 v20  }
0x4cd: {  	v57 =	vld [tilespmem:s22+$0x40B0];
	v18 =	vcvt.f32.s32 v20;
	v20 =	vshll.u32 v21, $0x1;
	v21 =	vshra.s32 v23, $0x2  }
0x4ce: {  	v14 =	vld [tilespmem:s22+$0x130];
	v25 =	vtrunc.f32 v55;
	v20 =	vand.u32 $0xFFFFFFC0, v20;
	v21 =	vand.u32 $0xFFFFFFF8, v21  }
0x4cf: {  	v28 =	vtrunc.f32 v58;
	v18 =	vshra.s32 v18, $0x5;
	v20 =	vadd.s32 v21, v20  }
0x4d0: {  	v19 =	vcvt.f32.s32 v19;
	v26 =	vtrunc.f32 v56;
	v23 =	vld [tilespmem:s22+$0x4130];
	v18 =	vadd.s32 v18, v20  }
0x4d1: {  	v27 =	vtrunc.f32 v60;
	v26 =	vcvt.f32.s32 v26;
	v18 =	vadd.s32 v1, v18  }
0x4d2: {  	v17 =	vand.u32 $0xFFFFFFF8, v17;
	v59 =	vtrunc.f32 v57;
	v27 =	vcvt.f32.s32 v27  }
0x4d3: {  	v19 =	vshll.u32 v19, $0x1;
	v14 =	vtrunc.f32 v14;
	v26 =	vshll.u32 v26, $0x1;
	v21 =	vld [tilespmem:s22+$0x80B0]  }
0x4d4: {  	v14 =	vcvt.f32.s32 v14;
	v19 =	vand.u32 $0xFFFFFFC0, v19;
	v20 =	vcvt.f32.s32 v25  }
0x4d5: {  	v63 =	vshra.s32 v27, $0x5;
	v25 =	vcvt.f32.s32 v59;
	v23 =	vtrunc.f32 v23  }
0x4d6: {  	v26 =	vand.u32 $0xFFFFFFC0, v26;
	v14 =	vshll.u32 v14, $0x1;
	v23 =	vcvt.f32.s32 v23;
	[tilespmem:v18+s12+$0x0] =	vst.idx.add.f32.msk $0xffff, v2  }
0x4d7: {  	v14 =	vand.u32 $0xFFFFFFC0, v14;
	v20 =	vshra.s32 v20, $0x2;
	v25 =	vshra.s32 v25, $0x2;
	v61 =	vld [tilespmem:s22+$0x1E0]  }
0x4d8: {  	v20 =	vand.u32 $0xFFFFFFF8, v20;
	v21 =	vtrunc.f32 v21;
	v23 =	vshra.s32 v23, $0x2;
	v62 =	vld [tilespmem:s22+$0x41E0]  }
0x4d9: {  	v21 =	vcvt.f32.s32 v21;
	v18 =	vcvt.f32.s32 v28;
	v23 =	vand.u32 $0xFFFFFFF8, v23  }
0x4da: {  	v25 =	vand.u32 $0xFFFFFFF8, v25;
	v19 =	vadd.s32 v20, v19;
	v14 =	vadd.s32 v23, v14;
	v23 =	vld [tilespmem:s22+$0x81E0]  }
0x4db: {  	v20 =	vadd.s32 v25, v26;
	v21 =	vshra.s32 v21, $0x5;
	v18 =	vshra.s32 v18, $0x5  }
0x4dc: {  	v14 =	vadd.s32 v63, v14;
	v18 =	vadd.s32 v18, v19;
	v19 =	vadd.s32 v21, v20  }
0x4dd: {  	v18 =	vadd.s32 v1, v18;
	v20 =	vtrunc.f32 v61;
	v21 =	vtrunc.f32 v62  }
0x4de: {  	[tilespmem:v3+s12+$0x0] =	vst.idx.add.f32.msk $0xffff, v2;
	v3 =	vadd.s32 v1, v19;
	v19 =	vcvt.f32.s32 v20;
	v20 =	vcvt.f32.s32 v21  }
0x4df: {  	[tilespmem:v4+s12+$0x0] =	vst.idx.add.f32.msk $0xffff, v2;
	v17 =	vadd.s32 v17, v22;
	v14 =	vadd.s32 v1, v14;
	v23 =	vtrunc.f32 v23  }
0x4e0: {  	v22 =	vld [tilespmem:s31+$0x8170];
	v4 =	vcvt.f32.s32 v23;
	v19 =	vshll.u32 v19, $0x1;
	v20 =	vshra.s32 v20, $0x2  }
0x4e1: {  	v16 =	vcvt.f32.s32 v16;
	v21 =	vld [tilespmem:s31+$0x80F0];
	v19 =	vand.u32 $0xFFFFFFC0, v19;
	v20 =	vand.u32 $0xFFFFFFF8, v20  }
0x4e2: {  	v15 =	vcvt.f32.s32 v15;
	[tilespmem:v18+s12+$0x0] =	vst.idx.add.f32.msk $0xffff, v2;
	v4 =	vshra.s32 v4, $0x5;
	v18 =	vadd.s32 v20, v19  }
0x4e3: {  	v16 =	vshra.s32 v16, $0x5;
	v23 =	vshra.s32 v24, $0x5;
	[tilespmem:v3+s12+$0x0] =	vst.idx.add.f32.msk $0xffff, v2;
	v3 =	vadd.s32 v4, v18  }
0x4e4: {  	[tilespmem:v14+s12+$0x0] =	vst.idx.add.f32.msk $0xffff, v2;
	v4 =	vadd.s32 v23, v12;
	v12 =	vshra.s32 v15, $0x5;
	v3 =	vadd.s32 v1, v3  }
0x4e5: {  	v13 =	vadd.s32 v16, v13;
	v15 =	vld [tilespmem:s22+$0x40];
	v16 =	vadd.s32 v1, v4;
	v4 =	vadd.s32 v12, v17  }
0x4e6: {  	v12 =	vld [tilespmem:s22+$0x4040];
	v17 =	vadd.s32 v1, v4;
	v4 =	vcvt.f32.s32 v6;
	v6 =	vtrunc.f32 v22  }
0x4e7: {  	v14 =	vtrunc.f32 v21;
	v18 =	vadd.s32 v1, v13;
	v13 =	vld [tilespmem:s22+$0xC0];
	v6 =	vcvt.f32.s32 v6  }
0x4e8: {  	v9 =	vand.u32 $0xFFFFFFF8, v9;
	v10 =	vand.u32 $0xFFFFFFC0, v50;
	v19 =	vld [tilespmem:s22+$0x40C0];
	v14 =	vcvt.f32.s32 v14  }
0x4e9: {  	v6 =	vshra.s32 v6, $0x5;
	[tilespmem:v3+s12+$0x0] =	vst.idx.add.f32.msk $0xffff, v2;
	v3 =	vshra.s32 v4, $0x5;
	v4 =	vadd.s32 v7, v10  }
0x4ea: {  	v7 =	vadd.s32 v9, v8;
	v8 =	vtrunc.f32 v15;
	v9 =	vshra.s32 v14, $0x5;
	v10 =	vld [tilespmem:s22+$0x1F0]  }
0x4eb: {  	v11 =	vtrunc.f32 v12;
	v8 =	vcvt.f32.s32 v8;
	v12 =	vld [tilespmem:s22+$0x41F0];
	v3 =	vadd.s32 v3, v5  }
0x4ec: {  	v21 =	vld [tilespmem:s22+$0x4140];
	v5 =	vcvt.f32.s32 v11;
	v11 =	vtrunc.f32 v13;
	v4 =	vadd.s32 v9, v4  }
0x4ed: {  	v13 =	vtrunc.f32 v19;
	v19 =	vld [tilespmem:s22+$0x81F0];
	v11 =	vcvt.f32.s32 v11;
	v8 =	vshll.u32 v8, $0x1  }
0x4ee: {  	v20 =	vld [tilespmem:s22+$0x140];
	v5 =	vshra.s32 v5, $0x2;
	v9 =	vand.u32 $0xFFFFFFC0, v8;
	v8 =	vcvt.f32.s32 v13  }
0x4ef: {  	v22 =	vld [tilespmem:s22+$0x8040];
	v13 =	vand.u32 $0xFFFFFFF8, v5;
	v11 =	vshll.u32 v11, $0x1;
	v5 =	vadd.s32 v6, v7  }
0x4f0: {  	[tilespmem:v16+s12+$0x0] =	vst.idx.add.f32.msk $0xffff, v2;
	v7 =	vshra.s32 v8, $0x2;
	v8 =	vtrunc.f32 v10;
	v10 =	vtrunc.f32 v12  }
0x4f1: {  	v14 =	vand.u32 $0xFFFFFFC0, v11;
	v11 =	vld [tilespmem:s22+$0x8140];
	v8 =	vcvt.f32.s32 v8;
	v10 =	vcvt.f32.s32 v10  }
0x4f2: {  	v16 =	vtrunc.f32 v21;
	v6 =	vld [tilespmem:s22+$0x80C0];
	v12 =	vtrunc.f32 v19;
	v15 =	vand.u32 $0xFFFFFFF8, v7  }
0x4f3: {  	[tilespmem:v18+s12+$0x0] =	vst.idx.add.f32.msk $0xffff, v2;
	v12 =	vcvt.f32.s32 v12;
	v8 =	vshll.u32 v8, $0x1;
	v10 =	vshra.s32 v10, $0x2  }
0x4f4: {  	[tilespmem:v17+s12+$0x0] =	vst.idx.add.f32.msk $0xffff, v2;
	v7 =	vtrunc.f32 v20;
	v8 =	vand.u32 $0xFFFFFFC0, v8;
	v10 =	vand.u32 $0xFFFFFFF8, v10  }
0x4f5: {  	v17 =	vcvt.f32.s32 v7;
	v7 =	vld [tilespmem:s21+$0x70];
	v12 =	vshra.s32 v12, $0x5;
	v8 =	vadd.s32 v10, v8  }
0x4f6: {  	v19 =	vcvt.f32.s32 v16;
	v20 =	vtrunc.f32 v11;
	v11 =	vld [tilespmem:s21+$0x40F0];
	v10 =	vadd.s32 v12, v8  }
0x4f7: {  	v18 =	vtrunc.f32 v22;
	v8 =	vld [tilespmem:s21+$0x4070];
	v12 =	vtrunc.f32 v6;
	v6 =	vadd.s32 v1, v10  }
0x4f8: {  	v16 =	vcvt.f32.s32 v18;
	v18 =	vshra.s32 v19, $0x2;
	v21 =	vshll.u32 v17, $0x1;
	v10 =	vld [tilespmem:s21+$0xF0]  }
0x4f9: {  	s24 =	simm.s32 $0xC600;
	s23 =	simm.s32 $0x8;
	v17 =	vcvt.f32.s32 v20;
	v20 =	vand.u32 $0xFFFFFFC0, v21;
	v19 =	vcvt.f32.s32 v12;
	v12 =	vld [tilespmem:s21+$0x170]  }
.LBB2_13:
0x4fa: {  	v21 =	vld [tilespmem:s24+$0x180];
	v9 =	vadd.s32 v13, v9;
	v13 =	vadd.s32 v15, v14;
	v14 =	vand.u32 $0xFFFFFFF8, v18  }
0x4fb: {  	v16 =	vshra.s32 v16, $0x5;
	v15 =	vld [tilespmem:s24+$0x4180];
	v18 =	vshra.s32 v19, $0x5;
	v14 =	vadd.s32 v14, v20  }
0x4fc: {  	v9 =	vadd.s32 v16, v9;
	v16 =	vshra.s32 v17, $0x5;
	v13 =	vadd.s32 v18, v13;
	[tilespmem:v6+s12+$0x0] =	vst.idx.add.f32.msk $0xffff, v2  }
0x4fd: {  	v18 =	vadd.s32 v1, v9;
	v6 =	vadd.s32 v16, v14;
	v17 =	vld [tilespmem:s24+$0x4000];
	v13 =	vadd.s32 v1, v13  }
0x4fe: {  	v7 =	vtrunc.f32 v7;
	v9 =	vtrunc.f32 v8;
	v16 =	vadd.s32 v1, v6;
	v14 =	vld [tilespmem:s24+$0x8180]  }
0x4ff: {  	v8 =	vtrunc.f32 v10;
	v10 =	vadd.s32 v1, v3;
	v6 =	vtrunc.f32 v11;
	v19 =	vld [tilespmem:s24+$0x80]  }
0x500: {  	v3 =	vcvt.f32.s32 v7;
	v11 =	vadd.s32 v1, v4;
	v7 =	vtrunc.f32 v12;
	v20 =	vld [tilespmem:s24+$0x4080]  }
0x501: {  	v12 =	vadd.s32 v1, v5;
	v21 =	vtrunc.f32 v21;
	v15 =	vtrunc.f32 v15;
	v4 =	vld [tilespmem:s24+$0x100]  }
0x502: {  	v3 =	vshll.u32 v3, $0x1;
	v21 =	vcvt.f32.s32 v21;
	v15 =	vcvt.f32.s32 v15;
	v5 =	vld [tilespmem:s24+$0x4100]  }
0x503: {  	s23 =	sadd.s32 $0x4, s23;
	v3 =	vand.u32 $0xFFFFFFC0, v3;
	v17 =	vtrunc.f32 v17;
	v22 =	vld [tilespmem:s24+$0x0];
	v14 =	vtrunc.f32 v14  }
0x504: {  	p1 =	slt.u32 s23, $0x7C;
	v21 =	vshll.u32 v21, $0x1;
	v15 =	vshra.s32 v15, $0x2;
	v23 =	vld [tilespmem:s24+$0x8000];
	v14 =	vcvt.f32.s32 v14  }
0x505: {  	v21 =	vand.u32 $0xFFFFFFC0, v21;
	v19 =	vtrunc.f32 v19;
	v15 =	vand.u32 $0xFFFFFFF8, v15;
	v24 =	vld [tilespmem:s24+$0x8080]  }
0x506: {  	v20 =	vtrunc.f32 v20;
	v15 =	vadd.s32 v15, v21;
	v25 =	vld [tilespmem:s24+$0x8100];
	v14 =	vshra.s32 v14, $0x5  }
0x507: {  	v4 =	vtrunc.f32 v4;
	v5 =	vtrunc.f32 v5;
	v14 =	vadd.s32 v14, v15;
	[tilespmem:v18+s12+$0x0] =	vst.idx.add.f32.msk $0xffff, v2  }
0x508: {  	v17 =	vcvt.f32.s32 v17;
	v15 =	vtrunc.f32 v22;
	v14 =	vadd.s32 v1, v14;
	[tilespmem:v13+s12+$0x0] =	vst.idx.add.f32.msk $0xffff, v2  }
0x509: {  	v13 =	vcvt.f32.s32 v15;
	v15 =	vcvt.f32.s32 v19;
	[tilespmem:v16+s12+$0x0] =	vst.idx.add.f32.msk $0xffff, v2  }
0x50a: {  	v4 =	vcvt.f32.s32 v4;
	v16 =	vshra.s32 v17, $0x2;
	v17 =	vcvt.f32.s32 v20;
	v18 =	vld [tilespmem:s22+$0x50]  }
0x50b: {  	v5 =	vcvt.f32.s32 v5;
	v19 =	vtrunc.f32 v23;
	v13 =	vshll.u32 v13, $0x1;
	v20 =	vld [tilespmem:s22+$0x4050]  }
0x50c: {  	v21 =	vtrunc.f32 v24;
	v15 =	vshll.u32 v15, $0x1;
	v22 =	vtrunc.f32 v25;
	v23 =	vld [tilespmem:s22+$0xD0]  }
0x50d: {  	v4 =	vshll.u32 v4, $0x1;
	v5 =	vshra.s32 v5, $0x2;
	v17 =	vshra.s32 v17, $0x2;
	[tilespmem:v14+s12+$0x0] =	vst.idx.add.f32.msk $0xffff, v2  }
0x50e: {  	v13 =	vand.u32 $0xFFFFFFC0, v13;
	v14 =	vcvt.f32.s32 v19;
	v19 =	vcvt.f32.s32 v21;
	v21 =	vld [tilespmem:s24+$0x190]  }
0x50f: {  	v16 =	vand.u32 $0xFFFFFFF8, v16;
	v15 =	vand.u32 $0xFFFFFFC0, v15;
	v22 =	vcvt.f32.s32 v22;
	v24 =	vld [tilespmem:s24+$0x4190]  }
0x510: {  	v4 =	vand.u32 $0xFFFFFFC0, v4;
	v5 =	vand.u32 $0xFFFFFFF8, v5;
	v17 =	vand.u32 $0xFFFFFFF8, v17;
	v25 =	vld [tilespmem:s22+$0x40D0]  }
0x511: {  	v4 =	vadd.s32 v5, v4;
	v13 =	vadd.s32 v16, v13;
	v15 =	vadd.s32 v17, v15;
	v5 =	vld [tilespmem:s24+$0x8190]  }
0x512: {  	v17 =	vshra.s32 v22, $0x5;
	v14 =	vshra.s32 v14, $0x5;
	v16 =	vshra.s32 v19, $0x5;
	v19 =	vld [tilespmem:s22+$0x150]  }
0x513: {  	v4 =	vadd.s32 v17, v4;
	v13 =	vadd.s32 v14, v13;
	v14 =	vadd.s32 v16, v15;
	v15 =	vld [tilespmem:s22+$0x4150]  }
0x514: {  	v16 =	vadd.s32 v1, v13;
	v13 =	vtrunc.f32 v21;
	v17 =	vtrunc.f32 v24;
	v21 =	vld [tilespmem:s22+$0x8050]  }
0x515: {  	v22 =	vadd.s32 v1, v14;
	v13 =	vcvt.f32.s32 v13;
	v14 =	vcvt.f32.s32 v17;
	v17 =	vld [tilespmem:s22+$0x80D0]  }
0x516: {  	v18 =	vtrunc.f32 v18;
	v4 =	vadd.s32 v1, v4;
	v5 =	vtrunc.f32 v5;
	v24 =	vld [tilespmem:s22+$0x8150]  }
0x517: {  	v13 =	vshll.u32 v13, $0x1;
	v5 =	vcvt.f32.s32 v5;
	v26 =	vshra.s32 v14, $0x2;
	v14 =	vld [tilespmem:s21+$0x4170]  }
0x518: {  	v20 =	vtrunc.f32 v20;
	v27 =	vand.u32 $0xFFFFFFC0, v13;
	v26 =	vand.u32 $0xFFFFFFF8, v26;
	v13 =	vld [tilespmem:s21+$0x8070]  }
0x519: {  	v23 =	vtrunc.f32 v23;
	[tilespmem:v16+s12+$0x0] =	vst.idx.add.f32.msk $0xffff, v2;
	v5 =	vshra.s32 v5, $0x5;
	v16 =	vadd.s32 v26, v27  }
0x51a: {  	v19 =	vtrunc.f32 v19;
	[tilespmem:v22+s12+$0x0] =	vst.idx.add.f32.msk $0xffff, v2;
	v5 =	vadd.s32 v5, v16;
	v16 =	vtrunc.f32 v25  }
0x51b: {  	v15 =	vtrunc.f32 v15;
	[tilespmem:v4+s12+$0x0] =	vst.idx.add.f32.msk $0xffff, v2;
	v4 =	vadd.s32 v1, v5;
	v5 =	vcvt.f32.s32 v18  }
0x51c: {  	v20 =	vcvt.f32.s32 v20;
	v22 =	vcvt.f32.s32 v23;
	v18 =	vld [tilespmem:s24+$0x10]  }
0x51d: {  	v19 =	vcvt.f32.s32 v19;
	v16 =	vcvt.f32.s32 v16;
	v23 =	vld [tilespmem:s24+$0x4010];
	v5 =	vshll.u32 v5, $0x1  }
0x51e: {  	v20 =	vshra.s32 v20, $0x2;
	v21 =	vtrunc.f32 v21;
	v15 =	vcvt.f32.s32 v15;
	v25 =	vld [tilespmem:s24+$0x90]  }
0x51f: {  	v17 =	vtrunc.f32 v17;
	v24 =	vtrunc.f32 v24;
	v22 =	vshll.u32 v22, $0x1;
	v26 =	vld [tilespmem:s24+$0x4090]  }
0x520: {  	v19 =	vshll.u32 v19, $0x1;
	v15 =	vshra.s32 v15, $0x2;
	v16 =	vshra.s32 v16, $0x2;
	[tilespmem:v4+s12+$0x0] =	vst.idx.add.f32.msk $0xffff, v2  }
0x521: {  	v21 =	vcvt.f32.s32 v21;
	v27 =	vand.u32 $0xFFFFFFC0, v5;
	v4 =	vtrunc.f32 v18;
	v18 =	vld [tilespmem:s24+$0x1A0]  }
0x522: {  	v20 =	vand.u32 $0xFFFFFFF8, v20;
	v4 =	vcvt.f32.s32 v4;
	v5 =	vtrunc.f32 v23;
	v23 =	vld [tilespmem:s24+$0x41A0]  }
0x523: {  	v22 =	vand.u32 $0xFFFFFFC0, v22;
	v5 =	vcvt.f32.s32 v5;
	v25 =	vtrunc.f32 v25;
	v28 =	vld [tilespmem:s24+$0x110]  }
0x524: {  	v4 =	vshll.u32 v4, $0x1;
	v25 =	vcvt.f32.s32 v25;
	v26 =	vtrunc.f32 v26;
	v29 =	vld [tilespmem:s24+$0x81A0]  }
0x525: {  	v30 =	vand.u32 $0xFFFFFFC0, v4;
	v4 =	vshra.s32 v5, $0x2;
	v5 =	vcvt.f32.s32 v26;
	v26 =	vld [tilespmem:s24+$0x4110]  }
0x526: {  	v17 =	vcvt.f32.s32 v17;
	v31 =	vld [tilespmem:s24+$0x8010];
	v32 =	vand.u32 $0xFFFFFFF8, v4;
	v4 =	vshll.u32 v25, $0x1  }
0x527: {  	v18 =	vtrunc.f32 v18;
	v25 =	vld [tilespmem:s24+$0x8090];
	v5 =	vshra.s32 v5, $0x2;
	v23 =	vtrunc.f32 v23  }
0x528: {  	v33 =	vand.u32 $0xFFFFFFC0, v4;
	v4 =	vcvt.f32.s32 v18;
	v34 =	vld [tilespmem:s24+$0x8110];
	v18 =	vcvt.f32.s32 v23  }
0x529: {  	v23 =	vand.u32 $0xFFFFFFF8, v5;
	v28 =	vtrunc.f32 v28;
	v29 =	vtrunc.f32 v29;
	v5 =	vld [tilespmem:s21+$0x80F0]  }
0x52a: {  	v35 =	vshll.u32 v4, $0x1;
	v29 =	vcvt.f32.s32 v29;
	v18 =	vshra.s32 v18, $0x2;
	v4 =	vld [tilespmem:s21+$0x8170];
	s21 =	smov.u32 s22;
	s22 =	smov.u32 s24  }
0x52b: {  	v26 =	vtrunc.f32 v26;
	v35 =	vand.u32 $0xFFFFFFC0, v35;
	v18 =	vand.u32 $0xFFFFFFF8, v18;
	[tilespmem:v10+s12+$0x0] =	vst.idx.add.f32.msk $0xffff, v2  }
0x52c: {  	v10 =	vcvt.f32.s32 v28;
	v28 =	vshra.s32 v29, $0x5;
	v18 =	vadd.s32 v18, v35;
	[tilespmem:v11+s12+$0x0] =	vst.idx.add.f32.msk $0xffff, v2  }
0x52d: {  	v26 =	vcvt.f32.s32 v26;
	v11 =	vtrunc.f32 v31;
	v18 =	vadd.s32 v28, v18;
	[tilespmem:v12+s12+$0x0] =	vst.idx.add.f32.msk $0xffff, v2  }
0x52e: {  	v12 =	vtrunc.f32 v25;
	v25 =	vtrunc.f32 v34;
	v18 =	vadd.s32 v1, v18  }
0x52f: {  	v11 =	vcvt.f32.s32 v11;
	v10 =	vshll.u32 v10, $0x1;
	v26 =	vshra.s32 v26, $0x2  }
0x530: {  	v12 =	vcvt.f32.s32 v12;
	v25 =	vcvt.f32.s32 v25;
	v10 =	vand.u32 $0xFFFFFFC0, v10  }
0x531: {  	v23 =	vadd.s32 v23, v33;
	v28 =	vadd.s32 v32, v30;
	v26 =	vand.u32 $0xFFFFFFF8, v26  }
0x532: {  	v11 =	vshra.s32 v11, $0x5;
	v10 =	vadd.s32 v26, v10;
	v12 =	vshra.s32 v12, $0x5  }
0x533: {  	v11 =	vadd.s32 v11, v28;
	v12 =	vadd.s32 v12, v23;
	v23 =	vshra.s32 v25, $0x5;
	[tilespmem:v18+s12+$0x0] =	vst.idx.add.f32.msk $0xffff, v2  }
0x534: {  	v11 =	vadd.s32 v1, v11;
	v12 =	vadd.s32 v1, v12;
	v10 =	vadd.s32 v23, v10;
	v18 =	vld [tilespmem:s24+$0x1B0]  }
0x535: {  	v24 =	vcvt.f32.s32 v24;
	v16 =	vand.u32 $0xFFFFFFF8, v16;
	v10 =	vadd.s32 v1, v10;
	v23 =	vld [tilespmem:s24+$0x41B0]  }
0x536: {  	v19 =	vand.u32 $0xFFFFFFC0, v19;
	v15 =	vand.u32 $0xFFFFFFF8, v15;
	v20 =	vadd.s32 v20, v27  }
0x537: {  	v21 =	vshra.s32 v21, $0x5;
	v15 =	vadd.s32 v15, v19;
	v16 =	vadd.s32 v16, v22;
	v25 =	vld [tilespmem:s24+$0x81B0]  }
0x538: {  	v17 =	vshra.s32 v17, $0x5;
	v19 =	vadd.s32 v21, v20;
	v20 =	vshra.s32 v24, $0x5  }
0x539: {  	v14 =	vtrunc.f32 v14;
	v15 =	vadd.s32 v20, v15;
	[tilespmem:v11+s12+$0x0] =	vst.idx.add.f32.msk $0xffff, v2;
	v11 =	vadd.s32 v17, v16  }
0x53a: {  	v17 =	vadd.s32 v1, v19;
	[tilespmem:v12+s12+$0x0] =	vst.idx.add.f32.msk $0xffff, v2;
	v12 =	vtrunc.f32 v18;
	v16 =	vtrunc.f32 v23  }
0x53b: {  	v11 =	vadd.s32 v1, v11;
	[tilespmem:v10+s12+$0x0] =	vst.idx.add.f32.msk $0xffff, v2;
	v10 =	vcvt.f32.s32 v12;
	v12 =	vcvt.f32.s32 v16  }
0x53c: {  	v9 =	vcvt.f32.s32 v9;
	v15 =	vadd.s32 v1, v15;
	v16 =	vld [tilespmem:s24+$0x20];
	v18 =	vtrunc.f32 v25  }
0x53d: {  	v19 =	vld [tilespmem:s24+$0x4020];
	v18 =	vcvt.f32.s32 v18;
	v10 =	vshll.u32 v10, $0x1;
	v12 =	vshra.s32 v12, $0x2  }
0x53e: {  	v8 =	vcvt.f32.s32 v8;
	v20 =	vld [tilespmem:s24+$0xA0];
	v10 =	vand.u32 $0xFFFFFFC0, v10;
	v12 =	vand.u32 $0xFFFFFFF8, v12  }
0x53f: {  	v21 =	vld [tilespmem:s24+$0x40A0];
	v18 =	vshra.s32 v18, $0x5;
	v10 =	vadd.s32 v12, v10;
	v12 =	vcvt.f32.s32 v6  }
0x540: {  	v7 =	vcvt.f32.s32 v7;
	v22 =	vld [tilespmem:s24+$0x120];
	v6 =	vadd.s32 v18, v10;
	v10 =	vcvt.f32.s32 v14  }
0x541: {  	v14 =	vtrunc.f32 v16;
	v16 =	vld [tilespmem:s24+$0x4120];
	v18 =	vadd.s32 v1, v6;
	v6 =	vtrunc.f32 v13  }
0x542: {  	v23 =	vshra.s32 v9, $0x2;
	v13 =	vld [tilespmem:s24+$0x8020];
	v14 =	vcvt.f32.s32 v14;
	v19 =	vtrunc.f32 v19  }
0x543: {  	v24 =	vshll.u32 v8, $0x1;
	v9 =	vcvt.f32.s32 v19;
	v19 =	vld [tilespmem:s24+$0x80A0];
	v20 =	vtrunc.f32 v20  }
0x544: {  	v8 =	vshll.u32 v14, $0x1;
	v14 =	vcvt.f32.s32 v20;
	v20 =	vtrunc.f32 v21;
	v21 =	vld [tilespmem:s24+$0x8120]  }
0x545: {  	v9 =	vshra.s32 v9, $0x2;
	v20 =	vcvt.f32.s32 v20;
	v22 =	vtrunc.f32 v22;
	[tilespmem:v17+s12+$0x0] =	vst.idx.add.f32.msk $0xffff, v2  }
0x546: {  	v14 =	vshll.u32 v14, $0x1;
	v17 =	vcvt.f32.s32 v22;
	v16 =	vtrunc.f32 v16;
	[tilespmem:v18+s12+$0x0] =	vst.idx.add.f32.msk $0xffff, v2  }
0x547: {  	v13 =	vtrunc.f32 v13;
	v18 =	vshra.s32 v20, $0x2;
	v16 =	vcvt.f32.s32 v16;
	v20 =	vld [tilespmem:s24+$0x1C0]  }
0x548: {  	v13 =	vcvt.f32.s32 v13;
	v19 =	vtrunc.f32 v19;
	v17 =	vshll.u32 v17, $0x1;
	v22 =	vld [tilespmem:s24+$0x41C0]  }
0x549: {  	v19 =	vcvt.f32.s32 v19;
	v21 =	vtrunc.f32 v21;
	v16 =	vshra.s32 v16, $0x2;
	[tilespmem:v11+s12+$0x0] =	vst.idx.add.f32.msk $0xffff, v2  }
0x54a: {  	v8 =	vand.u32 $0xFFFFFFC0, v8;
	v9 =	vand.u32 $0xFFFFFFF8, v9;
	v11 =	vcvt.f32.s32 v21;
	v21 =	vld [tilespmem:s24+$0x81C0]  }
0x54b: {  	v14 =	vand.u32 $0xFFFFFFC0, v14;
	v18 =	vand.u32 $0xFFFFFFF8, v18;
	v17 =	vand.u32 $0xFFFFFFC0, v17;
	[tilespmem:v15+s12+$0x0] =	vst.idx.add.f32.msk $0xffff, v2  }
0x54c: {  	v8 =	vadd.s32 v9, v8;
	v9 =	vadd.s32 v18, v14;
	v14 =	vand.u32 $0xFFFFFFF8, v16;
	v15 =	vld [tilespmem:s21+$0x60]  }
0x54d: {  	v14 =	vadd.s32 v14, v17;
	v16 =	vtrunc.f32 v20;
	v17 =	vtrunc.f32 v22;
	v18 =	vld [tilespmem:s21+$0x4060]  }
0x54e: {  	v13 =	vshra.s32 v13, $0x5;
	v16 =	vcvt.f32.s32 v16;
	v17 =	vcvt.f32.s32 v17;
	v20 =	vld [tilespmem:s21+$0xE0]  }
0x54f: {  	v19 =	vshra.s32 v19, $0x5;
	v11 =	vshra.s32 v11, $0x5;
	v21 =	vtrunc.f32 v21;
	v22 =	vld [tilespmem:s21+$0x40E0]  }
0x550: {  	v16 =	vshll.u32 v16, $0x1;
	v21 =	vcvt.f32.s32 v21;
	v17 =	vshra.s32 v17, $0x2;
	v25 =	vld [tilespmem:s21+$0x160]  }
0x551: {  	v8 =	vadd.s32 v13, v8;
	v13 =	vand.u32 $0xFFFFFFC0, v16;
	v16 =	vand.u32 $0xFFFFFFF8, v17;
	v17 =	vld [tilespmem:s21+$0x4160]  }
0x552: {  	v9 =	vadd.s32 v19, v9;
	v19 =	vshra.s32 v21, $0x5;
	v13 =	vadd.s32 v16, v13;
	v16 =	vld [tilespmem:s21+$0x8060]  }
0x553: {  	v21 =	vadd.s32 v1, v8;
	v8 =	vadd.s32 v11, v14;
	v11 =	vadd.s32 v19, v13;
	v13 =	vld [tilespmem:s21+$0x80E0]  }
0x554: {  	v14 =	vadd.s32 v1, v9;
	v19 =	vadd.s32 v1, v8;
	v26 =	vadd.s32 v1, v11;
	v27 =	vld [tilespmem:s21+$0x8160]  }
0x555: {  	v8 =	vshra.s32 v12, $0x2;
	v11 =	vtrunc.f32 v15;
	v15 =	vtrunc.f32 v18  }
0x556: {  	v7 =	vshll.u32 v7, $0x1;
	v12 =	vtrunc.f32 v20;
	v18 =	vtrunc.f32 v22  }
0x557: {  	v9 =	vshra.s32 v10, $0x2;
	v20 =	vtrunc.f32 v25;
	v17 =	vtrunc.f32 v17  }
0x558: {  	v15 =	vcvt.f32.s32 v15;
	[tilespmem:v21+s12+$0x0] =	vst.idx.add.f32.msk $0xffff, v2;
	v21 =	vcvt.f32.s32 v11;
	v11 =	vand.u32 $0xFFFFFFF8, v23  }
0x559: {  	v10 =	vand.u32 $0xFFFFFFC0, v24;
	v12 =	vcvt.f32.s32 v12;
	v18 =	vcvt.f32.s32 v18;
	[tilespmem:v26+s12+$0x0] =	vst.idx.add.f32.msk $0xffff, v2  }
0x55a: {  	v20 =	vcvt.f32.s32 v20;
	v17 =	vcvt.f32.s32 v17;
	v22 =	vld [tilespmem:s24+$0x1D0];
	v21 =	vshll.u32 v21, $0x1  }
0x55b: {  	v16 =	vtrunc.f32 v16;
	v15 =	vshra.s32 v15, $0x2;
	v13 =	vtrunc.f32 v13;
	v23 =	vld [tilespmem:s24+$0x41D0]  }
0x55c: {  	v12 =	vshll.u32 v12, $0x1;
	[tilespmem:v14+s12+$0x0] =	vst.idx.add.f32.msk $0xffff, v2;
	v14 =	vshra.s32 v18, $0x2;
	v18 =	vtrunc.f32 v27  }
0x55d: {  	v16 =	vcvt.f32.s32 v16;
	v20 =	vshll.u32 v20, $0x1;
	v17 =	vshra.s32 v17, $0x2;
	v24 =	vld [tilespmem:s24+$0x81D0]  }
0x55e: {  	v13 =	vcvt.f32.s32 v13;
	v18 =	vcvt.f32.s32 v18;
	[tilespmem:v19+s12+$0x0] =	vst.idx.add.f32.msk $0xffff, v2;
	v19 =	vand.u32 $0xFFFFFFC0, v21  }
0x55f: {  	v12 =	vand.u32 $0xFFFFFFC0, v12;
	v15 =	vand.u32 $0xFFFFFFF8, v15;
	v14 =	vand.u32 $0xFFFFFFF8, v14;
	v21 =	vld [tilespmem:s24+$0x30]  }
0x560: {  	v20 =	vand.u32 $0xFFFFFFC0, v20;
	v22 =	vtrunc.f32 v22;
	v25 =	vld [tilespmem:s24+$0x4030];
	v23 =	vtrunc.f32 v23  }
0x561: {  	v17 =	vand.u32 $0xFFFFFFF8, v17;
	v22 =	vcvt.f32.s32 v22;
	v26 =	vld [tilespmem:s24+$0xB0];
	v23 =	vcvt.f32.s32 v23  }
0x562: {  	v12 =	vadd.s32 v14, v12;
	v15 =	vadd.s32 v15, v19;
	v27 =	vld [tilespmem:s24+$0x40B0];
	v24 =	vtrunc.f32 v24  }
0x563: {  	v22 =	vshll.u32 v22, $0x1;
	v14 =	vld [tilespmem:s24+$0x130];
	v19 =	vcvt.f32.s32 v24;
	v23 =	vshra.s32 v23, $0x2  }
0x564: {  	v22 =	vand.u32 $0xFFFFFFC0, v22;
	v21 =	vtrunc.f32 v21;
	v24 =	vld [tilespmem:s24+$0x4130];
	v23 =	vand.u32 $0xFFFFFFF8, v23  }
0x565: {  	v28 =	vld [tilespmem:s24+$0x8030];
	v25 =	vtrunc.f32 v25;
	v19 =	vshra.s32 v19, $0x5;
	v22 =	vadd.s32 v23, v22  }
0x566: {  	v21 =	vcvt.f32.s32 v21;
	v23 =	vld [tilespmem:s24+$0x80B0];
	v26 =	vtrunc.f32 v26;
	v19 =	vadd.s32 v19, v22  }
0x567: {  	v22 =	vcvt.f32.s32 v25;
	v25 =	vtrunc.f32 v27;
	v27 =	vld [tilespmem:s24+$0x8130];
	v19 =	vadd.s32 v1, v19  }
0x568: {  	v21 =	vshll.u32 v21, $0x1;
	v26 =	vcvt.f32.s32 v26;
	v14 =	vtrunc.f32 v14  }
0x569: {  	v22 =	vshra.s32 v22, $0x2;
	v25 =	vcvt.f32.s32 v25;
	v24 =	vtrunc.f32 v24  }
0x56a: {  	v26 =	vshll.u32 v26, $0x1;
	v14 =	vcvt.f32.s32 v14;
	v24 =	vcvt.f32.s32 v24  }
0x56b: {  	v28 =	vtrunc.f32 v28;
	v25 =	vshra.s32 v25, $0x2;
	v23 =	vtrunc.f32 v23  }
0x56c: {  	v14 =	vshll.u32 v14, $0x1;
	v27 =	vtrunc.f32 v27;
	v24 =	vshra.s32 v24, $0x2;
	[tilespmem:v19+s12+$0x0] =	vst.idx.add.f32.msk $0xffff, v2  }
0x56d: {  	v21 =	vand.u32 $0xFFFFFFC0, v21;
	v19 =	vcvt.f32.s32 v28;
	v23 =	vcvt.f32.s32 v23;
	v28 =	vld [tilespmem:s24+$0x1E0]  }
0x56e: {  	v22 =	vand.u32 $0xFFFFFFF8, v22;
	v26 =	vand.u32 $0xFFFFFFC0, v26;
	v27 =	vcvt.f32.s32 v27;
	v29 =	vld [tilespmem:s24+$0x41E0]  }
0x56f: {  	v25 =	vand.u32 $0xFFFFFFF8, v25;
	v14 =	vand.u32 $0xFFFFFFC0, v14;
	v24 =	vand.u32 $0xFFFFFFF8, v24  }
0x570: {  	v21 =	vadd.s32 v22, v21;
	v22 =	vadd.s32 v25, v26;
	v14 =	vadd.s32 v24, v14;
	v24 =	vld [tilespmem:s24+$0x81E0]  }
0x571: {  	v19 =	vshra.s32 v19, $0x5;
	v23 =	vshra.s32 v23, $0x5;
	v25 =	vshra.s32 v27, $0x5  }
0x572: {  	v19 =	vadd.s32 v19, v21;
	v21 =	vadd.s32 v23, v22;
	v14 =	vadd.s32 v25, v14  }
0x573: {  	v19 =	vadd.s32 v1, v19;
	v22 =	vtrunc.f32 v28;
	v23 =	vtrunc.f32 v29  }
0x574: {  	v21 =	vadd.s32 v1, v21;
	v22 =	vcvt.f32.s32 v22;
	v23 =	vcvt.f32.s32 v23  }
0x575: {  	v17 =	vadd.s32 v17, v20;
	v14 =	vadd.s32 v1, v14;
	v24 =	vtrunc.f32 v24  }
0x576: {  	v22 =	vshll.u32 v22, $0x1;
	v20 =	vcvt.f32.s32 v24;
	v23 =	vshra.s32 v23, $0x2  }
0x577: {  	v16 =	vshra.s32 v16, $0x5;
	v22 =	vand.u32 $0xFFFFFFC0, v22;
	v23 =	vand.u32 $0xFFFFFFF8, v23  }
0x578: {  	v13 =	vshra.s32 v13, $0x5;
	[tilespmem:v19+s12+$0x0] =	vst.idx.add.f32.msk $0xffff, v2;
	v19 =	vshra.s32 v20, $0x5;
	v20 =	vadd.s32 v23, v22  }
0x579: {  	v15 =	vadd.s32 v16, v15;
	v16 =	vshra.s32 v18, $0x5;
	[tilespmem:v21+s12+$0x0] =	vst.idx.add.f32.msk $0xffff, v2;
	v19 =	vadd.s32 v19, v20  }
0x57a: {  	v5 =	vtrunc.f32 v5;
	v12 =	vadd.s32 v13, v12;
	[tilespmem:v14+s12+$0x0] =	vst.idx.add.f32.msk $0xffff, v2;
	v14 =	vadd.s32 v1, v19  }
0x57b: {  	v12 =	vadd.s32 v1, v12;
	v18 =	vadd.s32 v1, v15;
	v15 =	vadd.s32 v16, v17;
	v13 =	vld [tilespmem:s24+$0x40]  }
0x57c: {  	v4 =	vtrunc.f32 v4;
	v6 =	vcvt.f32.s32 v6;
	v17 =	vadd.s32 v1, v15;
	v16 =	vld [tilespmem:s24+$0x4040]  }
0x57d: {  	v5 =	vcvt.f32.s32 v5;
	v4 =	vcvt.f32.s32 v4;
	v8 =	vand.u32 $0xFFFFFFF8, v8;
	v15 =	vld [tilespmem:s24+$0xC0]  }
0x57e: {  	v7 =	vand.u32 $0xFFFFFFC0, v7;
	v9 =	vand.u32 $0xFFFFFFF8, v9;
	v3 =	vadd.s32 v11, v3;
	v19 =	vld [tilespmem:s24+$0x40C0]  }
0x57f: {  	v6 =	vshra.s32 v6, $0x5;
	v7 =	vadd.s32 v9, v7;
	v8 =	vadd.s32 v8, v10;
	[tilespmem:v14+s12+$0x0] =	vst.idx.add.f32.msk $0xffff, v2  }
0x580: {  	v5 =	vshra.s32 v5, $0x5;
	v11 =	vshra.s32 v4, $0x5;
	v9 =	vtrunc.f32 v13;
	v10 =	vld [tilespmem:s24+$0x1F0]  }
0x581: {  	v3 =	vadd.s32 v6, v3;
	v9 =	vcvt.f32.s32 v9;
	v4 =	vtrunc.f32 v16;
	v14 =	vld [tilespmem:s24+$0x41F0]  }
0x582: {  	v6 =	vcvt.f32.s32 v4;
	v13 =	vtrunc.f32 v15;
	v16 =	vld [tilespmem:s24+$0x140];
	v4 =	vadd.s32 v5, v8  }
0x583: {  	v5 =	vshll.u32 v9, $0x1;
	v8 =	vcvt.f32.s32 v13;
	v13 =	vtrunc.f32 v19;
	v19 =	vld [tilespmem:s24+$0x81F0]  }
0x584: {  	v9 =	vand.u32 $0xFFFFFFC0, v5;
	v5 =	vshra.s32 v6, $0x2;
	v6 =	vcvt.f32.s32 v13;
	v20 =	vld [tilespmem:s24+$0x4140]  }
0x585: {  	v21 =	vld [tilespmem:s24+$0x8040];
	v13 =	vand.u32 $0xFFFFFFF8, v5;
	v8 =	vshll.u32 v8, $0x1;
	v5 =	vadd.s32 v11, v7  }
0x586: {  	v7 =	vtrunc.f32 v10;
	v11 =	vld [tilespmem:s24+$0x80C0];
	v6 =	vshra.s32 v6, $0x2;
	v10 =	vtrunc.f32 v14  }
0x587: {  	v14 =	vand.u32 $0xFFFFFFC0, v8;
	v7 =	vcvt.f32.s32 v7;
	v22 =	vld [tilespmem:s24+$0x8140];
	v8 =	vcvt.f32.s32 v10  }
0x588: {  	v15 =	vand.u32 $0xFFFFFFF8, v6;
	v6 =	vtrunc.f32 v16;
	v10 =	vtrunc.f32 v19;
	[tilespmem:v18+s12+$0x0] =	vst.idx.add.f32.msk $0xffff, v2  }
0x589: {  	v7 =	vshll.u32 v7, $0x1;
	v10 =	vcvt.f32.s32 v10;
	v8 =	vshra.s32 v8, $0x2;
	[tilespmem:v12+s12+$0x0] =	vst.idx.add.f32.msk $0xffff, v2  }
0x58a: {  	v12 =	vtrunc.f32 v20;
	v7 =	vand.u32 $0xFFFFFFC0, v7;
	v8 =	vand.u32 $0xFFFFFFF8, v8;
	[tilespmem:v17+s12+$0x0] =	vst.idx.add.f32.msk $0xffff, v2  }
.Ltmp7:
0x58b: {  	v17 =	vcvt.f32.s32 v6;
	v6 =	vshra.s32 v10, $0x5;
	v8 =	vadd.s32 v8, v7;
	v7 =	vld [tilespmem:s21+$0x70];
	(pc) =	sbr.rel @p1 .LBB2_13-.Ltmp7, $4  }
0x58c: {  	v16 =	vtrunc.f32 v21;
	v12 =	vcvt.f32.s32 v12;
	v6 =	vadd.s32 v6, v8;
	v8 =	vld [tilespmem:s21+$0x4070]  }
0x58d: {  	v19 =	vtrunc.f32 v11;
	v20 =	vtrunc.f32 v22;
	v6 =	vadd.s32 v1, v6;
	v10 =	vld [tilespmem:s21+$0xF0]  }
0x58e: {  	v16 =	vcvt.f32.s32 v16;
	v21 =	vshll.u32 v17, $0x1;
	v18 =	vshra.s32 v12, $0x2;
	v11 =	vld [tilespmem:s21+$0x40F0]  }
0x58f: {  	s24 =	sadd.s32 $0x200, s24;
	v19 =	vcvt.f32.s32 v19;
	v17 =	vcvt.f32.s32 v20;
	v20 =	vand.u32 $0xFFFFFFC0, v21;
	v12 =	vld [tilespmem:s21+$0x170]  }
0x590: {  	v9 =	vadd.s32 v13, v9  }
0x591: {  	v51 =	vadd.s32 v15, v14;
	v52 =	vand.u32 $0xFFFFFFF8, v18;
	v53 =	vshra.s32 v16, $0x5  }
0x592: {  	v54 =	vshra.s32 v19, $0x5;
	v14 =	vadd.s32 v52, v20;
	v9 =	vadd.s32 v53, v9  }
0x593: {  	v55 =	vshra.s32 v17, $0x5;
	v13 =	vadd.s32 v54, v51;
	v9 =	vadd.s32 v1, v9  }
0x594: {  	v14 =	vadd.s32 v55, v14;
	v13 =	vadd.s32 v1, v13  }
0x595: {  	v14 =	vadd.s32 v1, v14;
	_ =	sdelay $0x2  }
0x596: {  	[tilespmem:v9+s12+$0x0] =	vst.idx.add.f32.msk $0xffff, v2  }
0x597: {  	[tilespmem:v13+s12+$0x0] =	vst.idx.add.f32.msk $0xffff, v2  }
0x598: {  	[tilespmem:v14+s12+$0x0] =	vst.idx.add.f32.msk $0xffff, v2  }
0x599: {  	v9 =	vld [tilespmem:s22+$0x50]  }
0x59a: {  	v56 =	vld [tilespmem:s22+$0x4050]  }
0x59b: {  	v61 =	vld [tilespmem:s22+$0x8050]  }
0x59c: {  	v57 =	vld [tilespmem:s22+$0xD0]  }
0x59d: {  	v58 =	vld [tilespmem:s22+$0x40D0]  }
0x59e: {  	v59 =	vld [tilespmem:s22+$0x150]  }
0x59f: {  	v60 =	vld [tilespmem:s22+$0x4150]  }
0x5a0: {  	v62 =	vld [tilespmem:s22+$0x80D0]  }
0x5a1: {  	v63 =	vld [tilespmem:s22+$0x8150];
	v9 =	vtrunc.f32 v9;
	v13 =	vtrunc.f32 v56  }
0x5a2: {  	v18 =	vtrunc.f32 v61;
	v14 =	vtrunc.f32 v57  }
0x5a3: {  	v15 =	vtrunc.f32 v58;
	v16 =	vtrunc.f32 v59  }
0x5a4: {  	v9 =	vcvt.f32.s32 v9;
	v17 =	vtrunc.f32 v60  }
0x5a5: {  	v13 =	vcvt.f32.s32 v13;
	v19 =	vtrunc.f32 v62  }
0x5a6: {  	v20 =	vtrunc.f32 v63;
	v18 =	vcvt.f32.s32 v18  }
0x5a7: {  	v14 =	vcvt.f32.s32 v14;
	v15 =	vcvt.f32.s32 v15  }
0x5a8: {  	v16 =	vcvt.f32.s32 v16;
	v17 =	vcvt.f32.s32 v17  }
0x5a9: {  	v19 =	vcvt.f32.s32 v19;
	v20 =	vcvt.f32.s32 v20  }
0x5aa: {  	v9 =	vshll.u32 v9, $0x1;
	v13 =	vshra.s32 v13, $0x2;
	v26 =	vshra.s32 v18, $0x5  }
0x5ab: {  	v14 =	vshll.u32 v14, $0x1;
	v15 =	vshra.s32 v15, $0x2;
	v16 =	vshll.u32 v16, $0x1  }
0x5ac: {  	v17 =	vshra.s32 v17, $0x2;
	v9 =	vand.u32 $0xFFFFFFC0, v9;
	v13 =	vand.u32 $0xFFFFFFF8, v13  }
0x5ad: {  	v27 =	vshra.s32 v19, $0x5;
	v28 =	vshra.s32 v20, $0x5;
	v14 =	vand.u32 $0xFFFFFFC0, v14  }
0x5ae: {  	v15 =	vand.u32 $0xFFFFFFF8, v15;
	v9 =	vadd.s32 v13, v9;
	v24 =	vand.u32 $0xFFFFFFC0, v16  }
0x5af: {  	v25 =	vand.u32 $0xFFFFFFF8, v17;
	v14 =	vadd.s32 v15, v14;
	v9 =	vadd.s32 v26, v9  }
0x5b0: {  	v13 =	vadd.s32 v25, v24;
	v14 =	vadd.s32 v27, v14;
	v9 =	vadd.s32 v1, v9  }
0x5b1: {  	v13 =	vadd.s32 v28, v13;
	v14 =	vadd.s32 v1, v14  }
0x5b2: {  	v13 =	vadd.s32 v1, v13;
	_ =	sdelay $0x2  }
0x5b3: {  	[tilespmem:v9+s12+$0x0] =	vst.idx.add.f32.msk $0xffff, v2  }
0x5b4: {  	[tilespmem:v14+s12+$0x0] =	vst.idx.add.f32.msk $0xffff, v2  }
0x5b5: {  	[tilespmem:v13+s12+$0x0] =	vst.idx.add.f32.msk $0xffff, v2  }
0x5b6: {  	v9 =	vld [tilespmem:s22+$0x60]  }
0x5b7: {  	v29 =	vld [tilespmem:s22+$0x4060]  }
0x5b8: {  	v33 =	vld [tilespmem:s22+$0x8060]  }
0x5b9: {  	v14 =	vld [tilespmem:s22+$0xE0]  }
0x5ba: {  	v30 =	vld [tilespmem:s22+$0x40E0]  }
0x5bb: {  	v31 =	vld [tilespmem:s22+$0x160]  }
0x5bc: {  	v32 =	vld [tilespmem:s22+$0x4160]  }
0x5bd: {  	v34 =	vld [tilespmem:s22+$0x80E0]  }
0x5be: {  	v35 =	vld [tilespmem:s22+$0x8160];
	v9 =	vtrunc.f32 v9;
	v13 =	vtrunc.f32 v29  }
0x5bf: {  	v18 =	vtrunc.f32 v33;
	v14 =	vtrunc.f32 v14  }
0x5c0: {  	v15 =	vtrunc.f32 v30;
	v16 =	vtrunc.f32 v31  }
0x5c1: {  	v17 =	vtrunc.f32 v32;
	v9 =	vcvt.f32.s32 v9  }
0x5c2: {  	v13 =	vcvt.f32.s32 v13;
	v19 =	vtrunc.f32 v34  }
0x5c3: {  	v20 =	vtrunc.f32 v35;
	v18 =	vcvt.f32.s32 v18  }
0x5c4: {  	v14 =	vcvt.f32.s32 v14;
	v15 =	vcvt.f32.s32 v15  }
0x5c5: {  	v16 =	vcvt.f32.s32 v16;
	v17 =	vcvt.f32.s32 v17  }
0x5c6: {  	v19 =	vcvt.f32.s32 v19;
	v20 =	vcvt.f32.s32 v20  }
0x5c7: {  	v9 =	vshll.u32 v9, $0x1;
	v13 =	vshra.s32 v13, $0x2;
	v37 =	vshra.s32 v18, $0x5  }
0x5c8: {  	v14 =	vshll.u32 v14, $0x1;
	v15 =	vshra.s32 v15, $0x2;
	v16 =	vshll.u32 v16, $0x1  }
0x5c9: {  	v17 =	vshra.s32 v17, $0x2;
	v9 =	vand.u32 $0xFFFFFFC0, v9;
	v13 =	vand.u32 $0xFFFFFFF8, v13  }
0x5ca: {  	v39 =	vshra.s32 v19, $0x5;
	v40 =	vshra.s32 v20, $0x5;
	v14 =	vand.u32 $0xFFFFFFC0, v14  }
0x5cb: {  	v15 =	vand.u32 $0xFFFFFFF8, v15;
	v16 =	vand.u32 $0xFFFFFFC0, v16;
	v9 =	vadd.s32 v13, v9  }
0x5cc: {  	v17 =	vand.u32 $0xFFFFFFF8, v17;
	v36 =	vadd.s32 v15, v14;
	v9 =	vadd.s32 v37, v9  }
0x5cd: {  	v16 =	vadd.s32 v17, v16;
	v13 =	vadd.s32 v39, v36;
	v9 =	vadd.s32 v1, v9  }
0x5ce: {  	v41 =	vld [tilespmem:s21+$0x8070];
	v14 =	vadd.s32 v40, v16;
	v13 =	vadd.s32 v1, v13  }
0x5cf: {  	v42 =	vld [tilespmem:s21+$0x80F0];
	v14 =	vadd.s32 v1, v14  }
0x5d0: {  	v7 =	vtrunc.f32 v7;
	v3 =	vadd.s32 v1, v3;
	v43 =	vld [tilespmem:s21+$0x8170];
	v8 =	vtrunc.f32 v8  }
0x5d1: {  	v38 =	vld [tilespmem:s21+$0x4170];
	v4 =	vadd.s32 v1, v4;
	v7 =	vcvt.f32.s32 v7;
	v10 =	vtrunc.f32 v10  }
0x5d2: {  	v5 =	vadd.s32 v1, v5;
	v8 =	vcvt.f32.s32 v8;
	v11 =	vtrunc.f32 v11;
	[tilespmem:v9+s12+$0x0] =	vst.idx.add.f32.msk $0xffff, v2  }
0x5d3: {  	v10 =	vcvt.f32.s32 v10;
	v7 =	vshll.u32 v7, $0x1;
	v12 =	vtrunc.f32 v12;
	[tilespmem:v13+s12+$0x0] =	vst.idx.add.f32.msk $0xffff, v2  }
0x5d4: {  	v7 =	vand.u32 $0xFFFFFFC0, v7;
	v8 =	vshra.s32 v8, $0x2;
	v45 =	vtrunc.f32 v41;
	[tilespmem:v14+s12+$0x0] =	vst.idx.add.f32.msk $0xffff, v2  }
0x5d5: {  	v10 =	vshll.u32 v10, $0x1;
	v48 =	vtrunc.f32 v42;
	v18 =	vtrunc.f32 v43;
	v46 =	vld [tilespmem:s22+$0x70]  }
0x5d6: {  	v8 =	vand.u32 $0xFFFFFFF8, v8;
	v18 =	vcvt.f32.s32 v18;
	v15 =	vtrunc.f32 v38;
	v47 =	vld [tilespmem:s22+$0x4070]  }
0x5d7: {  	v10 =	vand.u32 $0xFFFFFFC0, v10;
	v44 =	vcvt.f32.s32 v15;
	v16 =	vcvt.f32.s32 v48;
	v56 =	vld [tilespmem:s22+$0x8070]  }
0x5d8: {  	v7 =	vadd.s32 v8, v7;
	v9 =	vcvt.f32.s32 v11;
	v11 =	vcvt.f32.s32 v12;
	v49 =	vld [tilespmem:s22+$0xF0]  }
0x5d9: {  	v52 =	vshra.s32 v18, $0x5;
	v51 =	vshra.s32 v16, $0x5;
	v12 =	vshra.s32 v44, $0x2;
	v50 =	vld [tilespmem:s22+$0x40F0]  }
0x5da: {  	v13 =	vcvt.f32.s32 v45;
	v9 =	vshra.s32 v9, $0x2;
	v11 =	vshll.u32 v11, $0x1;
	v58 =	vld [tilespmem:s22+$0x80F0]  }
0x5db: {  	v12 =	vand.u32 $0xFFFFFFF8, v12;
	v59 =	vld [tilespmem:s22+$0x8170];
	v9 =	vand.u32 $0xFFFFFFF8, v9;
	v8 =	vand.u32 $0xFFFFFFC0, v11  }
0x5dc: {  	v11 =	vld [tilespmem:s22+$0x170];
	v13 =	vshra.s32 v13, $0x5;
	v9 =	vadd.s32 v9, v10;
	v53 =	vtrunc.f32 v46  }
0x5dd: {  	v8 =	vadd.s32 v12, v8;
	v54 =	vtrunc.f32 v47;
	v15 =	vtrunc.f32 v56  }
0x5de: {  	v7 =	vadd.s32 v13, v7;
	v55 =	vtrunc.f32 v49;
	v57 =	vtrunc.f32 v50  }
0x5df: {  	v10 =	vld [tilespmem:s22+$0x4170];
	v9 =	vadd.s32 v51, v9;
	v12 =	vcvt.f32.s32 v53;
	v13 =	vcvt.f32.s32 v54  }
0x5e0: {  	v8 =	vadd.s32 v52, v8;
	v17 =	vtrunc.f32 v58;
	v15 =	vcvt.f32.s32 v15  }
0x5e1: {  	v7 =	vadd.s32 v1, v7;
	v18 =	vtrunc.f32 v59;
	v11 =	vtrunc.f32 v11  }
0x5e2: {  	v9 =	vadd.s32 v1, v9;
	v14 =	vcvt.f32.s32 v55;
	v16 =	vcvt.f32.s32 v57  }
0x5e3: {  	v8 =	vadd.s32 v1, v8;
	v17 =	vcvt.f32.s32 v17;
	v18 =	vcvt.f32.s32 v18  }
0x5e4: {  	v10 =	vtrunc.f32 v10;
	v12 =	vshll.u32 v12, $0x1;
	v11 =	vcvt.f32.s32 v11  }
0x5e5: {  	v13 =	vshra.s32 v13, $0x2;
	v12 =	vand.u32 $0xFFFFFFC0, v12;
	v10 =	vcvt.f32.s32 v10  }
0x5e6: {  	v14 =	vshll.u32 v14, $0x1;
	v16 =	vshra.s32 v16, $0x2;
	v13 =	vand.u32 $0xFFFFFFF8, v13  }
0x5e7: {  	v11 =	vshll.u32 v11, $0x1;
	v14 =	vand.u32 $0xFFFFFFC0, v14;
	v16 =	vand.u32 $0xFFFFFFF8, v16  }
0x5e8: {  	v12 =	vadd.s32 v13, v12;
	v10 =	vshra.s32 v10, $0x2;
	v11 =	vand.u32 $0xFFFFFFC0, v11  }
0x5e9: {  	[tilespmem:v6+s12+$0x0] =	vst.idx.add.f32.msk $0xffff, v2;
	v60 =	vadd.s32 v16, v14;
	v6 =	vand.u32 $0xFFFFFFF8, v10;
	v10 =	vshra.s32 v15, $0x5  }
0x5ea: {  	[tilespmem:v3+s12+$0x0] =	vst.idx.add.f32.msk $0xffff, v2;
	v3 =	vadd.s32 v6, v11;
	v6 =	vshra.s32 v17, $0x5;
	v10 =	vadd.s32 v10, v12  }
0x5eb: {  	[tilespmem:v4+s12+$0x0] =	vst.idx.add.f32.msk $0xffff, v2;
	v4 =	vshra.s32 v18, $0x5;
	v6 =	vadd.s32 v6, v60;
	v10 =	vadd.s32 v1, v10  }
0x5ec: {  	[tilespmem:v5+s12+$0x0] =	vst.idx.add.f32.msk $0xffff, v2;
	v3 =	vadd.s32 v4, v3;
	v4 =	vadd.s32 v1, v6  }
0x5ed: {  	[tilespmem:v7+s12+$0x0] =	vst.idx.add.f32.msk $0xffff, v2;
	v3 =	vadd.s32 v1, v3  }
0x5ee: {  	[tilespmem:v9+s12+$0x0] =	vst.idx.add.f32.msk $0xffff, v2  }
0x5ef: {  	[tilespmem:v8+s12+$0x0] =	vst.idx.add.f32.msk $0xffff, v2  }
0x5f0: {  	[tilespmem:v10+s12+$0x0] =	vst.idx.add.f32.msk $0xffff, v2  }
0x5f1: {  	[tilespmem:v4+s12+$0x0] =	vst.idx.add.f32.msk $0xffff, v2  }
0x5f2: {  	s24 =	simm.s32 $0x19010;
	[tilespmem:v3+s12+$0x0] =	vst.idx.add.f32.msk $0xffff, v2  }
0x5f3: {  	v3 =	vld [tilespmem:s24+$0xFFFFF000];
	_ =	sdelay $0x1  }
0x5f4: {  	v4 =	vld [tilespmem:s24+$0xFFFFF200];
	_ =	sdelay $0x1  }
0x5f5: {  	v5 =	vld [tilespmem:s24+$0xFFFFF400]  }
0x5f6: {  	s31 =	simm.s32 $0x0;
	v6 =	vld [tilespmem:s24+$0xFFFFF600];
	v3 =	vadd.f32 $0.0e+00, v3  }
0x5f7: {  	s25 =	sand.u32 $0x1E0, s31;
	v7 =	vld [tilespmem:s24+$0xFFFFEFF0];
	[tilespmem:s24+$0xFFFFEFF0] =	vst v0  }
0x5f8: {  	v8 =	vld [tilespmem:s25+$0x18200];
	v3 =	vadd.f32 v4, v3  }
0x5f9: {  	[tilespmem:s24+$0xFFFFF400] =	vst v0;
	v4 =	vld [tilespmem:s24+$0xFFFFF800]  }
0x5fa: {  	[tilespmem:s24+$0xFFFFF200] =	vst v0;
	v9 =	vld [tilespmem:s25+$0x18400];
	v3 =	vadd.f32 v5, v3  }
0x5fb: {  	[tilespmem:s24+$0xFFFFF600] =	vst v0;
	v5 =	vld [tilespmem:s24+$0xFFFFFA00]  }
0x5fc: {  	[tilespmem:s24+$0xFFFFF000] =	vst v0;
	v10 =	vld [tilespmem:s25+$0x18600];
	v3 =	vadd.f32 v6, v3  }
0x5fd: {  	[tilespmem:s25+$0x18200] =	vst v0;
	v6 =	vld [tilespmem:s24+$0xFFFFFC00]  }
0x5fe: {  	[tilespmem:s25+$0x18400] =	vst v0;
	v11 =	vld [tilespmem:s25+$0x18800];
	v3 =	vadd.f32 v4, v3  }
0x5ff: {  	[tilespmem:s25+$0x18600] =	vst v0;
	v4 =	vld [tilespmem:s24+$0xFFFFFE00]  }
0x600: {  	[tilespmem:s25+$0x18800] =	vst v0;
	v61 =	vld [tilespmem:s25+$0x18A00];
	v7 =	vadd.f32 $0.0e+00, v7;
	v3 =	vadd.f32 v5, v3  }
0x601: {  	[tilespmem:s25+$0x18A00] =	vst v0;
	v5 =	vld [tilespmem:s24+$0x0]  }
0x602: {  	v62 =	vld [tilespmem:s25+$0x19000];
	[tilespmem:s25+$0x19000] =	vst v0;
	v7 =	vadd.f32 v8, v7;
	v3 =	vadd.f32 v6, v3  }
0x603: {  	[tilespmem:s24+$0xFFFFF800] =	vst v0;
	v6 =	vld [tilespmem:s24+$0x200]  }
0x604: {  	v8 =	vld [tilespmem:s25+$0x18C00];
	[tilespmem:s25+$0x18C00] =	vst v0;
	v7 =	vadd.f32 v9, v7;
	v3 =	vadd.f32 v4, v3  }
0x605: {  	[tilespmem:s24+$0xFFFFFA00] =	vst v0;
	v4 =	vld [tilespmem:s24+$0x400]  }
0x606: {  	v9 =	vld [tilespmem:s25+$0x18E00];
	[tilespmem:s25+$0x18E00] =	vst v0;
	v7 =	vadd.f32 v10, v7;
	v3 =	vadd.f32 v5, v3  }
0x607: {  	[tilespmem:s24+$0xFFFFFC00] =	vst v0;
	v10 =	vld [tilespmem:s24+$0x600]  }
0x608: {  	[tilespmem:s24+$0x600] =	vst v0;
	v5 =	vadd.f32 v11, v7;
	v3 =	vadd.f32 v6, v3  }
0x609: {  	[tilespmem:s24+$0xFFFFFE00] =	vst v0;
	v7 =	vld [tilespmem:s24+$0x800]  }
0x60a: {  	[tilespmem:s24+$0x0] =	vst v0;
	v6 =	vadd.f32 v61, v5;
	v3 =	vadd.f32 v4, v3  }
0x60b: {  	v63 =	vld [tilespmem:s24+$0xA00];
	[tilespmem:s24+$0x200] =	vst v0  }
0x60c: {  	[tilespmem:s24+$0x400] =	vst v0;
	v11 =	vld [tilespmem:s25+$0x19200];
	v4 =	vadd.f32 v8, v6;
	v3 =	vadd.f32 v10, v3  }
0x60d: {  	p2 =	por $0x1, $0x1;
	[tilespmem:s24+$0x800] =	vst v0;
	v8 =	vld [tilespmem:s24+$0xC00]  }
.Ltmp8:
0x60e: {  	[tilespmem:s25+$0x19200] =	vst v0;
	v5 =	vld [tilespmem:s25+$0x19400];
	v9 =	vadd.f32 v9, v4;
	v3 =	vadd.f32 v7, v3;
	(pc) =	sbr.rel @!p2 .LBB2_15-.Ltmp8, $4  }
0x60f: {  	[tilespmem:s25+$0x19400] =	vst v0;
	v6 =	vld [tilespmem:s25+$0x19600]  }
0x610: {  	[tilespmem:s25+$0x19600] =	vst v0;
	v4 =	vld [tilespmem:s25+$0x19800];
	v9 =	vadd.f32 v62, v9;
	v10 =	vadd.f32 v63, v3  }
0x611: {  	[tilespmem:s25+$0x19800] =	vst v0;
	v7 =	vld [tilespmem:s24+$0xE00]  }
0x612: {  	s21 =	simm.s32 $0x1A010;
	p1 =	por $0x0, $0x0;
	s22 =	simm.s32 $0x19030;
	v3 =	vld [tilespmem:s25+$0x19A00];
	v9 =	vadd.f32 v11, v9;
	[tilespmem:s25+$0x19A00] =	vst v0;
	v8 =	vadd.f32 v8, v10  }
0x613: {  	v10 =	vld [tilespmem:s22+$0xFFFFF000]  }
0x614: {  	v11 =	vld [tilespmem:s22+$0xFFFFF200]  }
0x615: {  	[tilespmem:s24+$0xA00] =	vst v0;
	v12 =	vld [tilespmem:s22+$0xFFFFF400]  }
0x616: {  	[tilespmem:s24+$0xC00] =	vst v0;
	v13 =	vld [tilespmem:s22+$0xFFFFEFF0]  }
0x617: {  	[tilespmem:s22+$0xFFFFF400] =	vst v0;
	v14 =	vld [tilespmem:s22+$0xFFFFF600]  }
0x618: {  	[tilespmem:s22+$0xFFFFF200] =	vst v0;
	v15 =	vld [tilespmem:s25+$0x19C00]  }
0x619: {  	[tilespmem:s24+$0xE00] =	vst v0;
	v56 =	vld [tilespmem:s22+$0xFFFFFA00];
	v10 =	vadd.f32 $0.0e+00, v10  }
0x61a: {  	[tilespmem:s22+$0xFFFFF600] =	vst v0;
	v57 =	vld [tilespmem:s22+$0xFFFFFC00]  }
0x61b: {  	[tilespmem:s22+$0xFFFFF000] =	vst v0;
	v58 =	vld [tilespmem:s22+$0x0];
	v10 =	vadd.f32 v11, v10  }
0x61c: {  	[tilespmem:s22+$0xFFFFEFF0] =	vst v0;
	v11 =	vld [tilespmem:s22+$0xFFFFF800]  }
0x61d: {  	[tilespmem:s22+$0xFFFFFA00] =	vst v0;
	v59 =	vld [tilespmem:s22+$0x200];
	v10 =	vadd.f32 v12, v10  }
0x61e: {  	s24 =	simm.s32 $0x20;
	[tilespmem:s22+$0xFFFFFC00] =	vst v0;
	v61 =	vld [tilespmem:s22+$0x600]  }
0x61f: {  	[tilespmem:s22+$0x0] =	vst v0;
	v63 =	vld [tilespmem:s22+$0x800];
	s23 =	sand.u32 $0x1E0, s24;
	v10 =	vadd.f32 v14, v10  }
0x620: {  	[tilespmem:s22+$0x200] =	vst v0;
	v17 =	vld [tilespmem:s23+$0x18200]  }
0x621: {  	[tilespmem:s22+$0x600] =	vst v0;
	v18 =	vld [tilespmem:s23+$0x18400];
	v10 =	vadd.f32 v11, v10  }
0x622: {  	[tilespmem:s22+$0x800] =	vst v0;
	v11 =	vld [tilespmem:s22+$0xFFFFFE00]  }
0x623: {  	v16 =	vld [tilespmem:s25+$0x19E00];
	[tilespmem:s25+$0x19C00] =	vst v0;
	v13 =	vadd.f32 $0.0e+00, v13;
	v10 =	vadd.f32 v56, v10  }
0x624: {  	[tilespmem:s25+$0x19E00] =	vst v0;
	v19 =	vld [tilespmem:s23+$0x18600]  }
0x625: {  	[tilespmem:s23+$0x18200] =	vst v0;
	v13 =	vadd.f32 v17, v13;
	v10 =	vadd.f32 v57, v10  }
0x626: {  	v5 =	vadd.f32 v5, v9;
	[tilespmem:s23+$0x18400] =	vst v0;
	v20 =	vld [tilespmem:s23+$0x18800]  }
0x627: {  	[tilespmem:s23+$0x18600] =	vst v0;
	v21 =	vld [tilespmem:s23+$0x18A00];
	v13 =	vadd.f32 v18, v13;
	v10 =	vadd.f32 v11, v10  }
0x628: {  	[tilespmem:s23+$0x18800] =	vst v0;
	v5 =	vadd.f32 v6, v5;
	v11 =	vld [tilespmem:s22+$0x400]  }
0x629: {  	[tilespmem:s23+$0x18A00] =	vst v0;
	v13 =	vadd.f32 v19, v13;
	v10 =	vadd.f32 v58, v10  }
0x62a: {  	v60 =	vld [tilespmem:s23+$0x18C00];
	[tilespmem:s23+$0x18C00] =	vst v0;
	v4 =	vadd.f32 v4, v5  }
0x62b: {  	v9 =	vld [tilespmem:s23+$0x18E00];
	[tilespmem:s23+$0x18E00] =	vst v0;
	v6 =	vadd.f32 v20, v13;
	v10 =	vadd.f32 v59, v10  }
0x62c: {  	v62 =	vld [tilespmem:s23+$0x19000];
	[tilespmem:s23+$0x19000] =	vst v0;
	v7 =	vadd.f32 v7, v8;
	v3 =	vadd.f32 v3, v4  }
0x62d: {  	v8 =	vld [tilespmem:s23+$0x19200];
	[tilespmem:s23+$0x19200] =	vst v0;
	v6 =	vadd.f32 v21, v6;
	v10 =	vadd.f32 v11, v10  }
0x62e: {  	[tilespmem:s21+$0x0] =	vst v7;
	v3 =	vadd.f32 v15, v3;
	v11 =	vld [tilespmem:s22+$0xA00]  }
0x62f: {  	v5 =	vld [tilespmem:s23+$0x19400];
	[tilespmem:s23+$0x19400] =	vst v0;
	v4 =	vadd.f32 v60, v6;
	v7 =	vadd.f32 v61, v10  }
0x630: {  	[tilespmem:s22+$0xFFFFF800] =	vst v0;
	v3 =	vadd.f32 v16, v3  }
0x631: {  	p2 =	por $0x1, $0x1;
	[tilespmem:s22+$0xFFFFFE00] =	vst v0;
	v9 =	vadd.f32 v9, v4;
	v10 =	vld [tilespmem:s22+$0xC00];
	v7 =	vadd.f32 v63, v7  }
.Ltmp9:
0x632: {  	[tilespmem:s21+$0xFFFFFFF0] =	vst v3;
	v3 =	vld [tilespmem:s23+$0x19A00];
	(pc) =	sbr.rel @!p2 .LBB2_17-.Ltmp9, $4  }
0x633: {  	[tilespmem:s23+$0x19A00] =	vst v0;
	v9 =	vadd.f32 v62, v9;
	v11 =	vadd.f32 v11, v7;
	v7 =	vld [tilespmem:s22+$0xE00]  }
0x634: {  	v6 =	vld [tilespmem:s23+$0x19600];
	[tilespmem:s23+$0x19600] =	vst v0  }
0x635: {  	s25 =	simm.s32 $0x2;
	[tilespmem:s22+$0x400] =	vst v0;
	v9 =	vadd.f32 v8, v9  }
0x636: {  	s28 =	simm.s32 $0x19050;
	p1 =	por $0x1, $0x1;
	s26 =	simm.s32 $0x1A010;
	v4 =	vld [tilespmem:s23+$0x19800];
	[tilespmem:s23+$0x19800] =	vst v0;
	v8 =	vadd.f32 v10, v11  }
.LBB2_18:
0x637: {  	v10 =	vld [tilespmem:s28+$0xFFFFF000];
	s25 =	sadd.s32 $0x2, s25;
	v5 =	vadd.f32 v5, v9;
	[tilespmem:s22+$0xA00] =	vst v0  }
0x638: {  	v9 =	vld [tilespmem:s28+$0xFFFFEFF0];
	p2 =	slt.u32 s25, $0x1E;
	[tilespmem:s22+$0xC00] =	vst v0;
	v7 =	vadd.f32 v7, v8  }
0x639: {  	s26 =	sadd.s32 $0x20, s26;
	v8 =	vld [tilespmem:s28+$0xFFFFF200];
	v5 =	vadd.f32 v6, v5;
	[tilespmem:s22+$0xE00] =	vst v0;
	s22 =	smov.u32 s28  }
0x63a: {  	v6 =	vld [tilespmem:s23+$0x19C00];
	[tilespmem:s26+$0x0] =	vst v7  }
0x63b: {  	v7 =	vld [tilespmem:s28+$0xFFFFF400];
	[tilespmem:s28+$0xFFFFF400] =	vst v0;
	v4 =	vadd.f32 v4, v5  }
0x63c: {  	v5 =	vadd.f32 $0.0e+00, v10;
	[tilespmem:s28+$0xFFFFF200] =	vst v0;
	v10 =	vld [tilespmem:s23+$0x19E00]  }
0x63d: {  	v9 =	vadd.f32 $0.0e+00, v9;
	v11 =	vld [tilespmem:s28+$0xFFFFF600];
	[tilespmem:s28+$0xFFFFF600] =	vst v0;
	v3 =	vadd.f32 v3, v4  }
0x63e: {  	[tilespmem:s28+$0xFFFFF000] =	vst v0;
	v4 =	vadd.f32 v8, v5  }
0x63f: {  	v5 =	vld [tilespmem:s28+$0xFFFFF800];
	[tilespmem:s28+$0xFFFFF800] =	vst v0;
	v3 =	vadd.f32 v6, v3  }
0x640: {  	s24 =	sadd.s32 $0x20, s24;
	[tilespmem:s28+$0xFFFFEFF0] =	vst v0;
	v4 =	vadd.f32 v7, v4  }
0x641: {  	s29 =	sand.u32 $0x1E0, s24;
	v6 =	vld [tilespmem:s28+$0xFFFFFA00];
	[tilespmem:s28+$0xFFFFFA00] =	vst v0;
	v3 =	vadd.f32 v10, v3  }
0x642: {  	v7 =	vld [tilespmem:s29+$0x18200];
	[tilespmem:s29+$0x18200] =	vst v0;
	v4 =	vadd.f32 v11, v4  }
0x643: {  	v8 =	vld [tilespmem:s28+$0xFFFFFC00];
	[tilespmem:s28+$0xFFFFFC00] =	vst v0  }
0x644: {  	v10 =	vld [tilespmem:s29+$0x18400];
	[tilespmem:s29+$0x18400] =	vst v0;
	v4 =	vadd.f32 v5, v4  }
0x645: {  	v5 =	vld [tilespmem:s28+$0xFFFFFE00];
	[tilespmem:s28+$0xFFFFFE00] =	vst v0  }
0x646: {  	v11 =	vld [tilespmem:s29+$0x18600];
	[tilespmem:s29+$0x18600] =	vst v0;
	v4 =	vadd.f32 v6, v4  }
0x647: {  	v6 =	vadd.f32 v7, v9;
	v7 =	vld [tilespmem:s28+$0x0];
	[tilespmem:s28+$0x0] =	vst v0  }
0x648: {  	v9 =	vld [tilespmem:s29+$0x18800];
	[tilespmem:s29+$0x18800] =	vst v0;
	v4 =	vadd.f32 v8, v4  }
0x649: {  	v6 =	vadd.f32 v10, v6;
	v8 =	vld [tilespmem:s28+$0x200];
	[tilespmem:s28+$0x200] =	vst v0  }
0x64a: {  	v10 =	vld [tilespmem:s29+$0x18A00];
	[tilespmem:s29+$0x18A00] =	vst v0;
	v4 =	vadd.f32 v5, v4  }
0x64b: {  	v5 =	vadd.f32 v11, v6;
	v6 =	vld [tilespmem:s28+$0x400];
	[tilespmem:s28+$0x400] =	vst v0  }
0x64c: {  	v11 =	vld [tilespmem:s29+$0x18C00];
	[tilespmem:s29+$0x18C00] =	vst v0;
	v4 =	vadd.f32 v7, v4  }
0x64d: {  	v5 =	vadd.f32 v9, v5;
	v7 =	vld [tilespmem:s28+$0x600];
	[tilespmem:s28+$0x600] =	vst v0  }
0x64e: {  	v9 =	vld [tilespmem:s29+$0x18E00];
	[tilespmem:s29+$0x18E00] =	vst v0;
	v4 =	vadd.f32 v8, v4  }
0x64f: {  	v5 =	vadd.f32 v10, v5;
	v8 =	vld [tilespmem:s28+$0x800];
	[tilespmem:s28+$0x800] =	vst v0  }
0x650: {  	v10 =	vld [tilespmem:s29+$0x19000];
	[tilespmem:s29+$0x19000] =	vst v0;
	v4 =	vadd.f32 v6, v4  }
0x651: {  	v5 =	vadd.f32 v11, v5;
	v11 =	vld [tilespmem:s28+$0xA00];
	[tilespmem:s23+$0x19C00] =	vst v0  }
0x652: {  	v12 =	vld [tilespmem:s29+$0x19200];
	[tilespmem:s29+$0x19200] =	vst v0;
	v4 =	vadd.f32 v7, v4  }
0x653: {  	v6 =	vadd.f32 v9, v5;
	v13 =	vld [tilespmem:s28+$0xC00];
	[tilespmem:s23+$0x19E00] =	vst v0;
	s23 =	smov.u32 s29  }
.Ltmp10:
0x654: {  	v5 =	vld [tilespmem:s23+$0x19400];
	[tilespmem:s23+$0x19400] =	vst v0;
	v4 =	vadd.f32 v8, v4;
	(pc) =	sbr.rel @p2 .LBB2_18-.Ltmp10, $4  }
0x655: {  	v8 =	vadd.f32 v10, v6;
	v7 =	vld [tilespmem:s28+$0xE00];
	[tilespmem:s26+$0xFFFFFFF0] =	vst v3  }
0x656: {  	v6 =	vld [tilespmem:s23+$0x19600];
	[tilespmem:s23+$0x19600] =	vst v0;
	v10 =	vadd.f32 v11, v4  }
0x657: {  	v9 =	vadd.f32 v12, v8;
	v4 =	vld [tilespmem:s23+$0x19800];
	[tilespmem:s23+$0x19800] =	vst v0  }
0x658: {  	s28 =	sadd.s32 $0x20, s28;
	v3 =	vld [tilespmem:s23+$0x19A00];
	[tilespmem:s23+$0x19A00] =	vst v0;
	v8 =	vadd.f32 v13, v10  }
0x659: {  	s24 =	smov.u32 s22;
	s25 =	smov.u32 s23  }
.LBB2_20:
0x65a: {  	v5 =	vadd.f32 v5, v9;
	_ =	sdelay $0x1  }
0x65b: {  	v5 =	vadd.f32 v6, v5  }
0x65c: {  	v61 =	vld [tilespmem:s25+$0x19C00]  }
0x65d: {  	v4 =	vadd.f32 v4, v5  }
0x65e: {  	v62 =	vld [tilespmem:s25+$0x19E00]  }
0x65f: {  	[tilespmem:s24+$0xA00] =	vst v0;
	v3 =	vadd.f32 v3, v4  }
0x660: {  	[tilespmem:s24+$0xC00] =	vst v0  }
0x661: {  	[tilespmem:s24+$0xE00] =	vst v0;
	v3 =	vadd.f32 v61, v3  }
0x662: {  	v63 =	vadd.f32 v7, v8;
	s22 =	sadd.s32 @p1 $0x20, s26;
	[tilespmem:s25+$0x19C00] =	vst v0  }
0x663: {  	[tilespmem:s25+$0x19E00] =	vst v0;
	s21 =	smov.u32 @p1 s22;
	v3 =	vadd.f32 v62, v3  }
0x664: {  	[tilespmem:s21+$0x0] =	vst v63  }
.Ltmp11:
0x665: {  	s20 =	sadd.s32 s20, s8;
	[tilespmem:s21+$0xFFFFFFF0] =	vst v3;
	(pc) =	sbr.rel @p0 .LBB2_22-.Ltmp11, $4  }
0x666: {  	[hbm4b:s20+s3] =	stream.linear.scatter [tilespmem:s13], [sflag:$0x3], $0x200, $0x38;
	[tilespmem:$0x1A200] =	vst v63  }
0x667: {  	_ =	swait.ge [sflag:s14], $0x200  }
0x668: {  	[sflag:s14] =	ssyncset.done $0x0  }
0x669: {  	[sflag:s14] =	ssyncadd.s32 $0xFFFFFE00  }
0x66a: {  	s19 =	smul.u32 $0xC000, s19  }
.Ltmp12:
0x66b: {  	_ = 	snop;
	(pc) =	sbr.rel .LBB2_4-.Ltmp12, $4  }
0x66c: {  	s19 =	sshrl.u32 s19, $0x3  }
0x66d: {  	s19 =	sadd.s32 s2, s19  }
0x66e: {  	s18 =	sadd.s32 $0x1, s18;
	s19 =	sadd.s32 $0x4800, s19  }
0x66f: {  	[tilespmem:s10], [sflag:$0x2] =	stream.linear.gather [hbm4b:s19+s3], $0xC000, $0x38;
	[tilespmem:$0x1A200] =	vst v63  }
.LBB2_7:
.Ltmp13:
0x670: {  	(pc) =	sbr.rel .LBB2_12-.Ltmp13, $2  }
0x671: {  	_ =	sdelay $0x2  }
0x672: {  	s24 =	simm.s32 $0x1A010  }
.LBB2_15:
.Ltmp14:
0x673: {  	(pc) =	sbr.rel .LBB2_20-.Ltmp14, $2  }
0x674: {  	_ =	sdelay $0x2  }
0x675: {  	s26 =	simm.s32 $0x1A010  }
.LBB2_9:
.Ltmp15:
0x676: {  	(pc) =	sbr.rel .LBB2_12-.Ltmp15, $2  }
0x677: {  	_ =	sdelay $0x2  }
0x678: {  	s22 =	simm.s32 $0x19030;
	s24 =	simm.s32 $0x1A010;
	s23 =	smov.u32 s20  }
.LBB2_17:
.Ltmp16:
0x679: {  	(pc) =	sbr.rel .LBB2_20-.Ltmp16, $2  }
0x67a: {  	_ =	sdelay $0x2  }
0x67b: {  	s24 =	simm.s32 $0x19030;
	s26 =	simm.s32 $0x1A010;
	s25 =	smov.u32 s23  }
.LBB2_23:
0x67c: {  	_ =	sfence.sel $0x180000  }
0x67d: {  	[bflag:$0x0] =	sbarrier.arrive $0xFFFF  }
0x67e: {  	p0 =	sne.s32 s0, $0x0;
	_ =	strace $0x90000047  }
0x67f: {  	s0 =	sadd.s32 @!p0 $0x100000, s1;
	[bflag:$0x2] =	sbarrier.arrive $0xFFFF  }
0x680: {  	[sflag:s0] =	ssyncadd.tile.s32 @!p0 $0x1;
	_ =	shalt  }
.Lfunc_end2:
_tile_overlayer_lowered:
.L_overlay_start_2:
0x681: {  	(tag) =	ssettag $0x2  }
0x682: {  	s0 =	rddreg [dreg:$0x0];
	s2 =	stileid.u32  }
0x683: {  	s1 =	rddreg [dreg:$0x1];
	p0 =	sne.s32 s2, $0x0  }
0x684: {  	s3 =	rddreg [dreg:$0x2];
	[bflag:$0x3] =	sbarrier.arrive $0xFFFF;
	s2 =	simm.s32 @!p0 $0x1C03  }
0x685: {  	[timem:s3], [sflag:s2] =	dma.local @!p0 [hbm:s0], s1  }
0x686: {  	s0 =	simm.s32 @!p0 $0x3  }
0x687: {  	_ =	swait.ge @!p0 [sflag:s0], s1  }
0x688: {  	s1 =	ssub.s32 @!p0 $0x0, s1;
	[sflag:s0] =	ssyncset.done @!p0 $0x0  }
0x689: {  	[sflag:s0] =	ssyncadd.s32 @!p0 s1  }
0x68a: {  	[bflag:$0x3] =	sbarrier.arrive $0xFFFF  }
0x68b: {  	_ =	shalt  }

</sc_bundles>
